<compile_context>
chip_gen: v7x
topology: tpu7x:2x2x1
jax: 0.10.2.dev20260603
libtpu: 0.0.44.dev20260713+nightly
codegen_flags: <defaults>
</compile_context>

<pallas_src>
import functools

import numpy as np

import jax
import jax.numpy as jnp
from jax import lax
from jax.experimental import pallas as pl
from jax.experimental.pallas import tpu as pltpu
from jax.experimental.pallas import tpu_sc as plsc

N_NODES = 10000
NP = 10240
N_EDGES = 320000
N_IN = 128
N_HID = 128
N_CLS = 64

NS = 16
CHUNK = 128
NCHUNK = 160
EP = NS * NCHUNK * CHUNK
PAD_NODE = NP - 1
ROWS_PER_TILE = NP // NS


def _make_mesh():
    return plsc.VectorSubcoreMesh(core_axis_name="c", subcore_axis_name="s")


def _make_degrees():
    @functools.partial(
        pl.kernel,
        out_type=(
            jax.ShapeDtypeStruct((2, NP, 16), jnp.float32),
            jax.ShapeDtypeStruct((2, NP, 16), jnp.float32),
        ),
        mesh=_make_mesh(),
        compiler_params=pltpu.CompilerParams(use_tc_tiling_on_sc=False),
        scratch_types=[
            pltpu.VMEM((NCHUNK, CHUNK), jnp.int32),
            pltpu.VMEM((NCHUNK, CHUNK), jnp.int32),
            pltpu.VMEM((CHUNK, 16), jnp.float32),
            pltpu.VMEM((ROWS_PER_TILE, 16), jnp.float32),
            pltpu.VMEM_SHARED((NP, 16), jnp.float32),
        ],
    )
    def degrees(src_hbm, dst_hbm, dout_hbm, din_hbm,
                srcv, dstv, ones_v, zb, hist_sh):
        cid = lax.axis_index("c")
        sid = lax.axis_index("s")

        def fill_zero(i, carry):
            zb[i, :] = jnp.zeros((16,), jnp.float32)
            return carry
        lax.fori_loop(0, ROWS_PER_TILE, fill_zero, None)

        def fill_ones(i, carry):
            ones_v[i, :] = jnp.ones((16,), jnp.float32)
            return carry
        lax.fori_loop(0, CHUNK, fill_ones, None)

        pltpu.sync_copy(src_hbm.at[sid], srcv)
        pltpu.sync_copy(dst_hbm.at[sid], dstv)

        row0 = sid * ROWS_PER_TILE
        rows = pl.ds(row0, ROWS_PER_TILE)
        c0 = cid * (NCHUNK // 2)

        for idxv, out_hbm in ((srcv, dout_hbm), (dstv, din_hbm)):
            pltpu.sync_copy(zb, hist_sh.at[rows])
            plsc.subcore_barrier()

            def body(i, carry):
                pltpu.sync_copy(ones_v, hist_sh.at[idxv.at[c0 + i]], add=True)
                return carry
            lax.fori_loop(0, NCHUNK // 2, body, None)

            plsc.subcore_barrier()
            pltpu.sync_copy(hist_sh.at[rows], out_hbm.at[cid].at[rows])
            plsc.subcore_barrier()

    return degrees


def _make_agg(F):
    FH = F // 2

    @functools.partial(
        pl.kernel,
        out_type=jax.ShapeDtypeStruct((2, NP, FH), jnp.float32),
        mesh=_make_mesh(),
        compiler_params=pltpu.CompilerParams(use_tc_tiling_on_sc=False,
                                             needs_layout_passes=False),
        scratch_types=[
            pltpu.VMEM((NCHUNK, CHUNK), jnp.int32),
            pltpu.VMEM((NCHUNK, CHUNK), jnp.int32),
            pltpu.VMEM((4, CHUNK, FH // 2), jnp.int32),
            pltpu.VMEM((2, CHUNK, FH), jnp.float32),
            pltpu.VMEM((CHUNK, FH), jnp.float32),
            pltpu.VMEM_SHARED((NP, FH), jnp.float32),
            [pltpu.SemaphoreType.DMA] * 4,
            [pltpu.SemaphoreType.DMA] * 2,
        ],
    )
    def agg(h_hbm, src_hbm, dst_hbm, out_hbm,
            srcv, dstv, bmsg, fmsg, zb, agg_sh, gsems, ssems):
        cid = lax.axis_index("c")
        sid = lax.axis_index("s")

        def fill_zero(i, carry):
            for j in range(FH // 16):
                zb[i, pl.ds(j * 16, 16)] = jnp.zeros((16,), jnp.float32)
            return carry
        lax.fori_loop(0, CHUNK, fill_zero, None)

        row0 = sid * ROWS_PER_TILE
        for k in range(ROWS_PER_TILE // CHUNK):
            pltpu.sync_copy(zb, agg_sh.at[pl.ds(row0 + k * CHUNK, CHUNK)])
        pltpu.sync_copy(src_hbm.at[sid], srcv)
        pltpu.sync_copy(dst_hbm.at[sid], dstv)
        plsc.subcore_barrier()

        h_c = h_hbm.at[cid]

        def gather(c, b):
            pltpu.async_copy(h_c.at[srcv.at[c]], bmsg.at[b], gsems[b])

        def gather_wait(c, b):
            pltpu.make_async_copy(h_c.at[srcv.at[c]], bmsg.at[b],
                                  gsems[b]).wait()

        def scatter(c, f):
            pltpu.async_copy(fmsg.at[f], agg_sh.at[dstv.at[c]], ssems[f],
                             add=True)

        def scatter_wait(c, f):
            pltpu.make_async_copy(fmsg.at[f], agg_sh.at[dstv.at[c]],
                                  ssems[f]).wait()

        def convert(b, f):
            def conv_row(r, carry):
                for j in range(FH // 32):
                    u = bmsg[b, r, pl.ds(16 * j, 16)]
                    lo = plsc.bitcast(u << 16, jnp.float32)
                    hi = plsc.bitcast(u & jnp.int32(-65536), jnp.float32)
                    fmsg[f, r, pl.ds(32 * j, 16)] = lo
                    fmsg[f, r, pl.ds(32 * j + 16, 16)] = hi
                return carry
            lax.fori_loop(0, CHUNK, conv_row, None)

        gather(0, 0)
        gather(1, 1)

        def body(g, carry):
            for b4 in range(4):
                cc = 4 * g + b4
                f2 = b4 % 2

                @pl.when(cc >= 2)
                def _drain():
                    scatter_wait(cc - 2, f2)

                gather_wait(cc, b4)

                @pl.when(cc + 2 < NCHUNK)
                def _refill():
                    gather(cc + 2, (b4 + 2) % 4)

                convert(b4, f2)
                scatter(cc, f2)
            return carry
        lax.fori_loop(0, NCHUNK // 4, body, None)

        scatter_wait(NCHUNK - 2, 0)
        scatter_wait(NCHUNK - 1, 1)

        plsc.subcore_barrier()
        rows = pl.ds(row0, ROWS_PER_TILE)
        pltpu.sync_copy(agg_sh.at[rows], out_hbm.at[cid].at[rows])

    return agg


_degrees_call = _make_degrees()
_agg128_call = _make_agg(128)
_agg64_call = _make_agg(64)


_BLK = 1024
_GRID = NP // _BLK


def _norm_col(dp_ref):
    d = dp_ref[0, :, 0:1] + dp_ref[1, :, 0:1]
    return lax.rsqrt(jnp.maximum(d, 1.0))


def _deg_spec():
    return pl.BlockSpec((2, _BLK, 16), lambda j: (0, j, 0))


def _halves_spec(fh):
    return pl.BlockSpec((2, _BLK, fh), lambda j: (0, j, 0))


def _split_store(o_ref, h):
    fh = h.shape[1] // 2
    o_ref[0] = h[:, :fh].astype(jnp.bfloat16)
    o_ref[1] = h[:, fh:].astype(jnp.bfloat16)


_SIGINV32 = np.empty(32, np.int32)
for _k in range(16):
    _SIGINV32[2 * _k] = _k
    _SIGINV32[2 * _k + 1] = 16 + _k


def _colperm(w):
    return np.concatenate([32 * g + _SIGINV32 for g in range(w // 32)])


_P128 = _colperm(128)
_P64 = _colperm(64)


def _prescale_body(x_ref, doutp_ref, o_ref):
    _split_store(o_ref, x_ref[...] * _norm_col(doutp_ref))


def _prescale(x, dout_p):
    return pl.pallas_call(
        _prescale_body,
        grid=(_GRID,),
        in_specs=[pl.BlockSpec((_BLK, N_IN), lambda j: (j, 0)), _deg_spec()],
        out_specs=_halves_spec(N_IN // 2),
        out_shape=jax.ShapeDtypeStruct((2, NP, N_IN // 2), jnp.bfloat16),
    )(x, dout_p)


def _dense_body(ap_ref, dinp_ref, doutp_ref, w_ref, b_ref, o_ref):
    a = jnp.concatenate([ap_ref[0], ap_ref[1]], axis=1) * _norm_col(dinp_ref)
    h = jnp.dot(a, w_ref[...], preferred_element_type=jnp.float32) + b_ref[...]
    _split_store(o_ref, jnp.maximum(h, 0.0) * _norm_col(doutp_ref))


def _dense(agg_p, din_p, dout_p, w, b):
    fo = w.shape[1]
    return pl.pallas_call(
        _dense_body,
        grid=(_GRID,),
        in_specs=[
            _halves_spec(N_HID // 2),
            _deg_spec(), _deg_spec(),
            pl.BlockSpec(w.shape, lambda j: (0, 0)),
            pl.BlockSpec((1, fo), lambda j: (0, 0)),
        ],
        out_specs=_halves_spec(fo // 2),
        out_shape=jax.ShapeDtypeStruct((2, NP, fo // 2), jnp.bfloat16),
    )(agg_p, din_p, dout_p, w, b)


def _dense2_body(ap_ref, dinp_ref, doutp_ref, w_ref, b_ref, w3_ref, o_ref):
    a = jnp.concatenate([ap_ref[0], ap_ref[1]], axis=1) * _norm_col(dinp_ref)
    h = jnp.dot(a, w_ref[...], preferred_element_type=jnp.float32) + b_ref[...]
    h = jnp.maximum(h, 0.0) * _norm_col(doutp_ref)
    _split_store(o_ref, jnp.dot(h, w3_ref[...],
                                preferred_element_type=jnp.float32))


def _dense2(agg_p, din_p, dout_p, w2, b2, w3):
    return pl.pallas_call(
        _dense2_body,
        grid=(_GRID,),
        in_specs=[
            _halves_spec(N_HID // 2),
            _deg_spec(), _deg_spec(),
            pl.BlockSpec(w2.shape, lambda j: (0, 0)),
            pl.BlockSpec((1, N_HID), lambda j: (0, 0)),
            pl.BlockSpec(w3.shape, lambda j: (0, 0)),
        ],
        out_specs=_halves_spec(N_CLS // 2),
        out_shape=jax.ShapeDtypeStruct((2, NP, N_CLS // 2), jnp.bfloat16),
    )(agg_p, din_p, dout_p, w2, b2, w3)


def _final_body(ap_ref, dinp_ref, b_ref, o_ref):
    a = jnp.concatenate([ap_ref[0], ap_ref[1]], axis=1) * _norm_col(dinp_ref)
    o_ref[...] = a + b_ref[...]


def _final(agg_p, din_p, b3):
    return pl.pallas_call(
        _final_body,
        grid=(_GRID,),
        in_specs=[
            _halves_spec(N_CLS // 2),
            _deg_spec(),
            pl.BlockSpec((1, N_CLS), lambda j: (0, 0)),
        ],
        out_specs=pl.BlockSpec((_BLK, N_CLS), lambda j: (j, 0)),
        out_shape=jax.ShapeDtypeStruct((NP, N_CLS), jnp.float32),
    )(agg_p, din_p, b3)


def _pack_i32(a):
    return jax.lax.bitcast_convert_type(
        a.reshape(2, NP, -1, 2), jnp.int32)


def kernel(x, edge_index, W1, b1, W2, b2, W3, b3):
    src = edge_index[0].astype(jnp.int32)
    dst = edge_index[1].astype(jnp.int32)
    pad = jnp.full((EP - N_EDGES,), PAD_NODE, jnp.int32)
    srcp = jnp.concatenate([src, pad]).reshape(NS, NCHUNK, CHUNK)
    dstp = jnp.concatenate([dst, pad]).reshape(NS, NCHUNK, CHUNK)
    xp = jnp.pad(x, ((0, NP - N_NODES), (0, 0)))[:, _P128]

    dout_p, din_p = _degrees_call(srcp, dstp)

    xs = _pack_i32(_prescale(xp, dout_p))
    a1 = _agg128_call(xs, srcp, dstp)
    h1 = _pack_i32(_dense(a1, din_p, dout_p, W1[:, _P128],
                          b1[_P128].reshape(1, -1)))
    a2 = _agg128_call(h1, srcp, dstp)
    y = _pack_i32(_dense2(a2, din_p, dout_p, W2[:, _P128],
                          b2[_P128].reshape(1, -1), W3[_P128][:, _P64]))
    a3 = _agg64_call(y, srcp, dstp)
    out = _final(a3, din_p, b3.reshape(1, -1))
    return out[:N_NODES]

# --- scband reference (transcript-rebuilt; emitter-appended) ---
"""Pipeline reference for scband-nsgcn-30691836297929 (READ-ONLY COPY).

The authoritative reference and input builder live on the scoring server;
editing this copy changes nothing except your own understanding.
"""

import jax, jax.numpy as jnp
import numpy as np

N_NODES = 10000
N_EDGES = 320000
IN_FEATS = 128
N_HIDDEN = 128
N_CLASSES = 64


def setup_inputs(seed: int = 0) -> dict:
    key = jax.random.key(seed)
    ks = jax.random.split(key, 8)
    x = jax.random.normal(ks[0], (N_NODES, IN_FEATS), dtype=jnp.float32)
    edge_index = jax.random.randint(ks[1], (2, N_EDGES), 0, N_NODES, dtype=jnp.int32)
    # Glorot-initialized GraphConv weights (DGL default) + zero biases
    def glorot(k, fan_in, fan_out):
        limit = np.sqrt(6.0 / (fan_in + fan_out))
        return jax.random.uniform(k, (fan_in, fan_out), jnp.float32, -limit, limit)
    W1 = glorot(ks[2], IN_FEATS, N_HIDDEN)
    b1 = jnp.zeros((N_HIDDEN,), jnp.float32)
    W2 = glorot(ks[3], N_HIDDEN, N_HIDDEN)
    b2 = jnp.zeros((N_HIDDEN,), jnp.float32)
    W3 = glorot(ks[4], N_HIDDEN, N_CLASSES)
    b3 = jnp.zeros((N_CLASSES,), jnp.float32)
    return {"x": x, "edge_index": edge_index, "W1": W1, "b1": b1, "W2": W2, "b2": b2, "W3": W3, "b3": b3}


def _graph_conv(h, src, dst, W, b, activation):
    # DGL GraphConv with norm='both': D_in^{-1/2} A D_out^{-1/2} X W + b
    ones = jnp.ones((src.shape[0],), jnp.float32)
    deg_out = jax.ops.segment_sum(ones, src, num_segments=N_NODES)
    deg_in = jax.ops.segment_sum(ones, dst, num_segments=N_NODES)
    norm_src = jax.lax.rsqrt(jnp.maximum(deg_out, 1.0))
    norm_dst = jax.lax.rsqrt(jnp.maximum(deg_in, 1.0))
    h = h * norm_src[:, None]
    msg = jnp.take(h, src, axis=0)
    agg = jax.ops.segment_sum(msg, dst, num_segments=N_NODES)
    h = agg * norm_dst[:, None]
    h = h @ W + b
    if activation:
        h = jax.nn.relu(h)
    return h


def reference(x, edge_index, W1, b1, W2, b2, W3, b3):
    src = edge_index[0]
    dst = edge_index[1]
    # layer 0: GraphConv(in, hidden) with built-in relu; forward's extra relu is
    # idempotent and dropout is identity in eval mode
    h = _graph_conv(x, src, dst, W1, b1, True)
    # layer 1: GraphConv(hidden, hidden) with relu
    h = _graph_conv(h, src, dst, W2, b2, True)
    # layer 2: GraphConv(hidden, classes), no activation
    h = _graph_conv(h, src, dst, W3, b3, False)
    return h

if __name__ == "__main__":
    import jax
    _d = setup_inputs()
    print(jax.jit(kernel)(*tuple(_d.values())))

</pallas_src>

<mosaic_0001>
#map = affine_map<(d0, d1) -> (0, 0, 0)>
module attributes {stable_mosaic.version = 14 : i64} {
  func.func @degrees(%arg0: i32, %arg1: i32, %arg2: memref<16x160x128xi32, #tpu.memory_space<hbm>>, %arg3: memref<16x160x128xi32, #tpu.memory_space<hbm>>, %arg4: memref<2x10240x16xf32, #tpu.memory_space<hbm>>, %arg5: memref<2x10240x16xf32, #tpu.memory_space<hbm>>, %arg6: memref<160x128xi32, #tpu.memory_space<vmem>>, %arg7: memref<160x128xi32, #tpu.memory_space<vmem>>, %arg8: memref<128x16xf32, #tpu.memory_space<vmem>>, %arg9: memref<640x16xf32, #tpu.memory_space<vmem>>, %arg10: memref<10240x16xf32, #tpu.memory_space<vmem_shared>>) attributes {dimension_semantics = [#tpu.dimension_semantics<core_parallel>, #tpu.dimension_semantics<subcore_parallel>], iteration_bounds = array<i64: 2, 16>, scalar_prefetch = 0 : i64, scratch_operands = 5 : i64, tpu.core_type = #tpu.core_type<sc_vector_subcore>, window_params = [{transform_indices = #map}, {transform_indices = #map}, {transform_indices = #map}, {transform_indices = #map}]} {
    %scan3A = arith.constant 0 : i32
    %scan3A_0 = arith.constant 640 : i32
    %scan3A_1 = arith.addi %scan3A, %scan3A_0 : i32
    %scan3A_2 = arith.constant 1 : i32
    scf.for %scan3A_27 = %scan3A to %scan3A_1 step %scan3A_2  : i32 {
      %broadcast_in_dim3A = arith.constant 0.000000e+00 : f32
      %broadcast_in_dim3A_28 = vector.broadcast %broadcast_in_dim3A : f32 to vector<16xf32>
      %swap3A = arith.index_cast %scan3A_27 : i32 to index
      %swap3A_29 = arith.constant 0 : index
      %swap3A_30 = tpu.vector_load %arg9[%swap3A, %swap3A_29] {strides = array<i32>} : memref<640x16xf32, #tpu.memory_space<vmem>>, vector<1x16xf32>,
      %swap3A_31 = vector.shape_cast %swap3A_30 : vector<1x16xf32> to vector<16xf32>
      %swap3A_32 = vector.shape_cast %broadcast_in_dim3A_28 : vector<16xf32> to vector<1x16xf32>
      tpu.vector_store %arg9[%swap3A, %swap3A_29], %swap3A_32 {strides = array<i32>} : memref<640x16xf32, #tpu.memory_space<vmem>>, vector<1x16xf32>,
    }
    %scan3A_3 = arith.constant 640 : i32
    %scan3A_4 = arith.constant 0 : i32
    %scan3A_5 = arith.constant 128 : i32
    %scan3A_6 = arith.addi %scan3A_4, %scan3A_5 : i32
    %scan3A_7 = arith.constant 1 : i32
    scf.for %scan3A_27 = %scan3A_4 to %scan3A_6 step %scan3A_7  : i32 {
      %broadcast_in_dim3A = arith.constant 1.000000e+00 : f32
      %broadcast_in_dim3A_28 = vector.broadcast %broadcast_in_dim3A : f32 to vector<16xf32>
      %swap3A = arith.index_cast %scan3A_27 : i32 to index
      %swap3A_29 = arith.constant 0 : index
      %swap3A_30 = tpu.vector_load %arg8[%swap3A, %swap3A_29] {strides = array<i32>} : memref<128x16xf32, #tpu.memory_space<vmem>>, vector<1x16xf32>,
      %swap3A_31 = vector.shape_cast %swap3A_30 : vector<1x16xf32> to vector<16xf32>
      %swap3A_32 = vector.shape_cast %broadcast_in_dim3A_28 : vector<16xf32> to vector<1x16xf32>
      tpu.vector_store %arg8[%swap3A, %swap3A_29], %swap3A_32 {strides = array<i32>} : memref<128x16xf32, #tpu.memory_space<vmem>>, vector<1x16xf32>,
    }
    %scan3A_8 = arith.constant 128 : i32
    "tpu.region"() ({
      %run_scoped3A = tpu.sem_alloc : memref<!tpu.dma_semaphore, #tpu.memory_space<semaphore_mem>>
      %dma_start3A = arith.constant 0 : i32
      %dma_start3A_27 = arith.constant 0 : i32
      %dma_start3A_28 = tpu.memref_slice %arg2[%arg1, %dma_start3A, %dma_start3A_27] : memref<16x160x128xi32, #tpu.memory_space<hbm>> -> memref<1x160x128xi32, #tpu.memory_space<hbm>>
      %dma_start3A_29 = tpu.memref_squeeze %dma_start3A_28 : memref<1x160x128xi32, #tpu.memory_space<hbm>> -> memref<160x128xi32, #tpu.memory_space<hbm>>
      %dma_start3A_30 = arith.constant 0 : i32
      %dma_start3A_31 = arith.constant 0 : i32
      %dma_start3A_32 = tpu.memref_slice %arg2[%arg1, %dma_start3A_30, %dma_start3A_31] : memref<16x160x128xi32, #tpu.memory_space<hbm>> -> memref<1x160x128xi32, #tpu.memory_space<hbm>>
      %dma_start3A_33 = tpu.memref_squeeze %dma_start3A_32 : memref<1x160x128xi32, #tpu.memory_space<hbm>> -> memref<160x128xi32, #tpu.memory_space<hbm>>
      tpu.enqueue_dma source(%dma_start3A_33 : memref<160x128xi32, #tpu.memory_space<hbm>>) target(%arg6 : memref<160x128xi32, #tpu.memory_space<vmem>>) target_semaphore(%run_scoped3A : memref<!tpu.dma_semaphore, #tpu.memory_space<semaphore_mem>>)
      %dma_wait3A = arith.constant 0 : i32
      %dma_wait3A_34 = arith.constant 0 : i32
      %dma_wait3A_35 = tpu.memref_slice %arg2[%arg1, %dma_wait3A, %dma_wait3A_34] : memref<16x160x128xi32, #tpu.memory_space<hbm>> -> memref<1x160x128xi32, #tpu.memory_space<hbm>>
      %dma_wait3A_36 = tpu.memref_squeeze %dma_wait3A_35 : memref<1x160x128xi32, #tpu.memory_space<hbm>> -> memref<160x128xi32, #tpu.memory_space<hbm>>
      %dma_wait3A_37 = arith.constant 0 : i32
      %dma_wait3A_38 = arith.constant 0 : i32
      %dma_wait3A_39 = tpu.memref_slice %arg2[%arg1, %dma_wait3A_37, %dma_wait3A_38] : memref<16x160x128xi32, #tpu.memory_space<hbm>> -> memref<1x160x128xi32, #tpu.memory_space<hbm>>
      %dma_wait3A_40 = tpu.memref_squeeze %dma_wait3A_39 : memref<1x160x128xi32, #tpu.memory_space<hbm>> -> memref<160x128xi32, #tpu.memory_space<hbm>>
      tpu.wait_dma2 semaphore(%run_scoped3A : memref<!tpu.dma_semaphore, #tpu.memory_space<semaphore_mem>>) src(%dma_wait3A_40 : memref<160x128xi32, #tpu.memory_space<hbm>>) dst(%arg6 : memref<160x128xi32, #tpu.memory_space<vmem>>)
      tpu.yield
    }) : () -> ()
    "tpu.region"() ({
      %run_scoped3A = tpu.sem_alloc : memref<!tpu.dma_semaphore, #tpu.memory_space<semaphore_mem>>
      %dma_start3A = arith.constant 0 : i32
      %dma_start3A_27 = arith.constant 0 : i32
      %dma_start3A_28 = tpu.memref_slice %arg3[%arg1, %dma_start3A, %dma_start3A_27] : memref<16x160x128xi32, #tpu.memory_space<hbm>> -> memref<1x160x128xi32, #tpu.memory_space<hbm>>
      %dma_start3A_29 = tpu.memref_squeeze %dma_start3A_28 : memref<1x160x128xi32, #tpu.memory_space<hbm>> -> memref<160x128xi32, #tpu.memory_space<hbm>>
      %dma_start3A_30 = arith.constant 0 : i32
      %dma_start3A_31 = arith.constant 0 : i32
      %dma_start3A_32 = tpu.memref_slice %arg3[%arg1, %dma_start3A_30, %dma_start3A_31] : memref<16x160x128xi32, #tpu.memory_space<hbm>> -> memref<1x160x128xi32, #tpu.memory_space<hbm>>
      %dma_start3A_33 = tpu.memref_squeeze %dma_start3A_32 : memref<1x160x128xi32, #tpu.memory_space<hbm>> -> memref<160x128xi32, #tpu.memory_space<hbm>>
      tpu.enqueue_dma source(%dma_start3A_33 : memref<160x128xi32, #tpu.memory_space<hbm>>) target(%arg7 : memref<160x128xi32, #tpu.memory_space<vmem>>) target_semaphore(%run_scoped3A : memref<!tpu.dma_semaphore, #tpu.memory_space<semaphore_mem>>)
      %dma_wait3A = arith.constant 0 : i32
      %dma_wait3A_34 = arith.constant 0 : i32
      %dma_wait3A_35 = tpu.memref_slice %arg3[%arg1, %dma_wait3A, %dma_wait3A_34] : memref<16x160x128xi32, #tpu.memory_space<hbm>> -> memref<1x160x128xi32, #tpu.memory_space<hbm>>
      %dma_wait3A_36 = tpu.memref_squeeze %dma_wait3A_35 : memref<1x160x128xi32, #tpu.memory_space<hbm>> -> memref<160x128xi32, #tpu.memory_space<hbm>>
      %dma_wait3A_37 = arith.constant 0 : i32
      %dma_wait3A_38 = arith.constant 0 : i32
      %dma_wait3A_39 = tpu.memref_slice %arg3[%arg1, %dma_wait3A_37, %dma_wait3A_38] : memref<16x160x128xi32, #tpu.memory_space<hbm>> -> memref<1x160x128xi32, #tpu.memory_space<hbm>>
      %dma_wait3A_40 = tpu.memref_squeeze %dma_wait3A_39 : memref<1x160x128xi32, #tpu.memory_space<hbm>> -> memref<160x128xi32, #tpu.memory_space<hbm>>
      tpu.wait_dma2 semaphore(%run_scoped3A : memref<!tpu.dma_semaphore, #tpu.memory_space<semaphore_mem>>) src(%dma_wait3A_40 : memref<160x128xi32, #tpu.memory_space<hbm>>) dst(%arg7 : memref<160x128xi32, #tpu.memory_space<vmem>>)
      tpu.yield
    }) : () -> ()
    %mul3A = arith.constant 640 : i32
    %mul3A_9 = arith.muli %arg1, %mul3A : i32
    %mul3A_10 = arith.constant 80 : i32
    %mul3A_11 = arith.muli %arg0, %mul3A_10 : i32
    "tpu.region"() ({
      %run_scoped3A = tpu.sem_alloc : memref<!tpu.dma_semaphore, #tpu.memory_space<semaphore_mem>>
      %dma_start3A = arith.constant 0 : i32
      %dma_start3A_27 = tpu.memref_slice %arg10[%mul3A_9, %dma_start3A] : memref<10240x16xf32, #tpu.memory_space<vmem_shared>> -> memref<640x16xf32, #tpu.memory_space<vmem_shared>>
      %dma_start3A_28 = arith.constant 0 : i32
      %dma_start3A_29 = tpu.memref_slice %arg10[%mul3A_9, %dma_start3A_28] : memref<10240x16xf32, #tpu.memory_space<vmem_shared>> -> memref<640x16xf32, #tpu.memory_space<vmem_shared>>
      tpu.enqueue_dma source(%arg9 : memref<640x16xf32, #tpu.memory_space<vmem>>) target(%dma_start3A_29 : memref<640x16xf32, #tpu.memory_space<vmem_shared>>) target_semaphore(%run_scoped3A : memref<!tpu.dma_semaphore, #tpu.memory_space<semaphore_mem>>)
      %dma_wait3A = arith.constant 0 : i32
      %dma_wait3A_30 = tpu.memref_slice %arg10[%mul3A_9, %dma_wait3A] : memref<10240x16xf32, #tpu.memory_space<vmem_shared>> -> memref<640x16xf32, #tpu.memory_space<vmem_shared>>
      %dma_wait3A_31 = arith.constant 0 : i32
      %dma_wait3A_32 = tpu.memref_slice %arg10[%mul3A_9, %dma_wait3A_31] : memref<10240x16xf32, #tpu.memory_space<vmem_shared>> -> memref<640x16xf32, #tpu.memory_space<vmem_shared>>
      tpu.wait_dma2 semaphore(%run_scoped3A : memref<!tpu.dma_semaphore, #tpu.memory_space<semaphore_mem>>) src(%arg9 : memref<640x16xf32, #tpu.memory_space<vmem>>) dst(%dma_wait3A_32 : memref<640x16xf32, #tpu.memory_space<vmem_shared>>)
      tpu.yield
    }) : () -> ()
    %barrier3A = arith.constant 0 : index
    tpu.barrier barrier_id(%barrier3A)
    %scan3A_12 = arith.constant 0 : i32
    %scan3A_13 = arith.constant 80 : i32
    %scan3A_14 = arith.addi %scan3A_12, %scan3A_13 : i32
    %scan3A_15 = arith.constant 1 : i32
    scf.for %scan3A_27 = %scan3A_12 to %scan3A_14 step %scan3A_15  : i32 {
      %add3A = arith.addi %mul3A_11, %scan3A_27 : i32
      "tpu.region"() ({
        %run_scoped3A = tpu.sem_alloc : memref<!tpu.dma_semaphore, #tpu.memory_space<semaphore_mem>>
        %dma_start3A = arith.constant 0 : i32
        %dma_start3A_28 = tpu.memref_slice %arg6[%add3A, %dma_start3A] : memref<160x128xi32, #tpu.memory_space<vmem>> -> memref<1x128xi32, #tpu.memory_space<vmem>>
        %dma_start3A_29 = tpu.memref_squeeze %dma_start3A_28 : memref<1x128xi32, #tpu.memory_space<vmem>> -> memref<128xi32, #tpu.memory_space<vmem>>
        %dma_start3A_30 = arith.constant 0 : i32
        %dma_start3A_31 = arith.constant 0 : i32
        %dma_start3A_32 = tpu.memref_slice %arg10[%dma_start3A_30, %dma_start3A_31] : memref<10240x16xf32, #tpu.memory_space<vmem_shared>> -> memref<10240x16xf32, #tpu.memory_space<vmem_shared>>
        tpu.enqueue_indirect_dma source(%arg8 : memref<128x16xf32, #tpu.memory_space<vmem>>) target(%dma_start3A_32 : memref<10240x16xf32, #tpu.memory_space<vmem_shared>>) offsets(%dma_start3A_29 : memref<128xi32, #tpu.memory_space<vmem>>) semaphore(%run_scoped3A : memref<!tpu.dma_semaphore, #tpu.memory_space<semaphore_mem>>) {add = true}
        %dma_wait3A = arith.constant 0 : i32
        %dma_wait3A_33 = tpu.memref_slice %arg6[%add3A, %dma_wait3A] : memref<160x128xi32, #tpu.memory_space<vmem>> -> memref<1x128xi32, #tpu.memory_space<vmem>>
        %dma_wait3A_34 = tpu.memref_squeeze %dma_wait3A_33 : memref<1x128xi32, #tpu.memory_space<vmem>> -> memref<128xi32, #tpu.memory_space<vmem>>
        %dma_wait3A_35 = arith.constant 0 : i32
        %dma_wait3A_36 = arith.constant 0 : i32
        %dma_wait3A_37 = tpu.memref_slice %arg10[%dma_wait3A_35, %dma_wait3A_36] : memref<10240x16xf32, #tpu.memory_space<vmem_shared>> -> memref<10240x16xf32, #tpu.memory_space<vmem_shared>>
        tpu.wait_indirect_dma semaphore(%run_scoped3A : memref<!tpu.dma_semaphore, #tpu.memory_space<semaphore_mem>>) src(%arg8 : memref<128x16xf32, #tpu.memory_space<vmem>>) dst(%dma_wait3A_37 : memref<10240x16xf32, #tpu.memory_space<vmem_shared>>)
        tpu.yield
      }) : () -> ()
    }
    %scan3A_16 = arith.constant 80 : i32
    %barrier3A_17 = arith.constant 0 : index
    tpu.barrier barrier_id(%barrier3A_17)
    "tpu.region"() ({
      %run_scoped3A = tpu.sem_alloc : memref<!tpu.dma_semaphore, #tpu.memory_space<semaphore_mem>>
      %dma_start3A = arith.constant 0 : i32
      %dma_start3A_27 = arith.constant 0 : i32
      %dma_start3A_28 = tpu.memref_slice %arg4[%arg0, %dma_start3A, %dma_start3A_27] : memref<2x10240x16xf32, #tpu.memory_space<hbm>> -> memref<1x10240x16xf32, #tpu.memory_space<hbm>>
      %dma_start3A_29 = tpu.memref_squeeze %dma_start3A_28 : memref<1x10240x16xf32, #tpu.memory_space<hbm>> -> memref<10240x16xf32, #tpu.memory_space<hbm>>
      %dma_start3A_30 = arith.constant 0 : i32
      %dma_start3A_31 = tpu.memref_slice %dma_start3A_29[%mul3A_9, %dma_start3A_30] : memref<10240x16xf32, #tpu.memory_space<hbm>> -> memref<640x16xf32, #tpu.memory_space<hbm>>
      %dma_start3A_32 = arith.constant 0 : i32
      %dma_start3A_33 = tpu.memref_slice %arg10[%mul3A_9, %dma_start3A_32] : memref<10240x16xf32, #tpu.memory_space<vmem_shared>> -> memref<640x16xf32, #tpu.memory_space<vmem_shared>>
      tpu.enqueue_dma source(%dma_start3A_33 : memref<640x16xf32, #tpu.memory_space<vmem_shared>>) target(%dma_start3A_31 : memref<640x16xf32, #tpu.memory_space<hbm>>) target_semaphore(%run_scoped3A : memref<!tpu.dma_semaphore, #tpu.memory_space<semaphore_mem>>)
      %dma_wait3A = arith.constant 0 : i32
      %dma_wait3A_34 = arith.constant 0 : i32
      %dma_wait3A_35 = tpu.memref_slice %arg4[%arg0, %dma_wait3A, %dma_wait3A_34] : memref<2x10240x16xf32, #tpu.memory_space<hbm>> -> memref<1x10240x16xf32, #tpu.memory_space<hbm>>
      %dma_wait3A_36 = tpu.memref_squeeze %dma_wait3A_35 : memref<1x10240x16xf32, #tpu.memory_space<hbm>> -> memref<10240x16xf32, #tpu.memory_space<hbm>>
      %dma_wait3A_37 = arith.constant 0 : i32
      %dma_wait3A_38 = tpu.memref_slice %dma_wait3A_36[%mul3A_9, %dma_wait3A_37] : memref<10240x16xf32, #tpu.memory_space<hbm>> -> memref<640x16xf32, #tpu.memory_space<hbm>>
      %dma_wait3A_39 = arith.constant 0 : i32
      %dma_wait3A_40 = tpu.memref_slice %arg10[%mul3A_9, %dma_wait3A_39] : memref<10240x16xf32, #tpu.memory_space<vmem_shared>> -> memref<640x16xf32, #tpu.memory_space<vmem_shared>>
      tpu.wait_dma2 semaphore(%run_scoped3A : memref<!tpu.dma_semaphore, #tpu.memory_space<semaphore_mem>>) src(%dma_wait3A_40 : memref<640x16xf32, #tpu.memory_space<vmem_shared>>) dst(%dma_wait3A_38 : memref<640x16xf32, #tpu.memory_space<hbm>>)
      tpu.yield
    }) : () -> ()
    %barrier3A_18 = arith.constant 0 : index
    tpu.barrier barrier_id(%barrier3A_18)
    "tpu.region"() ({
      %run_scoped3A = tpu.sem_alloc : memref<!tpu.dma_semaphore, #tpu.memory_space<semaphore_mem>>
      %dma_start3A = arith.constant 0 : i32
      %dma_start3A_27 = tpu.memref_slice %arg10[%mul3A_9, %dma_start3A] : memref<10240x16xf32, #tpu.memory_space<vmem_shared>> -> memref<640x16xf32, #tpu.memory_space<vmem_shared>>
      %dma_start3A_28 = arith.constant 0 : i32
      %dma_start3A_29 = tpu.memref_slice %arg10[%mul3A_9, %dma_start3A_28] : memref<10240x16xf32, #tpu.memory_space<vmem_shared>> -> memref<640x16xf32, #tpu.memory_space<vmem_shared>>
      tpu.enqueue_dma source(%arg9 : memref<640x16xf32, #tpu.memory_space<vmem>>) target(%dma_start3A_29 : memref<640x16xf32, #tpu.memory_space<vmem_shared>>) target_semaphore(%run_scoped3A : memref<!tpu.dma_semaphore, #tpu.memory_space<semaphore_mem>>)
      %dma_wait3A = arith.constant 0 : i32
      %dma_wait3A_30 = tpu.memref_slice %arg10[%mul3A_9, %dma_wait3A] : memref<10240x16xf32, #tpu.memory_space<vmem_shared>> -> memref<640x16xf32, #tpu.memory_space<vmem_shared>>
      %dma_wait3A_31 = arith.constant 0 : i32
      %dma_wait3A_32 = tpu.memref_slice %arg10[%mul3A_9, %dma_wait3A_31] : memref<10240x16xf32, #tpu.memory_space<vmem_shared>> -> memref<640x16xf32, #tpu.memory_space<vmem_shared>>
      tpu.wait_dma2 semaphore(%run_scoped3A : memref<!tpu.dma_semaphore, #tpu.memory_space<semaphore_mem>>) src(%arg9 : memref<640x16xf32, #tpu.memory_space<vmem>>) dst(%dma_wait3A_32 : memref<640x16xf32, #tpu.memory_space<vmem_shared>>)
      tpu.yield
    }) : () -> ()
    %barrier3A_19 = arith.constant 0 : index
    tpu.barrier barrier_id(%barrier3A_19)
    %scan3A_20 = arith.constant 0 : i32
    %scan3A_21 = arith.constant 80 : i32
    %scan3A_22 = arith.addi %scan3A_20, %scan3A_21 : i32
    %scan3A_23 = arith.constant 1 : i32
    scf.for %scan3A_27 = %scan3A_20 to %scan3A_22 step %scan3A_23  : i32 {
      %add3A = arith.addi %mul3A_11, %scan3A_27 : i32
      "tpu.region"() ({
        %run_scoped3A = tpu.sem_alloc : memref<!tpu.dma_semaphore, #tpu.memory_space<semaphore_mem>>
        %dma_start3A = arith.constant 0 : i32
        %dma_start3A_28 = tpu.memref_slice %arg7[%add3A, %dma_start3A] : memref<160x128xi32, #tpu.memory_space<vmem>> -> memref<1x128xi32, #tpu.memory_space<vmem>>
        %dma_start3A_29 = tpu.memref_squeeze %dma_start3A_28 : memref<1x128xi32, #tpu.memory_space<vmem>> -> memref<128xi32, #tpu.memory_space<vmem>>
        %dma_start3A_30 = arith.constant 0 : i32
        %dma_start3A_31 = arith.constant 0 : i32
        %dma_start3A_32 = tpu.memref_slice %arg10[%dma_start3A_30, %dma_start3A_31] : memref<10240x16xf32, #tpu.memory_space<vmem_shared>> -> memref<10240x16xf32, #tpu.memory_space<vmem_shared>>
        tpu.enqueue_indirect_dma source(%arg8 : memref<128x16xf32, #tpu.memory_space<vmem>>) target(%dma_start3A_32 : memref<10240x16xf32, #tpu.memory_space<vmem_shared>>) offsets(%dma_start3A_29 : memref<128xi32, #tpu.memory_space<vmem>>) semaphore(%run_scoped3A : memref<!tpu.dma_semaphore, #tpu.memory_space<semaphore_mem>>) {add = true}
        %dma_wait3A = arith.constant 0 : i32
        %dma_wait3A_33 = tpu.memref_slice %arg7[%add3A, %dma_wait3A] : memref<160x128xi32, #tpu.memory_space<vmem>> -> memref<1x128xi32, #tpu.memory_space<vmem>>
        %dma_wait3A_34 = tpu.memref_squeeze %dma_wait3A_33 : memref<1x128xi32, #tpu.memory_space<vmem>> -> memref<128xi32, #tpu.memory_space<vmem>>
        %dma_wait3A_35 = arith.constant 0 : i32
        %dma_wait3A_36 = arith.constant 0 : i32
        %dma_wait3A_37 = tpu.memref_slice %arg10[%dma_wait3A_35, %dma_wait3A_36] : memref<10240x16xf32, #tpu.memory_space<vmem_shared>> -> memref<10240x16xf32, #tpu.memory_space<vmem_shared>>
        tpu.wait_indirect_dma semaphore(%run_scoped3A : memref<!tpu.dma_semaphore, #tpu.memory_space<semaphore_mem>>) src(%arg8 : memref<128x16xf32, #tpu.memory_space<vmem>>) dst(%dma_wait3A_37 : memref<10240x16xf32, #tpu.memory_space<vmem_shared>>)
        tpu.yield
      }) : () -> ()
    }
    %scan3A_24 = arith.constant 80 : i32
    %barrier3A_25 = arith.constant 0 : index
    tpu.barrier barrier_id(%barrier3A_25)
    "tpu.region"() ({
      %run_scoped3A = tpu.sem_alloc : memref<!tpu.dma_semaphore, #tpu.memory_space<semaphore_mem>>
      %dma_start3A = arith.constant 0 : i32
      %dma_start3A_27 = arith.constant 0 : i32
      %dma_start3A_28 = tpu.memref_slice %arg5[%arg0, %dma_start3A, %dma_start3A_27] : memref<2x10240x16xf32, #tpu.memory_space<hbm>> -> memref<1x10240x16xf32, #tpu.memory_space<hbm>>
      %dma_start3A_29 = tpu.memref_squeeze %dma_start3A_28 : memref<1x10240x16xf32, #tpu.memory_space<hbm>> -> memref<10240x16xf32, #tpu.memory_space<hbm>>
      %dma_start3A_30 = arith.constant 0 : i32
      %dma_start3A_31 = tpu.memref_slice %dma_start3A_29[%mul3A_9, %dma_start3A_30] : memref<10240x16xf32, #tpu.memory_space<hbm>> -> memref<640x16xf32, #tpu.memory_space<hbm>>
      %dma_start3A_32 = arith.constant 0 : i32
      %dma_start3A_33 = tpu.memref_slice %arg10[%mul3A_9, %dma_start3A_32] : memref<10240x16xf32, #tpu.memory_space<vmem_shared>> -> memref<640x16xf32, #tpu.memory_space<vmem_shared>>
      tpu.enqueue_dma source(%dma_start3A_33 : memref<640x16xf32, #tpu.memory_space<vmem_shared>>) target(%dma_start3A_31 : memref<640x16xf32, #tpu.memory_space<hbm>>) target_semaphore(%run_scoped3A : memref<!tpu.dma_semaphore, #tpu.memory_space<semaphore_mem>>)
      %dma_wait3A = arith.constant 0 : i32
      %dma_wait3A_34 = arith.constant 0 : i32
      %dma_wait3A_35 = tpu.memref_slice %arg5[%arg0, %dma_wait3A, %dma_wait3A_34] : memref<2x10240x16xf32, #tpu.memory_space<hbm>> -> memref<1x10240x16xf32, #tpu.memory_space<hbm>>
      %dma_wait3A_36 = tpu.memref_squeeze %dma_wait3A_35 : memref<1x10240x16xf32, #tpu.memory_space<hbm>> -> memref<10240x16xf32, #tpu.memory_space<hbm>>
      %dma_wait3A_37 = arith.constant 0 : i32
      %dma_wait3A_38 = tpu.memref_slice %dma_wait3A_36[%mul3A_9, %dma_wait3A_37] : memref<10240x16xf32, #tpu.memory_space<hbm>> -> memref<640x16xf32, #tpu.memory_space<hbm>>
      %dma_wait3A_39 = arith.constant 0 : i32
      %dma_wait3A_40 = tpu.memref_slice %arg10[%mul3A_9, %dma_wait3A_39] : memref<10240x16xf32, #tpu.memory_space<vmem_shared>> -> memref<640x16xf32, #tpu.memory_space<vmem_shared>>
      tpu.wait_dma2 semaphore(%run_scoped3A : memref<!tpu.dma_semaphore, #tpu.memory_space<semaphore_mem>>) src(%dma_wait3A_40 : memref<640x16xf32, #tpu.memory_space<vmem_shared>>) dst(%dma_wait3A_38 : memref<640x16xf32, #tpu.memory_space<hbm>>)
      tpu.yield
    }) : () -> ()
    %barrier3A_26 = arith.constant 0 : index
    tpu.barrier barrier_id(%barrier3A_26)
    return
  }
}

#map = affine_map<(d0, d1) -> (0, 0, 0)>
module attributes {stable_mosaic.version = 14 : i64} {
  func.func @agg(%arg0: i32, %arg1: i32, %arg2: memref<2x10240x16xi32, #tpu.memory_space<hbm>>, %arg3: memref<16x160x128xi32, #tpu.memory_space<hbm>>, %arg4: memref<16x160x128xi32, #tpu.memory_space<hbm>>, %arg5: memref<2x10240x32xf32, #tpu.memory_space<hbm>>, %arg6: memref<160x128xi32, #tpu.memory_space<vmem>>, %arg7: memref<160x128xi32, #tpu.memory_space<vmem>>, %arg8: memref<4x128x16xi32, #tpu.memory_space<vmem>>, %arg9: memref<2x128x32xf32, #tpu.memory_space<vmem>>, %arg10: memref<128x32xf32, #tpu.memory_space<vmem>>, %arg11: memref<10240x32xf32, #tpu.memory_space<vmem_shared>>, %arg12: memref<!tpu.dma_semaphore, #tpu.memory_space<semaphore_mem>>, %arg13: memref<!tpu.dma_semaphore, #tpu.memory_space<semaphore_mem>>, %arg14: memref<!tpu.dma_semaphore, #tpu.memory_space<semaphore_mem>>, %arg15: memref<!tpu.dma_semaphore, #tpu.memory_space<semaphore_mem>>, %arg16: memref<!tpu.dma_semaphore, #tpu.memory_space<semaphore_mem>>, %arg17: memref<!tpu.dma_semaphore, #tpu.memory_space<semaphore_mem>>) attributes {dimension_semantics = [#tpu.dimension_semantics<core_parallel>, #tpu.dimension_semantics<subcore_parallel>], iteration_bounds = array<i64: 2, 16>, scalar_prefetch = 0 : i64, scratch_operands = 12 : i64, tpu.core_type = #tpu.core_type<sc_vector_subcore>, window_params = [{transform_indices = #map}, {transform_indices = #map}, {transform_indices = #map}, {transform_indices = #map}]} {
    %scan3A = arith.constant 0 : i32
    %scan3A_0 = arith.constant 128 : i32
    %scan3A_1 = arith.addi %scan3A, %scan3A_0 : i32
    %scan3A_2 = arith.constant 1 : i32
    scf.for %scan3A_74 = %scan3A to %scan3A_1 step %scan3A_2  : i32 {
      %broadcast_in_dim3A = arith.constant 0.000000e+00 : f32
      %broadcast_in_dim3A_75 = vector.broadcast %broadcast_in_dim3A : f32 to vector<16xf32>
      %swap3A = arith.index_cast %scan3A_74 : i32 to index
      %swap3A_76 = arith.constant 0 : index
      %swap3A_77 = tpu.vector_load %arg10[%swap3A, %swap3A_76] {strides = array<i32>} : memref<128x32xf32, #tpu.memory_space<vmem>>, vector<16xf32>,
      tpu.vector_store %arg10[%swap3A, %swap3A_76], %broadcast_in_dim3A_75 {strides = array<i32>} : memref<128x32xf32, #tpu.memory_space<vmem>>, vector<16xf32>,
      %broadcast_in_dim3A_78 = arith.constant 0.000000e+00 : f32
      %broadcast_in_dim3A_79 = vector.broadcast %broadcast_in_dim3A_78 : f32 to vector<16xf32>
      %swap3A_80 = arith.index_cast %scan3A_74 : i32 to index
      %swap3A_81 = arith.constant 16 : index
      %swap3A_82 = tpu.vector_load %arg10[%swap3A_80, %swap3A_81] {strides = array<i32>} : memref<128x32xf32, #tpu.memory_space<vmem>>, vector<16xf32>,
      tpu.vector_store %arg10[%swap3A_80, %swap3A_81], %broadcast_in_dim3A_79 {strides = array<i32>} : memref<128x32xf32, #tpu.memory_space<vmem>>, vector<16xf32>,
    }
    %scan3A_3 = arith.constant 128 : i32
    %mul3A = arith.constant 640 : i32
    %mul3A_4 = arith.muli %arg1, %mul3A : i32
    %add3A = arith.constant 0 : i32
    %add3A_5 = arith.addi %mul3A_4, %add3A : i32
    "tpu.region"() ({
      %run_scoped3A = tpu.sem_alloc : memref<!tpu.dma_semaphore, #tpu.memory_space<semaphore_mem>>
      %dma_start3A_74 = arith.constant 0 : i32
      %dma_start3A_75 = tpu.memref_slice %arg11[%add3A_5, %dma_start3A_74] : memref<10240x32xf32, #tpu.memory_space<vmem_shared>> -> memref<128x32xf32, #tpu.memory_space<vmem_shared>>
      %dma_start3A_76 = arith.constant 0 : i32
      %dma_start3A_77 = tpu.memref_slice %arg11[%add3A_5, %dma_start3A_76] : memref<10240x32xf32, #tpu.memory_space<vmem_shared>> -> memref<128x32xf32, #tpu.memory_space<vmem_shared>>
      tpu.enqueue_dma source(%arg10 : memref<128x32xf32, #tpu.memory_space<vmem>>) target(%dma_start3A_77 : memref<128x32xf32, #tpu.memory_space<vmem_shared>>) target_semaphore(%run_scoped3A : memref<!tpu.dma_semaphore, #tpu.memory_space<semaphore_mem>>)
      %dma_wait3A_78 = arith.constant 0 : i32
      %dma_wait3A_79 = tpu.memref_slice %arg11[%add3A_5, %dma_wait3A_78] : memref<10240x32xf32, #tpu.memory_space<vmem_shared>> -> memref<128x32xf32, #tpu.memory_space<vmem_shared>>
      %dma_wait3A_80 = arith.constant 0 : i32
      %dma_wait3A_81 = tpu.memref_slice %arg11[%add3A_5, %dma_wait3A_80] : memref<10240x32xf32, #tpu.memory_space<vmem_shared>> -> memref<128x32xf32, #tpu.memory_space<vmem_shared>>
      tpu.wait_dma2 semaphore(%run_scoped3A : memref<!tpu.dma_semaphore, #tpu.memory_space<semaphore_mem>>) src(%arg10 : memref<128x32xf32, #tpu.memory_space<vmem>>) dst(%dma_wait3A_81 : memref<128x32xf32, #tpu.memory_space<vmem_shared>>)
      tpu.yield
    }) : () -> ()
    %add3A_6 = arith.constant 128 : i32
    %add3A_7 = arith.addi %mul3A_4, %add3A_6 : i32
    "tpu.region"() ({
      %run_scoped3A = tpu.sem_alloc : memref<!tpu.dma_semaphore, #tpu.memory_space<semaphore_mem>>
      %dma_start3A_74 = arith.constant 0 : i32
      %dma_start3A_75 = tpu.memref_slice %arg11[%add3A_7, %dma_start3A_74] : memref<10240x32xf32, #tpu.memory_space<vmem_shared>> -> memref<128x32xf32, #tpu.memory_space<vmem_shared>>
      %dma_start3A_76 = arith.constant 0 : i32
      %dma_start3A_77 = tpu.memref_slice %arg11[%add3A_7, %dma_start3A_76] : memref<10240x32xf32, #tpu.memory_space<vmem_shared>> -> memref<128x32xf32, #tpu.memory_space<vmem_shared>>
      tpu.enqueue_dma source(%arg10 : memref<128x32xf32, #tpu.memory_space<vmem>>) target(%dma_start3A_77 : memref<128x32xf32, #tpu.memory_space<vmem_shared>>) target_semaphore(%run_scoped3A : memref<!tpu.dma_semaphore, #tpu.memory_space<semaphore_mem>>)
      %dma_wait3A_78 = arith.constant 0 : i32
      %dma_wait3A_79 = tpu.memref_slice %arg11[%add3A_7, %dma_wait3A_78] : memref<10240x32xf32, #tpu.memory_space<vmem_shared>> -> memref<128x32xf32, #tpu.memory_space<vmem_shared>>
      %dma_wait3A_80 = arith.constant 0 : i32
      %dma_wait3A_81 = tpu.memref_slice %arg11[%add3A_7, %dma_wait3A_80] : memref<10240x32xf32, #tpu.memory_space<vmem_shared>> -> memref<128x32xf32, #tpu.memory_space<vmem_shared>>
      tpu.wait_dma2 semaphore(%run_scoped3A : memref<!tpu.dma_semaphore, #tpu.memory_space<semaphore_mem>>) src(%arg10 : memref<128x32xf32, #tpu.memory_space<vmem>>) dst(%dma_wait3A_81 : memref<128x32xf32, #tpu.memory_space<vmem_shared>>)
      tpu.yield
    }) : () -> ()
    %add3A_8 = arith.constant 256 : i32
    %add3A_9 = arith.addi %mul3A_4, %add3A_8 : i32
    "tpu.region"() ({
      %run_scoped3A = tpu.sem_alloc : memref<!tpu.dma_semaphore, #tpu.memory_space<semaphore_mem>>
      %dma_start3A_74 = arith.constant 0 : i32
      %dma_start3A_75 = tpu.memref_slice %arg11[%add3A_9, %dma_start3A_74] : memref<10240x32xf32, #tpu.memory_space<vmem_shared>> -> memref<128x32xf32, #tpu.memory_space<vmem_shared>>
      %dma_start3A_76 = arith.constant 0 : i32
      %dma_start3A_77 = tpu.memref_slice %arg11[%add3A_9, %dma_start3A_76] : memref<10240x32xf32, #tpu.memory_space<vmem_shared>> -> memref<128x32xf32, #tpu.memory_space<vmem_shared>>
      tpu.enqueue_dma source(%arg10 : memref<128x32xf32, #tpu.memory_space<vmem>>) target(%dma_start3A_77 : memref<128x32xf32, #tpu.memory_space<vmem_shared>>) target_semaphore(%run_scoped3A : memref<!tpu.dma_semaphore, #tpu.memory_space<semaphore_mem>>)
      %dma_wait3A_78 = arith.constant 0 : i32
      %dma_wait3A_79 = tpu.memref_slice %arg11[%add3A_9, %dma_wait3A_78] : memref<10240x32xf32, #tpu.memory_space<vmem_shared>> -> memref<128x32xf32, #tpu.memory_space<vmem_shared>>
      %dma_wait3A_80 = arith.constant 0 : i32
      %dma_wait3A_81 = tpu.memref_slice %arg11[%add3A_9, %dma_wait3A_80] : memref<10240x32xf32, #tpu.memory_space<vmem_shared>> -> memref<128x32xf32, #tpu.memory_space<vmem_shared>>
      tpu.wait_dma2 semaphore(%run_scoped3A : memref<!tpu.dma_semaphore, #tpu.memory_space<semaphore_mem>>) src(%arg10 : memref<128x32xf32, #tpu.memory_space<vmem>>) dst(%dma_wait3A_81 : memref<128x32xf32, #tpu.memory_space<vmem_shared>>)
      tpu.yield
    }) : () -> ()
    %add3A_10 = arith.constant 384 : i32
    %add3A_11 = arith.addi %mul3A_4, %add3A_10 : i32
    "tpu.region"() ({
      %run_scoped3A = tpu.sem_alloc : memref<!tpu.dma_semaphore, #tpu.memory_space<semaphore_mem>>
      %dma_start3A_74 = arith.constant 0 : i32
      %dma_start3A_75 = tpu.memref_slice %arg11[%add3A_11, %dma_start3A_74] : memref<10240x32xf32, #tpu.memory_space<vmem_shared>> -> memref<128x32xf32, #tpu.memory_space<vmem_shared>>
      %dma_start3A_76 = arith.constant 0 : i32
      %dma_start3A_77 = tpu.memref_slice %arg11[%add3A_11, %dma_start3A_76] : memref<10240x32xf32, #tpu.memory_space<vmem_shared>> -> memref<128x32xf32, #tpu.memory_space<vmem_shared>>
      tpu.enqueue_dma source(%arg10 : memref<128x32xf32, #tpu.memory_space<vmem>>) target(%dma_start3A_77 : memref<128x32xf32, #tpu.memory_space<vmem_shared>>) target_semaphore(%run_scoped3A : memref<!tpu.dma_semaphore, #tpu.memory_space<semaphore_mem>>)
      %dma_wait3A_78 = arith.constant 0 : i32
      %dma_wait3A_79 = tpu.memref_slice %arg11[%add3A_11, %dma_wait3A_78] : memref<10240x32xf32, #tpu.memory_space<vmem_shared>> -> memref<128x32xf32, #tpu.memory_space<vmem_shared>>
      %dma_wait3A_80 = arith.constant 0 : i32
      %dma_wait3A_81 = tpu.memref_slice %arg11[%add3A_11, %dma_wait3A_80] : memref<10240x32xf32, #tpu.memory_space<vmem_shared>> -> memref<128x32xf32, #tpu.memory_space<vmem_shared>>
      tpu.wait_dma2 semaphore(%run_scoped3A : memref<!tpu.dma_semaphore, #tpu.memory_space<semaphore_mem>>) src(%arg10 : memref<128x32xf32, #tpu.memory_space<vmem>>) dst(%dma_wait3A_81 : memref<128x32xf32, #tpu.memory_space<vmem_shared>>)
      tpu.yield
    }) : () -> ()
    %add3A_12 = arith.constant 512 : i32
    %add3A_13 = arith.addi %mul3A_4, %add3A_12 : i32
    "tpu.region"() ({
      %run_scoped3A = tpu.sem_alloc : memref<!tpu.dma_semaphore, #tpu.memory_space<semaphore_mem>>
      %dma_start3A_74 = arith.constant 0 : i32
      %dma_start3A_75 = tpu.memref_slice %arg11[%add3A_13, %dma_start3A_74] : memref<10240x32xf32, #tpu.memory_space<vmem_shared>> -> memref<128x32xf32, #tpu.memory_space<vmem_shared>>
      %dma_start3A_76 = arith.constant 0 : i32
      %dma_start3A_77 = tpu.memref_slice %arg11[%add3A_13, %dma_start3A_76] : memref<10240x32xf32, #tpu.memory_space<vmem_shared>> -> memref<128x32xf32, #tpu.memory_space<vmem_shared>>
      tpu.enqueue_dma source(%arg10 : memref<128x32xf32, #tpu.memory_space<vmem>>) target(%dma_start3A_77 : memref<128x32xf32, #tpu.memory_space<vmem_shared>>) target_semaphore(%run_scoped3A : memref<!tpu.dma_semaphore, #tpu.memory_space<semaphore_mem>>)
      %dma_wait3A_78 = arith.constant 0 : i32
      %dma_wait3A_79 = tpu.memref_slice %arg11[%add3A_13, %dma_wait3A_78] : memref<10240x32xf32, #tpu.memory_space<vmem_shared>> -> memref<128x32xf32, #tpu.memory_space<vmem_shared>>
      %dma_wait3A_80 = arith.constant 0 : i32
      %dma_wait3A_81 = tpu.memref_slice %arg11[%add3A_13, %dma_wait3A_80] : memref<10240x32xf32, #tpu.memory_space<vmem_shared>> -> memref<128x32xf32, #tpu.memory_space<vmem_shared>>
      tpu.wait_dma2 semaphore(%run_scoped3A : memref<!tpu.dma_semaphore, #tpu.memory_space<semaphore_mem>>) src(%arg10 : memref<128x32xf32, #tpu.memory_space<vmem>>) dst(%dma_wait3A_81 : memref<128x32xf32, #tpu.memory_space<vmem_shared>>)
      tpu.yield
    }) : () -> ()
    "tpu.region"() ({
      %run_scoped3A = tpu.sem_alloc : memref<!tpu.dma_semaphore, #tpu.memory_space<semaphore_mem>>
      %dma_start3A_74 = arith.constant 0 : i32
      %dma_start3A_75 = arith.constant 0 : i32
      %dma_start3A_76 = tpu.memref_slice %arg3[%arg1, %dma_start3A_74, %dma_start3A_75] : memref<16x160x128xi32, #tpu.memory_space<hbm>> -> memref<1x160x128xi32, #tpu.memory_space<hbm>>
      %dma_start3A_77 = tpu.memref_squeeze %dma_start3A_76 : memref<1x160x128xi32, #tpu.memory_space<hbm>> -> memref<160x128xi32, #tpu.memory_space<hbm>>
      %dma_start3A_78 = arith.constant 0 : i32
      %dma_start3A_79 = arith.constant 0 : i32
      %dma_start3A_80 = tpu.memref_slice %arg3[%arg1, %dma_start3A_78, %dma_start3A_79] : memref<16x160x128xi32, #tpu.memory_space<hbm>> -> memref<1x160x128xi32, #tpu.memory_space<hbm>>
      %dma_start3A_81 = tpu.memref_squeeze %dma_start3A_80 : memref<1x160x128xi32, #tpu.memory_space<hbm>> -> memref<160x128xi32, #tpu.memory_space<hbm>>
      tpu.enqueue_dma source(%dma_start3A_81 : memref<160x128xi32, #tpu.memory_space<hbm>>) target(%arg6 : memref<160x128xi32, #tpu.memory_space<vmem>>) target_semaphore(%run_scoped3A : memref<!tpu.dma_semaphore, #tpu.memory_space<semaphore_mem>>)
      %dma_wait3A_82 = arith.constant 0 : i32
      %dma_wait3A_83 = arith.constant 0 : i32
      %dma_wait3A_84 = tpu.memref_slice %arg3[%arg1, %dma_wait3A_82, %dma_wait3A_83] : memref<16x160x128xi32, #tpu.memory_space<hbm>> -> memref<1x160x128xi32, #tpu.memory_space<hbm>>
      %dma_wait3A_85 = tpu.memref_squeeze %dma_wait3A_84 : memref<1x160x128xi32, #tpu.memory_space<hbm>> -> memref<160x128xi32, #tpu.memory_space<hbm>>
      %dma_wait3A_86 = arith.constant 0 : i32
      %dma_wait3A_87 = arith.constant 0 : i32
      %dma_wait3A_88 = tpu.memref_slice %arg3[%arg1, %dma_wait3A_86, %dma_wait3A_87] : memref<16x160x128xi32, #tpu.memory_space<hbm>> -> memref<1x160x128xi32, #tpu.memory_space<hbm>>
      %dma_wait3A_89 = tpu.memref_squeeze %dma_wait3A_88 : memref<1x160x128xi32, #tpu.memory_space<hbm>> -> memref<160x128xi32, #tpu.memory_space<hbm>>
      tpu.wait_dma2 semaphore(%run_scoped3A : memref<!tpu.dma_semaphore, #tpu.memory_space<semaphore_mem>>) src(%dma_wait3A_89 : memref<160x128xi32, #tpu.memory_space<hbm>>) dst(%arg6 : memref<160x128xi32, #tpu.memory_space<vmem>>)
      tpu.yield
    }) : () -> ()
    "tpu.region"() ({
      %run_scoped3A = tpu.sem_alloc : memref<!tpu.dma_semaphore, #tpu.memory_space<semaphore_mem>>
      %dma_start3A_74 = arith.constant 0 : i32
      %dma_start3A_75 = arith.constant 0 : i32
      %dma_start3A_76 = tpu.memref_slice %arg4[%arg1, %dma_start3A_74, %dma_start3A_75] : memref<16x160x128xi32, #tpu.memory_space<hbm>> -> memref<1x160x128xi32, #tpu.memory_space<hbm>>
      %dma_start3A_77 = tpu.memref_squeeze %dma_start3A_76 : memref<1x160x128xi32, #tpu.memory_space<hbm>> -> memref<160x128xi32, #tpu.memory_space<hbm>>
      %dma_start3A_78 = arith.constant 0 : i32
      %dma_start3A_79 = arith.constant 0 : i32
      %dma_start3A_80 = tpu.memref_slice %arg4[%arg1, %dma_start3A_78, %dma_start3A_79] : memref<16x160x128xi32, #tpu.memory_space<hbm>> -> memref<1x160x128xi32, #tpu.memory_space<hbm>>
      %dma_start3A_81 = tpu.memref_squeeze %dma_start3A_80 : memref<1x160x128xi32, #tpu.memory_space<hbm>> -> memref<160x128xi32, #tpu.memory_space<hbm>>
      tpu.enqueue_dma source(%dma_start3A_81 : memref<160x128xi32, #tpu.memory_space<hbm>>) target(%arg7 : memref<160x128xi32, #tpu.memory_space<vmem>>) target_semaphore(%run_scoped3A : memref<!tpu.dma_semaphore, #tpu.memory_space<semaphore_mem>>)
      %dma_wait3A_82 = arith.constant 0 : i32
      %dma_wait3A_83 = arith.constant 0 : i32
      %dma_wait3A_84 = tpu.memref_slice %arg4[%arg1, %dma_wait3A_82, %dma_wait3A_83] : memref<16x160x128xi32, #tpu.memory_space<hbm>> -> memref<1x160x128xi32, #tpu.memory_space<hbm>>
      %dma_wait3A_85 = tpu.memref_squeeze %dma_wait3A_84 : memref<1x160x128xi32, #tpu.memory_space<hbm>> -> memref<160x128xi32, #tpu.memory_space<hbm>>
      %dma_wait3A_86 = arith.constant 0 : i32
      %dma_wait3A_87 = arith.constant 0 : i32
      %dma_wait3A_88 = tpu.memref_slice %arg4[%arg1, %dma_wait3A_86, %dma_wait3A_87] : memref<16x160x128xi32, #tpu.memory_space<hbm>> -> memref<1x160x128xi32, #tpu.memory_space<hbm>>
      %dma_wait3A_89 = tpu.memref_squeeze %dma_wait3A_88 : memref<1x160x128xi32, #tpu.memory_space<hbm>> -> memref<160x128xi32, #tpu.memory_space<hbm>>
      tpu.wait_dma2 semaphore(%run_scoped3A : memref<!tpu.dma_semaphore, #tpu.memory_space<semaphore_mem>>) src(%dma_wait3A_89 : memref<160x128xi32, #tpu.memory_space<hbm>>) dst(%arg7 : memref<160x128xi32, #tpu.memory_space<vmem>>)
      tpu.yield
    }) : () -> ()
    %barrier3A = arith.constant 0 : index
    tpu.barrier barrier_id(%barrier3A)
    %dma_start3A = arith.constant 0 : i32
    %dma_start3A_14 = arith.constant 0 : i32
    %dma_start3A_15 = arith.constant 0 : i32
    %dma_start3A_16 = arith.constant 0 : i32
    %dma_start3A_17 = tpu.memref_slice %arg8[%dma_start3A_14, %dma_start3A_15, %dma_start3A_16] : memref<4x128x16xi32, #tpu.memory_space<vmem>> -> memref<1x128x16xi32, #tpu.memory_space<vmem>>
    %dma_start3A_18 = tpu.memref_squeeze %dma_start3A_17 : memref<1x128x16xi32, #tpu.memory_space<vmem>> -> memref<128x16xi32, #tpu.memory_space<vmem>>
    %dma_start3A_19 = arith.constant 0 : i32
    %dma_start3A_20 = tpu.memref_slice %arg6[%dma_start3A, %dma_start3A_19] : memref<160x128xi32, #tpu.memory_space<vmem>> -> memref<1x128xi32, #tpu.memory_space<vmem>>
    %dma_start3A_21 = tpu.memref_squeeze %dma_start3A_20 : memref<1x128xi32, #tpu.memory_space<vmem>> -> memref<128xi32, #tpu.memory_space<vmem>>
    %dma_start3A_22 = arith.constant 0 : i32
    %dma_start3A_23 = arith.constant 0 : i32
    %dma_start3A_24 = tpu.memref_slice %arg2[%arg0, %dma_start3A_22, %dma_start3A_23] : memref<2x10240x16xi32, #tpu.memory_space<hbm>> -> memref<1x10240x16xi32, #tpu.memory_space<hbm>>
    %dma_start3A_25 = tpu.memref_squeeze %dma_start3A_24 : memref<1x10240x16xi32, #tpu.memory_space<hbm>> -> memref<10240x16xi32, #tpu.memory_space<hbm>>
    %dma_start3A_26 = arith.constant 0 : i32
    %dma_start3A_27 = arith.constant 0 : i32
    %dma_start3A_28 = tpu.memref_slice %dma_start3A_25[%dma_start3A_26, %dma_start3A_27] : memref<10240x16xi32, #tpu.memory_space<hbm>> -> memref<10240x16xi32, #tpu.memory_space<hbm>>
    tpu.enqueue_indirect_dma source(%dma_start3A_28 : memref<10240x16xi32, #tpu.memory_space<hbm>>) target(%dma_start3A_18 : memref<128x16xi32, #tpu.memory_space<vmem>>) offsets(%dma_start3A_21 : memref<128xi32, #tpu.memory_space<vmem>>) semaphore(%arg12 : memref<!tpu.dma_semaphore, #tpu.memory_space<semaphore_mem>>)
    %dma_start3A_29 = arith.constant 1 : i32
    %dma_start3A_30 = arith.constant 1 : i32
    %dma_start3A_31 = arith.constant 0 : i32
    %dma_start3A_32 = arith.constant 0 : i32
    %dma_start3A_33 = tpu.memref_slice %arg8[%dma_start3A_30, %dma_start3A_31, %dma_start3A_32] : memref<4x128x16xi32, #tpu.memory_space<vmem>> -> memref<1x128x16xi32, #tpu.memory_space<vmem>>
    %dma_start3A_34 = tpu.memref_squeeze %dma_start3A_33 : memref<1x128x16xi32, #tpu.memory_space<vmem>> -> memref<128x16xi32, #tpu.memory_space<vmem>>
    %dma_start3A_35 = arith.constant 0 : i32
    %dma_start3A_36 = tpu.memref_slice %arg6[%dma_start3A_29, %dma_start3A_35] : memref<160x128xi32, #tpu.memory_space<vmem>> -> memref<1x128xi32, #tpu.memory_space<vmem>>
    %dma_start3A_37 = tpu.memref_squeeze %dma_start3A_36 : memref<1x128xi32, #tpu.memory_space<vmem>> -> memref<128xi32, #tpu.memory_space<vmem>>
    %dma_start3A_38 = arith.constant 0 : i32
    %dma_start3A_39 = arith.constant 0 : i32
    %dma_start3A_40 = tpu.memref_slice %arg2[%arg0, %dma_start3A_38, %dma_start3A_39] : memref<2x10240x16xi32, #tpu.memory_space<hbm>> -> memref<1x10240x16xi32, #tpu.memory_space<hbm>>
    %dma_start3A_41 = tpu.memref_squeeze %dma_start3A_40 : memref<1x10240x16xi32, #tpu.memory_space<hbm>> -> memref<10240x16xi32, #tpu.memory_space<hbm>>
    %dma_start3A_42 = arith.constant 0 : i32
    %dma_start3A_43 = arith.constant 0 : i32
    %dma_start3A_44 = tpu.memref_slice %dma_start3A_41[%dma_start3A_42, %dma_start3A_43] : memref<10240x16xi32, #tpu.memory_space<hbm>> -> memref<10240x16xi32, #tpu.memory_space<hbm>>
    tpu.enqueue_indirect_dma source(%dma_start3A_44 : memref<10240x16xi32, #tpu.memory_space<hbm>>) target(%dma_start3A_34 : memref<128x16xi32, #tpu.memory_space<vmem>>) offsets(%dma_start3A_37 : memref<128xi32, #tpu.memory_space<vmem>>) semaphore(%arg13 : memref<!tpu.dma_semaphore, #tpu.memory_space<semaphore_mem>>)
    %scan3A_45 = arith.constant 0 : i32
    %scan3A_46 = arith.constant 40 : i32
    %scan3A_47 = arith.addi %scan3A_45, %scan3A_46 : i32
    %scan3A_48 = arith.constant 1 : i32
    scf.for %scan3A_74 = %scan3A_45 to %scan3A_47 step %scan3A_48  : i32 {
      %mul3A_75 = arith.constant 4 : i32
      %mul3A_76 = arith.muli %mul3A_75, %scan3A_74 : i32
      %add3A_77 = arith.constant 0 : i32
      %add3A_78 = arith.addi %mul3A_76, %add3A_77 : i32
      %ge3A = arith.constant 2 : i32
      %ge3A_79 = arith.cmpi sge, %add3A_78, %ge3A : i32
      %convert_element_type3A = arith.extui %ge3A_79 : i1 to i32
      %cond3A = arith.constant 0 : i32
      %cond3A_80 = arith.cmpi ne, %convert_element_type3A, %cond3A : i32
      scf.if %cond3A_80 {
        %sub3A = arith.constant 2 : i32
        %sub3A_259 = arith.subi %add3A_78, %sub3A : i32
        %dma_wait3A_260 = arith.constant 0 : i32
        %dma_wait3A_261 = arith.constant 0 : i32
        %dma_wait3A_262 = arith.constant 0 : i32
        %dma_wait3A_263 = tpu.memref_slice %arg9[%dma_wait3A_260, %dma_wait3A_261, %dma_wait3A_262] : memref<2x128x32xf32, #tpu.memory_space<vmem>> -> memref<1x128x32xf32, #tpu.memory_space<vmem>>
        %dma_wait3A_264 = tpu.memref_squeeze %dma_wait3A_263 : memref<1x128x32xf32, #tpu.memory_space<vmem>> -> memref<128x32xf32, #tpu.memory_space<vmem>>
        %dma_wait3A_265 = arith.constant 0 : i32
        %dma_wait3A_266 = tpu.memref_slice %arg7[%sub3A_259, %dma_wait3A_265] : memref<160x128xi32, #tpu.memory_space<vmem>> -> memref<1x128xi32, #tpu.memory_space<vmem>>
        %dma_wait3A_267 = tpu.memref_squeeze %dma_wait3A_266 : memref<1x128xi32, #tpu.memory_space<vmem>> -> memref<128xi32, #tpu.memory_space<vmem>>
        %dma_wait3A_268 = arith.constant 0 : i32
        %dma_wait3A_269 = arith.constant 0 : i32
        %dma_wait3A_270 = tpu.memref_slice %arg11[%dma_wait3A_268, %dma_wait3A_269] : memref<10240x32xf32, #tpu.memory_space<vmem_shared>> -> memref<10240x32xf32, #tpu.memory_space<vmem_shared>>
        tpu.wait_indirect_dma semaphore(%arg16 : memref<!tpu.dma_semaphore, #tpu.memory_space<semaphore_mem>>) src(%dma_wait3A_264 : memref<128x32xf32, #tpu.memory_space<vmem>>) dst(%dma_wait3A_270 : memref<10240x32xf32, #tpu.memory_space<vmem_shared>>)
      } else {
      }
      %dma_wait3A_81 = arith.constant 0 : i32
      %dma_wait3A_82 = arith.constant 0 : i32
      %dma_wait3A_83 = arith.constant 0 : i32
      %dma_wait3A_84 = tpu.memref_slice %arg8[%dma_wait3A_81, %dma_wait3A_82, %dma_wait3A_83] : memref<4x128x16xi32, #tpu.memory_space<vmem>> -> memref<1x128x16xi32, #tpu.memory_space<vmem>>
      %dma_wait3A_85 = tpu.memref_squeeze %dma_wait3A_84 : memref<1x128x16xi32, #tpu.memory_space<vmem>> -> memref<128x16xi32, #tpu.memory_space<vmem>>
      %dma_wait3A_86 = arith.constant 0 : i32
      %dma_wait3A_87 = tpu.memref_slice %arg6[%add3A_78, %dma_wait3A_86] : memref<160x128xi32, #tpu.memory_space<vmem>> -> memref<1x128xi32, #tpu.memory_space<vmem>>
      %dma_wait3A_88 = tpu.memref_squeeze %dma_wait3A_87 : memref<1x128xi32, #tpu.memory_space<vmem>> -> memref<128xi32, #tpu.memory_space<vmem>>
      %dma_wait3A_89 = arith.constant 0 : i32
      %dma_wait3A_90 = arith.constant 0 : i32
      %dma_wait3A_91 = tpu.memref_slice %arg2[%arg0, %dma_wait3A_89, %dma_wait3A_90] : memref<2x10240x16xi32, #tpu.memory_space<hbm>> -> memref<1x10240x16xi32, #tpu.memory_space<hbm>>
      %dma_wait3A_92 = tpu.memref_squeeze %dma_wait3A_91 : memref<1x10240x16xi32, #tpu.memory_space<hbm>> -> memref<10240x16xi32, #tpu.memory_space<hbm>>
      %dma_wait3A_93 = arith.constant 0 : i32
      %dma_wait3A_94 = arith.constant 0 : i32
      %dma_wait3A_95 = tpu.memref_slice %dma_wait3A_92[%dma_wait3A_93, %dma_wait3A_94] : memref<10240x16xi32, #tpu.memory_space<hbm>> -> memref<10240x16xi32, #tpu.memory_space<hbm>>
      tpu.wait_indirect_dma semaphore(%arg12 : memref<!tpu.dma_semaphore, #tpu.memory_space<semaphore_mem>>) src(%dma_wait3A_95 : memref<10240x16xi32, #tpu.memory_space<hbm>>) dst(%dma_wait3A_85 : memref<128x16xi32, #tpu.memory_space<vmem>>)
      %add3A_96 = arith.constant 2 : i32
      %add3A_97 = arith.addi %add3A_78, %add3A_96 : i32
      %lt3A = arith.constant 160 : i32
      %lt3A_98 = arith.cmpi slt, %add3A_97, %lt3A : i32
      %convert_element_type3A_99 = arith.extui %lt3A_98 : i1 to i32
      %cond3A_100 = arith.constant 0 : i32
      %cond3A_101 = arith.cmpi ne, %convert_element_type3A_99, %cond3A_100 : i32
      scf.if %cond3A_101 {
        %add3A_259 = arith.constant 2 : i32
        %add3A_260 = arith.addi %add3A_78, %add3A_259 : i32
        %dma_start3A_261 = arith.constant 2 : i32
        %dma_start3A_262 = arith.constant 0 : i32
        %dma_start3A_263 = arith.constant 0 : i32
        %dma_start3A_264 = tpu.memref_slice %arg8[%dma_start3A_261, %dma_start3A_262, %dma_start3A_263] : memref<4x128x16xi32, #tpu.memory_space<vmem>> -> memref<1x128x16xi32, #tpu.memory_space<vmem>>
        %dma_start3A_265 = tpu.memref_squeeze %dma_start3A_264 : memref<1x128x16xi32, #tpu.memory_space<vmem>> -> memref<128x16xi32, #tpu.memory_space<vmem>>
        %dma_start3A_266 = arith.constant 0 : i32
        %dma_start3A_267 = tpu.memref_slice %arg6[%add3A_260, %dma_start3A_266] : memref<160x128xi32, #tpu.memory_space<vmem>> -> memref<1x128xi32, #tpu.memory_space<vmem>>
        %dma_start3A_268 = tpu.memref_squeeze %dma_start3A_267 : memref<1x128xi32, #tpu.memory_space<vmem>> -> memref<128xi32, #tpu.memory_space<vmem>>
        %dma_start3A_269 = arith.constant 0 : i32
        %dma_start3A_270 = arith.constant 0 : i32
        %dma_start3A_271 = tpu.memref_slice %arg2[%arg0, %dma_start3A_269, %dma_start3A_270] : memref<2x10240x16xi32, #tpu.memory_space<hbm>> -> memref<1x10240x16xi32, #tpu.memory_space<hbm>>
        %dma_start3A_272 = tpu.memref_squeeze %dma_start3A_271 : memref<1x10240x16xi32, #tpu.memory_space<hbm>> -> memref<10240x16xi32, #tpu.memory_space<hbm>>
        %dma_start3A_273 = arith.constant 0 : i32
        %dma_start3A_274 = arith.constant 0 : i32
        %dma_start3A_275 = tpu.memref_slice %dma_start3A_272[%dma_start3A_273, %dma_start3A_274] : memref<10240x16xi32, #tpu.memory_space<hbm>> -> memref<10240x16xi32, #tpu.memory_space<hbm>>
        tpu.enqueue_indirect_dma source(%dma_start3A_275 : memref<10240x16xi32, #tpu.memory_space<hbm>>) target(%dma_start3A_265 : memref<128x16xi32, #tpu.memory_space<vmem>>) offsets(%dma_start3A_268 : memref<128xi32, #tpu.memory_space<vmem>>) semaphore(%arg14 : memref<!tpu.dma_semaphore, #tpu.memory_space<semaphore_mem>>)
      } else {
      }
      %scan3A_102 = arith.constant 0 : i32
      %scan3A_103 = arith.constant 128 : i32
      %scan3A_104 = arith.addi %scan3A_102, %scan3A_103 : i32
      %scan3A_105 = arith.constant 1 : i32
      scf.for %scan3A_259 = %scan3A_102 to %scan3A_104 step %scan3A_105  : i32 {
        %get3A = arith.constant 0 : i32
        %get3A_260 = arith.index_cast %get3A : i32 to index
        %get3A_261 = arith.index_cast %scan3A_259 : i32 to index
        %get3A_262 = arith.constant 0 : index
        %get3A_263 = tpu.vector_load %arg8[%get3A_260, %get3A_261, %get3A_262] {strides = array<i32>} : memref<4x128x16xi32, #tpu.memory_space<vmem>>, vector<16xi32>,
        %shift_left3A = arith.constant 16 : i32
        %shift_left3A_264 = vector.broadcast %shift_left3A : i32 to vector<16xi32>
        %shift_left3A_265 = arith.shli %get3A_263, %shift_left3A_264 : vector<16xi32>
        %bitcast3A = vector.bitcast %shift_left3A_265 : vector<16xi32> to vector<16xf32>
        %and3A = arith.constant -65536 : i32
        %and3A_266 = vector.broadcast %and3A : i32 to vector<16xi32>
        %and3A_267 = arith.andi %get3A_263, %and3A_266 : vector<16xi32>
        %bitcast3A_268 = vector.bitcast %and3A_267 : vector<16xi32> to vector<16xf32>
        %swap3A = arith.constant 0 : i32
        %swap3A_269 = arith.index_cast %swap3A : i32 to index
        %swap3A_270 = arith.index_cast %scan3A_259 : i32 to index
        %swap3A_271 = arith.constant 0 : index
        %swap3A_272 = tpu.vector_load %arg9[%swap3A_269, %swap3A_270, %swap3A_271] {strides = array<i32>} : memref<2x128x32xf32, #tpu.memory_space<vmem>>, vector<16xf32>,
        tpu.vector_store %arg9[%swap3A_269, %swap3A_270, %swap3A_271], %bitcast3A {strides = array<i32>} : memref<2x128x32xf32, #tpu.memory_space<vmem>>, vector<16xf32>,
        %swap3A_273 = arith.constant 0 : i32
        %swap3A_274 = arith.index_cast %swap3A_273 : i32 to index
        %swap3A_275 = arith.index_cast %scan3A_259 : i32 to index
        %swap3A_276 = arith.constant 16 : index
        %swap3A_277 = tpu.vector_load %arg9[%swap3A_274, %swap3A_275, %swap3A_276] {strides = array<i32>} : memref<2x128x32xf32, #tpu.memory_space<vmem>>, vector<16xf32>,
        tpu.vector_store %arg9[%swap3A_274, %swap3A_275, %swap3A_276], %bitcast3A_268 {strides = array<i32>} : memref<2x128x32xf32, #tpu.memory_space<vmem>>, vector<16xf32>,
      }
      %scan3A_106 = arith.constant 128 : i32
      %dma_start3A_107 = arith.constant 0 : i32
      %dma_start3A_108 = arith.constant 0 : i32
      %dma_start3A_109 = arith.constant 0 : i32
      %dma_start3A_110 = tpu.memref_slice %arg9[%dma_start3A_107, %dma_start3A_108, %dma_start3A_109] : memref<2x128x32xf32, #tpu.memory_space<vmem>> -> memref<1x128x32xf32, #tpu.memory_space<vmem>>
      %dma_start3A_111 = tpu.memref_squeeze %dma_start3A_110 : memref<1x128x32xf32, #tpu.memory_space<vmem>> -> memref<128x32xf32, #tpu.memory_space<vmem>>
      %dma_start3A_112 = arith.constant 0 : i32
      %dma_start3A_113 = tpu.memref_slice %arg7[%add3A_78, %dma_start3A_112] : memref<160x128xi32, #tpu.memory_space<vmem>> -> memref<1x128xi32, #tpu.memory_space<vmem>>
      %dma_start3A_114 = tpu.memref_squeeze %dma_start3A_113 : memref<1x128xi32, #tpu.memory_space<vmem>> -> memref<128xi32, #tpu.memory_space<vmem>>
      %dma_start3A_115 = arith.constant 0 : i32
      %dma_start3A_116 = arith.constant 0 : i32
      %dma_start3A_117 = tpu.memref_slice %arg11[%dma_start3A_115, %dma_start3A_116] : memref<10240x32xf32, #tpu.memory_space<vmem_shared>> -> memref<10240x32xf32, #tpu.memory_space<vmem_shared>>
      tpu.enqueue_indirect_dma source(%dma_start3A_111 : memref<128x32xf32, #tpu.memory_space<vmem>>) target(%dma_start3A_117 : memref<10240x32xf32, #tpu.memory_space<vmem_shared>>) offsets(%dma_start3A_114 : memref<128xi32, #tpu.memory_space<vmem>>) semaphore(%arg16 : memref<!tpu.dma_semaphore, #tpu.memory_space<semaphore_mem>>) {add = true}
      %mul3A_118 = arith.constant 4 : i32
      %mul3A_119 = arith.muli %mul3A_118, %scan3A_74 : i32
      %add3A_120 = arith.constant 1 : i32
      %add3A_121 = arith.addi %mul3A_119, %add3A_120 : i32
      %ge3A_122 = arith.constant 2 : i32
      %ge3A_123 = arith.cmpi sge, %add3A_121, %ge3A_122 : i32
      %convert_element_type3A_124 = arith.extui %ge3A_123 : i1 to i32
      %cond3A_125 = arith.constant 0 : i32
      %cond3A_126 = arith.cmpi ne, %convert_element_type3A_124, %cond3A_125 : i32
      scf.if %cond3A_126 {
        %sub3A = arith.constant 2 : i32
        %sub3A_259 = arith.subi %add3A_121, %sub3A : i32
        %dma_wait3A_260 = arith.constant 1 : i32
        %dma_wait3A_261 = arith.constant 0 : i32
        %dma_wait3A_262 = arith.constant 0 : i32
        %dma_wait3A_263 = tpu.memref_slice %arg9[%dma_wait3A_260, %dma_wait3A_261, %dma_wait3A_262] : memref<2x128x32xf32, #tpu.memory_space<vmem>> -> memref<1x128x32xf32, #tpu.memory_space<vmem>>
        %dma_wait3A_264 = tpu.memref_squeeze %dma_wait3A_263 : memref<1x128x32xf32, #tpu.memory_space<vmem>> -> memref<128x32xf32, #tpu.memory_space<vmem>>
        %dma_wait3A_265 = arith.constant 0 : i32
        %dma_wait3A_266 = tpu.memref_slice %arg7[%sub3A_259, %dma_wait3A_265] : memref<160x128xi32, #tpu.memory_space<vmem>> -> memref<1x128xi32, #tpu.memory_space<vmem>>
        %dma_wait3A_267 = tpu.memref_squeeze %dma_wait3A_266 : memref<1x128xi32, #tpu.memory_space<vmem>> -> memref<128xi32, #tpu.memory_space<vmem>>
        %dma_wait3A_268 = arith.constant 0 : i32
        %dma_wait3A_269 = arith.constant 0 : i32
        %dma_wait3A_270 = tpu.memref_slice %arg11[%dma_wait3A_268, %dma_wait3A_269] : memref<10240x32xf32, #tpu.memory_space<vmem_shared>> -> memref<10240x32xf32, #tpu.memory_space<vmem_shared>>
        tpu.wait_indirect_dma semaphore(%arg17 : memref<!tpu.dma_semaphore, #tpu.memory_space<semaphore_mem>>) src(%dma_wait3A_264 : memref<128x32xf32, #tpu.memory_space<vmem>>) dst(%dma_wait3A_270 : memref<10240x32xf32, #tpu.memory_space<vmem_shared>>)
      } else {
      }
      %dma_wait3A_127 = arith.constant 1 : i32
      %dma_wait3A_128 = arith.constant 0 : i32
      %dma_wait3A_129 = arith.constant 0 : i32
      %dma_wait3A_130 = tpu.memref_slice %arg8[%dma_wait3A_127, %dma_wait3A_128, %dma_wait3A_129] : memref<4x128x16xi32, #tpu.memory_space<vmem>> -> memref<1x128x16xi32, #tpu.memory_space<vmem>>
      %dma_wait3A_131 = tpu.memref_squeeze %dma_wait3A_130 : memref<1x128x16xi32, #tpu.memory_space<vmem>> -> memref<128x16xi32, #tpu.memory_space<vmem>>
      %dma_wait3A_132 = arith.constant 0 : i32
      %dma_wait3A_133 = tpu.memref_slice %arg6[%add3A_121, %dma_wait3A_132] : memref<160x128xi32, #tpu.memory_space<vmem>> -> memref<1x128xi32, #tpu.memory_space<vmem>>
      %dma_wait3A_134 = tpu.memref_squeeze %dma_wait3A_133 : memref<1x128xi32, #tpu.memory_space<vmem>> -> memref<128xi32, #tpu.memory_space<vmem>>
      %dma_wait3A_135 = arith.constant 0 : i32
      %dma_wait3A_136 = arith.constant 0 : i32
      %dma_wait3A_137 = tpu.memref_slice %arg2[%arg0, %dma_wait3A_135, %dma_wait3A_136] : memref<2x10240x16xi32, #tpu.memory_space<hbm>> -> memref<1x10240x16xi32, #tpu.memory_space<hbm>>
      %dma_wait3A_138 = tpu.memref_squeeze %dma_wait3A_137 : memref<1x10240x16xi32, #tpu.memory_space<hbm>> -> memref<10240x16xi32, #tpu.memory_space<hbm>>
      %dma_wait3A_139 = arith.constant 0 : i32
      %dma_wait3A_140 = arith.constant 0 : i32
      %dma_wait3A_141 = tpu.memref_slice %dma_wait3A_138[%dma_wait3A_139, %dma_wait3A_140] : memref<10240x16xi32, #tpu.memory_space<hbm>> -> memref<10240x16xi32, #tpu.memory_space<hbm>>
      tpu.wait_indirect_dma semaphore(%arg13 : memref<!tpu.dma_semaphore, #tpu.memory_space<semaphore_mem>>) src(%dma_wait3A_141 : memref<10240x16xi32, #tpu.memory_space<hbm>>) dst(%dma_wait3A_131 : memref<128x16xi32, #tpu.memory_space<vmem>>)
      %add3A_142 = arith.constant 2 : i32
      %add3A_143 = arith.addi %add3A_121, %add3A_142 : i32
      %lt3A_144 = arith.constant 160 : i32
      %lt3A_145 = arith.cmpi slt, %add3A_143, %lt3A_144 : i32
      %convert_element_type3A_146 = arith.extui %lt3A_145 : i1 to i32
      %cond3A_147 = arith.constant 0 : i32
      %cond3A_148 = arith.cmpi ne, %convert_element_type3A_146, %cond3A_147 : i32
      scf.if %cond3A_148 {
        %add3A_259 = arith.constant 2 : i32
        %add3A_260 = arith.addi %add3A_121, %add3A_259 : i32
        %dma_start3A_261 = arith.constant 3 : i32
        %dma_start3A_262 = arith.constant 0 : i32
        %dma_start3A_263 = arith.constant 0 : i32
        %dma_start3A_264 = tpu.memref_slice %arg8[%dma_start3A_261, %dma_start3A_262, %dma_start3A_263] : memref<4x128x16xi32, #tpu.memory_space<vmem>> -> memref<1x128x16xi32, #tpu.memory_space<vmem>>
        %dma_start3A_265 = tpu.memref_squeeze %dma_start3A_264 : memref<1x128x16xi32, #tpu.memory_space<vmem>> -> memref<128x16xi32, #tpu.memory_space<vmem>>
        %dma_start3A_266 = arith.constant 0 : i32
        %dma_start3A_267 = tpu.memref_slice %arg6[%add3A_260, %dma_start3A_266] : memref<160x128xi32, #tpu.memory_space<vmem>> -> memref<1x128xi32, #tpu.memory_space<vmem>>
        %dma_start3A_268 = tpu.memref_squeeze %dma_start3A_267 : memref<1x128xi32, #tpu.memory_space<vmem>> -> memref<128xi32, #tpu.memory_space<vmem>>
        %dma_start3A_269 = arith.constant 0 : i32
        %dma_start3A_270 = arith.constant 0 : i32
        %dma_start3A_271 = tpu.memref_slice %arg2[%arg0, %dma_start3A_269, %dma_start3A_270] : memref<2x10240x16xi32, #tpu.memory_space<hbm>> -> memref<1x10240x16xi32, #tpu.memory_space<hbm>>
        %dma_start3A_272 = tpu.memref_squeeze %dma_start3A_271 : memref<1x10240x16xi32, #tpu.memory_space<hbm>> -> memref<10240x16xi32, #tpu.memory_space<hbm>>
        %dma_start3A_273 = arith.constant 0 : i32
        %dma_start3A_274 = arith.constant 0 : i32
        %dma_start3A_275 = tpu.memref_slice %dma_start3A_272[%dma_start3A_273, %dma_start3A_274] : memref<10240x16xi32, #tpu.memory_space<hbm>> -> memref<10240x16xi32, #tpu.memory_space<hbm>>
        tpu.enqueue_indirect_dma source(%dma_start3A_275 : memref<10240x16xi32, #tpu.memory_space<hbm>>) target(%dma_start3A_265 : memref<128x16xi32, #tpu.memory_space<vmem>>) offsets(%dma_start3A_268 : memref<128xi32, #tpu.memory_space<vmem>>) semaphore(%arg15 : memref<!tpu.dma_semaphore, #tpu.memory_space<semaphore_mem>>)
      } else {
      }
      %scan3A_149 = arith.constant 0 : i32
      %scan3A_150 = arith.constant 128 : i32
      %scan3A_151 = arith.addi %scan3A_149, %scan3A_150 : i32
      %scan3A_152 = arith.constant 1 : i32
      scf.for %scan3A_259 = %scan3A_149 to %scan3A_151 step %scan3A_152  : i32 {
        %get3A = arith.constant 1 : i32
        %get3A_260 = arith.index_cast %get3A : i32 to index
        %get3A_261 = arith.index_cast %scan3A_259 : i32 to index
        %get3A_262 = arith.constant 0 : index
        %get3A_263 = tpu.vector_load %arg8[%get3A_260, %get3A_261, %get3A_262] {strides = array<i32>} : memref<4x128x16xi32, #tpu.memory_space<vmem>>, vector<16xi32>,
        %shift_left3A = arith.constant 16 : i32
        %shift_left3A_264 = vector.broadcast %shift_left3A : i32 to vector<16xi32>
        %shift_left3A_265 = arith.shli %get3A_263, %shift_left3A_264 : vector<16xi32>
        %bitcast3A = vector.bitcast %shift_left3A_265 : vector<16xi32> to vector<16xf32>
        %and3A = arith.constant -65536 : i32
        %and3A_266 = vector.broadcast %and3A : i32 to vector<16xi32>
        %and3A_267 = arith.andi %get3A_263, %and3A_266 : vector<16xi32>
        %bitcast3A_268 = vector.bitcast %and3A_267 : vector<16xi32> to vector<16xf32>
        %swap3A = arith.constant 1 : i32
        %swap3A_269 = arith.index_cast %swap3A : i32 to index
        %swap3A_270 = arith.index_cast %scan3A_259 : i32 to index
        %swap3A_271 = arith.constant 0 : index
        %swap3A_272 = tpu.vector_load %arg9[%swap3A_269, %swap3A_270, %swap3A_271] {strides = array<i32>} : memref<2x128x32xf32, #tpu.memory_space<vmem>>, vector<16xf32>,
        tpu.vector_store %arg9[%swap3A_269, %swap3A_270, %swap3A_271], %bitcast3A {strides = array<i32>} : memref<2x128x32xf32, #tpu.memory_space<vmem>>, vector<16xf32>,
        %swap3A_273 = arith.constant 1 : i32
        %swap3A_274 = arith.index_cast %swap3A_273 : i32 to index
        %swap3A_275 = arith.index_cast %scan3A_259 : i32 to index
        %swap3A_276 = arith.constant 16 : index
        %swap3A_277 = tpu.vector_load %arg9[%swap3A_274, %swap3A_275, %swap3A_276] {strides = array<i32>} : memref<2x128x32xf32, #tpu.memory_space<vmem>>, vector<16xf32>,
        tpu.vector_store %arg9[%swap3A_274, %swap3A_275, %swap3A_276], %bitcast3A_268 {strides = array<i32>} : memref<2x128x32xf32, #tpu.memory_space<vmem>>, vector<16xf32>,
      }
      %scan3A_153 = arith.constant 128 : i32
      %dma_start3A_154 = arith.constant 1 : i32
      %dma_start3A_155 = arith.constant 0 : i32
      %dma_start3A_156 = arith.constant 0 : i32
      %dma_start3A_157 = tpu.memref_slice %arg9[%dma_start3A_154, %dma_start3A_155, %dma_start3A_156] : memref<2x128x32xf32, #tpu.memory_space<vmem>> -> memref<1x128x32xf32, #tpu.memory_space<vmem>>
      %dma_start3A_158 = tpu.memref_squeeze %dma_start3A_157 : memref<1x128x32xf32, #tpu.memory_space<vmem>> -> memref<128x32xf32, #tpu.memory_space<vmem>>
      %dma_start3A_159 = arith.constant 0 : i32
      %dma_start3A_160 = tpu.memref_slice %arg7[%add3A_121, %dma_start3A_159] : memref<160x128xi32, #tpu.memory_space<vmem>> -> memref<1x128xi32, #tpu.memory_space<vmem>>
      %dma_start3A_161 = tpu.memref_squeeze %dma_start3A_160 : memref<1x128xi32, #tpu.memory_space<vmem>> -> memref<128xi32, #tpu.memory_space<vmem>>
      %dma_start3A_162 = arith.constant 0 : i32
      %dma_start3A_163 = arith.constant 0 : i32
      %dma_start3A_164 = tpu.memref_slice %arg11[%dma_start3A_162, %dma_start3A_163] : memref<10240x32xf32, #tpu.memory_space<vmem_shared>> -> memref<10240x32xf32, #tpu.memory_space<vmem_shared>>
      tpu.enqueue_indirect_dma source(%dma_start3A_158 : memref<128x32xf32, #tpu.memory_space<vmem>>) target(%dma_start3A_164 : memref<10240x32xf32, #tpu.memory_space<vmem_shared>>) offsets(%dma_start3A_161 : memref<128xi32, #tpu.memory_space<vmem>>) semaphore(%arg17 : memref<!tpu.dma_semaphore, #tpu.memory_space<semaphore_mem>>) {add = true}
      %mul3A_165 = arith.constant 4 : i32
      %mul3A_166 = arith.muli %mul3A_165, %scan3A_74 : i32
      %add3A_167 = arith.constant 2 : i32
      %add3A_168 = arith.addi %mul3A_166, %add3A_167 : i32
      %ge3A_169 = arith.constant 2 : i32
      %ge3A_170 = arith.cmpi sge, %add3A_168, %ge3A_169 : i32
      %convert_element_type3A_171 = arith.extui %ge3A_170 : i1 to i32
      %cond3A_172 = arith.constant 0 : i32
      %cond3A_173 = arith.cmpi ne, %convert_element_type3A_171, %cond3A_172 : i32
      scf.if %cond3A_173 {
        %sub3A = arith.constant 2 : i32
        %sub3A_259 = arith.subi %add3A_168, %sub3A : i32
        %dma_wait3A_260 = arith.constant 0 : i32
        %dma_wait3A_261 = arith.constant 0 : i32
        %dma_wait3A_262 = arith.constant 0 : i32
        %dma_wait3A_263 = tpu.memref_slice %arg9[%dma_wait3A_260, %dma_wait3A_261, %dma_wait3A_262] : memref<2x128x32xf32, #tpu.memory_space<vmem>> -> memref<1x128x32xf32, #tpu.memory_space<vmem>>
        %dma_wait3A_264 = tpu.memref_squeeze %dma_wait3A_263 : memref<1x128x32xf32, #tpu.memory_space<vmem>> -> memref<128x32xf32, #tpu.memory_space<vmem>>
        %dma_wait3A_265 = arith.constant 0 : i32
        %dma_wait3A_266 = tpu.memref_slice %arg7[%sub3A_259, %dma_wait3A_265] : memref<160x128xi32, #tpu.memory_space<vmem>> -> memref<1x128xi32, #tpu.memory_space<vmem>>
        %dma_wait3A_267 = tpu.memref_squeeze %dma_wait3A_266 : memref<1x128xi32, #tpu.memory_space<vmem>> -> memref<128xi32, #tpu.memory_space<vmem>>
        %dma_wait3A_268 = arith.constant 0 : i32
        %dma_wait3A_269 = arith.constant 0 : i32
        %dma_wait3A_270 = tpu.memref_slice %arg11[%dma_wait3A_268, %dma_wait3A_269] : memref<10240x32xf32, #tpu.memory_space<vmem_shared>> -> memref<10240x32xf32, #tpu.memory_space<vmem_shared>>
        tpu.wait_indirect_dma semaphore(%arg16 : memref<!tpu.dma_semaphore, #tpu.memory_space<semaphore_mem>>) src(%dma_wait3A_264 : memref<128x32xf32, #tpu.memory_space<vmem>>) dst(%dma_wait3A_270 : memref<10240x32xf32, #tpu.memory_space<vmem_shared>>)
      } else {
      }
      %dma_wait3A_174 = arith.constant 2 : i32
      %dma_wait3A_175 = arith.constant 0 : i32
      %dma_wait3A_176 = arith.constant 0 : i32
      %dma_wait3A_177 = tpu.memref_slice %arg8[%dma_wait3A_174, %dma_wait3A_175, %dma_wait3A_176] : memref<4x128x16xi32, #tpu.memory_space<vmem>> -> memref<1x128x16xi32, #tpu.memory_space<vmem>>
      %dma_wait3A_178 = tpu.memref_squeeze %dma_wait3A_177 : memref<1x128x16xi32, #tpu.memory_space<vmem>> -> memref<128x16xi32, #tpu.memory_space<vmem>>
      %dma_wait3A_179 = arith.constant 0 : i32
      %dma_wait3A_180 = tpu.memref_slice %arg6[%add3A_168, %dma_wait3A_179] : memref<160x128xi32, #tpu.memory_space<vmem>> -> memref<1x128xi32, #tpu.memory_space<vmem>>
      %dma_wait3A_181 = tpu.memref_squeeze %dma_wait3A_180 : memref<1x128xi32, #tpu.memory_space<vmem>> -> memref<128xi32, #tpu.memory_space<vmem>>
      %dma_wait3A_182 = arith.constant 0 : i32
      %dma_wait3A_183 = arith.constant 0 : i32
      %dma_wait3A_184 = tpu.memref_slice %arg2[%arg0, %dma_wait3A_182, %dma_wait3A_183] : memref<2x10240x16xi32, #tpu.memory_space<hbm>> -> memref<1x10240x16xi32, #tpu.memory_space<hbm>>
      %dma_wait3A_185 = tpu.memref_squeeze %dma_wait3A_184 : memref<1x10240x16xi32, #tpu.memory_space<hbm>> -> memref<10240x16xi32, #tpu.memory_space<hbm>>
      %dma_wait3A_186 = arith.constant 0 : i32
      %dma_wait3A_187 = arith.constant 0 : i32
      %dma_wait3A_188 = tpu.memref_slice %dma_wait3A_185[%dma_wait3A_186, %dma_wait3A_187] : memref<10240x16xi32, #tpu.memory_space<hbm>> -> memref<10240x16xi32, #tpu.memory_space<hbm>>
      tpu.wait_indirect_dma semaphore(%arg14 : memref<!tpu.dma_semaphore, #tpu.memory_space<semaphore_mem>>) src(%dma_wait3A_188 : memref<10240x16xi32, #tpu.memory_space<hbm>>) dst(%dma_wait3A_178 : memref<128x16xi32, #tpu.memory_space<vmem>>)
      %add3A_189 = arith.constant 2 : i32
      %add3A_190 = arith.addi %add3A_168, %add3A_189 : i32
      %lt3A_191 = arith.constant 160 : i32
      %lt3A_192 = arith.cmpi slt, %add3A_190, %lt3A_191 : i32
      %convert_element_type3A_193 = arith.extui %lt3A_192 : i1 to i32
      %cond3A_194 = arith.constant 0 : i32
      %cond3A_195 = arith.cmpi ne, %convert_element_type3A_193, %cond3A_194 : i32
      scf.if %cond3A_195 {
        %add3A_259 = arith.constant 2 : i32
        %add3A_260 = arith.addi %add3A_168, %add3A_259 : i32
        %dma_start3A_261 = arith.constant 0 : i32
        %dma_start3A_262 = arith.constant 0 : i32
        %dma_start3A_263 = arith.constant 0 : i32
        %dma_start3A_264 = tpu.memref_slice %arg8[%dma_start3A_261, %dma_start3A_262, %dma_start3A_263] : memref<4x128x16xi32, #tpu.memory_space<vmem>> -> memref<1x128x16xi32, #tpu.memory_space<vmem>>
        %dma_start3A_265 = tpu.memref_squeeze %dma_start3A_264 : memref<1x128x16xi32, #tpu.memory_space<vmem>> -> memref<128x16xi32, #tpu.memory_space<vmem>>
        %dma_start3A_266 = arith.constant 0 : i32
        %dma_start3A_267 = tpu.memref_slice %arg6[%add3A_260, %dma_start3A_266] : memref<160x128xi32, #tpu.memory_space<vmem>> -> memref<1x128xi32, #tpu.memory_space<vmem>>
        %dma_start3A_268 = tpu.memref_squeeze %dma_start3A_267 : memref<1x128xi32, #tpu.memory_space<vmem>> -> memref<128xi32, #tpu.memory_space<vmem>>
        %dma_start3A_269 = arith.constant 0 : i32
        %dma_start3A_270 = arith.constant 0 : i32
        %dma_start3A_271 = tpu.memref_slice %arg2[%arg0, %dma_start3A_269, %dma_start3A_270] : memref<2x10240x16xi32, #tpu.memory_space<hbm>> -> memref<1x10240x16xi32, #tpu.memory_space<hbm>>
        %dma_start3A_272 = tpu.memref_squeeze %dma_start3A_271 : memref<1x10240x16xi32, #tpu.memory_space<hbm>> -> memref<10240x16xi32, #tpu.memory_space<hbm>>
        %dma_start3A_273 = arith.constant 0 : i32
        %dma_start3A_274 = arith.constant 0 : i32
        %dma_start3A_275 = tpu.memref_slice %dma_start3A_272[%dma_start3A_273, %dma_start3A_274] : memref<10240x16xi32, #tpu.memory_space<hbm>> -> memref<10240x16xi32, #tpu.memory_space<hbm>>
        tpu.enqueue_indirect_dma source(%dma_start3A_275 : memref<10240x16xi32, #tpu.memory_space<hbm>>) target(%dma_start3A_265 : memref<128x16xi32, #tpu.memory_space<vmem>>) offsets(%dma_start3A_268 : memref<128xi32, #tpu.memory_space<vmem>>) semaphore(%arg12 : memref<!tpu.dma_semaphore, #tpu.memory_space<semaphore_mem>>)
      } else {
      }
      %scan3A_196 = arith.constant 0 : i32
      %scan3A_197 = arith.constant 128 : i32
      %scan3A_198 = arith.addi %scan3A_196, %scan3A_197 : i32
      %scan3A_199 = arith.constant 1 : i32
      scf.for %scan3A_259 = %scan3A_196 to %scan3A_198 step %scan3A_199  : i32 {
        %get3A = arith.constant 2 : i32
        %get3A_260 = arith.index_cast %get3A : i32 to index
        %get3A_261 = arith.index_cast %scan3A_259 : i32 to index
        %get3A_262 = arith.constant 0 : index
        %get3A_263 = tpu.vector_load %arg8[%get3A_260, %get3A_261, %get3A_262] {strides = array<i32>} : memref<4x128x16xi32, #tpu.memory_space<vmem>>, vector<16xi32>,
        %shift_left3A = arith.constant 16 : i32
        %shift_left3A_264 = vector.broadcast %shift_left3A : i32 to vector<16xi32>
        %shift_left3A_265 = arith.shli %get3A_263, %shift_left3A_264 : vector<16xi32>
        %bitcast3A = vector.bitcast %shift_left3A_265 : vector<16xi32> to vector<16xf32>
        %and3A = arith.constant -65536 : i32
        %and3A_266 = vector.broadcast %and3A : i32 to vector<16xi32>
        %and3A_267 = arith.andi %get3A_263, %and3A_266 : vector<16xi32>
        %bitcast3A_268 = vector.bitcast %and3A_267 : vector<16xi32> to vector<16xf32>
        %swap3A = arith.constant 0 : i32
        %swap3A_269 = arith.index_cast %swap3A : i32 to index
        %swap3A_270 = arith.index_cast %scan3A_259 : i32 to index
        %swap3A_271 = arith.constant 0 : index
        %swap3A_272 = tpu.vector_load %arg9[%swap3A_269, %swap3A_270, %swap3A_271] {strides = array<i32>} : memref<2x128x32xf32, #tpu.memory_space<vmem>>, vector<16xf32>,
        tpu.vector_store %arg9[%swap3A_269, %swap3A_270, %swap3A_271], %bitcast3A {strides = array<i32>} : memref<2x128x32xf32, #tpu.memory_space<vmem>>, vector<16xf32>,
        %swap3A_273 = arith.constant 0 : i32
        %swap3A_274 = arith.index_cast %swap3A_273 : i32 to index
        %swap3A_275 = arith.index_cast %scan3A_259 : i32 to index
        %swap3A_276 = arith.constant 16 : index
        %swap3A_277 = tpu.vector_load %arg9[%swap3A_274, %swap3A_275, %swap3A_276] {strides = array<i32>} : memref<2x128x32xf32, #tpu.memory_space<vmem>>, vector<16xf32>,
        tpu.vector_store %arg9[%swap3A_274, %swap3A_275, %swap3A_276], %bitcast3A_268 {strides = array<i32>} : memref<2x128x32xf32, #tpu.memory_space<vmem>>, vector<16xf32>,
      }
      %scan3A_200 = arith.constant 128 : i32
      %dma_start3A_201 = arith.constant 0 : i32
      %dma_start3A_202 = arith.constant 0 : i32
      %dma_start3A_203 = arith.constant 0 : i32
      %dma_start3A_204 = tpu.memref_slice %arg9[%dma_start3A_201, %dma_start3A_202, %dma_start3A_203] : memref<2x128x32xf32, #tpu.memory_space<vmem>> -> memref<1x128x32xf32, #tpu.memory_space<vmem>>
      %dma_start3A_205 = tpu.memref_squeeze %dma_start3A_204 : memref<1x128x32xf32, #tpu.memory_space<vmem>> -> memref<128x32xf32, #tpu.memory_space<vmem>>
      %dma_start3A_206 = arith.constant 0 : i32
      %dma_start3A_207 = tpu.memref_slice %arg7[%add3A_168, %dma_start3A_206] : memref<160x128xi32, #tpu.memory_space<vmem>> -> memref<1x128xi32, #tpu.memory_space<vmem>>
      %dma_start3A_208 = tpu.memref_squeeze %dma_start3A_207 : memref<1x128xi32, #tpu.memory_space<vmem>> -> memref<128xi32, #tpu.memory_space<vmem>>
      %dma_start3A_209 = arith.constant 0 : i32
      %dma_start3A_210 = arith.constant 0 : i32
      %dma_start3A_211 = tpu.memref_slice %arg11[%dma_start3A_209, %dma_start3A_210] : memref<10240x32xf32, #tpu.memory_space<vmem_shared>> -> memref<10240x32xf32, #tpu.memory_space<vmem_shared>>
      tpu.enqueue_indirect_dma source(%dma_start3A_205 : memref<128x32xf32, #tpu.memory_space<vmem>>) target(%dma_start3A_211 : memref<10240x32xf32, #tpu.memory_space<vmem_shared>>) offsets(%dma_start3A_208 : memref<128xi32, #tpu.memory_space<vmem>>) semaphore(%arg16 : memref<!tpu.dma_semaphore, #tpu.memory_space<semaphore_mem>>) {add = true}
      %mul3A_212 = arith.constant 4 : i32
      %mul3A_213 = arith.muli %mul3A_212, %scan3A_74 : i32
      %add3A_214 = arith.constant 3 : i32
      %add3A_215 = arith.addi %mul3A_213, %add3A_214 : i32
      %ge3A_216 = arith.constant 2 : i32
      %ge3A_217 = arith.cmpi sge, %add3A_215, %ge3A_216 : i32
      %convert_element_type3A_218 = arith.extui %ge3A_217 : i1 to i32
      %cond3A_219 = arith.constant 0 : i32
      %cond3A_220 = arith.cmpi ne, %convert_element_type3A_218, %cond3A_219 : i32
      scf.if %cond3A_220 {
        %sub3A = arith.constant 2 : i32
        %sub3A_259 = arith.subi %add3A_215, %sub3A : i32
        %dma_wait3A_260 = arith.constant 1 : i32
        %dma_wait3A_261 = arith.constant 0 : i32
        %dma_wait3A_262 = arith.constant 0 : i32
        %dma_wait3A_263 = tpu.memref_slice %arg9[%dma_wait3A_260, %dma_wait3A_261, %dma_wait3A_262] : memref<2x128x32xf32, #tpu.memory_space<vmem>> -> memref<1x128x32xf32, #tpu.memory_space<vmem>>
        %dma_wait3A_264 = tpu.memref_squeeze %dma_wait3A_263 : memref<1x128x32xf32, #tpu.memory_space<vmem>> -> memref<128x32xf32, #tpu.memory_space<vmem>>
        %dma_wait3A_265 = arith.constant 0 : i32
        %dma_wait3A_266 = tpu.memref_slice %arg7[%sub3A_259, %dma_wait3A_265] : memref<160x128xi32, #tpu.memory_space<vmem>> -> memref<1x128xi32, #tpu.memory_space<vmem>>
        %dma_wait3A_267 = tpu.memref_squeeze %dma_wait3A_266 : memref<1x128xi32, #tpu.memory_space<vmem>> -> memref<128xi32, #tpu.memory_space<vmem>>
        %dma_wait3A_268 = arith.constant 0 : i32
        %dma_wait3A_269 = arith.constant 0 : i32
        %dma_wait3A_270 = tpu.memref_slice %arg11[%dma_wait3A_268, %dma_wait3A_269] : memref<10240x32xf32, #tpu.memory_space<vmem_shared>> -> memref<10240x32xf32, #tpu.memory_space<vmem_shared>>
        tpu.wait_indirect_dma semaphore(%arg17 : memref<!tpu.dma_semaphore, #tpu.memory_space<semaphore_mem>>) src(%dma_wait3A_264 : memref<128x32xf32, #tpu.memory_space<vmem>>) dst(%dma_wait3A_270 : memref<10240x32xf32, #tpu.memory_space<vmem_shared>>)
      } else {
      }
      %dma_wait3A_221 = arith.constant 3 : i32
      %dma_wait3A_222 = arith.constant 0 : i32
      %dma_wait3A_223 = arith.constant 0 : i32
      %dma_wait3A_224 = tpu.memref_slice %arg8[%dma_wait3A_221, %dma_wait3A_222, %dma_wait3A_223] : memref<4x128x16xi32, #tpu.memory_space<vmem>> -> memref<1x128x16xi32, #tpu.memory_space<vmem>>
      %dma_wait3A_225 = tpu.memref_squeeze %dma_wait3A_224 : memref<1x128x16xi32, #tpu.memory_space<vmem>> -> memref<128x16xi32, #tpu.memory_space<vmem>>
      %dma_wait3A_226 = arith.constant 0 : i32
      %dma_wait3A_227 = tpu.memref_slice %arg6[%add3A_215, %dma_wait3A_226] : memref<160x128xi32, #tpu.memory_space<vmem>> -> memref<1x128xi32, #tpu.memory_space<vmem>>
      %dma_wait3A_228 = tpu.memref_squeeze %dma_wait3A_227 : memref<1x128xi32, #tpu.memory_space<vmem>> -> memref<128xi32, #tpu.memory_space<vmem>>
      %dma_wait3A_229 = arith.constant 0 : i32
      %dma_wait3A_230 = arith.constant 0 : i32
      %dma_wait3A_231 = tpu.memref_slice %arg2[%arg0, %dma_wait3A_229, %dma_wait3A_230] : memref<2x10240x16xi32, #tpu.memory_space<hbm>> -> memref<1x10240x16xi32, #tpu.memory_space<hbm>>
      %dma_wait3A_232 = tpu.memref_squeeze %dma_wait3A_231 : memref<1x10240x16xi32, #tpu.memory_space<hbm>> -> memref<10240x16xi32, #tpu.memory_space<hbm>>
      %dma_wait3A_233 = arith.constant 0 : i32
      %dma_wait3A_234 = arith.constant 0 : i32
      %dma_wait3A_235 = tpu.memref_slice %dma_wait3A_232[%dma_wait3A_233, %dma_wait3A_234] : memref<10240x16xi32, #tpu.memory_space<hbm>> -> memref<10240x16xi32, #tpu.memory_space<hbm>>
      tpu.wait_indirect_dma semaphore(%arg15 : memref<!tpu.dma_semaphore, #tpu.memory_space<semaphore_mem>>) src(%dma_wait3A_235 : memref<10240x16xi32, #tpu.memory_space<hbm>>) dst(%dma_wait3A_225 : memref<128x16xi32, #tpu.memory_space<vmem>>)
      %add3A_236 = arith.constant 2 : i32
      %add3A_237 = arith.addi %add3A_215, %add3A_236 : i32
      %lt3A_238 = arith.constant 160 : i32
      %lt3A_239 = arith.cmpi slt, %add3A_237, %lt3A_238 : i32
      %convert_element_type3A_240 = arith.extui %lt3A_239 : i1 to i32
      %cond3A_241 = arith.constant 0 : i32
      %cond3A_242 = arith.cmpi ne, %convert_element_type3A_240, %cond3A_241 : i32
      scf.if %cond3A_242 {
        %add3A_259 = arith.constant 2 : i32
        %add3A_260 = arith.addi %add3A_215, %add3A_259 : i32
        %dma_start3A_261 = arith.constant 1 : i32
        %dma_start3A_262 = arith.constant 0 : i32
        %dma_start3A_263 = arith.constant 0 : i32
        %dma_start3A_264 = tpu.memref_slice %arg8[%dma_start3A_261, %dma_start3A_262, %dma_start3A_263] : memref<4x128x16xi32, #tpu.memory_space<vmem>> -> memref<1x128x16xi32, #tpu.memory_space<vmem>>
        %dma_start3A_265 = tpu.memref_squeeze %dma_start3A_264 : memref<1x128x16xi32, #tpu.memory_space<vmem>> -> memref<128x16xi32, #tpu.memory_space<vmem>>
        %dma_start3A_266 = arith.constant 0 : i32
        %dma_start3A_267 = tpu.memref_slice %arg6[%add3A_260, %dma_start3A_266] : memref<160x128xi32, #tpu.memory_space<vmem>> -> memref<1x128xi32, #tpu.memory_space<vmem>>
        %dma_start3A_268 = tpu.memref_squeeze %dma_start3A_267 : memref<1x128xi32, #tpu.memory_space<vmem>> -> memref<128xi32, #tpu.memory_space<vmem>>
        %dma_start3A_269 = arith.constant 0 : i32
        %dma_start3A_270 = arith.constant 0 : i32
        %dma_start3A_271 = tpu.memref_slice %arg2[%arg0, %dma_start3A_269, %dma_start3A_270] : memref<2x10240x16xi32, #tpu.memory_space<hbm>> -> memref<1x10240x16xi32, #tpu.memory_space<hbm>>
        %dma_start3A_272 = tpu.memref_squeeze %dma_start3A_271 : memref<1x10240x16xi32, #tpu.memory_space<hbm>> -> memref<10240x16xi32, #tpu.memory_space<hbm>>
        %dma_start3A_273 = arith.constant 0 : i32
        %dma_start3A_274 = arith.constant 0 : i32
        %dma_start3A_275 = tpu.memref_slice %dma_start3A_272[%dma_start3A_273, %dma_start3A_274] : memref<10240x16xi32, #tpu.memory_space<hbm>> -> memref<10240x16xi32, #tpu.memory_space<hbm>>
        tpu.enqueue_indirect_dma source(%dma_start3A_275 : memref<10240x16xi32, #tpu.memory_space<hbm>>) target(%dma_start3A_265 : memref<128x16xi32, #tpu.memory_space<vmem>>) offsets(%dma_start3A_268 : memref<128xi32, #tpu.memory_space<vmem>>) semaphore(%arg13 : memref<!tpu.dma_semaphore, #tpu.memory_space<semaphore_mem>>)
      } else {
      }
      %scan3A_243 = arith.constant 0 : i32
      %scan3A_244 = arith.constant 128 : i32
      %scan3A_245 = arith.addi %scan3A_243, %scan3A_244 : i32
      %scan3A_246 = arith.constant 1 : i32
      scf.for %scan3A_259 = %scan3A_243 to %scan3A_245 step %scan3A_246  : i32 {
        %get3A = arith.constant 3 : i32
        %get3A_260 = arith.index_cast %get3A : i32 to index
        %get3A_261 = arith.index_cast %scan3A_259 : i32 to index
        %get3A_262 = arith.constant 0 : index
        %get3A_263 = tpu.vector_load %arg8[%get3A_260, %get3A_261, %get3A_262] {strides = array<i32>} : memref<4x128x16xi32, #tpu.memory_space<vmem>>, vector<16xi32>,
        %shift_left3A = arith.constant 16 : i32
        %shift_left3A_264 = vector.broadcast %shift_left3A : i32 to vector<16xi32>
        %shift_left3A_265 = arith.shli %get3A_263, %shift_left3A_264 : vector<16xi32>
        %bitcast3A = vector.bitcast %shift_left3A_265 : vector<16xi32> to vector<16xf32>
        %and3A = arith.constant -65536 : i32
        %and3A_266 = vector.broadcast %and3A : i32 to vector<16xi32>
        %and3A_267 = arith.andi %get3A_263, %and3A_266 : vector<16xi32>
        %bitcast3A_268 = vector.bitcast %and3A_267 : vector<16xi32> to vector<16xf32>
        %swap3A = arith.constant 1 : i32
        %swap3A_269 = arith.index_cast %swap3A : i32 to index
        %swap3A_270 = arith.index_cast %scan3A_259 : i32 to index
        %swap3A_271 = arith.constant 0 : index
        %swap3A_272 = tpu.vector_load %arg9[%swap3A_269, %swap3A_270, %swap3A_271] {strides = array<i32>} : memref<2x128x32xf32, #tpu.memory_space<vmem>>, vector<16xf32>,
        tpu.vector_store %arg9[%swap3A_269, %swap3A_270, %swap3A_271], %bitcast3A {strides = array<i32>} : memref<2x128x32xf32, #tpu.memory_space<vmem>>, vector<16xf32>,
        %swap3A_273 = arith.constant 1 : i32
        %swap3A_274 = arith.index_cast %swap3A_273 : i32 to index
        %swap3A_275 = arith.index_cast %scan3A_259 : i32 to index
        %swap3A_276 = arith.constant 16 : index
        %swap3A_277 = tpu.vector_load %arg9[%swap3A_274, %swap3A_275, %swap3A_276] {strides = array<i32>} : memref<2x128x32xf32, #tpu.memory_space<vmem>>, vector<16xf32>,
        tpu.vector_store %arg9[%swap3A_274, %swap3A_275, %swap3A_276], %bitcast3A_268 {strides = array<i32>} : memref<2x128x32xf32, #tpu.memory_space<vmem>>, vector<16xf32>,
      }
      %scan3A_247 = arith.constant 128 : i32
      %dma_start3A_248 = arith.constant 1 : i32
      %dma_start3A_249 = arith.constant 0 : i32
      %dma_start3A_250 = arith.constant 0 : i32
      %dma_start3A_251 = tpu.memref_slice %arg9[%dma_start3A_248, %dma_start3A_249, %dma_start3A_250] : memref<2x128x32xf32, #tpu.memory_space<vmem>> -> memref<1x128x32xf32, #tpu.memory_space<vmem>>
      %dma_start3A_252 = tpu.memref_squeeze %dma_start3A_251 : memref<1x128x32xf32, #tpu.memory_space<vmem>> -> memref<128x32xf32, #tpu.memory_space<vmem>>
      %dma_start3A_253 = arith.constant 0 : i32
      %dma_start3A_254 = tpu.memref_slice %arg7[%add3A_215, %dma_start3A_253] : memref<160x128xi32, #tpu.memory_space<vmem>> -> memref<1x128xi32, #tpu.memory_space<vmem>>
      %dma_start3A_255 = tpu.memref_squeeze %dma_start3A_254 : memref<1x128xi32, #tpu.memory_space<vmem>> -> memref<128xi32, #tpu.memory_space<vmem>>
      %dma_start3A_256 = arith.constant 0 : i32
      %dma_start3A_257 = arith.constant 0 : i32
      %dma_start3A_258 = tpu.memref_slice %arg11[%dma_start3A_256, %dma_start3A_257] : memref<10240x32xf32, #tpu.memory_space<vmem_shared>> -> memref<10240x32xf32, #tpu.memory_space<vmem_shared>>
      tpu.enqueue_indirect_dma source(%dma_start3A_252 : memref<128x32xf32, #tpu.memory_space<vmem>>) target(%dma_start3A_258 : memref<10240x32xf32, #tpu.memory_space<vmem_shared>>) offsets(%dma_start3A_255 : memref<128xi32, #tpu.memory_space<vmem>>) semaphore(%arg17 : memref<!tpu.dma_semaphore, #tpu.memory_space<semaphore_mem>>) {add = true}
    }
    %scan3A_49 = arith.constant 40 : i32
    %dma_wait3A = arith.constant 0 : i32
    %dma_wait3A_50 = arith.constant 158 : i32
    %dma_wait3A_51 = arith.constant 0 : i32
    %dma_wait3A_52 = arith.constant 0 : i32
    %dma_wait3A_53 = tpu.memref_slice %arg9[%dma_wait3A, %dma_wait3A_51, %dma_wait3A_52] : memref<2x128x32xf32, #tpu.memory_space<vmem>> -> memref<1x128x32xf32, #tpu.memory_space<vmem>>
    %dma_wait3A_54 = tpu.memref_squeeze %dma_wait3A_53 : memref<1x128x32xf32, #tpu.memory_space<vmem>> -> memref<128x32xf32, #tpu.memory_space<vmem>>
    %dma_wait3A_55 = arith.constant 0 : i32
    %dma_wait3A_56 = tpu.memref_slice %arg7[%dma_wait3A_50, %dma_wait3A_55] : memref<160x128xi32, #tpu.memory_space<vmem>> -> memref<1x128xi32, #tpu.memory_space<vmem>>
    %dma_wait3A_57 = tpu.memref_squeeze %dma_wait3A_56 : memref<1x128xi32, #tpu.memory_space<vmem>> -> memref<128xi32, #tpu.memory_space<vmem>>
    %dma_wait3A_58 = arith.constant 0 : i32
    %dma_wait3A_59 = arith.constant 0 : i32
    %dma_wait3A_60 = tpu.memref_slice %arg11[%dma_wait3A_58, %dma_wait3A_59] : memref<10240x32xf32, #tpu.memory_space<vmem_shared>> -> memref<10240x32xf32, #tpu.memory_space<vmem_shared>>
    tpu.wait_indirect_dma semaphore(%arg16 : memref<!tpu.dma_semaphore, #tpu.memory_space<semaphore_mem>>) src(%dma_wait3A_54 : memref<128x32xf32, #tpu.memory_space<vmem>>) dst(%dma_wait3A_60 : memref<10240x32xf32, #tpu.memory_space<vmem_shared>>)
    %dma_wait3A_61 = arith.constant 1 : i32
    %dma_wait3A_62 = arith.constant 159 : i32
    %dma_wait3A_63 = arith.constant 0 : i32
    %dma_wait3A_64 = arith.constant 0 : i32
    %dma_wait3A_65 = tpu.memref_slice %arg9[%dma_wait3A_61, %dma_wait3A_63, %dma_wait3A_64] : memref<2x128x32xf32, #tpu.memory_space<vmem>> -> memref<1x128x32xf32, #tpu.memory_space<vmem>>
    %dma_wait3A_66 = tpu.memref_squeeze %dma_wait3A_65 : memref<1x128x32xf32, #tpu.memory_space<vmem>> -> memref<128x32xf32, #tpu.memory_space<vmem>>
    %dma_wait3A_67 = arith.constant 0 : i32
    %dma_wait3A_68 = tpu.memref_slice %arg7[%dma_wait3A_62, %dma_wait3A_67] : memref<160x128xi32, #tpu.memory_space<vmem>> -> memref<1x128xi32, #tpu.memory_space<vmem>>
    %dma_wait3A_69 = tpu.memref_squeeze %dma_wait3A_68 : memref<1x128xi32, #tpu.memory_space<vmem>> -> memref<128xi32, #tpu.memory_space<vmem>>
    %dma_wait3A_70 = arith.constant 0 : i32
    %dma_wait3A_71 = arith.constant 0 : i32
    %dma_wait3A_72 = tpu.memref_slice %arg11[%dma_wait3A_70, %dma_wait3A_71] : memref<10240x32xf32, #tpu.memory_space<vmem_shared>> -> memref<10240x32xf32, #tpu.memory_space<vmem_shared>>
    tpu.wait_indirect_dma semaphore(%arg17 : memref<!tpu.dma_semaphore, #tpu.memory_space<semaphore_mem>>) src(%dma_wait3A_66 : memref<128x32xf32, #tpu.memory_space<vmem>>) dst(%dma_wait3A_72 : memref<10240x32xf32, #tpu.memory_space<vmem_shared>>)
    %barrier3A_73 = arith.constant 0 : index
    tpu.barrier barrier_id(%barrier3A_73)
    "tpu.region"() ({
      %run_scoped3A = tpu.sem_alloc : memref<!tpu.dma_semaphore, #tpu.memory_space<semaphore_mem>>
      %dma_start3A_74 = arith.constant 0 : i32
      %dma_start3A_75 = arith.constant 0 : i32
      %dma_start3A_76 = tpu.memref_slice %arg5[%arg0, %dma_start3A_74, %dma_start3A_75] : memref<2x10240x32xf32, #tpu.memory_space<hbm>> -> memref<1x10240x32xf32, #tpu.memory_space<hbm>>
      %dma_start3A_77 = tpu.memref_squeeze %dma_start3A_76 : memref<1x10240x32xf32, #tpu.memory_space<hbm>> -> memref<10240x32xf32, #tpu.memory_space<hbm>>
      %dma_start3A_78 = arith.constant 0 : i32
      %dma_start3A_79 = tpu.memref_slice %dma_start3A_77[%mul3A_4, %dma_start3A_78] : memref<10240x32xf32, #tpu.memory_space<hbm>> -> memref<640x32xf32, #tpu.memory_space<hbm>>
      %dma_start3A_80 = arith.constant 0 : i32
      %dma_start3A_81 = tpu.memref_slice %arg11[%mul3A_4, %dma_start3A_80] : memref<10240x32xf32, #tpu.memory_space<vmem_shared>> -> memref<640x32xf32, #tpu.memory_space<vmem_shared>>
      tpu.enqueue_dma source(%dma_start3A_81 : memref<640x32xf32, #tpu.memory_space<vmem_shared>>) target(%dma_start3A_79 : memref<640x32xf32, #tpu.memory_space<hbm>>) target_semaphore(%run_scoped3A : memref<!tpu.dma_semaphore, #tpu.memory_space<semaphore_mem>>)
      %dma_wait3A_82 = arith.constant 0 : i32
      %dma_wait3A_83 = arith.constant 0 : i32
      %dma_wait3A_84 = tpu.memref_slice %arg5[%arg0, %dma_wait3A_82, %dma_wait3A_83] : memref<2x10240x32xf32, #tpu.memory_space<hbm>> -> memref<1x10240x32xf32, #tpu.memory_space<hbm>>
      %dma_wait3A_85 = tpu.memref_squeeze %dma_wait3A_84 : memref<1x10240x32xf32, #tpu.memory_space<hbm>> -> memref<10240x32xf32, #tpu.memory_space<hbm>>
      %dma_wait3A_86 = arith.constant 0 : i32
      %dma_wait3A_87 = tpu.memref_slice %dma_wait3A_85[%mul3A_4, %dma_wait3A_86] : memref<10240x32xf32, #tpu.memory_space<hbm>> -> memref<640x32xf32, #tpu.memory_space<hbm>>
      %dma_wait3A_88 = arith.constant 0 : i32
      %dma_wait3A_89 = tpu.memref_slice %arg11[%mul3A_4, %dma_wait3A_88] : memref<10240x32xf32, #tpu.memory_space<vmem_shared>> -> memref<640x32xf32, #tpu.memory_space<vmem_shared>>
      tpu.wait_dma2 semaphore(%run_scoped3A : memref<!tpu.dma_semaphore, #tpu.memory_space<semaphore_mem>>) src(%dma_wait3A_89 : memref<640x32xf32, #tpu.memory_space<vmem_shared>>) dst(%dma_wait3A_87 : memref<640x32xf32, #tpu.memory_space<hbm>>)
      tpu.yield
    }) : () -> ()
    return
  }
}

#map = affine_map<(d0, d1) -> (0, 0, 0)>
module attributes {stable_mosaic.version = 14 : i64} {
  func.func @agg(%arg0: i32, %arg1: i32, %arg2: memref<2x10240x32xi32, #tpu.memory_space<hbm>>, %arg3: memref<16x160x128xi32, #tpu.memory_space<hbm>>, %arg4: memref<16x160x128xi32, #tpu.memory_space<hbm>>, %arg5: memref<2x10240x64xf32, #tpu.memory_space<hbm>>, %arg6: memref<160x128xi32, #tpu.memory_space<vmem>>, %arg7: memref<160x128xi32, #tpu.memory_space<vmem>>, %arg8: memref<4x128x32xi32, #tpu.memory_space<vmem>>, %arg9: memref<2x128x64xf32, #tpu.memory_space<vmem>>, %arg10: memref<128x64xf32, #tpu.memory_space<vmem>>, %arg11: memref<10240x64xf32, #tpu.memory_space<vmem_shared>>, %arg12: memref<!tpu.dma_semaphore, #tpu.memory_space<semaphore_mem>>, %arg13: memref<!tpu.dma_semaphore, #tpu.memory_space<semaphore_mem>>, %arg14: memref<!tpu.dma_semaphore, #tpu.memory_space<semaphore_mem>>, %arg15: memref<!tpu.dma_semaphore, #tpu.memory_space<semaphore_mem>>, %arg16: memref<!tpu.dma_semaphore, #tpu.memory_space<semaphore_mem>>, %arg17: memref<!tpu.dma_semaphore, #tpu.memory_space<semaphore_mem>>) attributes {dimension_semantics = [#tpu.dimension_semantics<core_parallel>, #tpu.dimension_semantics<subcore_parallel>], iteration_bounds = array<i64: 2, 16>, scalar_prefetch = 0 : i64, scratch_operands = 12 : i64, tpu.core_type = #tpu.core_type<sc_vector_subcore>, window_params = [{transform_indices = #map}, {transform_indices = #map}, {transform_indices = #map}, {transform_indices = #map}]} {
    %scan3A = arith.constant 0 : i32
    %scan3A_0 = arith.constant 128 : i32
    %scan3A_1 = arith.addi %scan3A, %scan3A_0 : i32
    %scan3A_2 = arith.constant 1 : i32
    scf.for %scan3A_74 = %scan3A to %scan3A_1 step %scan3A_2  : i32 {
      %broadcast_in_dim3A = arith.constant 0.000000e+00 : f32
      %broadcast_in_dim3A_75 = vector.broadcast %broadcast_in_dim3A : f32 to vector<16xf32>
      %swap3A = arith.index_cast %scan3A_74 : i32 to index
      %swap3A_76 = arith.constant 0 : index
      %swap3A_77 = tpu.vector_load %arg10[%swap3A, %swap3A_76] {strides = array<i32>} : memref<128x64xf32, #tpu.memory_space<vmem>>, vector<16xf32>,
      tpu.vector_store %arg10[%swap3A, %swap3A_76], %broadcast_in_dim3A_75 {strides = array<i32>} : memref<128x64xf32, #tpu.memory_space<vmem>>, vector<16xf32>,
      %broadcast_in_dim3A_78 = arith.constant 0.000000e+00 : f32
      %broadcast_in_dim3A_79 = vector.broadcast %broadcast_in_dim3A_78 : f32 to vector<16xf32>
      %swap3A_80 = arith.index_cast %scan3A_74 : i32 to index
      %swap3A_81 = arith.constant 16 : index
      %swap3A_82 = tpu.vector_load %arg10[%swap3A_80, %swap3A_81] {strides = array<i32>} : memref<128x64xf32, #tpu.memory_space<vmem>>, vector<16xf32>,
      tpu.vector_store %arg10[%swap3A_80, %swap3A_81], %broadcast_in_dim3A_79 {strides = array<i32>} : memref<128x64xf32, #tpu.memory_space<vmem>>, vector<16xf32>,
      %broadcast_in_dim3A_83 = arith.constant 0.000000e+00 : f32
      %broadcast_in_dim3A_84 = vector.broadcast %broadcast_in_dim3A_83 : f32 to vector<16xf32>
      %swap3A_85 = arith.index_cast %scan3A_74 : i32 to index
      %swap3A_86 = arith.constant 32 : index
      %swap3A_87 = tpu.vector_load %arg10[%swap3A_85, %swap3A_86] {strides = array<i32>} : memref<128x64xf32, #tpu.memory_space<vmem>>, vector<16xf32>,
      tpu.vector_store %arg10[%swap3A_85, %swap3A_86], %broadcast_in_dim3A_84 {strides = array<i32>} : memref<128x64xf32, #tpu.memory_space<vmem>>, vector<16xf32>,
      %broadcast_in_dim3A_88 = arith.constant 0.000000e+00 : f32
      %broadcast_in_dim3A_89 = vector.broadcast %broadcast_in_dim3A_88 : f32 to vector<16xf32>
      %swap3A_90 = arith.index_cast %scan3A_74 : i32 to index
      %swap3A_91 = arith.constant 48 : index
      %swap3A_92 = tpu.vector_load %arg10[%swap3A_90, %swap3A_91] {strides = array<i32>} : memref<128x64xf32, #tpu.memory_space<vmem>>, vector<16xf32>,
      tpu.vector_store %arg10[%swap3A_90, %swap3A_91], %broadcast_in_dim3A_89 {strides = array<i32>} : memref<128x64xf32, #tpu.memory_space<vmem>>, vector<16xf32>,
    }
    %scan3A_3 = arith.constant 128 : i32
    %mul3A = arith.constant 640 : i32
    %mul3A_4 = arith.muli %arg1, %mul3A : i32
    %add3A = arith.constant 0 : i32
    %add3A_5 = arith.addi %mul3A_4, %add3A : i32
    "tpu.region"() ({
      %run_scoped3A = tpu.sem_alloc : memref<!tpu.dma_semaphore, #tpu.memory_space<semaphore_mem>>
      %dma_start3A_74 = arith.constant 0 : i32
      %dma_start3A_75 = tpu.memref_slice %arg11[%add3A_5, %dma_start3A_74] : memref<10240x64xf32, #tpu.memory_space<vmem_shared>> -> memref<128x64xf32, #tpu.memory_space<vmem_shared>>
      %dma_start3A_76 = arith.constant 0 : i32
      %dma_start3A_77 = tpu.memref_slice %arg11[%add3A_5, %dma_start3A_76] : memref<10240x64xf32, #tpu.memory_space<vmem_shared>> -> memref<128x64xf32, #tpu.memory_space<vmem_shared>>
      tpu.enqueue_dma source(%arg10 : memref<128x64xf32, #tpu.memory_space<vmem>>) target(%dma_start3A_77 : memref<128x64xf32, #tpu.memory_space<vmem_shared>>) target_semaphore(%run_scoped3A : memref<!tpu.dma_semaphore, #tpu.memory_space<semaphore_mem>>)
      %dma_wait3A_78 = arith.constant 0 : i32
      %dma_wait3A_79 = tpu.memref_slice %arg11[%add3A_5, %dma_wait3A_78] : memref<10240x64xf32, #tpu.memory_space<vmem_shared>> -> memref<128x64xf32, #tpu.memory_space<vmem_shared>>
      %dma_wait3A_80 = arith.constant 0 : i32
      %dma_wait3A_81 = tpu.memref_slice %arg11[%add3A_5, %dma_wait3A_80] : memref<10240x64xf32, #tpu.memory_space<vmem_shared>> -> memref<128x64xf32, #tpu.memory_space<vmem_shared>>
      tpu.wait_dma2 semaphore(%run_scoped3A : memref<!tpu.dma_semaphore, #tpu.memory_space<semaphore_mem>>) src(%arg10 : memref<128x64xf32, #tpu.memory_space<vmem>>) dst(%dma_wait3A_81 : memref<128x64xf32, #tpu.memory_space<vmem_shared>>)
      tpu.yield
    }) : () -> ()
    %add3A_6 = arith.constant 128 : i32
    %add3A_7 = arith.addi %mul3A_4, %add3A_6 : i32
    "tpu.region"() ({
      %run_scoped3A = tpu.sem_alloc : memref<!tpu.dma_semaphore, #tpu.memory_space<semaphore_mem>>
      %dma_start3A_74 = arith.constant 0 : i32
      %dma_start3A_75 = tpu.memref_slice %arg11[%add3A_7, %dma_start3A_74] : memref<10240x64xf32, #tpu.memory_space<vmem_shared>> -> memref<128x64xf32, #tpu.memory_space<vmem_shared>>
      %dma_start3A_76 = arith.constant 0 : i32
      %dma_start3A_77 = tpu.memref_slice %arg11[%add3A_7, %dma_start3A_76] : memref<10240x64xf32, #tpu.memory_space<vmem_shared>> -> memref<128x64xf32, #tpu.memory_space<vmem_shared>>
      tpu.enqueue_dma source(%arg10 : memref<128x64xf32, #tpu.memory_space<vmem>>) target(%dma_start3A_77 : memref<128x64xf32, #tpu.memory_space<vmem_shared>>) target_semaphore(%run_scoped3A : memref<!tpu.dma_semaphore, #tpu.memory_space<semaphore_mem>>)
      %dma_wait3A_78 = arith.constant 0 : i32
      %dma_wait3A_79 = tpu.memref_slice %arg11[%add3A_7, %dma_wait3A_78] : memref<10240x64xf32, #tpu.memory_space<vmem_shared>> -> memref<128x64xf32, #tpu.memory_space<vmem_shared>>
      %dma_wait3A_80 = arith.constant 0 : i32
      %dma_wait3A_81 = tpu.memref_slice %arg11[%add3A_7, %dma_wait3A_80] : memref<10240x64xf32, #tpu.memory_space<vmem_shared>> -> memref<128x64xf32, #tpu.memory_space<vmem_shared>>
      tpu.wait_dma2 semaphore(%run_scoped3A : memref<!tpu.dma_semaphore, #tpu.memory_space<semaphore_mem>>) src(%arg10 : memref<128x64xf32, #tpu.memory_space<vmem>>) dst(%dma_wait3A_81 : memref<128x64xf32, #tpu.memory_space<vmem_shared>>)
      tpu.yield
    }) : () -> ()
    %add3A_8 = arith.constant 256 : i32
    %add3A_9 = arith.addi %mul3A_4, %add3A_8 : i32
    "tpu.region"() ({
      %run_scoped3A = tpu.sem_alloc : memref<!tpu.dma_semaphore, #tpu.memory_space<semaphore_mem>>
      %dma_start3A_74 = arith.constant 0 : i32
      %dma_start3A_75 = tpu.memref_slice %arg11[%add3A_9, %dma_start3A_74] : memref<10240x64xf32, #tpu.memory_space<vmem_shared>> -> memref<128x64xf32, #tpu.memory_space<vmem_shared>>
      %dma_start3A_76 = arith.constant 0 : i32
      %dma_start3A_77 = tpu.memref_slice %arg11[%add3A_9, %dma_start3A_76] : memref<10240x64xf32, #tpu.memory_space<vmem_shared>> -> memref<128x64xf32, #tpu.memory_space<vmem_shared>>
      tpu.enqueue_dma source(%arg10 : memref<128x64xf32, #tpu.memory_space<vmem>>) target(%dma_start3A_77 : memref<128x64xf32, #tpu.memory_space<vmem_shared>>) target_semaphore(%run_scoped3A : memref<!tpu.dma_semaphore, #tpu.memory_space<semaphore_mem>>)
      %dma_wait3A_78 = arith.constant 0 : i32
      %dma_wait3A_79 = tpu.memref_slice %arg11[%add3A_9, %dma_wait3A_78] : memref<10240x64xf32, #tpu.memory_space<vmem_shared>> -> memref<128x64xf32, #tpu.memory_space<vmem_shared>>
      %dma_wait3A_80 = arith.constant 0 : i32
      %dma_wait3A_81 = tpu.memref_slice %arg11[%add3A_9, %dma_wait3A_80] : memref<10240x64xf32, #tpu.memory_space<vmem_shared>> -> memref<128x64xf32, #tpu.memory_space<vmem_shared>>
      tpu.wait_dma2 semaphore(%run_scoped3A : memref<!tpu.dma_semaphore, #tpu.memory_space<semaphore_mem>>) src(%arg10 : memref<128x64xf32, #tpu.memory_space<vmem>>) dst(%dma_wait3A_81 : memref<128x64xf32, #tpu.memory_space<vmem_shared>>)
      tpu.yield
    }) : () -> ()
    %add3A_10 = arith.constant 384 : i32
    %add3A_11 = arith.addi %mul3A_4, %add3A_10 : i32
    "tpu.region"() ({
      %run_scoped3A = tpu.sem_alloc : memref<!tpu.dma_semaphore, #tpu.memory_space<semaphore_mem>>
      %dma_start3A_74 = arith.constant 0 : i32
      %dma_start3A_75 = tpu.memref_slice %arg11[%add3A_11, %dma_start3A_74] : memref<10240x64xf32, #tpu.memory_space<vmem_shared>> -> memref<128x64xf32, #tpu.memory_space<vmem_shared>>
      %dma_start3A_76 = arith.constant 0 : i32
      %dma_start3A_77 = tpu.memref_slice %arg11[%add3A_11, %dma_start3A_76] : memref<10240x64xf32, #tpu.memory_space<vmem_shared>> -> memref<128x64xf32, #tpu.memory_space<vmem_shared>>
      tpu.enqueue_dma source(%arg10 : memref<128x64xf32, #tpu.memory_space<vmem>>) target(%dma_start3A_77 : memref<128x64xf32, #tpu.memory_space<vmem_shared>>) target_semaphore(%run_scoped3A : memref<!tpu.dma_semaphore, #tpu.memory_space<semaphore_mem>>)
      %dma_wait3A_78 = arith.constant 0 : i32
      %dma_wait3A_79 = tpu.memref_slice %arg11[%add3A_11, %dma_wait3A_78] : memref<10240x64xf32, #tpu.memory_space<vmem_shared>> -> memref<128x64xf32, #tpu.memory_space<vmem_shared>>
      %dma_wait3A_80 = arith.constant 0 : i32
      %dma_wait3A_81 = tpu.memref_slice %arg11[%add3A_11, %dma_wait3A_80] : memref<10240x64xf32, #tpu.memory_space<vmem_shared>> -> memref<128x64xf32, #tpu.memory_space<vmem_shared>>
      tpu.wait_dma2 semaphore(%run_scoped3A : memref<!tpu.dma_semaphore, #tpu.memory_space<semaphore_mem>>) src(%arg10 : memref<128x64xf32, #tpu.memory_space<vmem>>) dst(%dma_wait3A_81 : memref<128x64xf32, #tpu.memory_space<vmem_shared>>)
      tpu.yield
    }) : () -> ()
    %add3A_12 = arith.constant 512 : i32
    %add3A_13 = arith.addi %mul3A_4, %add3A_12 : i32
    "tpu.region"() ({
      %run_scoped3A = tpu.sem_alloc : memref<!tpu.dma_semaphore, #tpu.memory_space<semaphore_mem>>
      %dma_start3A_74 = arith.constant 0 : i32
      %dma_start3A_75 = tpu.memref_slice %arg11[%add3A_13, %dma_start3A_74] : memref<10240x64xf32, #tpu.memory_space<vmem_shared>> -> memref<128x64xf32, #tpu.memory_space<vmem_shared>>
      %dma_start3A_76 = arith.constant 0 : i32
      %dma_start3A_77 = tpu.memref_slice %arg11[%add3A_13, %dma_start3A_76] : memref<10240x64xf32, #tpu.memory_space<vmem_shared>> -> memref<128x64xf32, #tpu.memory_space<vmem_shared>>
      tpu.enqueue_dma source(%arg10 : memref<128x64xf32, #tpu.memory_space<vmem>>) target(%dma_start3A_77 : memref<128x64xf32, #tpu.memory_space<vmem_shared>>) target_semaphore(%run_scoped3A : memref<!tpu.dma_semaphore, #tpu.memory_space<semaphore_mem>>)
      %dma_wait3A_78 = arith.constant 0 : i32
      %dma_wait3A_79 = tpu.memref_slice %arg11[%add3A_13, %dma_wait3A_78] : memref<10240x64xf32, #tpu.memory_space<vmem_shared>> -> memref<128x64xf32, #tpu.memory_space<vmem_shared>>
      %dma_wait3A_80 = arith.constant 0 : i32
      %dma_wait3A_81 = tpu.memref_slice %arg11[%add3A_13, %dma_wait3A_80] : memref<10240x64xf32, #tpu.memory_space<vmem_shared>> -> memref<128x64xf32, #tpu.memory_space<vmem_shared>>
      tpu.wait_dma2 semaphore(%run_scoped3A : memref<!tpu.dma_semaphore, #tpu.memory_space<semaphore_mem>>) src(%arg10 : memref<128x64xf32, #tpu.memory_space<vmem>>) dst(%dma_wait3A_81 : memref<128x64xf32, #tpu.memory_space<vmem_shared>>)
      tpu.yield
    }) : () -> ()
    "tpu.region"() ({
      %run_scoped3A = tpu.sem_alloc : memref<!tpu.dma_semaphore, #tpu.memory_space<semaphore_mem>>
      %dma_start3A_74 = arith.constant 0 : i32
      %dma_start3A_75 = arith.constant 0 : i32
      %dma_start3A_76 = tpu.memref_slice %arg3[%arg1, %dma_start3A_74, %dma_start3A_75] : memref<16x160x128xi32, #tpu.memory_space<hbm>> -> memref<1x160x128xi32, #tpu.memory_space<hbm>>
      %dma_start3A_77 = tpu.memref_squeeze %dma_start3A_76 : memref<1x160x128xi32, #tpu.memory_space<hbm>> -> memref<160x128xi32, #tpu.memory_space<hbm>>
      %dma_start3A_78 = arith.constant 0 : i32
      %dma_start3A_79 = arith.constant 0 : i32
      %dma_start3A_80 = tpu.memref_slice %arg3[%arg1, %dma_start3A_78, %dma_start3A_79] : memref<16x160x128xi32, #tpu.memory_space<hbm>> -> memref<1x160x128xi32, #tpu.memory_space<hbm>>
      %dma_start3A_81 = tpu.memref_squeeze %dma_start3A_80 : memref<1x160x128xi32, #tpu.memory_space<hbm>> -> memref<160x128xi32, #tpu.memory_space<hbm>>
      tpu.enqueue_dma source(%dma_start3A_81 : memref<160x128xi32, #tpu.memory_space<hbm>>) target(%arg6 : memref<160x128xi32, #tpu.memory_space<vmem>>) target_semaphore(%run_scoped3A : memref<!tpu.dma_semaphore, #tpu.memory_space<semaphore_mem>>)
      %dma_wait3A_82 = arith.constant 0 : i32
      %dma_wait3A_83 = arith.constant 0 : i32
      %dma_wait3A_84 = tpu.memref_slice %arg3[%arg1, %dma_wait3A_82, %dma_wait3A_83] : memref<16x160x128xi32, #tpu.memory_space<hbm>> -> memref<1x160x128xi32, #tpu.memory_space<hbm>>
      %dma_wait3A_85 = tpu.memref_squeeze %dma_wait3A_84 : memref<1x160x128xi32, #tpu.memory_space<hbm>> -> memref<160x128xi32, #tpu.memory_space<hbm>>
      %dma_wait3A_86 = arith.constant 0 : i32
      %dma_wait3A_87 = arith.constant 0 : i32
      %dma_wait3A_88 = tpu.memref_slice %arg3[%arg1, %dma_wait3A_86, %dma_wait3A_87] : memref<16x160x128xi32, #tpu.memory_space<hbm>> -> memref<1x160x128xi32, #tpu.memory_space<hbm>>
      %dma_wait3A_89 = tpu.memref_squeeze %dma_wait3A_88 : memref<1x160x128xi32, #tpu.memory_space<hbm>> -> memref<160x128xi32, #tpu.memory_space<hbm>>
      tpu.wait_dma2 semaphore(%run_scoped3A : memref<!tpu.dma_semaphore, #tpu.memory_space<semaphore_mem>>) src(%dma_wait3A_89 : memref<160x128xi32, #tpu.memory_space<hbm>>) dst(%arg6 : memref<160x128xi32, #tpu.memory_space<vmem>>)
      tpu.yield
    }) : () -> ()
    "tpu.region"() ({
      %run_scoped3A = tpu.sem_alloc : memref<!tpu.dma_semaphore, #tpu.memory_space<semaphore_mem>>
      %dma_start3A_74 = arith.constant 0 : i32
      %dma_start3A_75 = arith.constant 0 : i32
      %dma_start3A_76 = tpu.memref_slice %arg4[%arg1, %dma_start3A_74, %dma_start3A_75] : memref<16x160x128xi32, #tpu.memory_space<hbm>> -> memref<1x160x128xi32, #tpu.memory_space<hbm>>
      %dma_start3A_77 = tpu.memref_squeeze %dma_start3A_76 : memref<1x160x128xi32, #tpu.memory_space<hbm>> -> memref<160x128xi32, #tpu.memory_space<hbm>>
      %dma_start3A_78 = arith.constant 0 : i32
      %dma_start3A_79 = arith.constant 0 : i32
      %dma_start3A_80 = tpu.memref_slice %arg4[%arg1, %dma_start3A_78, %dma_start3A_79] : memref<16x160x128xi32, #tpu.memory_space<hbm>> -> memref<1x160x128xi32, #tpu.memory_space<hbm>>
      %dma_start3A_81 = tpu.memref_squeeze %dma_start3A_80 : memref<1x160x128xi32, #tpu.memory_space<hbm>> -> memref<160x128xi32, #tpu.memory_space<hbm>>
      tpu.enqueue_dma source(%dma_start3A_81 : memref<160x128xi32, #tpu.memory_space<hbm>>) target(%arg7 : memref<160x128xi32, #tpu.memory_space<vmem>>) target_semaphore(%run_scoped3A : memref<!tpu.dma_semaphore, #tpu.memory_space<semaphore_mem>>)
      %dma_wait3A_82 = arith.constant 0 : i32
      %dma_wait3A_83 = arith.constant 0 : i32
      %dma_wait3A_84 = tpu.memref_slice %arg4[%arg1, %dma_wait3A_82, %dma_wait3A_83] : memref<16x160x128xi32, #tpu.memory_space<hbm>> -> memref<1x160x128xi32, #tpu.memory_space<hbm>>
      %dma_wait3A_85 = tpu.memref_squeeze %dma_wait3A_84 : memref<1x160x128xi32, #tpu.memory_space<hbm>> -> memref<160x128xi32, #tpu.memory_space<hbm>>
      %dma_wait3A_86 = arith.constant 0 : i32
      %dma_wait3A_87 = arith.constant 0 : i32
      %dma_wait3A_88 = tpu.memref_slice %arg4[%arg1, %dma_wait3A_86, %dma_wait3A_87] : memref<16x160x128xi32, #tpu.memory_space<hbm>> -> memref<1x160x128xi32, #tpu.memory_space<hbm>>
      %dma_wait3A_89 = tpu.memref_squeeze %dma_wait3A_88 : memref<1x160x128xi32, #tpu.memory_space<hbm>> -> memref<160x128xi32, #tpu.memory_space<hbm>>
      tpu.wait_dma2 semaphore(%run_scoped3A : memref<!tpu.dma_semaphore, #tpu.memory_space<semaphore_mem>>) src(%dma_wait3A_89 : memref<160x128xi32, #tpu.memory_space<hbm>>) dst(%arg7 : memref<160x128xi32, #tpu.memory_space<vmem>>)
      tpu.yield
    }) : () -> ()
    %barrier3A = arith.constant 0 : index
    tpu.barrier barrier_id(%barrier3A)
    %dma_start3A = arith.constant 0 : i32
    %dma_start3A_14 = arith.constant 0 : i32
    %dma_start3A_15 = arith.constant 0 : i32
    %dma_start3A_16 = arith.constant 0 : i32
    %dma_start3A_17 = tpu.memref_slice %arg8[%dma_start3A_14, %dma_start3A_15, %dma_start3A_16] : memref<4x128x32xi32, #tpu.memory_space<vmem>> -> memref<1x128x32xi32, #tpu.memory_space<vmem>>
    %dma_start3A_18 = tpu.memref_squeeze %dma_start3A_17 : memref<1x128x32xi32, #tpu.memory_space<vmem>> -> memref<128x32xi32, #tpu.memory_space<vmem>>
    %dma_start3A_19 = arith.constant 0 : i32
    %dma_start3A_20 = tpu.memref_slice %arg6[%dma_start3A, %dma_start3A_19] : memref<160x128xi32, #tpu.memory_space<vmem>> -> memref<1x128xi32, #tpu.memory_space<vmem>>
    %dma_start3A_21 = tpu.memref_squeeze %dma_start3A_20 : memref<1x128xi32, #tpu.memory_space<vmem>> -> memref<128xi32, #tpu.memory_space<vmem>>
    %dma_start3A_22 = arith.constant 0 : i32
    %dma_start3A_23 = arith.constant 0 : i32
    %dma_start3A_24 = tpu.memref_slice %arg2[%arg0, %dma_start3A_22, %dma_start3A_23] : memref<2x10240x32xi32, #tpu.memory_space<hbm>> -> memref<1x10240x32xi32, #tpu.memory_space<hbm>>
    %dma_start3A_25 = tpu.memref_squeeze %dma_start3A_24 : memref<1x10240x32xi32, #tpu.memory_space<hbm>> -> memref<10240x32xi32, #tpu.memory_space<hbm>>
    %dma_start3A_26 = arith.constant 0 : i32
    %dma_start3A_27 = arith.constant 0 : i32
    %dma_start3A_28 = tpu.memref_slice %dma_start3A_25[%dma_start3A_26, %dma_start3A_27] : memref<10240x32xi32, #tpu.memory_space<hbm>> -> memref<10240x32xi32, #tpu.memory_space<hbm>>
    tpu.enqueue_indirect_dma source(%dma_start3A_28 : memref<10240x32xi32, #tpu.memory_space<hbm>>) target(%dma_start3A_18 : memref<128x32xi32, #tpu.memory_space<vmem>>) offsets(%dma_start3A_21 : memref<128xi32, #tpu.memory_space<vmem>>) semaphore(%arg12 : memref<!tpu.dma_semaphore, #tpu.memory_space<semaphore_mem>>)
    %dma_start3A_29 = arith.constant 1 : i32
    %dma_start3A_30 = arith.constant 1 : i32
    %dma_start3A_31 = arith.constant 0 : i32
    %dma_start3A_32 = arith.constant 0 : i32
    %dma_start3A_33 = tpu.memref_slice %arg8[%dma_start3A_30, %dma_start3A_31, %dma_start3A_32] : memref<4x128x32xi32, #tpu.memory_space<vmem>> -> memref<1x128x32xi32, #tpu.memory_space<vmem>>
    %dma_start3A_34 = tpu.memref_squeeze %dma_start3A_33 : memref<1x128x32xi32, #tpu.memory_space<vmem>> -> memref<128x32xi32, #tpu.memory_space<vmem>>
    %dma_start3A_35 = arith.constant 0 : i32
    %dma_start3A_36 = tpu.memref_slice %arg6[%dma_start3A_29, %dma_start3A_35] : memref<160x128xi32, #tpu.memory_space<vmem>> -> memref<1x128xi32, #tpu.memory_space<vmem>>
    %dma_start3A_37 = tpu.memref_squeeze %dma_start3A_36 : memref<1x128xi32, #tpu.memory_space<vmem>> -> memref<128xi32, #tpu.memory_space<vmem>>
    %dma_start3A_38 = arith.constant 0 : i32
    %dma_start3A_39 = arith.constant 0 : i32
    %dma_start3A_40 = tpu.memref_slice %arg2[%arg0, %dma_start3A_38, %dma_start3A_39] : memref<2x10240x32xi32, #tpu.memory_space<hbm>> -> memref<1x10240x32xi32, #tpu.memory_space<hbm>>
    %dma_start3A_41 = tpu.memref_squeeze %dma_start3A_40 : memref<1x10240x32xi32, #tpu.memory_space<hbm>> -> memref<10240x32xi32, #tpu.memory_space<hbm>>
    %dma_start3A_42 = arith.constant 0 : i32
    %dma_start3A_43 = arith.constant 0 : i32
    %dma_start3A_44 = tpu.memref_slice %dma_start3A_41[%dma_start3A_42, %dma_start3A_43] : memref<10240x32xi32, #tpu.memory_space<hbm>> -> memref<10240x32xi32, #tpu.memory_space<hbm>>
    tpu.enqueue_indirect_dma source(%dma_start3A_44 : memref<10240x32xi32, #tpu.memory_space<hbm>>) target(%dma_start3A_34 : memref<128x32xi32, #tpu.memory_space<vmem>>) offsets(%dma_start3A_37 : memref<128xi32, #tpu.memory_space<vmem>>) semaphore(%arg13 : memref<!tpu.dma_semaphore, #tpu.memory_space<semaphore_mem>>)
    %scan3A_45 = arith.constant 0 : i32
    %scan3A_46 = arith.constant 40 : i32
    %scan3A_47 = arith.addi %scan3A_45, %scan3A_46 : i32
    %scan3A_48 = arith.constant 1 : i32
    scf.for %scan3A_74 = %scan3A_45 to %scan3A_47 step %scan3A_48  : i32 {
      %mul3A_75 = arith.constant 4 : i32
      %mul3A_76 = arith.muli %mul3A_75, %scan3A_74 : i32
      %add3A_77 = arith.constant 0 : i32
      %add3A_78 = arith.addi %mul3A_76, %add3A_77 : i32
      %ge3A = arith.constant 2 : i32
      %ge3A_79 = arith.cmpi sge, %add3A_78, %ge3A : i32
      %convert_element_type3A = arith.extui %ge3A_79 : i1 to i32
      %cond3A = arith.constant 0 : i32
      %cond3A_80 = arith.cmpi ne, %convert_element_type3A, %cond3A : i32
      scf.if %cond3A_80 {
        %sub3A = arith.constant 2 : i32
        %sub3A_259 = arith.subi %add3A_78, %sub3A : i32
        %dma_wait3A_260 = arith.constant 0 : i32
        %dma_wait3A_261 = arith.constant 0 : i32
        %dma_wait3A_262 = arith.constant 0 : i32
        %dma_wait3A_263 = tpu.memref_slice %arg9[%dma_wait3A_260, %dma_wait3A_261, %dma_wait3A_262] : memref<2x128x64xf32, #tpu.memory_space<vmem>> -> memref<1x128x64xf32, #tpu.memory_space<vmem>>
        %dma_wait3A_264 = tpu.memref_squeeze %dma_wait3A_263 : memref<1x128x64xf32, #tpu.memory_space<vmem>> -> memref<128x64xf32, #tpu.memory_space<vmem>>
        %dma_wait3A_265 = arith.constant 0 : i32
        %dma_wait3A_266 = tpu.memref_slice %arg7[%sub3A_259, %dma_wait3A_265] : memref<160x128xi32, #tpu.memory_space<vmem>> -> memref<1x128xi32, #tpu.memory_space<vmem>>
        %dma_wait3A_267 = tpu.memref_squeeze %dma_wait3A_266 : memref<1x128xi32, #tpu.memory_space<vmem>> -> memref<128xi32, #tpu.memory_space<vmem>>
        %dma_wait3A_268 = arith.constant 0 : i32
        %dma_wait3A_269 = arith.constant 0 : i32
        %dma_wait3A_270 = tpu.memref_slice %arg11[%dma_wait3A_268, %dma_wait3A_269] : memref<10240x64xf32, #tpu.memory_space<vmem_shared>> -> memref<10240x64xf32, #tpu.memory_space<vmem_shared>>
        tpu.wait_indirect_dma semaphore(%arg16 : memref<!tpu.dma_semaphore, #tpu.memory_space<semaphore_mem>>) src(%dma_wait3A_264 : memref<128x64xf32, #tpu.memory_space<vmem>>) dst(%dma_wait3A_270 : memref<10240x64xf32, #tpu.memory_space<vmem_shared>>)
      } else {
      }
      %dma_wait3A_81 = arith.constant 0 : i32
      %dma_wait3A_82 = arith.constant 0 : i32
      %dma_wait3A_83 = arith.constant 0 : i32
      %dma_wait3A_84 = tpu.memref_slice %arg8[%dma_wait3A_81, %dma_wait3A_82, %dma_wait3A_83] : memref<4x128x32xi32, #tpu.memory_space<vmem>> -> memref<1x128x32xi32, #tpu.memory_space<vmem>>
      %dma_wait3A_85 = tpu.memref_squeeze %dma_wait3A_84 : memref<1x128x32xi32, #tpu.memory_space<vmem>> -> memref<128x32xi32, #tpu.memory_space<vmem>>
      %dma_wait3A_86 = arith.constant 0 : i32
      %dma_wait3A_87 = tpu.memref_slice %arg6[%add3A_78, %dma_wait3A_86] : memref<160x128xi32, #tpu.memory_space<vmem>> -> memref<1x128xi32, #tpu.memory_space<vmem>>
      %dma_wait3A_88 = tpu.memref_squeeze %dma_wait3A_87 : memref<1x128xi32, #tpu.memory_space<vmem>> -> memref<128xi32, #tpu.memory_space<vmem>>
      %dma_wait3A_89 = arith.constant 0 : i32
      %dma_wait3A_90 = arith.constant 0 : i32
      %dma_wait3A_91 = tpu.memref_slice %arg2[%arg0, %dma_wait3A_89, %dma_wait3A_90] : memref<2x10240x32xi32, #tpu.memory_space<hbm>> -> memref<1x10240x32xi32, #tpu.memory_space<hbm>>
      %dma_wait3A_92 = tpu.memref_squeeze %dma_wait3A_91 : memref<1x10240x32xi32, #tpu.memory_space<hbm>> -> memref<10240x32xi32, #tpu.memory_space<hbm>>
      %dma_wait3A_93 = arith.constant 0 : i32
      %dma_wait3A_94 = arith.constant 0 : i32
      %dma_wait3A_95 = tpu.memref_slice %dma_wait3A_92[%dma_wait3A_93, %dma_wait3A_94] : memref<10240x32xi32, #tpu.memory_space<hbm>> -> memref<10240x32xi32, #tpu.memory_space<hbm>>
      tpu.wait_indirect_dma semaphore(%arg12 : memref<!tpu.dma_semaphore, #tpu.memory_space<semaphore_mem>>) src(%dma_wait3A_95 : memref<10240x32xi32, #tpu.memory_space<hbm>>) dst(%dma_wait3A_85 : memref<128x32xi32, #tpu.memory_space<vmem>>)
      %add3A_96 = arith.constant 2 : i32
      %add3A_97 = arith.addi %add3A_78, %add3A_96 : i32
      %lt3A = arith.constant 160 : i32
      %lt3A_98 = arith.cmpi slt, %add3A_97, %lt3A : i32
      %convert_element_type3A_99 = arith.extui %lt3A_98 : i1 to i32
      %cond3A_100 = arith.constant 0 : i32
      %cond3A_101 = arith.cmpi ne, %convert_element_type3A_99, %cond3A_100 : i32
      scf.if %cond3A_101 {
        %add3A_259 = arith.constant 2 : i32
        %add3A_260 = arith.addi %add3A_78, %add3A_259 : i32
        %dma_start3A_261 = arith.constant 2 : i32
        %dma_start3A_262 = arith.constant 0 : i32
        %dma_start3A_263 = arith.constant 0 : i32
        %dma_start3A_264 = tpu.memref_slice %arg8[%dma_start3A_261, %dma_start3A_262, %dma_start3A_263] : memref<4x128x32xi32, #tpu.memory_space<vmem>> -> memref<1x128x32xi32, #tpu.memory_space<vmem>>
        %dma_start3A_265 = tpu.memref_squeeze %dma_start3A_264 : memref<1x128x32xi32, #tpu.memory_space<vmem>> -> memref<128x32xi32, #tpu.memory_space<vmem>>
        %dma_start3A_266 = arith.constant 0 : i32
        %dma_start3A_267 = tpu.memref_slice %arg6[%add3A_260, %dma_start3A_266] : memref<160x128xi32, #tpu.memory_space<vmem>> -> memref<1x128xi32, #tpu.memory_space<vmem>>
        %dma_start3A_268 = tpu.memref_squeeze %dma_start3A_267 : memref<1x128xi32, #tpu.memory_space<vmem>> -> memref<128xi32, #tpu.memory_space<vmem>>
        %dma_start3A_269 = arith.constant 0 : i32
        %dma_start3A_270 = arith.constant 0 : i32
        %dma_start3A_271 = tpu.memref_slice %arg2[%arg0, %dma_start3A_269, %dma_start3A_270] : memref<2x10240x32xi32, #tpu.memory_space<hbm>> -> memref<1x10240x32xi32, #tpu.memory_space<hbm>>
        %dma_start3A_272 = tpu.memref_squeeze %dma_start3A_271 : memref<1x10240x32xi32, #tpu.memory_space<hbm>> -> memref<10240x32xi32, #tpu.memory_space<hbm>>
        %dma_start3A_273 = arith.constant 0 : i32
        %dma_start3A_274 = arith.constant 0 : i32
        %dma_start3A_275 = tpu.memref_slice %dma_start3A_272[%dma_start3A_273, %dma_start3A_274] : memref<10240x32xi32, #tpu.memory_space<hbm>> -> memref<10240x32xi32, #tpu.memory_space<hbm>>
        tpu.enqueue_indirect_dma source(%dma_start3A_275 : memref<10240x32xi32, #tpu.memory_space<hbm>>) target(%dma_start3A_265 : memref<128x32xi32, #tpu.memory_space<vmem>>) offsets(%dma_start3A_268 : memref<128xi32, #tpu.memory_space<vmem>>) semaphore(%arg14 : memref<!tpu.dma_semaphore, #tpu.memory_space<semaphore_mem>>)
      } else {
      }
      %scan3A_102 = arith.constant 0 : i32
      %scan3A_103 = arith.constant 128 : i32
      %scan3A_104 = arith.addi %scan3A_102, %scan3A_103 : i32
      %scan3A_105 = arith.constant 1 : i32
      scf.for %scan3A_259 = %scan3A_102 to %scan3A_104 step %scan3A_105  : i32 {
        %get3A = arith.constant 0 : i32
        %get3A_260 = arith.index_cast %get3A : i32 to index
        %get3A_261 = arith.index_cast %scan3A_259 : i32 to index
        %get3A_262 = arith.constant 0 : index
        %get3A_263 = tpu.vector_load %arg8[%get3A_260, %get3A_261, %get3A_262] {strides = array<i32>} : memref<4x128x32xi32, #tpu.memory_space<vmem>>, vector<16xi32>,
        %shift_left3A = arith.constant 16 : i32
        %shift_left3A_264 = vector.broadcast %shift_left3A : i32 to vector<16xi32>
        %shift_left3A_265 = arith.shli %get3A_263, %shift_left3A_264 : vector<16xi32>
        %bitcast3A = vector.bitcast %shift_left3A_265 : vector<16xi32> to vector<16xf32>
        %and3A = arith.constant -65536 : i32
        %and3A_266 = vector.broadcast %and3A : i32 to vector<16xi32>
        %and3A_267 = arith.andi %get3A_263, %and3A_266 : vector<16xi32>
        %bitcast3A_268 = vector.bitcast %and3A_267 : vector<16xi32> to vector<16xf32>
        %swap3A = arith.constant 0 : i32
        %swap3A_269 = arith.index_cast %swap3A : i32 to index
        %swap3A_270 = arith.index_cast %scan3A_259 : i32 to index
        %swap3A_271 = arith.constant 0 : index
        %swap3A_272 = tpu.vector_load %arg9[%swap3A_269, %swap3A_270, %swap3A_271] {strides = array<i32>} : memref<2x128x64xf32, #tpu.memory_space<vmem>>, vector<16xf32>,
        tpu.vector_store %arg9[%swap3A_269, %swap3A_270, %swap3A_271], %bitcast3A {strides = array<i32>} : memref<2x128x64xf32, #tpu.memory_space<vmem>>, vector<16xf32>,
        %swap3A_273 = arith.constant 0 : i32
        %swap3A_274 = arith.index_cast %swap3A_273 : i32 to index
        %swap3A_275 = arith.index_cast %scan3A_259 : i32 to index
        %swap3A_276 = arith.constant 16 : index
        %swap3A_277 = tpu.vector_load %arg9[%swap3A_274, %swap3A_275, %swap3A_276] {strides = array<i32>} : memref<2x128x64xf32, #tpu.memory_space<vmem>>, vector<16xf32>,
        tpu.vector_store %arg9[%swap3A_274, %swap3A_275, %swap3A_276], %bitcast3A_268 {strides = array<i32>} : memref<2x128x64xf32, #tpu.memory_space<vmem>>, vector<16xf32>,
        %get3A_278 = arith.constant 0 : i32
        %get3A_279 = arith.index_cast %get3A_278 : i32 to index
        %get3A_280 = arith.index_cast %scan3A_259 : i32 to index
        %get3A_281 = arith.constant 16 : index
        %get3A_282 = tpu.vector_load %arg8[%get3A_279, %get3A_280, %get3A_281] {strides = array<i32>} : memref<4x128x32xi32, #tpu.memory_space<vmem>>, vector<16xi32>,
        %shift_left3A_283 = arith.constant 16 : i32
        %shift_left3A_284 = vector.broadcast %shift_left3A_283 : i32 to vector<16xi32>
        %shift_left3A_285 = arith.shli %get3A_282, %shift_left3A_284 : vector<16xi32>
        %bitcast3A_286 = vector.bitcast %shift_left3A_285 : vector<16xi32> to vector<16xf32>
        %and3A_287 = arith.constant -65536 : i32
        %and3A_288 = vector.broadcast %and3A_287 : i32 to vector<16xi32>
        %and3A_289 = arith.andi %get3A_282, %and3A_288 : vector<16xi32>
        %bitcast3A_290 = vector.bitcast %and3A_289 : vector<16xi32> to vector<16xf32>
        %swap3A_291 = arith.constant 0 : i32
        %swap3A_292 = arith.index_cast %swap3A_291 : i32 to index
        %swap3A_293 = arith.index_cast %scan3A_259 : i32 to index
        %swap3A_294 = arith.constant 32 : index
        %swap3A_295 = tpu.vector_load %arg9[%swap3A_292, %swap3A_293, %swap3A_294] {strides = array<i32>} : memref<2x128x64xf32, #tpu.memory_space<vmem>>, vector<16xf32>,
        tpu.vector_store %arg9[%swap3A_292, %swap3A_293, %swap3A_294], %bitcast3A_286 {strides = array<i32>} : memref<2x128x64xf32, #tpu.memory_space<vmem>>, vector<16xf32>,
        %swap3A_296 = arith.constant 0 : i32
        %swap3A_297 = arith.index_cast %swap3A_296 : i32 to index
        %swap3A_298 = arith.index_cast %scan3A_259 : i32 to index
        %swap3A_299 = arith.constant 48 : index
        %swap3A_300 = tpu.vector_load %arg9[%swap3A_297, %swap3A_298, %swap3A_299] {strides = array<i32>} : memref<2x128x64xf32, #tpu.memory_space<vmem>>, vector<16xf32>,
        tpu.vector_store %arg9[%swap3A_297, %swap3A_298, %swap3A_299], %bitcast3A_290 {strides = array<i32>} : memref<2x128x64xf32, #tpu.memory_space<vmem>>, vector<16xf32>,
      }
      %scan3A_106 = arith.constant 128 : i32
      %dma_start3A_107 = arith.constant 0 : i32
      %dma_start3A_108 = arith.constant 0 : i32
      %dma_start3A_109 = arith.constant 0 : i32
      %dma_start3A_110 = tpu.memref_slice %arg9[%dma_start3A_107, %dma_start3A_108, %dma_start3A_109] : memref<2x128x64xf32, #tpu.memory_space<vmem>> -> memref<1x128x64xf32, #tpu.memory_space<vmem>>
      %dma_start3A_111 = tpu.memref_squeeze %dma_start3A_110 : memref<1x128x64xf32, #tpu.memory_space<vmem>> -> memref<128x64xf32, #tpu.memory_space<vmem>>
      %dma_start3A_112 = arith.constant 0 : i32
      %dma_start3A_113 = tpu.memref_slice %arg7[%add3A_78, %dma_start3A_112] : memref<160x128xi32, #tpu.memory_space<vmem>> -> memref<1x128xi32, #tpu.memory_space<vmem>>
      %dma_start3A_114 = tpu.memref_squeeze %dma_start3A_113 : memref<1x128xi32, #tpu.memory_space<vmem>> -> memref<128xi32, #tpu.memory_space<vmem>>
      %dma_start3A_115 = arith.constant 0 : i32
      %dma_start3A_116 = arith.constant 0 : i32
      %dma_start3A_117 = tpu.memref_slice %arg11[%dma_start3A_115, %dma_start3A_116] : memref<10240x64xf32, #tpu.memory_space<vmem_shared>> -> memref<10240x64xf32, #tpu.memory_space<vmem_shared>>
      tpu.enqueue_indirect_dma source(%dma_start3A_111 : memref<128x64xf32, #tpu.memory_space<vmem>>) target(%dma_start3A_117 : memref<10240x64xf32, #tpu.memory_space<vmem_shared>>) offsets(%dma_start3A_114 : memref<128xi32, #tpu.memory_space<vmem>>) semaphore(%arg16 : memref<!tpu.dma_semaphore, #tpu.memory_space<semaphore_mem>>) {add = true}
      %mul3A_118 = arith.constant 4 : i32
      %mul3A_119 = arith.muli %mul3A_118, %scan3A_74 : i32
      %add3A_120 = arith.constant 1 : i32
      %add3A_121 = arith.addi %mul3A_119, %add3A_120 : i32
      %ge3A_122 = arith.constant 2 : i32
      %ge3A_123 = arith.cmpi sge, %add3A_121, %ge3A_122 : i32
      %convert_element_type3A_124 = arith.extui %ge3A_123 : i1 to i32
      %cond3A_125 = arith.constant 0 : i32
      %cond3A_126 = arith.cmpi ne, %convert_element_type3A_124, %cond3A_125 : i32
      scf.if %cond3A_126 {
        %sub3A = arith.constant 2 : i32
        %sub3A_259 = arith.subi %add3A_121, %sub3A : i32
        %dma_wait3A_260 = arith.constant 1 : i32
        %dma_wait3A_261 = arith.constant 0 : i32
        %dma_wait3A_262 = arith.constant 0 : i32
        %dma_wait3A_263 = tpu.memref_slice %arg9[%dma_wait3A_260, %dma_wait3A_261, %dma_wait3A_262] : memref<2x128x64xf32, #tpu.memory_space<vmem>> -> memref<1x128x64xf32, #tpu.memory_space<vmem>>
        %dma_wait3A_264 = tpu.memref_squeeze %dma_wait3A_263 : memref<1x128x64xf32, #tpu.memory_space<vmem>> -> memref<128x64xf32, #tpu.memory_space<vmem>>
        %dma_wait3A_265 = arith.constant 0 : i32
        %dma_wait3A_266 = tpu.memref_slice %arg7[%sub3A_259, %dma_wait3A_265] : memref<160x128xi32, #tpu.memory_space<vmem>> -> memref<1x128xi32, #tpu.memory_space<vmem>>
        %dma_wait3A_267 = tpu.memref_squeeze %dma_wait3A_266 : memref<1x128xi32, #tpu.memory_space<vmem>> -> memref<128xi32, #tpu.memory_space<vmem>>
        %dma_wait3A_268 = arith.constant 0 : i32
        %dma_wait3A_269 = arith.constant 0 : i32
        %dma_wait3A_270 = tpu.memref_slice %arg11[%dma_wait3A_268, %dma_wait3A_269] : memref<10240x64xf32, #tpu.memory_space<vmem_shared>> -> memref<10240x64xf32, #tpu.memory_space<vmem_shared>>
        tpu.wait_indirect_dma semaphore(%arg17 : memref<!tpu.dma_semaphore, #tpu.memory_space<semaphore_mem>>) src(%dma_wait3A_264 : memref<128x64xf32, #tpu.memory_space<vmem>>) dst(%dma_wait3A_270 : memref<10240x64xf32, #tpu.memory_space<vmem_shared>>)
      } else {
      }
      %dma_wait3A_127 = arith.constant 1 : i32
      %dma_wait3A_128 = arith.constant 0 : i32
      %dma_wait3A_129 = arith.constant 0 : i32
      %dma_wait3A_130 = tpu.memref_slice %arg8[%dma_wait3A_127, %dma_wait3A_128, %dma_wait3A_129] : memref<4x128x32xi32, #tpu.memory_space<vmem>> -> memref<1x128x32xi32, #tpu.memory_space<vmem>>
      %dma_wait3A_131 = tpu.memref_squeeze %dma_wait3A_130 : memref<1x128x32xi32, #tpu.memory_space<vmem>> -> memref<128x32xi32, #tpu.memory_space<vmem>>
      %dma_wait3A_132 = arith.constant 0 : i32
      %dma_wait3A_133 = tpu.memref_slice %arg6[%add3A_121, %dma_wait3A_132] : memref<160x128xi32, #tpu.memory_space<vmem>> -> memref<1x128xi32, #tpu.memory_space<vmem>>
      %dma_wait3A_134 = tpu.memref_squeeze %dma_wait3A_133 : memref<1x128xi32, #tpu.memory_space<vmem>> -> memref<128xi32, #tpu.memory_space<vmem>>
      %dma_wait3A_135 = arith.constant 0 : i32
      %dma_wait3A_136 = arith.constant 0 : i32
      %dma_wait3A_137 = tpu.memref_slice %arg2[%arg0, %dma_wait3A_135, %dma_wait3A_136] : memref<2x10240x32xi32, #tpu.memory_space<hbm>> -> memref<1x10240x32xi32, #tpu.memory_space<hbm>>
      %dma_wait3A_138 = tpu.memref_squeeze %dma_wait3A_137 : memref<1x10240x32xi32, #tpu.memory_space<hbm>> -> memref<10240x32xi32, #tpu.memory_space<hbm>>
      %dma_wait3A_139 = arith.constant 0 : i32
      %dma_wait3A_140 = arith.constant 0 : i32
      %dma_wait3A_141 = tpu.memref_slice %dma_wait3A_138[%dma_wait3A_139, %dma_wait3A_140] : memref<10240x32xi32, #tpu.memory_space<hbm>> -> memref<10240x32xi32, #tpu.memory_space<hbm>>
      tpu.wait_indirect_dma semaphore(%arg13 : memref<!tpu.dma_semaphore, #tpu.memory_space<semaphore_mem>>) src(%dma_wait3A_141 : memref<10240x32xi32, #tpu.memory_space<hbm>>) dst(%dma_wait3A_131 : memref<128x32xi32, #tpu.memory_space<vmem>>)
      %add3A_142 = arith.constant 2 : i32
      %add3A_143 = arith.addi %add3A_121, %add3A_142 : i32
      %lt3A_144 = arith.constant 160 : i32
      %lt3A_145 = arith.cmpi slt, %add3A_143, %lt3A_144 : i32
      %convert_element_type3A_146 = arith.extui %lt3A_145 : i1 to i32
      %cond3A_147 = arith.constant 0 : i32
      %cond3A_148 = arith.cmpi ne, %convert_element_type3A_146, %cond3A_147 : i32
      scf.if %cond3A_148 {
        %add3A_259 = arith.constant 2 : i32
        %add3A_260 = arith.addi %add3A_121, %add3A_259 : i32
        %dma_start3A_261 = arith.constant 3 : i32
        %dma_start3A_262 = arith.constant 0 : i32
        %dma_start3A_263 = arith.constant 0 : i32
        %dma_start3A_264 = tpu.memref_slice %arg8[%dma_start3A_261, %dma_start3A_262, %dma_start3A_263] : memref<4x128x32xi32, #tpu.memory_space<vmem>> -> memref<1x128x32xi32, #tpu.memory_space<vmem>>
        %dma_start3A_265 = tpu.memref_squeeze %dma_start3A_264 : memref<1x128x32xi32, #tpu.memory_space<vmem>> -> memref<128x32xi32, #tpu.memory_space<vmem>>
        %dma_start3A_266 = arith.constant 0 : i32
        %dma_start3A_267 = tpu.memref_slice %arg6[%add3A_260, %dma_start3A_266] : memref<160x128xi32, #tpu.memory_space<vmem>> -> memref<1x128xi32, #tpu.memory_space<vmem>>
        %dma_start3A_268 = tpu.memref_squeeze %dma_start3A_267 : memref<1x128xi32, #tpu.memory_space<vmem>> -> memref<128xi32, #tpu.memory_space<vmem>>
        %dma_start3A_269 = arith.constant 0 : i32
        %dma_start3A_270 = arith.constant 0 : i32
        %dma_start3A_271 = tpu.memref_slice %arg2[%arg0, %dma_start3A_269, %dma_start3A_270] : memref<2x10240x32xi32, #tpu.memory_space<hbm>> -> memref<1x10240x32xi32, #tpu.memory_space<hbm>>
        %dma_start3A_272 = tpu.memref_squeeze %dma_start3A_271 : memref<1x10240x32xi32, #tpu.memory_space<hbm>> -> memref<10240x32xi32, #tpu.memory_space<hbm>>
        %dma_start3A_273 = arith.constant 0 : i32
        %dma_start3A_274 = arith.constant 0 : i32
        %dma_start3A_275 = tpu.memref_slice %dma_start3A_272[%dma_start3A_273, %dma_start3A_274] : memref<10240x32xi32, #tpu.memory_space<hbm>> -> memref<10240x32xi32, #tpu.memory_space<hbm>>
        tpu.enqueue_indirect_dma source(%dma_start3A_275 : memref<10240x32xi32, #tpu.memory_space<hbm>>) target(%dma_start3A_265 : memref<128x32xi32, #tpu.memory_space<vmem>>) offsets(%dma_start3A_268 : memref<128xi32, #tpu.memory_space<vmem>>) semaphore(%arg15 : memref<!tpu.dma_semaphore, #tpu.memory_space<semaphore_mem>>)
      } else {
      }
      %scan3A_149 = arith.constant 0 : i32
      %scan3A_150 = arith.constant 128 : i32
      %scan3A_151 = arith.addi %scan3A_149, %scan3A_150 : i32
      %scan3A_152 = arith.constant 1 : i32
      scf.for %scan3A_259 = %scan3A_149 to %scan3A_151 step %scan3A_152  : i32 {
        %get3A = arith.constant 1 : i32
        %get3A_260 = arith.index_cast %get3A : i32 to index
        %get3A_261 = arith.index_cast %scan3A_259 : i32 to index
        %get3A_262 = arith.constant 0 : index
        %get3A_263 = tpu.vector_load %arg8[%get3A_260, %get3A_261, %get3A_262] {strides = array<i32>} : memref<4x128x32xi32, #tpu.memory_space<vmem>>, vector<16xi32>,
        %shift_left3A = arith.constant 16 : i32
        %shift_left3A_264 = vector.broadcast %shift_left3A : i32 to vector<16xi32>
        %shift_left3A_265 = arith.shli %get3A_263, %shift_left3A_264 : vector<16xi32>
        %bitcast3A = vector.bitcast %shift_left3A_265 : vector<16xi32> to vector<16xf32>
        %and3A = arith.constant -65536 : i32
        %and3A_266 = vector.broadcast %and3A : i32 to vector<16xi32>
        %and3A_267 = arith.andi %get3A_263, %and3A_266 : vector<16xi32>
        %bitcast3A_268 = vector.bitcast %and3A_267 : vector<16xi32> to vector<16xf32>
        %swap3A = arith.constant 1 : i32
        %swap3A_269 = arith.index_cast %swap3A : i32 to index
        %swap3A_270 = arith.index_cast %scan3A_259 : i32 to index
        %swap3A_271 = arith.constant 0 : index
        %swap3A_272 = tpu.vector_load %arg9[%swap3A_269, %swap3A_270, %swap3A_271] {strides = array<i32>} : memref<2x128x64xf32, #tpu.memory_space<vmem>>, vector<16xf32>,
        tpu.vector_store %arg9[%swap3A_269, %swap3A_270, %swap3A_271], %bitcast3A {strides = array<i32>} : memref<2x128x64xf32, #tpu.memory_space<vmem>>, vector<16xf32>,
        %swap3A_273 = arith.constant 1 : i32
        %swap3A_274 = arith.index_cast %swap3A_273 : i32 to index
        %swap3A_275 = arith.index_cast %scan3A_259 : i32 to index
        %swap3A_276 = arith.constant 16 : index
        %swap3A_277 = tpu.vector_load %arg9[%swap3A_274, %swap3A_275, %swap3A_276] {strides = array<i32>} : memref<2x128x64xf32, #tpu.memory_space<vmem>>, vector<16xf32>,
        tpu.vector_store %arg9[%swap3A_274, %swap3A_275, %swap3A_276], %bitcast3A_268 {strides = array<i32>} : memref<2x128x64xf32, #tpu.memory_space<vmem>>, vector<16xf32>,
        %get3A_278 = arith.constant 1 : i32
        %get3A_279 = arith.index_cast %get3A_278 : i32 to index
        %get3A_280 = arith.index_cast %scan3A_259 : i32 to index
        %get3A_281 = arith.constant 16 : index
        %get3A_282 = tpu.vector_load %arg8[%get3A_279, %get3A_280, %get3A_281] {strides = array<i32>} : memref<4x128x32xi32, #tpu.memory_space<vmem>>, vector<16xi32>,
        %shift_left3A_283 = arith.constant 16 : i32
        %shift_left3A_284 = vector.broadcast %shift_left3A_283 : i32 to vector<16xi32>
        %shift_left3A_285 = arith.shli %get3A_282, %shift_left3A_284 : vector<16xi32>
        %bitcast3A_286 = vector.bitcast %shift_left3A_285 : vector<16xi32> to vector<16xf32>
        %and3A_287 = arith.constant -65536 : i32
        %and3A_288 = vector.broadcast %and3A_287 : i32 to vector<16xi32>
        %and3A_289 = arith.andi %get3A_282, %and3A_288 : vector<16xi32>
        %bitcast3A_290 = vector.bitcast %and3A_289 : vector<16xi32> to vector<16xf32>
        %swap3A_291 = arith.constant 1 : i32
        %swap3A_292 = arith.index_cast %swap3A_291 : i32 to index
        %swap3A_293 = arith.index_cast %scan3A_259 : i32 to index
        %swap3A_294 = arith.constant 32 : index
        %swap3A_295 = tpu.vector_load %arg9[%swap3A_292, %swap3A_293, %swap3A_294] {strides = array<i32>} : memref<2x128x64xf32, #tpu.memory_space<vmem>>, vector<16xf32>,
        tpu.vector_store %arg9[%swap3A_292, %swap3A_293, %swap3A_294], %bitcast3A_286 {strides = array<i32>} : memref<2x128x64xf32, #tpu.memory_space<vmem>>, vector<16xf32>,
        %swap3A_296 = arith.constant 1 : i32
        %swap3A_297 = arith.index_cast %swap3A_296 : i32 to index
        %swap3A_298 = arith.index_cast %scan3A_259 : i32 to index
        %swap3A_299 = arith.constant 48 : index
        %swap3A_300 = tpu.vector_load %arg9[%swap3A_297, %swap3A_298, %swap3A_299] {strides = array<i32>} : memref<2x128x64xf32, #tpu.memory_space<vmem>>, vector<16xf32>,
        tpu.vector_store %arg9[%swap3A_297, %swap3A_298, %swap3A_299], %bitcast3A_290 {strides = array<i32>} : memref<2x128x64xf32, #tpu.memory_space<vmem>>, vector<16xf32>,
      }
      %scan3A_153 = arith.constant 128 : i32
      %dma_start3A_154 = arith.constant 1 : i32
      %dma_start3A_155 = arith.constant 0 : i32
      %dma_start3A_156 = arith.constant 0 : i32
      %dma_start3A_157 = tpu.memref_slice %arg9[%dma_start3A_154, %dma_start3A_155, %dma_start3A_156] : memref<2x128x64xf32, #tpu.memory_space<vmem>> -> memref<1x128x64xf32, #tpu.memory_space<vmem>>
      %dma_start3A_158 = tpu.memref_squeeze %dma_start3A_157 : memref<1x128x64xf32, #tpu.memory_space<vmem>> -> memref<128x64xf32, #tpu.memory_space<vmem>>
      %dma_start3A_159 = arith.constant 0 : i32
      %dma_start3A_160 = tpu.memref_slice %arg7[%add3A_121, %dma_start3A_159] : memref<160x128xi32, #tpu.memory_space<vmem>> -> memref<1x128xi32, #tpu.memory_space<vmem>>
      %dma_start3A_161 = tpu.memref_squeeze %dma_start3A_160 : memref<1x128xi32, #tpu.memory_space<vmem>> -> memref<128xi32, #tpu.memory_space<vmem>>
      %dma_start3A_162 = arith.constant 0 : i32
      %dma_start3A_163 = arith.constant 0 : i32
      %dma_start3A_164 = tpu.memref_slice %arg11[%dma_start3A_162, %dma_start3A_163] : memref<10240x64xf32, #tpu.memory_space<vmem_shared>> -> memref<10240x64xf32, #tpu.memory_space<vmem_shared>>
      tpu.enqueue_indirect_dma source(%dma_start3A_158 : memref<128x64xf32, #tpu.memory_space<vmem>>) target(%dma_start3A_164 : memref<10240x64xf32, #tpu.memory_space<vmem_shared>>) offsets(%dma_start3A_161 : memref<128xi32, #tpu.memory_space<vmem>>) semaphore(%arg17 : memref<!tpu.dma_semaphore, #tpu.memory_space<semaphore_mem>>) {add = true}
      %mul3A_165 = arith.constant 4 : i32
      %mul3A_166 = arith.muli %mul3A_165, %scan3A_74 : i32
      %add3A_167 = arith.constant 2 : i32
      %add3A_168 = arith.addi %mul3A_166, %add3A_167 : i32
      %ge3A_169 = arith.constant 2 : i32
      %ge3A_170 = arith.cmpi sge, %add3A_168, %ge3A_169 : i32
      %convert_element_type3A_171 = arith.extui %ge3A_170 : i1 to i32
      %cond3A_172 = arith.constant 0 : i32
      %cond3A_173 = arith.cmpi ne, %convert_element_type3A_171, %cond3A_172 : i32
      scf.if %cond3A_173 {
        %sub3A = arith.constant 2 : i32
        %sub3A_259 = arith.subi %add3A_168, %sub3A : i32
        %dma_wait3A_260 = arith.constant 0 : i32
        %dma_wait3A_261 = arith.constant 0 : i32
        %dma_wait3A_262 = arith.constant 0 : i32
        %dma_wait3A_263 = tpu.memref_slice %arg9[%dma_wait3A_260, %dma_wait3A_261, %dma_wait3A_262] : memref<2x128x64xf32, #tpu.memory_space<vmem>> -> memref<1x128x64xf32, #tpu.memory_space<vmem>>
        %dma_wait3A_264 = tpu.memref_squeeze %dma_wait3A_263 : memref<1x128x64xf32, #tpu.memory_space<vmem>> -> memref<128x64xf32, #tpu.memory_space<vmem>>
        %dma_wait3A_265 = arith.constant 0 : i32
        %dma_wait3A_266 = tpu.memref_slice %arg7[%sub3A_259, %dma_wait3A_265] : memref<160x128xi32, #tpu.memory_space<vmem>> -> memref<1x128xi32, #tpu.memory_space<vmem>>
        %dma_wait3A_267 = tpu.memref_squeeze %dma_wait3A_266 : memref<1x128xi32, #tpu.memory_space<vmem>> -> memref<128xi32, #tpu.memory_space<vmem>>
        %dma_wait3A_268 = arith.constant 0 : i32
        %dma_wait3A_269 = arith.constant 0 : i32
        %dma_wait3A_270 = tpu.memref_slice %arg11[%dma_wait3A_268, %dma_wait3A_269] : memref<10240x64xf32, #tpu.memory_space<vmem_shared>> -> memref<10240x64xf32, #tpu.memory_space<vmem_shared>>
        tpu.wait_indirect_dma semaphore(%arg16 : memref<!tpu.dma_semaphore, #tpu.memory_space<semaphore_mem>>) src(%dma_wait3A_264 : memref<128x64xf32, #tpu.memory_space<vmem>>) dst(%dma_wait3A_270 : memref<10240x64xf32, #tpu.memory_space<vmem_shared>>)
      } else {
      }
      %dma_wait3A_174 = arith.constant 2 : i32
      %dma_wait3A_175 = arith.constant 0 : i32
      %dma_wait3A_176 = arith.constant 0 : i32
      %dma_wait3A_177 = tpu.memref_slice %arg8[%dma_wait3A_174, %dma_wait3A_175, %dma_wait3A_176] : memref<4x128x32xi32, #tpu.memory_space<vmem>> -> memref<1x128x32xi32, #tpu.memory_space<vmem>>
      %dma_wait3A_178 = tpu.memref_squeeze %dma_wait3A_177 : memref<1x128x32xi32, #tpu.memory_space<vmem>> -> memref<128x32xi32, #tpu.memory_space<vmem>>
      %dma_wait3A_179 = arith.constant 0 : i32
      %dma_wait3A_180 = tpu.memref_slice %arg6[%add3A_168, %dma_wait3A_179] : memref<160x128xi32, #tpu.memory_space<vmem>> -> memref<1x128xi32, #tpu.memory_space<vmem>>
      %dma_wait3A_181 = tpu.memref_squeeze %dma_wait3A_180 : memref<1x128xi32, #tpu.memory_space<vmem>> -> memref<128xi32, #tpu.memory_space<vmem>>
      %dma_wait3A_182 = arith.constant 0 : i32
      %dma_wait3A_183 = arith.constant 0 : i32
      %dma_wait3A_184 = tpu.memref_slice %arg2[%arg0, %dma_wait3A_182, %dma_wait3A_183] : memref<2x10240x32xi32, #tpu.memory_space<hbm>> -> memref<1x10240x32xi32, #tpu.memory_space<hbm>>
      %dma_wait3A_185 = tpu.memref_squeeze %dma_wait3A_184 : memref<1x10240x32xi32, #tpu.memory_space<hbm>> -> memref<10240x32xi32, #tpu.memory_space<hbm>>
      %dma_wait3A_186 = arith.constant 0 : i32
      %dma_wait3A_187 = arith.constant 0 : i32
      %dma_wait3A_188 = tpu.memref_slice %dma_wait3A_185[%dma_wait3A_186, %dma_wait3A_187] : memref<10240x32xi32, #tpu.memory_space<hbm>> -> memref<10240x32xi32, #tpu.memory_space<hbm>>
      tpu.wait_indirect_dma semaphore(%arg14 : memref<!tpu.dma_semaphore, #tpu.memory_space<semaphore_mem>>) src(%dma_wait3A_188 : memref<10240x32xi32, #tpu.memory_space<hbm>>) dst(%dma_wait3A_178 : memref<128x32xi32, #tpu.memory_space<vmem>>)
      %add3A_189 = arith.constant 2 : i32
      %add3A_190 = arith.addi %add3A_168, %add3A_189 : i32
      %lt3A_191 = arith.constant 160 : i32
      %lt3A_192 = arith.cmpi slt, %add3A_190, %lt3A_191 : i32
      %convert_element_type3A_193 = arith.extui %lt3A_192 : i1 to i32
      %cond3A_194 = arith.constant 0 : i32
      %cond3A_195 = arith.cmpi ne, %convert_element_type3A_193, %cond3A_194 : i32
      scf.if %cond3A_195 {
        %add3A_259 = arith.constant 2 : i32
        %add3A_260 = arith.addi %add3A_168, %add3A_259 : i32
        %dma_start3A_261 = arith.constant 0 : i32
        %dma_start3A_262 = arith.constant 0 : i32
        %dma_start3A_263 = arith.constant 0 : i32
        %dma_start3A_264 = tpu.memref_slice %arg8[%dma_start3A_261, %dma_start3A_262, %dma_start3A_263] : memref<4x128x32xi32, #tpu.memory_space<vmem>> -> memref<1x128x32xi32, #tpu.memory_space<vmem>>
        %dma_start3A_265 = tpu.memref_squeeze %dma_start3A_264 : memref<1x128x32xi32, #tpu.memory_space<vmem>> -> memref<128x32xi32, #tpu.memory_space<vmem>>
        %dma_start3A_266 = arith.constant 0 : i32
        %dma_start3A_267 = tpu.memref_slice %arg6[%add3A_260, %dma_start3A_266] : memref<160x128xi32, #tpu.memory_space<vmem>> -> memref<1x128xi32, #tpu.memory_space<vmem>>
        %dma_start3A_268 = tpu.memref_squeeze %dma_start3A_267 : memref<1x128xi32, #tpu.memory_space<vmem>> -> memref<128xi32, #tpu.memory_space<vmem>>
        %dma_start3A_269 = arith.constant 0 : i32
        %dma_start3A_270 = arith.constant 0 : i32
        %dma_start3A_271 = tpu.memref_slice %arg2[%arg0, %dma_start3A_269, %dma_start3A_270] : memref<2x10240x32xi32, #tpu.memory_space<hbm>> -> memref<1x10240x32xi32, #tpu.memory_space<hbm>>
        %dma_start3A_272 = tpu.memref_squeeze %dma_start3A_271 : memref<1x10240x32xi32, #tpu.memory_space<hbm>> -> memref<10240x32xi32, #tpu.memory_space<hbm>>
        %dma_start3A_273 = arith.constant 0 : i32
        %dma_start3A_274 = arith.constant 0 : i32
        %dma_start3A_275 = tpu.memref_slice %dma_start3A_272[%dma_start3A_273, %dma_start3A_274] : memref<10240x32xi32, #tpu.memory_space<hbm>> -> memref<10240x32xi32, #tpu.memory_space<hbm>>
        tpu.enqueue_indirect_dma source(%dma_start3A_275 : memref<10240x32xi32, #tpu.memory_space<hbm>>) target(%dma_start3A_265 : memref<128x32xi32, #tpu.memory_space<vmem>>) offsets(%dma_start3A_268 : memref<128xi32, #tpu.memory_space<vmem>>) semaphore(%arg12 : memref<!tpu.dma_semaphore, #tpu.memory_space<semaphore_mem>>)
      } else {
      }
      %scan3A_196 = arith.constant 0 : i32
      %scan3A_197 = arith.constant 128 : i32
      %scan3A_198 = arith.addi %scan3A_196, %scan3A_197 : i32
      %scan3A_199 = arith.constant 1 : i32
      scf.for %scan3A_259 = %scan3A_196 to %scan3A_198 step %scan3A_199  : i32 {
        %get3A = arith.constant 2 : i32
        %get3A_260 = arith.index_cast %get3A : i32 to index
        %get3A_261 = arith.index_cast %scan3A_259 : i32 to index
        %get3A_262 = arith.constant 0 : index
        %get3A_263 = tpu.vector_load %arg8[%get3A_260, %get3A_261, %get3A_262] {strides = array<i32>} : memref<4x128x32xi32, #tpu.memory_space<vmem>>, vector<16xi32>,
        %shift_left3A = arith.constant 16 : i32
        %shift_left3A_264 = vector.broadcast %shift_left3A : i32 to vector<16xi32>
        %shift_left3A_265 = arith.shli %get3A_263, %shift_left3A_264 : vector<16xi32>
        %bitcast3A = vector.bitcast %shift_left3A_265 : vector<16xi32> to vector<16xf32>
        %and3A = arith.constant -65536 : i32
        %and3A_266 = vector.broadcast %and3A : i32 to vector<16xi32>
        %and3A_267 = arith.andi %get3A_263, %and3A_266 : vector<16xi32>
        %bitcast3A_268 = vector.bitcast %and3A_267 : vector<16xi32> to vector<16xf32>
        %swap3A = arith.constant 0 : i32
        %swap3A_269 = arith.index_cast %swap3A : i32 to index
        %swap3A_270 = arith.index_cast %scan3A_259 : i32 to index
        %swap3A_271 = arith.constant 0 : index
        %swap3A_272 = tpu.vector_load %arg9[%swap3A_269, %swap3A_270, %swap3A_271] {strides = array<i32>} : memref<2x128x64xf32, #tpu.memory_space<vmem>>, vector<16xf32>,
        tpu.vector_store %arg9[%swap3A_269, %swap3A_270, %swap3A_271], %bitcast3A {strides = array<i32>} : memref<2x128x64xf32, #tpu.memory_space<vmem>>, vector<16xf32>,
        %swap3A_273 = arith.constant 0 : i32
        %swap3A_274 = arith.index_cast %swap3A_273 : i32 to index
        %swap3A_275 = arith.index_cast %scan3A_259 : i32 to index
        %swap3A_276 = arith.constant 16 : index
        %swap3A_277 = tpu.vector_load %arg9[%swap3A_274, %swap3A_275, %swap3A_276] {strides = array<i32>} : memref<2x128x64xf32, #tpu.memory_space<vmem>>, vector<16xf32>,
        tpu.vector_store %arg9[%swap3A_274, %swap3A_275, %swap3A_276], %bitcast3A_268 {strides = array<i32>} : memref<2x128x64xf32, #tpu.memory_space<vmem>>, vector<16xf32>,
        %get3A_278 = arith.constant 2 : i32
        %get3A_279 = arith.index_cast %get3A_278 : i32 to index
        %get3A_280 = arith.index_cast %scan3A_259 : i32 to index
        %get3A_281 = arith.constant 16 : index
        %get3A_282 = tpu.vector_load %arg8[%get3A_279, %get3A_280, %get3A_281] {strides = array<i32>} : memref<4x128x32xi32, #tpu.memory_space<vmem>>, vector<16xi32>,
        %shift_left3A_283 = arith.constant 16 : i32
        %shift_left3A_284 = vector.broadcast %shift_left3A_283 : i32 to vector<16xi32>
        %shift_left3A_285 = arith.shli %get3A_282, %shift_left3A_284 : vector<16xi32>
        %bitcast3A_286 = vector.bitcast %shift_left3A_285 : vector<16xi32> to vector<16xf32>
        %and3A_287 = arith.constant -65536 : i32
        %and3A_288 = vector.broadcast %and3A_287 : i32 to vector<16xi32>
        %and3A_289 = arith.andi %get3A_282, %and3A_288 : vector<16xi32>
        %bitcast3A_290 = vector.bitcast %and3A_289 : vector<16xi32> to vector<16xf32>
        %swap3A_291 = arith.constant 0 : i32
        %swap3A_292 = arith.index_cast %swap3A_291 : i32 to index
        %swap3A_293 = arith.index_cast %scan3A_259 : i32 to index
        %swap3A_294 = arith.constant 32 : index
        %swap3A_295 = tpu.vector_load %arg9[%swap3A_292, %swap3A_293, %swap3A_294] {strides = array<i32>} : memref<2x128x64xf32, #tpu.memory_space<vmem>>, vector<16xf32>,
        tpu.vector_store %arg9[%swap3A_292, %swap3A_293, %swap3A_294], %bitcast3A_286 {strides = array<i32>} : memref<2x128x64xf32, #tpu.memory_space<vmem>>, vector<16xf32>,
        %swap3A_296 = arith.constant 0 : i32
        %swap3A_297 = arith.index_cast %swap3A_296 : i32 to index
        %swap3A_298 = arith.index_cast %scan3A_259 : i32 to index
        %swap3A_299 = arith.constant 48 : index
        %swap3A_300 = tpu.vector_load %arg9[%swap3A_297, %swap3A_298, %swap3A_299] {strides = array<i32>} : memref<2x128x64xf32, #tpu.memory_space<vmem>>, vector<16xf32>,
        tpu.vector_store %arg9[%swap3A_297, %swap3A_298, %swap3A_299], %bitcast3A_290 {strides = array<i32>} : memref<2x128x64xf32, #tpu.memory_space<vmem>>, vector<16xf32>,
      }
      %scan3A_200 = arith.constant 128 : i32
      %dma_start3A_201 = arith.constant 0 : i32
      %dma_start3A_202 = arith.constant 0 : i32
      %dma_start3A_203 = arith.constant 0 : i32
      %dma_start3A_204 = tpu.memref_slice %arg9[%dma_start3A_201, %dma_start3A_202, %dma_start3A_203] : memref<2x128x64xf32, #tpu.memory_space<vmem>> -> memref<1x128x64xf32, #tpu.memory_space<vmem>>
      %dma_start3A_205 = tpu.memref_squeeze %dma_start3A_204 : memref<1x128x64xf32, #tpu.memory_space<vmem>> -> memref<128x64xf32, #tpu.memory_space<vmem>>
      %dma_start3A_206 = arith.constant 0 : i32
      %dma_start3A_207 = tpu.memref_slice %arg7[%add3A_168, %dma_start3A_206] : memref<160x128xi32, #tpu.memory_space<vmem>> -> memref<1x128xi32, #tpu.memory_space<vmem>>
      %dma_start3A_208 = tpu.memref_squeeze %dma_start3A_207 : memref<1x128xi32, #tpu.memory_space<vmem>> -> memref<128xi32, #tpu.memory_space<vmem>>
      %dma_start3A_209 = arith.constant 0 : i32
      %dma_start3A_210 = arith.constant 0 : i32
      %dma_start3A_211 = tpu.memref_slice %arg11[%dma_start3A_209, %dma_start3A_210] : memref<10240x64xf32, #tpu.memory_space<vmem_shared>> -> memref<10240x64xf32, #tpu.memory_space<vmem_shared>>
      tpu.enqueue_indirect_dma source(%dma_start3A_205 : memref<128x64xf32, #tpu.memory_space<vmem>>) target(%dma_start3A_211 : memref<10240x64xf32, #tpu.memory_space<vmem_shared>>) offsets(%dma_start3A_208 : memref<128xi32, #tpu.memory_space<vmem>>) semaphore(%arg16 : memref<!tpu.dma_semaphore, #tpu.memory_space<semaphore_mem>>) {add = true}
      %mul3A_212 = arith.constant 4 : i32
      %mul3A_213 = arith.muli %mul3A_212, %scan3A_74 : i32
      %add3A_214 = arith.constant 3 : i32
      %add3A_215 = arith.addi %mul3A_213, %add3A_214 : i32
      %ge3A_216 = arith.constant 2 : i32
      %ge3A_217 = arith.cmpi sge, %add3A_215, %ge3A_216 : i32
      %convert_element_type3A_218 = arith.extui %ge3A_217 : i1 to i32
      %cond3A_219 = arith.constant 0 : i32
      %cond3A_220 = arith.cmpi ne, %convert_element_type3A_218, %cond3A_219 : i32
      scf.if %cond3A_220 {
        %sub3A = arith.constant 2 : i32
        %sub3A_259 = arith.subi %add3A_215, %sub3A : i32
        %dma_wait3A_260 = arith.constant 1 : i32
        %dma_wait3A_261 = arith.constant 0 : i32
        %dma_wait3A_262 = arith.constant 0 : i32
        %dma_wait3A_263 = tpu.memref_slice %arg9[%dma_wait3A_260, %dma_wait3A_261, %dma_wait3A_262] : memref<2x128x64xf32, #tpu.memory_space<vmem>> -> memref<1x128x64xf32, #tpu.memory_space<vmem>>
        %dma_wait3A_264 = tpu.memref_squeeze %dma_wait3A_263 : memref<1x128x64xf32, #tpu.memory_space<vmem>> -> memref<128x64xf32, #tpu.memory_space<vmem>>
        %dma_wait3A_265 = arith.constant 0 : i32
        %dma_wait3A_266 = tpu.memref_slice %arg7[%sub3A_259, %dma_wait3A_265] : memref<160x128xi32, #tpu.memory_space<vmem>> -> memref<1x128xi32, #tpu.memory_space<vmem>>
        %dma_wait3A_267 = tpu.memref_squeeze %dma_wait3A_266 : memref<1x128xi32, #tpu.memory_space<vmem>> -> memref<128xi32, #tpu.memory_space<vmem>>
        %dma_wait3A_268 = arith.constant 0 : i32
        %dma_wait3A_269 = arith.constant 0 : i32
        %dma_wait3A_270 = tpu.memref_slice %arg11[%dma_wait3A_268, %dma_wait3A_269] : memref<10240x64xf32, #tpu.memory_space<vmem_shared>> -> memref<10240x64xf32, #tpu.memory_space<vmem_shared>>
        tpu.wait_indirect_dma semaphore(%arg17 : memref<!tpu.dma_semaphore, #tpu.memory_space<semaphore_mem>>) src(%dma_wait3A_264 : memref<128x64xf32, #tpu.memory_space<vmem>>) dst(%dma_wait3A_270 : memref<10240x64xf32, #tpu.memory_space<vmem_shared>>)
      } else {
      }
      %dma_wait3A_221 = arith.constant 3 : i32
      %dma_wait3A_222 = arith.constant 0 : i32
      %dma_wait3A_223 = arith.constant 0 : i32
      %dma_wait3A_224 = tpu.memref_slice %arg8[%dma_wait3A_221, %dma_wait3A_222, %dma_wait3A_223] : memref<4x128x32xi32, #tpu.memory_space<vmem>> -> memref<1x128x32xi32, #tpu.memory_space<vmem>>
      %dma_wait3A_225 = tpu.memref_squeeze %dma_wait3A_224 : memref<1x128x32xi32, #tpu.memory_space<vmem>> -> memref<128x32xi32, #tpu.memory_space<vmem>>
      %dma_wait3A_226 = arith.constant 0 : i32
      %dma_wait3A_227 = tpu.memref_slice %arg6[%add3A_215, %dma_wait3A_226] : memref<160x128xi32, #tpu.memory_space<vmem>> -> memref<1x128xi32, #tpu.memory_space<vmem>>
      %dma_wait3A_228 = tpu.memref_squeeze %dma_wait3A_227 : memref<1x128xi32, #tpu.memory_space<vmem>> -> memref<128xi32, #tpu.memory_space<vmem>>
      %dma_wait3A_229 = arith.constant 0 : i32
      %dma_wait3A_230 = arith.constant 0 : i32
      %dma_wait3A_231 = tpu.memref_slice %arg2[%arg0, %dma_wait3A_229, %dma_wait3A_230] : memref<2x10240x32xi32, #tpu.memory_space<hbm>> -> memref<1x10240x32xi32, #tpu.memory_space<hbm>>
      %dma_wait3A_232 = tpu.memref_squeeze %dma_wait3A_231 : memref<1x10240x32xi32, #tpu.memory_space<hbm>> -> memref<10240x32xi32, #tpu.memory_space<hbm>>
      %dma_wait3A_233 = arith.constant 0 : i32
      %dma_wait3A_234 = arith.constant 0 : i32
      %dma_wait3A_235 = tpu.memref_slice %dma_wait3A_232[%dma_wait3A_233, %dma_wait3A_234] : memref<10240x32xi32, #tpu.memory_space<hbm>> -> memref<10240x32xi32, #tpu.memory_space<hbm>>
      tpu.wait_indirect_dma semaphore(%arg15 : memref<!tpu.dma_semaphore, #tpu.memory_space<semaphore_mem>>) src(%dma_wait3A_235 : memref<10240x32xi32, #tpu.memory_space<hbm>>) dst(%dma_wait3A_225 : memref<128x32xi32, #tpu.memory_space<vmem>>)
      %add3A_236 = arith.constant 2 : i32
      %add3A_237 = arith.addi %add3A_215, %add3A_236 : i32
      %lt3A_238 = arith.constant 160 : i32
      %lt3A_239 = arith.cmpi slt, %add3A_237, %lt3A_238 : i32
      %convert_element_type3A_240 = arith.extui %lt3A_239 : i1 to i32
      %cond3A_241 = arith.constant 0 : i32
      %cond3A_242 = arith.cmpi ne, %convert_element_type3A_240, %cond3A_241 : i32
      scf.if %cond3A_242 {
        %add3A_259 = arith.constant 2 : i32
        %add3A_260 = arith.addi %add3A_215, %add3A_259 : i32
        %dma_start3A_261 = arith.constant 1 : i32
        %dma_start3A_262 = arith.constant 0 : i32
        %dma_start3A_263 = arith.constant 0 : i32
        %dma_start3A_264 = tpu.memref_slice %arg8[%dma_start3A_261, %dma_start3A_262, %dma_start3A_263] : memref<4x128x32xi32, #tpu.memory_space<vmem>> -> memref<1x128x32xi32, #tpu.memory_space<vmem>>
        %dma_start3A_265 = tpu.memref_squeeze %dma_start3A_264 : memref<1x128x32xi32, #tpu.memory_space<vmem>> -> memref<128x32xi32, #tpu.memory_space<vmem>>
        %dma_start3A_266 = arith.constant 0 : i32
        %dma_start3A_267 = tpu.memref_slice %arg6[%add3A_260, %dma_start3A_266] : memref<160x128xi32, #tpu.memory_space<vmem>> -> memref<1x128xi32, #tpu.memory_space<vmem>>
        %dma_start3A_268 = tpu.memref_squeeze %dma_start3A_267 : memref<1x128xi32, #tpu.memory_space<vmem>> -> memref<128xi32, #tpu.memory_space<vmem>>
        %dma_start3A_269 = arith.constant 0 : i32
        %dma_start3A_270 = arith.constant 0 : i32
        %dma_start3A_271 = tpu.memref_slice %arg2[%arg0, %dma_start3A_269, %dma_start3A_270] : memref<2x10240x32xi32, #tpu.memory_space<hbm>> -> memref<1x10240x32xi32, #tpu.memory_space<hbm>>
        %dma_start3A_272 = tpu.memref_squeeze %dma_start3A_271 : memref<1x10240x32xi32, #tpu.memory_space<hbm>> -> memref<10240x32xi32, #tpu.memory_space<hbm>>
        %dma_start3A_273 = arith.constant 0 : i32
        %dma_start3A_274 = arith.constant 0 : i32
        %dma_start3A_275 = tpu.memref_slice %dma_start3A_272[%dma_start3A_273, %dma_start3A_274] : memref<10240x32xi32, #tpu.memory_space<hbm>> -> memref<10240x32xi32, #tpu.memory_space<hbm>>
        tpu.enqueue_indirect_dma source(%dma_start3A_275 : memref<10240x32xi32, #tpu.memory_space<hbm>>) target(%dma_start3A_265 : memref<128x32xi32, #tpu.memory_space<vmem>>) offsets(%dma_start3A_268 : memref<128xi32, #tpu.memory_space<vmem>>) semaphore(%arg13 : memref<!tpu.dma_semaphore, #tpu.memory_space<semaphore_mem>>)
      } else {
      }
      %scan3A_243 = arith.constant 0 : i32
      %scan3A_244 = arith.constant 128 : i32
      %scan3A_245 = arith.addi %scan3A_243, %scan3A_244 : i32
      %scan3A_246 = arith.constant 1 : i32
      scf.for %scan3A_259 = %scan3A_243 to %scan3A_245 step %scan3A_246  : i32 {
        %get3A = arith.constant 3 : i32
        %get3A_260 = arith.index_cast %get3A : i32 to index
        %get3A_261 = arith.index_cast %scan3A_259 : i32 to index
        %get3A_262 = arith.constant 0 : index
        %get3A_263 = tpu.vector_load %arg8[%get3A_260, %get3A_261, %get3A_262] {strides = array<i32>} : memref<4x128x32xi32, #tpu.memory_space<vmem>>, vector<16xi32>,
        %shift_left3A = arith.constant 16 : i32
        %shift_left3A_264 = vector.broadcast %shift_left3A : i32 to vector<16xi32>
        %shift_left3A_265 = arith.shli %get3A_263, %shift_left3A_264 : vector<16xi32>
        %bitcast3A = vector.bitcast %shift_left3A_265 : vector<16xi32> to vector<16xf32>
        %and3A = arith.constant -65536 : i32
        %and3A_266 = vector.broadcast %and3A : i32 to vector<16xi32>
        %and3A_267 = arith.andi %get3A_263, %and3A_266 : vector<16xi32>
        %bitcast3A_268 = vector.bitcast %and3A_267 : vector<16xi32> to vector<16xf32>
        %swap3A = arith.constant 1 : i32
        %swap3A_269 = arith.index_cast %swap3A : i32 to index
        %swap3A_270 = arith.index_cast %scan3A_259 : i32 to index
        %swap3A_271 = arith.constant 0 : index
        %swap3A_272 = tpu.vector_load %arg9[%swap3A_269, %swap3A_270, %swap3A_271] {strides = array<i32>} : memref<2x128x64xf32, #tpu.memory_space<vmem>>, vector<16xf32>,
        tpu.vector_store %arg9[%swap3A_269, %swap3A_270, %swap3A_271], %bitcast3A {strides = array<i32>} : memref<2x128x64xf32, #tpu.memory_space<vmem>>, vector<16xf32>,
        %swap3A_273 = arith.constant 1 : i32
        %swap3A_274 = arith.index_cast %swap3A_273 : i32 to index
        %swap3A_275 = arith.index_cast %scan3A_259 : i32 to index
        %swap3A_276 = arith.constant 16 : index
        %swap3A_277 = tpu.vector_load %arg9[%swap3A_274, %swap3A_275, %swap3A_276] {strides = array<i32>} : memref<2x128x64xf32, #tpu.memory_space<vmem>>, vector<16xf32>,
        tpu.vector_store %arg9[%swap3A_274, %swap3A_275, %swap3A_276], %bitcast3A_268 {strides = array<i32>} : memref<2x128x64xf32, #tpu.memory_space<vmem>>, vector<16xf32>,
        %get3A_278 = arith.constant 3 : i32
        %get3A_279 = arith.index_cast %get3A_278 : i32 to index
        %get3A_280 = arith.index_cast %scan3A_259 : i32 to index
        %get3A_281 = arith.constant 16 : index
        %get3A_282 = tpu.vector_load %arg8[%get3A_279, %get3A_280, %get3A_281] {strides = array<i32>} : memref<4x128x32xi32, #tpu.memory_space<vmem>>, vector<16xi32>,
        %shift_left3A_283 = arith.constant 16 : i32
        %shift_left3A_284 = vector.broadcast %shift_left3A_283 : i32 to vector<16xi32>
        %shift_left3A_285 = arith.shli %get3A_282, %shift_left3A_284 : vector<16xi32>
        %bitcast3A_286 = vector.bitcast %shift_left3A_285 : vector<16xi32> to vector<16xf32>
        %and3A_287 = arith.constant -65536 : i32
        %and3A_288 = vector.broadcast %and3A_287 : i32 to vector<16xi32>
        %and3A_289 = arith.andi %get3A_282, %and3A_288 : vector<16xi32>
        %bitcast3A_290 = vector.bitcast %and3A_289 : vector<16xi32> to vector<16xf32>
        %swap3A_291 = arith.constant 1 : i32
        %swap3A_292 = arith.index_cast %swap3A_291 : i32 to index
        %swap3A_293 = arith.index_cast %scan3A_259 : i32 to index
        %swap3A_294 = arith.constant 32 : index
        %swap3A_295 = tpu.vector_load %arg9[%swap3A_292, %swap3A_293, %swap3A_294] {strides = array<i32>} : memref<2x128x64xf32, #tpu.memory_space<vmem>>, vector<16xf32>,
        tpu.vector_store %arg9[%swap3A_292, %swap3A_293, %swap3A_294], %bitcast3A_286 {strides = array<i32>} : memref<2x128x64xf32, #tpu.memory_space<vmem>>, vector<16xf32>,
        %swap3A_296 = arith.constant 1 : i32
        %swap3A_297 = arith.index_cast %swap3A_296 : i32 to index
        %swap3A_298 = arith.index_cast %scan3A_259 : i32 to index
        %swap3A_299 = arith.constant 48 : index
        %swap3A_300 = tpu.vector_load %arg9[%swap3A_297, %swap3A_298, %swap3A_299] {strides = array<i32>} : memref<2x128x64xf32, #tpu.memory_space<vmem>>, vector<16xf32>,
        tpu.vector_store %arg9[%swap3A_297, %swap3A_298, %swap3A_299], %bitcast3A_290 {strides = array<i32>} : memref<2x128x64xf32, #tpu.memory_space<vmem>>, vector<16xf32>,
      }
      %scan3A_247 = arith.constant 128 : i32
      %dma_start3A_248 = arith.constant 1 : i32
      %dma_start3A_249 = arith.constant 0 : i32
      %dma_start3A_250 = arith.constant 0 : i32
      %dma_start3A_251 = tpu.memref_slice %arg9[%dma_start3A_248, %dma_start3A_249, %dma_start3A_250] : memref<2x128x64xf32, #tpu.memory_space<vmem>> -> memref<1x128x64xf32, #tpu.memory_space<vmem>>
      %dma_start3A_252 = tpu.memref_squeeze %dma_start3A_251 : memref<1x128x64xf32, #tpu.memory_space<vmem>> -> memref<128x64xf32, #tpu.memory_space<vmem>>
      %dma_start3A_253 = arith.constant 0 : i32
      %dma_start3A_254 = tpu.memref_slice %arg7[%add3A_215, %dma_start3A_253] : memref<160x128xi32, #tpu.memory_space<vmem>> -> memref<1x128xi32, #tpu.memory_space<vmem>>
      %dma_start3A_255 = tpu.memref_squeeze %dma_start3A_254 : memref<1x128xi32, #tpu.memory_space<vmem>> -> memref<128xi32, #tpu.memory_space<vmem>>
      %dma_start3A_256 = arith.constant 0 : i32
      %dma_start3A_257 = arith.constant 0 : i32
      %dma_start3A_258 = tpu.memref_slice %arg11[%dma_start3A_256, %dma_start3A_257] : memref<10240x64xf32, #tpu.memory_space<vmem_shared>> -> memref<10240x64xf32, #tpu.memory_space<vmem_shared>>
      tpu.enqueue_indirect_dma source(%dma_start3A_252 : memref<128x64xf32, #tpu.memory_space<vmem>>) target(%dma_start3A_258 : memref<10240x64xf32, #tpu.memory_space<vmem_shared>>) offsets(%dma_start3A_255 : memref<128xi32, #tpu.memory_space<vmem>>) semaphore(%arg17 : memref<!tpu.dma_semaphore, #tpu.memory_space<semaphore_mem>>) {add = true}
    }
    %scan3A_49 = arith.constant 40 : i32
    %dma_wait3A = arith.constant 0 : i32
    %dma_wait3A_50 = arith.constant 158 : i32
    %dma_wait3A_51 = arith.constant 0 : i32
    %dma_wait3A_52 = arith.constant 0 : i32
    %dma_wait3A_53 = tpu.memref_slice %arg9[%dma_wait3A, %dma_wait3A_51, %dma_wait3A_52] : memref<2x128x64xf32, #tpu.memory_space<vmem>> -> memref<1x128x64xf32, #tpu.memory_space<vmem>>
    %dma_wait3A_54 = tpu.memref_squeeze %dma_wait3A_53 : memref<1x128x64xf32, #tpu.memory_space<vmem>> -> memref<128x64xf32, #tpu.memory_space<vmem>>
    %dma_wait3A_55 = arith.constant 0 : i32
    %dma_wait3A_56 = tpu.memref_slice %arg7[%dma_wait3A_50, %dma_wait3A_55] : memref<160x128xi32, #tpu.memory_space<vmem>> -> memref<1x128xi32, #tpu.memory_space<vmem>>
    %dma_wait3A_57 = tpu.memref_squeeze %dma_wait3A_56 : memref<1x128xi32, #tpu.memory_space<vmem>> -> memref<128xi32, #tpu.memory_space<vmem>>
    %dma_wait3A_58 = arith.constant 0 : i32
    %dma_wait3A_59 = arith.constant 0 : i32
    %dma_wait3A_60 = tpu.memref_slice %arg11[%dma_wait3A_58, %dma_wait3A_59] : memref<10240x64xf32, #tpu.memory_space<vmem_shared>> -> memref<10240x64xf32, #tpu.memory_space<vmem_shared>>
    tpu.wait_indirect_dma semaphore(%arg16 : memref<!tpu.dma_semaphore, #tpu.memory_space<semaphore_mem>>) src(%dma_wait3A_54 : memref<128x64xf32, #tpu.memory_space<vmem>>) dst(%dma_wait3A_60 : memref<10240x64xf32, #tpu.memory_space<vmem_shared>>)
    %dma_wait3A_61 = arith.constant 1 : i32
    %dma_wait3A_62 = arith.constant 159 : i32
    %dma_wait3A_63 = arith.constant 0 : i32
    %dma_wait3A_64 = arith.constant 0 : i32
    %dma_wait3A_65 = tpu.memref_slice %arg9[%dma_wait3A_61, %dma_wait3A_63, %dma_wait3A_64] : memref<2x128x64xf32, #tpu.memory_space<vmem>> -> memref<1x128x64xf32, #tpu.memory_space<vmem>>
    %dma_wait3A_66 = tpu.memref_squeeze %dma_wait3A_65 : memref<1x128x64xf32, #tpu.memory_space<vmem>> -> memref<128x64xf32, #tpu.memory_space<vmem>>
    %dma_wait3A_67 = arith.constant 0 : i32
    %dma_wait3A_68 = tpu.memref_slice %arg7[%dma_wait3A_62, %dma_wait3A_67] : memref<160x128xi32, #tpu.memory_space<vmem>> -> memref<1x128xi32, #tpu.memory_space<vmem>>
    %dma_wait3A_69 = tpu.memref_squeeze %dma_wait3A_68 : memref<1x128xi32, #tpu.memory_space<vmem>> -> memref<128xi32, #tpu.memory_space<vmem>>
    %dma_wait3A_70 = arith.constant 0 : i32
    %dma_wait3A_71 = arith.constant 0 : i32
    %dma_wait3A_72 = tpu.memref_slice %arg11[%dma_wait3A_70, %dma_wait3A_71] : memref<10240x64xf32, #tpu.memory_space<vmem_shared>> -> memref<10240x64xf32, #tpu.memory_space<vmem_shared>>
    tpu.wait_indirect_dma semaphore(%arg17 : memref<!tpu.dma_semaphore, #tpu.memory_space<semaphore_mem>>) src(%dma_wait3A_66 : memref<128x64xf32, #tpu.memory_space<vmem>>) dst(%dma_wait3A_72 : memref<10240x64xf32, #tpu.memory_space<vmem_shared>>)
    %barrier3A_73 = arith.constant 0 : index
    tpu.barrier barrier_id(%barrier3A_73)
    "tpu.region"() ({
      %run_scoped3A = tpu.sem_alloc : memref<!tpu.dma_semaphore, #tpu.memory_space<semaphore_mem>>
      %dma_start3A_74 = arith.constant 0 : i32
      %dma_start3A_75 = arith.constant 0 : i32
      %dma_start3A_76 = tpu.memref_slice %arg5[%arg0, %dma_start3A_74, %dma_start3A_75] : memref<2x10240x64xf32, #tpu.memory_space<hbm>> -> memref<1x10240x64xf32, #tpu.memory_space<hbm>>
      %dma_start3A_77 = tpu.memref_squeeze %dma_start3A_76 : memref<1x10240x64xf32, #tpu.memory_space<hbm>> -> memref<10240x64xf32, #tpu.memory_space<hbm>>
      %dma_start3A_78 = arith.constant 0 : i32
      %dma_start3A_79 = tpu.memref_slice %dma_start3A_77[%mul3A_4, %dma_start3A_78] : memref<10240x64xf32, #tpu.memory_space<hbm>> -> memref<640x64xf32, #tpu.memory_space<hbm>>
      %dma_start3A_80 = arith.constant 0 : i32
      %dma_start3A_81 = tpu.memref_slice %arg11[%mul3A_4, %dma_start3A_80] : memref<10240x64xf32, #tpu.memory_space<vmem_shared>> -> memref<640x64xf32, #tpu.memory_space<vmem_shared>>
      tpu.enqueue_dma source(%dma_start3A_81 : memref<640x64xf32, #tpu.memory_space<vmem_shared>>) target(%dma_start3A_79 : memref<640x64xf32, #tpu.memory_space<hbm>>) target_semaphore(%run_scoped3A : memref<!tpu.dma_semaphore, #tpu.memory_space<semaphore_mem>>)
      %dma_wait3A_82 = arith.constant 0 : i32
      %dma_wait3A_83 = arith.constant 0 : i32
      %dma_wait3A_84 = tpu.memref_slice %arg5[%arg0, %dma_wait3A_82, %dma_wait3A_83] : memref<2x10240x64xf32, #tpu.memory_space<hbm>> -> memref<1x10240x64xf32, #tpu.memory_space<hbm>>
      %dma_wait3A_85 = tpu.memref_squeeze %dma_wait3A_84 : memref<1x10240x64xf32, #tpu.memory_space<hbm>> -> memref<10240x64xf32, #tpu.memory_space<hbm>>
      %dma_wait3A_86 = arith.constant 0 : i32
      %dma_wait3A_87 = tpu.memref_slice %dma_wait3A_85[%mul3A_4, %dma_wait3A_86] : memref<10240x64xf32, #tpu.memory_space<hbm>> -> memref<640x64xf32, #tpu.memory_space<hbm>>
      %dma_wait3A_88 = arith.constant 0 : i32
      %dma_wait3A_89 = tpu.memref_slice %arg11[%mul3A_4, %dma_wait3A_88] : memref<10240x64xf32, #tpu.memory_space<vmem_shared>> -> memref<640x64xf32, #tpu.memory_space<vmem_shared>>
      tpu.wait_dma2 semaphore(%run_scoped3A : memref<!tpu.dma_semaphore, #tpu.memory_space<semaphore_mem>>) src(%dma_wait3A_89 : memref<640x64xf32, #tpu.memory_space<vmem_shared>>) dst(%dma_wait3A_87 : memref<640x64xf32, #tpu.memory_space<hbm>>)
      tpu.yield
    }) : () -> ()
    return
  }
}

#map = affine_map<(d0, d1) -> (0, 0, 0)>
module attributes {stable_mosaic.version = 14 : i64} {
  func.func @agg(%arg0: i32, %arg1: i32, %arg2: memref<2x10240x32xi32, #tpu.memory_space<hbm>>, %arg3: memref<16x160x128xi32, #tpu.memory_space<hbm>>, %arg4: memref<16x160x128xi32, #tpu.memory_space<hbm>>, %arg5: memref<2x10240x64xf32, #tpu.memory_space<hbm>>, %arg6: memref<160x128xi32, #tpu.memory_space<vmem>>, %arg7: memref<160x128xi32, #tpu.memory_space<vmem>>, %arg8: memref<4x128x32xi32, #tpu.memory_space<vmem>>, %arg9: memref<2x128x64xf32, #tpu.memory_space<vmem>>, %arg10: memref<128x64xf32, #tpu.memory_space<vmem>>, %arg11: memref<10240x64xf32, #tpu.memory_space<vmem_shared>>, %arg12: memref<!tpu.dma_semaphore, #tpu.memory_space<semaphore_mem>>, %arg13: memref<!tpu.dma_semaphore, #tpu.memory_space<semaphore_mem>>, %arg14: memref<!tpu.dma_semaphore, #tpu.memory_space<semaphore_mem>>, %arg15: memref<!tpu.dma_semaphore, #tpu.memory_space<semaphore_mem>>, %arg16: memref<!tpu.dma_semaphore, #tpu.memory_space<semaphore_mem>>, %arg17: memref<!tpu.dma_semaphore, #tpu.memory_space<semaphore_mem>>) attributes {dimension_semantics = [#tpu.dimension_semantics<core_parallel>, #tpu.dimension_semantics<subcore_parallel>], iteration_bounds = array<i64: 2, 16>, scalar_prefetch = 0 : i64, scratch_operands = 12 : i64, tpu.core_type = #tpu.core_type<sc_vector_subcore>, window_params = [{transform_indices = #map}, {transform_indices = #map}, {transform_indices = #map}, {transform_indices = #map}]} {
    %scan3A = arith.constant 0 : i32
    %scan3A_0 = arith.constant 128 : i32
    %scan3A_1 = arith.addi %scan3A, %scan3A_0 : i32
    %scan3A_2 = arith.constant 1 : i32
    scf.for %scan3A_74 = %scan3A to %scan3A_1 step %scan3A_2  : i32 {
      %broadcast_in_dim3A = arith.constant 0.000000e+00 : f32
      %broadcast_in_dim3A_75 = vector.broadcast %broadcast_in_dim3A : f32 to vector<16xf32>
      %swap3A = arith.index_cast %scan3A_74 : i32 to index
      %swap3A_76 = arith.constant 0 : index
      %swap3A_77 = tpu.vector_load %arg10[%swap3A, %swap3A_76] {strides = array<i32>} : memref<128x64xf32, #tpu.memory_space<vmem>>, vector<16xf32>,
      tpu.vector_store %arg10[%swap3A, %swap3A_76], %broadcast_in_dim3A_75 {strides = array<i32>} : memref<128x64xf32, #tpu.memory_space<vmem>>, vector<16xf32>,
      %broadcast_in_dim3A_78 = arith.constant 0.000000e+00 : f32
      %broadcast_in_dim3A_79 = vector.broadcast %broadcast_in_dim3A_78 : f32 to vector<16xf32>
      %swap3A_80 = arith.index_cast %scan3A_74 : i32 to index
      %swap3A_81 = arith.constant 16 : index
      %swap3A_82 = tpu.vector_load %arg10[%swap3A_80, %swap3A_81] {strides = array<i32>} : memref<128x64xf32, #tpu.memory_space<vmem>>, vector<16xf32>,
      tpu.vector_store %arg10[%swap3A_80, %swap3A_81], %broadcast_in_dim3A_79 {strides = array<i32>} : memref<128x64xf32, #tpu.memory_space<vmem>>, vector<16xf32>,
      %broadcast_in_dim3A_83 = arith.constant 0.000000e+00 : f32
      %broadcast_in_dim3A_84 = vector.broadcast %broadcast_in_dim3A_83 : f32 to vector<16xf32>
      %swap3A_85 = arith.index_cast %scan3A_74 : i32 to index
      %swap3A_86 = arith.constant 32 : index
      %swap3A_87 = tpu.vector_load %arg10[%swap3A_85, %swap3A_86] {strides = array<i32>} : memref<128x64xf32, #tpu.memory_space<vmem>>, vector<16xf32>,
      tpu.vector_store %arg10[%swap3A_85, %swap3A_86], %broadcast_in_dim3A_84 {strides = array<i32>} : memref<128x64xf32, #tpu.memory_space<vmem>>, vector<16xf32>,
      %broadcast_in_dim3A_88 = arith.constant 0.000000e+00 : f32
      %broadcast_in_dim3A_89 = vector.broadcast %broadcast_in_dim3A_88 : f32 to vector<16xf32>
      %swap3A_90 = arith.index_cast %scan3A_74 : i32 to index
      %swap3A_91 = arith.constant 48 : index
      %swap3A_92 = tpu.vector_load %arg10[%swap3A_90, %swap3A_91] {strides = array<i32>} : memref<128x64xf32, #tpu.memory_space<vmem>>, vector<16xf32>,
      tpu.vector_store %arg10[%swap3A_90, %swap3A_91], %broadcast_in_dim3A_89 {strides = array<i32>} : memref<128x64xf32, #tpu.memory_space<vmem>>, vector<16xf32>,
    }
    %scan3A_3 = arith.constant 128 : i32
    %mul3A = arith.constant 640 : i32
    %mul3A_4 = arith.muli %arg1, %mul3A : i32
    %add3A = arith.constant 0 : i32
    %add3A_5 = arith.addi %mul3A_4, %add3A : i32
    "tpu.region"() ({
      %run_scoped3A = tpu.sem_alloc : memref<!tpu.dma_semaphore, #tpu.memory_space<semaphore_mem>>
      %dma_start3A_74 = arith.constant 0 : i32
      %dma_start3A_75 = tpu.memref_slice %arg11[%add3A_5, %dma_start3A_74] : memref<10240x64xf32, #tpu.memory_space<vmem_shared>> -> memref<128x64xf32, #tpu.memory_space<vmem_shared>>
      %dma_start3A_76 = arith.constant 0 : i32
      %dma_start3A_77 = tpu.memref_slice %arg11[%add3A_5, %dma_start3A_76] : memref<10240x64xf32, #tpu.memory_space<vmem_shared>> -> memref<128x64xf32, #tpu.memory_space<vmem_shared>>
      tpu.enqueue_dma source(%arg10 : memref<128x64xf32, #tpu.memory_space<vmem>>) target(%dma_start3A_77 : memref<128x64xf32, #tpu.memory_space<vmem_shared>>) target_semaphore(%run_scoped3A : memref<!tpu.dma_semaphore, #tpu.memory_space<semaphore_mem>>)
      %dma_wait3A_78 = arith.constant 0 : i32
      %dma_wait3A_79 = tpu.memref_slice %arg11[%add3A_5, %dma_wait3A_78] : memref<10240x64xf32, #tpu.memory_space<vmem_shared>> -> memref<128x64xf32, #tpu.memory_space<vmem_shared>>
      %dma_wait3A_80 = arith.constant 0 : i32
      %dma_wait3A_81 = tpu.memref_slice %arg11[%add3A_5, %dma_wait3A_80] : memref<10240x64xf32, #tpu.memory_space<vmem_shared>> -> memref<128x64xf32, #tpu.memory_space<vmem_shared>>
      tpu.wait_dma2 semaphore(%run_scoped3A : memref<!tpu.dma_semaphore, #tpu.memory_space<semaphore_mem>>) src(%arg10 : memref<128x64xf32, #tpu.memory_space<vmem>>) dst(%dma_wait3A_81 : memref<128x64xf32, #tpu.memory_space<vmem_shared>>)
      tpu.yield
    }) : () -> ()
    %add3A_6 = arith.constant 128 : i32
    %add3A_7 = arith.addi %mul3A_4, %add3A_6 : i32
    "tpu.region"() ({
      %run_scoped3A = tpu.sem_alloc : memref<!tpu.dma_semaphore, #tpu.memory_space<semaphore_mem>>
      %dma_start3A_74 = arith.constant 0 : i32
      %dma_start3A_75 = tpu.memref_slice %arg11[%add3A_7, %dma_start3A_74] : memref<10240x64xf32, #tpu.memory_space<vmem_shared>> -> memref<128x64xf32, #tpu.memory_space<vmem_shared>>
      %dma_start3A_76 = arith.constant 0 : i32
      %dma_start3A_77 = tpu.memref_slice %arg11[%add3A_7, %dma_start3A_76] : memref<10240x64xf32, #tpu.memory_space<vmem_shared>> -> memref<128x64xf32, #tpu.memory_space<vmem_shared>>
      tpu.enqueue_dma source(%arg10 : memref<128x64xf32, #tpu.memory_space<vmem>>) target(%dma_start3A_77 : memref<128x64xf32, #tpu.memory_space<vmem_shared>>) target_semaphore(%run_scoped3A : memref<!tpu.dma_semaphore, #tpu.memory_space<semaphore_mem>>)
      %dma_wait3A_78 = arith.constant 0 : i32
      %dma_wait3A_79 = tpu.memref_slice %arg11[%add3A_7, %dma_wait3A_78] : memref<10240x64xf32, #tpu.memory_space<vmem_shared>> -> memref<128x64xf32, #tpu.memory_space<vmem_shared>>
      %dma_wait3A_80 = arith.constant 0 : i32
      %dma_wait3A_81 = tpu.memref_slice %arg11[%add3A_7, %dma_wait3A_80] : memref<10240x64xf32, #tpu.memory_space<vmem_shared>> -> memref<128x64xf32, #tpu.memory_space<vmem_shared>>
      tpu.wait_dma2 semaphore(%run_scoped3A : memref<!tpu.dma_semaphore, #tpu.memory_space<semaphore_mem>>) src(%arg10 : memref<128x64xf32, #tpu.memory_space<vmem>>) dst(%dma_wait3A_81 : memref<128x64xf32, #tpu.memory_space<vmem_shared>>)
      tpu.yield
    }) : () -> ()
    %add3A_8 = arith.constant 256 : i32
    %add3A_9 = arith.addi %mul3A_4, %add3A_8 : i32
    "tpu.region"() ({
      %run_scoped3A = tpu.sem_alloc : memref<!tpu.dma_semaphore, #tpu.memory_space<semaphore_mem>>
      %dma_start3A_74 = arith.constant 0 : i32
      %dma_start3A_75 = tpu.memref_slice %arg11[%add3A_9, %dma_start3A_74] : memref<10240x64xf32, #tpu.memory_space<vmem_shared>> -> memref<128x64xf32, #tpu.memory_space<vmem_shared>>
      %dma_start3A_76 = arith.constant 0 : i32
      %dma_start3A_77 = tpu.memref_slice %arg11[%add3A_9, %dma_start3A_76] : memref<10240x64xf32, #tpu.memory_space<vmem_shared>> -> memref<128x64xf32, #tpu.memory_space<vmem_shared>>
      tpu.enqueue_dma source(%arg10 : memref<128x64xf32, #tpu.memory_space<vmem>>) target(%dma_start3A_77 : memref<128x64xf32, #tpu.memory_space<vmem_shared>>) target_semaphore(%run_scoped3A : memref<!tpu.dma_semaphore, #tpu.memory_space<semaphore_mem>>)
      %dma_wait3A_78 = arith.constant 0 : i32
      %dma_wait3A_79 = tpu.memref_slice %arg11[%add3A_9, %dma_wait3A_78] : memref<10240x64xf32, #tpu.memory_space<vmem_shared>> -> memref<128x64xf32, #tpu.memory_space<vmem_shared>>
      %dma_wait3A_80 = arith.constant 0 : i32
      %dma_wait3A_81 = tpu.memref_slice %arg11[%add3A_9, %dma_wait3A_80] : memref<10240x64xf32, #tpu.memory_space<vmem_shared>> -> memref<128x64xf32, #tpu.memory_space<vmem_shared>>
      tpu.wait_dma2 semaphore(%run_scoped3A : memref<!tpu.dma_semaphore, #tpu.memory_space<semaphore_mem>>) src(%arg10 : memref<128x64xf32, #tpu.memory_space<vmem>>) dst(%dma_wait3A_81 : memref<128x64xf32, #tpu.memory_space<vmem_shared>>)
      tpu.yield
    }) : () -> ()
    %add3A_10 = arith.constant 384 : i32
    %add3A_11 = arith.addi %mul3A_4, %add3A_10 : i32
    "tpu.region"() ({
      %run_scoped3A = tpu.sem_alloc : memref<!tpu.dma_semaphore, #tpu.memory_space<semaphore_mem>>
      %dma_start3A_74 = arith.constant 0 : i32
      %dma_start3A_75 = tpu.memref_slice %arg11[%add3A_11, %dma_start3A_74] : memref<10240x64xf32, #tpu.memory_space<vmem_shared>> -> memref<128x64xf32, #tpu.memory_space<vmem_shared>>
      %dma_start3A_76 = arith.constant 0 : i32
      %dma_start3A_77 = tpu.memref_slice %arg11[%add3A_11, %dma_start3A_76] : memref<10240x64xf32, #tpu.memory_space<vmem_shared>> -> memref<128x64xf32, #tpu.memory_space<vmem_shared>>
      tpu.enqueue_dma source(%arg10 : memref<128x64xf32, #tpu.memory_space<vmem>>) target(%dma_start3A_77 : memref<128x64xf32, #tpu.memory_space<vmem_shared>>) target_semaphore(%run_scoped3A : memref<!tpu.dma_semaphore, #tpu.memory_space<semaphore_mem>>)
      %dma_wait3A_78 = arith.constant 0 : i32
      %dma_wait3A_79 = tpu.memref_slice %arg11[%add3A_11, %dma_wait3A_78] : memref<10240x64xf32, #tpu.memory_space<vmem_shared>> -> memref<128x64xf32, #tpu.memory_space<vmem_shared>>
      %dma_wait3A_80 = arith.constant 0 : i32
      %dma_wait3A_81 = tpu.memref_slice %arg11[%add3A_11, %dma_wait3A_80] : memref<10240x64xf32, #tpu.memory_space<vmem_shared>> -> memref<128x64xf32, #tpu.memory_space<vmem_shared>>
      tpu.wait_dma2 semaphore(%run_scoped3A : memref<!tpu.dma_semaphore, #tpu.memory_space<semaphore_mem>>) src(%arg10 : memref<128x64xf32, #tpu.memory_space<vmem>>) dst(%dma_wait3A_81 : memref<128x64xf32, #tpu.memory_space<vmem_shared>>)
      tpu.yield
    }) : () -> ()
    %add3A_12 = arith.constant 512 : i32
    %add3A_13 = arith.addi %mul3A_4, %add3A_12 : i32
    "tpu.region"() ({
      %run_scoped3A = tpu.sem_alloc : memref<!tpu.dma_semaphore, #tpu.memory_space<semaphore_mem>>
      %dma_start3A_74 = arith.constant 0 : i32
      %dma_start3A_75 = tpu.memref_slice %arg11[%add3A_13, %dma_start3A_74] : memref<10240x64xf32, #tpu.memory_space<vmem_shared>> -> memref<128x64xf32, #tpu.memory_space<vmem_shared>>
      %dma_start3A_76 = arith.constant 0 : i32
      %dma_start3A_77 = tpu.memref_slice %arg11[%add3A_13, %dma_start3A_76] : memref<10240x64xf32, #tpu.memory_space<vmem_shared>> -> memref<128x64xf32, #tpu.memory_space<vmem_shared>>
      tpu.enqueue_dma source(%arg10 : memref<128x64xf32, #tpu.memory_space<vmem>>) target(%dma_start3A_77 : memref<128x64xf32, #tpu.memory_space<vmem_shared>>) target_semaphore(%run_scoped3A : memref<!tpu.dma_semaphore, #tpu.memory_space<semaphore_mem>>)
      %dma_wait3A_78 = arith.constant 0 : i32
      %dma_wait3A_79 = tpu.memref_slice %arg11[%add3A_13, %dma_wait3A_78] : memref<10240x64xf32, #tpu.memory_space<vmem_shared>> -> memref<128x64xf32, #tpu.memory_space<vmem_shared>>
      %dma_wait3A_80 = arith.constant 0 : i32
      %dma_wait3A_81 = tpu.memref_slice %arg11[%add3A_13, %dma_wait3A_80] : memref<10240x64xf32, #tpu.memory_space<vmem_shared>> -> memref<128x64xf32, #tpu.memory_space<vmem_shared>>
      tpu.wait_dma2 semaphore(%run_scoped3A : memref<!tpu.dma_semaphore, #tpu.memory_space<semaphore_mem>>) src(%arg10 : memref<128x64xf32, #tpu.memory_space<vmem>>) dst(%dma_wait3A_81 : memref<128x64xf32, #tpu.memory_space<vmem_shared>>)
      tpu.yield
    }) : () -> ()
    "tpu.region"() ({
      %run_scoped3A = tpu.sem_alloc : memref<!tpu.dma_semaphore, #tpu.memory_space<semaphore_mem>>
      %dma_start3A_74 = arith.constant 0 : i32
      %dma_start3A_75 = arith.constant 0 : i32
      %dma_start3A_76 = tpu.memref_slice %arg3[%arg1, %dma_start3A_74, %dma_start3A_75] : memref<16x160x128xi32, #tpu.memory_space<hbm>> -> memref<1x160x128xi32, #tpu.memory_space<hbm>>
      %dma_start3A_77 = tpu.memref_squeeze %dma_start3A_76 : memref<1x160x128xi32, #tpu.memory_space<hbm>> -> memref<160x128xi32, #tpu.memory_space<hbm>>
      %dma_start3A_78 = arith.constant 0 : i32
      %dma_start3A_79 = arith.constant 0 : i32
      %dma_start3A_80 = tpu.memref_slice %arg3[%arg1, %dma_start3A_78, %dma_start3A_79] : memref<16x160x128xi32, #tpu.memory_space<hbm>> -> memref<1x160x128xi32, #tpu.memory_space<hbm>>
      %dma_start3A_81 = tpu.memref_squeeze %dma_start3A_80 : memref<1x160x128xi32, #tpu.memory_space<hbm>> -> memref<160x128xi32, #tpu.memory_space<hbm>>
      tpu.enqueue_dma source(%dma_start3A_81 : memref<160x128xi32, #tpu.memory_space<hbm>>) target(%arg6 : memref<160x128xi32, #tpu.memory_space<vmem>>) target_semaphore(%run_scoped3A : memref<!tpu.dma_semaphore, #tpu.memory_space<semaphore_mem>>)
      %dma_wait3A_82 = arith.constant 0 : i32
      %dma_wait3A_83 = arith.constant 0 : i32
      %dma_wait3A_84 = tpu.memref_slice %arg3[%arg1, %dma_wait3A_82, %dma_wait3A_83] : memref<16x160x128xi32, #tpu.memory_space<hbm>> -> memref<1x160x128xi32, #tpu.memory_space<hbm>>
      %dma_wait3A_85 = tpu.memref_squeeze %dma_wait3A_84 : memref<1x160x128xi32, #tpu.memory_space<hbm>> -> memref<160x128xi32, #tpu.memory_space<hbm>>
      %dma_wait3A_86 = arith.constant 0 : i32
      %dma_wait3A_87 = arith.constant 0 : i32
      %dma_wait3A_88 = tpu.memref_slice %arg3[%arg1, %dma_wait3A_86, %dma_wait3A_87] : memref<16x160x128xi32, #tpu.memory_space<hbm>> -> memref<1x160x128xi32, #tpu.memory_space<hbm>>
      %dma_wait3A_89 = tpu.memref_squeeze %dma_wait3A_88 : memref<1x160x128xi32, #tpu.memory_space<hbm>> -> memref<160x128xi32, #tpu.memory_space<hbm>>
      tpu.wait_dma2 semaphore(%run_scoped3A : memref<!tpu.dma_semaphore, #tpu.memory_space<semaphore_mem>>) src(%dma_wait3A_89 : memref<160x128xi32, #tpu.memory_space<hbm>>) dst(%arg6 : memref<160x128xi32, #tpu.memory_space<vmem>>)
      tpu.yield
    }) : () -> ()
    "tpu.region"() ({
      %run_scoped3A = tpu.sem_alloc : memref<!tpu.dma_semaphore, #tpu.memory_space<semaphore_mem>>
      %dma_start3A_74 = arith.constant 0 : i32
      %dma_start3A_75 = arith.constant 0 : i32
      %dma_start3A_76 = tpu.memref_slice %arg4[%arg1, %dma_start3A_74, %dma_start3A_75] : memref<16x160x128xi32, #tpu.memory_space<hbm>> -> memref<1x160x128xi32, #tpu.memory_space<hbm>>
      %dma_start3A_77 = tpu.memref_squeeze %dma_start3A_76 : memref<1x160x128xi32, #tpu.memory_space<hbm>> -> memref<160x128xi32, #tpu.memory_space<hbm>>
      %dma_start3A_78 = arith.constant 0 : i32
      %dma_start3A_79 = arith.constant 0 : i32
      %dma_start3A_80 = tpu.memref_slice %arg4[%arg1, %dma_start3A_78, %dma_start3A_79] : memref<16x160x128xi32, #tpu.memory_space<hbm>> -> memref<1x160x128xi32, #tpu.memory_space<hbm>>
      %dma_start3A_81 = tpu.memref_squeeze %dma_start3A_80 : memref<1x160x128xi32, #tpu.memory_space<hbm>> -> memref<160x128xi32, #tpu.memory_space<hbm>>
      tpu.enqueue_dma source(%dma_start3A_81 : memref<160x128xi32, #tpu.memory_space<hbm>>) target(%arg7 : memref<160x128xi32, #tpu.memory_space<vmem>>) target_semaphore(%run_scoped3A : memref<!tpu.dma_semaphore, #tpu.memory_space<semaphore_mem>>)
      %dma_wait3A_82 = arith.constant 0 : i32
      %dma_wait3A_83 = arith.constant 0 : i32
      %dma_wait3A_84 = tpu.memref_slice %arg4[%arg1, %dma_wait3A_82, %dma_wait3A_83] : memref<16x160x128xi32, #tpu.memory_space<hbm>> -> memref<1x160x128xi32, #tpu.memory_space<hbm>>
      %dma_wait3A_85 = tpu.memref_squeeze %dma_wait3A_84 : memref<1x160x128xi32, #tpu.memory_space<hbm>> -> memref<160x128xi32, #tpu.memory_space<hbm>>
      %dma_wait3A_86 = arith.constant 0 : i32
      %dma_wait3A_87 = arith.constant 0 : i32
      %dma_wait3A_88 = tpu.memref_slice %arg4[%arg1, %dma_wait3A_86, %dma_wait3A_87] : memref<16x160x128xi32, #tpu.memory_space<hbm>> -> memref<1x160x128xi32, #tpu.memory_space<hbm>>
      %dma_wait3A_89 = tpu.memref_squeeze %dma_wait3A_88 : memref<1x160x128xi32, #tpu.memory_space<hbm>> -> memref<160x128xi32, #tpu.memory_space<hbm>>
      tpu.wait_dma2 semaphore(%run_scoped3A : memref<!tpu.dma_semaphore, #tpu.memory_space<semaphore_mem>>) src(%dma_wait3A_89 : memref<160x128xi32, #tpu.memory_space<hbm>>) dst(%arg7 : memref<160x128xi32, #tpu.memory_space<vmem>>)
      tpu.yield
    }) : () -> ()
    %barrier3A = arith.constant 0 : index
    tpu.barrier barrier_id(%barrier3A)
    %dma_start3A = arith.constant 0 : i32
    %dma_start3A_14 = arith.constant 0 : i32
    %dma_start3A_15 = arith.constant 0 : i32
    %dma_start3A_16 = arith.constant 0 : i32
    %dma_start3A_17 = tpu.memref_slice %arg8[%dma_start3A_14, %dma_start3A_15, %dma_start3A_16] : memref<4x128x32xi32, #tpu.memory_space<vmem>> -> memref<1x128x32xi32, #tpu.memory_space<vmem>>
    %dma_start3A_18 = tpu.memref_squeeze %dma_start3A_17 : memref<1x128x32xi32, #tpu.memory_space<vmem>> -> memref<128x32xi32, #tpu.memory_space<vmem>>
    %dma_start3A_19 = arith.constant 0 : i32
    %dma_start3A_20 = tpu.memref_slice %arg6[%dma_start3A, %dma_start3A_19] : memref<160x128xi32, #tpu.memory_space<vmem>> -> memref<1x128xi32, #tpu.memory_space<vmem>>
    %dma_start3A_21 = tpu.memref_squeeze %dma_start3A_20 : memref<1x128xi32, #tpu.memory_space<vmem>> -> memref<128xi32, #tpu.memory_space<vmem>>
    %dma_start3A_22 = arith.constant 0 : i32
    %dma_start3A_23 = arith.constant 0 : i32
    %dma_start3A_24 = tpu.memref_slice %arg2[%arg0, %dma_start3A_22, %dma_start3A_23] : memref<2x10240x32xi32, #tpu.memory_space<hbm>> -> memref<1x10240x32xi32, #tpu.memory_space<hbm>>
    %dma_start3A_25 = tpu.memref_squeeze %dma_start3A_24 : memref<1x10240x32xi32, #tpu.memory_space<hbm>> -> memref<10240x32xi32, #tpu.memory_space<hbm>>
    %dma_start3A_26 = arith.constant 0 : i32
    %dma_start3A_27 = arith.constant 0 : i32
    %dma_start3A_28 = tpu.memref_slice %dma_start3A_25[%dma_start3A_26, %dma_start3A_27] : memref<10240x32xi32, #tpu.memory_space<hbm>> -> memref<10240x32xi32, #tpu.memory_space<hbm>>
    tpu.enqueue_indirect_dma source(%dma_start3A_28 : memref<10240x32xi32, #tpu.memory_space<hbm>>) target(%dma_start3A_18 : memref<128x32xi32, #tpu.memory_space<vmem>>) offsets(%dma_start3A_21 : memref<128xi32, #tpu.memory_space<vmem>>) semaphore(%arg12 : memref<!tpu.dma_semaphore, #tpu.memory_space<semaphore_mem>>)
    %dma_start3A_29 = arith.constant 1 : i32
    %dma_start3A_30 = arith.constant 1 : i32
    %dma_start3A_31 = arith.constant 0 : i32
    %dma_start3A_32 = arith.constant 0 : i32
    %dma_start3A_33 = tpu.memref_slice %arg8[%dma_start3A_30, %dma_start3A_31, %dma_start3A_32] : memref<4x128x32xi32, #tpu.memory_space<vmem>> -> memref<1x128x32xi32, #tpu.memory_space<vmem>>
    %dma_start3A_34 = tpu.memref_squeeze %dma_start3A_33 : memref<1x128x32xi32, #tpu.memory_space<vmem>> -> memref<128x32xi32, #tpu.memory_space<vmem>>
    %dma_start3A_35 = arith.constant 0 : i32
    %dma_start3A_36 = tpu.memref_slice %arg6[%dma_start3A_29, %dma_start3A_35] : memref<160x128xi32, #tpu.memory_space<vmem>> -> memref<1x128xi32, #tpu.memory_space<vmem>>
    %dma_start3A_37 = tpu.memref_squeeze %dma_start3A_36 : memref<1x128xi32, #tpu.memory_space<vmem>> -> memref<128xi32, #tpu.memory_space<vmem>>
    %dma_start3A_38 = arith.constant 0 : i32
    %dma_start3A_39 = arith.constant 0 : i32
    %dma_start3A_40 = tpu.memref_slice %arg2[%arg0, %dma_start3A_38, %dma_start3A_39] : memref<2x10240x32xi32, #tpu.memory_space<hbm>> -> memref<1x10240x32xi32, #tpu.memory_space<hbm>>
    %dma_start3A_41 = tpu.memref_squeeze %dma_start3A_40 : memref<1x10240x32xi32, #tpu.memory_space<hbm>> -> memref<10240x32xi32, #tpu.memory_space<hbm>>
    %dma_start3A_42 = arith.constant 0 : i32
    %dma_start3A_43 = arith.constant 0 : i32
    %dma_start3A_44 = tpu.memref_slice %dma_start3A_41[%dma_start3A_42, %dma_start3A_43] : memref<10240x32xi32, #tpu.memory_space<hbm>> -> memref<10240x32xi32, #tpu.memory_space<hbm>>
    tpu.enqueue_indirect_dma source(%dma_start3A_44 : memref<10240x32xi32, #tpu.memory_space<hbm>>) target(%dma_start3A_34 : memref<128x32xi32, #tpu.memory_space<vmem>>) offsets(%dma_start3A_37 : memref<128xi32, #tpu.memory_space<vmem>>) semaphore(%arg13 : memref<!tpu.dma_semaphore, #tpu.memory_space<semaphore_mem>>)
    %scan3A_45 = arith.constant 0 : i32
    %scan3A_46 = arith.constant 40 : i32
    %scan3A_47 = arith.addi %scan3A_45, %scan3A_46 : i32
    %scan3A_48 = arith.constant 1 : i32
    scf.for %scan3A_74 = %scan3A_45 to %scan3A_47 step %scan3A_48  : i32 {
      %mul3A_75 = arith.constant 4 : i32
      %mul3A_76 = arith.muli %mul3A_75, %scan3A_74 : i32
      %add3A_77 = arith.constant 0 : i32
      %add3A_78 = arith.addi %mul3A_76, %add3A_77 : i32
      %ge3A = arith.constant 2 : i32
      %ge3A_79 = arith.cmpi sge, %add3A_78, %ge3A : i32
      %convert_element_type3A = arith.extui %ge3A_79 : i1 to i32
      %cond3A = arith.constant 0 : i32
      %cond3A_80 = arith.cmpi ne, %convert_element_type3A, %cond3A : i32
      scf.if %cond3A_80 {
        %sub3A = arith.constant 2 : i32
        %sub3A_259 = arith.subi %add3A_78, %sub3A : i32
        %dma_wait3A_260 = arith.constant 0 : i32
        %dma_wait3A_261 = arith.constant 0 : i32
        %dma_wait3A_262 = arith.constant 0 : i32
        %dma_wait3A_263 = tpu.memref_slice %arg9[%dma_wait3A_260, %dma_wait3A_261, %dma_wait3A_262] : memref<2x128x64xf32, #tpu.memory_space<vmem>> -> memref<1x128x64xf32, #tpu.memory_space<vmem>>
        %dma_wait3A_264 = tpu.memref_squeeze %dma_wait3A_263 : memref<1x128x64xf32, #tpu.memory_space<vmem>> -> memref<128x64xf32, #tpu.memory_space<vmem>>
        %dma_wait3A_265 = arith.constant 0 : i32
        %dma_wait3A_266 = tpu.memref_slice %arg7[%sub3A_259, %dma_wait3A_265] : memref<160x128xi32, #tpu.memory_space<vmem>> -> memref<1x128xi32, #tpu.memory_space<vmem>>
        %dma_wait3A_267 = tpu.memref_squeeze %dma_wait3A_266 : memref<1x128xi32, #tpu.memory_space<vmem>> -> memref<128xi32, #tpu.memory_space<vmem>>
        %dma_wait3A_268 = arith.constant 0 : i32
        %dma_wait3A_269 = arith.constant 0 : i32
        %dma_wait3A_270 = tpu.memref_slice %arg11[%dma_wait3A_268, %dma_wait3A_269] : memref<10240x64xf32, #tpu.memory_space<vmem_shared>> -> memref<10240x64xf32, #tpu.memory_space<vmem_shared>>
        tpu.wait_indirect_dma semaphore(%arg16 : memref<!tpu.dma_semaphore, #tpu.memory_space<semaphore_mem>>) src(%dma_wait3A_264 : memref<128x64xf32, #tpu.memory_space<vmem>>) dst(%dma_wait3A_270 : memref<10240x64xf32, #tpu.memory_space<vmem_shared>>)
      } else {
      }
      %dma_wait3A_81 = arith.constant 0 : i32
      %dma_wait3A_82 = arith.constant 0 : i32
      %dma_wait3A_83 = arith.constant 0 : i32
      %dma_wait3A_84 = tpu.memref_slice %arg8[%dma_wait3A_81, %dma_wait3A_82, %dma_wait3A_83] : memref<4x128x32xi32, #tpu.memory_space<vmem>> -> memref<1x128x32xi32, #tpu.memory_space<vmem>>
      %dma_wait3A_85 = tpu.memref_squeeze %dma_wait3A_84 : memref<1x128x32xi32, #tpu.memory_space<vmem>> -> memref<128x32xi32, #tpu.memory_space<vmem>>
      %dma_wait3A_86 = arith.constant 0 : i32
      %dma_wait3A_87 = tpu.memref_slice %arg6[%add3A_78, %dma_wait3A_86] : memref<160x128xi32, #tpu.memory_space<vmem>> -> memref<1x128xi32, #tpu.memory_space<vmem>>
      %dma_wait3A_88 = tpu.memref_squeeze %dma_wait3A_87 : memref<1x128xi32, #tpu.memory_space<vmem>> -> memref<128xi32, #tpu.memory_space<vmem>>
      %dma_wait3A_89 = arith.constant 0 : i32
      %dma_wait3A_90 = arith.constant 0 : i32
      %dma_wait3A_91 = tpu.memref_slice %arg2[%arg0, %dma_wait3A_89, %dma_wait3A_90] : memref<2x10240x32xi32, #tpu.memory_space<hbm>> -> memref<1x10240x32xi32, #tpu.memory_space<hbm>>
      %dma_wait3A_92 = tpu.memref_squeeze %dma_wait3A_91 : memref<1x10240x32xi32, #tpu.memory_space<hbm>> -> memref<10240x32xi32, #tpu.memory_space<hbm>>
      %dma_wait3A_93 = arith.constant 0 : i32
      %dma_wait3A_94 = arith.constant 0 : i32
      %dma_wait3A_95 = tpu.memref_slice %dma_wait3A_92[%dma_wait3A_93, %dma_wait3A_94] : memref<10240x32xi32, #tpu.memory_space<hbm>> -> memref<10240x32xi32, #tpu.memory_space<hbm>>
      tpu.wait_indirect_dma semaphore(%arg12 : memref<!tpu.dma_semaphore, #tpu.memory_space<semaphore_mem>>) src(%dma_wait3A_95 : memref<10240x32xi32, #tpu.memory_space<hbm>>) dst(%dma_wait3A_85 : memref<128x32xi32, #tpu.memory_space<vmem>>)
      %add3A_96 = arith.constant 2 : i32
      %add3A_97 = arith.addi %add3A_78, %add3A_96 : i32
      %lt3A = arith.constant 160 : i32
      %lt3A_98 = arith.cmpi slt, %add3A_97, %lt3A : i32
      %convert_element_type3A_99 = arith.extui %lt3A_98 : i1 to i32
      %cond3A_100 = arith.constant 0 : i32
      %cond3A_101 = arith.cmpi ne, %convert_element_type3A_99, %cond3A_100 : i32
      scf.if %cond3A_101 {
        %add3A_259 = arith.constant 2 : i32
        %add3A_260 = arith.addi %add3A_78, %add3A_259 : i32
        %dma_start3A_261 = arith.constant 2 : i32
        %dma_start3A_262 = arith.constant 0 : i32
        %dma_start3A_263 = arith.constant 0 : i32
        %dma_start3A_264 = tpu.memref_slice %arg8[%dma_start3A_261, %dma_start3A_262, %dma_start3A_263] : memref<4x128x32xi32, #tpu.memory_space<vmem>> -> memref<1x128x32xi32, #tpu.memory_space<vmem>>
        %dma_start3A_265 = tpu.memref_squeeze %dma_start3A_264 : memref<1x128x32xi32, #tpu.memory_space<vmem>> -> memref<128x32xi32, #tpu.memory_space<vmem>>
        %dma_start3A_266 = arith.constant 0 : i32
        %dma_start3A_267 = tpu.memref_slice %arg6[%add3A_260, %dma_start3A_266] : memref<160x128xi32, #tpu.memory_space<vmem>> -> memref<1x128xi32, #tpu.memory_space<vmem>>
        %dma_start3A_268 = tpu.memref_squeeze %dma_start3A_267 : memref<1x128xi32, #tpu.memory_space<vmem>> -> memref<128xi32, #tpu.memory_space<vmem>>
        %dma_start3A_269 = arith.constant 0 : i32
        %dma_start3A_270 = arith.constant 0 : i32
        %dma_start3A_271 = tpu.memref_slice %arg2[%arg0, %dma_start3A_269, %dma_start3A_270] : memref<2x10240x32xi32, #tpu.memory_space<hbm>> -> memref<1x10240x32xi32, #tpu.memory_space<hbm>>
        %dma_start3A_272 = tpu.memref_squeeze %dma_start3A_271 : memref<1x10240x32xi32, #tpu.memory_space<hbm>> -> memref<10240x32xi32, #tpu.memory_space<hbm>>
        %dma_start3A_273 = arith.constant 0 : i32
        %dma_start3A_274 = arith.constant 0 : i32
        %dma_start3A_275 = tpu.memref_slice %dma_start3A_272[%dma_start3A_273, %dma_start3A_274] : memref<10240x32xi32, #tpu.memory_space<hbm>> -> memref<10240x32xi32, #tpu.memory_space<hbm>>
        tpu.enqueue_indirect_dma source(%dma_start3A_275 : memref<10240x32xi32, #tpu.memory_space<hbm>>) target(%dma_start3A_265 : memref<128x32xi32, #tpu.memory_space<vmem>>) offsets(%dma_start3A_268 : memref<128xi32, #tpu.memory_space<vmem>>) semaphore(%arg14 : memref<!tpu.dma_semaphore, #tpu.memory_space<semaphore_mem>>)
      } else {
      }
      %scan3A_102 = arith.constant 0 : i32
      %scan3A_103 = arith.constant 128 : i32
      %scan3A_104 = arith.addi %scan3A_102, %scan3A_103 : i32
      %scan3A_105 = arith.constant 1 : i32
      scf.for %scan3A_259 = %scan3A_102 to %scan3A_104 step %scan3A_105  : i32 {
        %get3A = arith.constant 0 : i32
        %get3A_260 = arith.index_cast %get3A : i32 to index
        %get3A_261 = arith.index_cast %scan3A_259 : i32 to index
        %get3A_262 = arith.constant 0 : index
        %get3A_263 = tpu.vector_load %arg8[%get3A_260, %get3A_261, %get3A_262] {strides = array<i32>} : memref<4x128x32xi32, #tpu.memory_space<vmem>>, vector<16xi32>,
        %shift_left3A = arith.constant 16 : i32
        %shift_left3A_264 = vector.broadcast %shift_left3A : i32 to vector<16xi32>
        %shift_left3A_265 = arith.shli %get3A_263, %shift_left3A_264 : vector<16xi32>
        %bitcast3A = vector.bitcast %shift_left3A_265 : vector<16xi32> to vector<16xf32>
        %and3A = arith.constant -65536 : i32
        %and3A_266 = vector.broadcast %and3A : i32 to vector<16xi32>
        %and3A_267 = arith.andi %get3A_263, %and3A_266 : vector<16xi32>
        %bitcast3A_268 = vector.bitcast %and3A_267 : vector<16xi32> to vector<16xf32>
        %swap3A = arith.constant 0 : i32
        %swap3A_269 = arith.index_cast %swap3A : i32 to index
        %swap3A_270 = arith.index_cast %scan3A_259 : i32 to index
        %swap3A_271 = arith.constant 0 : index
        %swap3A_272 = tpu.vector_load %arg9[%swap3A_269, %swap3A_270, %swap3A_271] {strides = array<i32>} : memref<2x128x64xf32, #tpu.memory_space<vmem>>, vector<16xf32>,
        tpu.vector_store %arg9[%swap3A_269, %swap3A_270, %swap3A_271], %bitcast3A {strides = array<i32>} : memref<2x128x64xf32, #tpu.memory_space<vmem>>, vector<16xf32>,
        %swap3A_273 = arith.constant 0 : i32
        %swap3A_274 = arith.index_cast %swap3A_273 : i32 to index
        %swap3A_275 = arith.index_cast %scan3A_259 : i32 to index
        %swap3A_276 = arith.constant 16 : index
        %swap3A_277 = tpu.vector_load %arg9[%swap3A_274, %swap3A_275, %swap3A_276] {strides = array<i32>} : memref<2x128x64xf32, #tpu.memory_space<vmem>>, vector<16xf32>,
        tpu.vector_store %arg9[%swap3A_274, %swap3A_275, %swap3A_276], %bitcast3A_268 {strides = array<i32>} : memref<2x128x64xf32, #tpu.memory_space<vmem>>, vector<16xf32>,
        %get3A_278 = arith.constant 0 : i32
        %get3A_279 = arith.index_cast %get3A_278 : i32 to index
        %get3A_280 = arith.index_cast %scan3A_259 : i32 to index
        %get3A_281 = arith.constant 16 : index
        %get3A_282 = tpu.vector_load %arg8[%get3A_279, %get3A_280, %get3A_281] {strides = array<i32>} : memref<4x128x32xi32, #tpu.memory_space<vmem>>, vector<16xi32>,
        %shift_left3A_283 = arith.constant 16 : i32
        %shift_left3A_284 = vector.broadcast %shift_left3A_283 : i32 to vector<16xi32>
        %shift_left3A_285 = arith.shli %get3A_282, %shift_left3A_284 : vector<16xi32>
        %bitcast3A_286 = vector.bitcast %shift_left3A_285 : vector<16xi32> to vector<16xf32>
        %and3A_287 = arith.constant -65536 : i32
        %and3A_288 = vector.broadcast %and3A_287 : i32 to vector<16xi32>
        %and3A_289 = arith.andi %get3A_282, %and3A_288 : vector<16xi32>
        %bitcast3A_290 = vector.bitcast %and3A_289 : vector<16xi32> to vector<16xf32>
        %swap3A_291 = arith.constant 0 : i32
        %swap3A_292 = arith.index_cast %swap3A_291 : i32 to index
        %swap3A_293 = arith.index_cast %scan3A_259 : i32 to index
        %swap3A_294 = arith.constant 32 : index
        %swap3A_295 = tpu.vector_load %arg9[%swap3A_292, %swap3A_293, %swap3A_294] {strides = array<i32>} : memref<2x128x64xf32, #tpu.memory_space<vmem>>, vector<16xf32>,
        tpu.vector_store %arg9[%swap3A_292, %swap3A_293, %swap3A_294], %bitcast3A_286 {strides = array<i32>} : memref<2x128x64xf32, #tpu.memory_space<vmem>>, vector<16xf32>,
        %swap3A_296 = arith.constant 0 : i32
        %swap3A_297 = arith.index_cast %swap3A_296 : i32 to index
        %swap3A_298 = arith.index_cast %scan3A_259 : i32 to index
        %swap3A_299 = arith.constant 48 : index
        %swap3A_300 = tpu.vector_load %arg9[%swap3A_297, %swap3A_298, %swap3A_299] {strides = array<i32>} : memref<2x128x64xf32, #tpu.memory_space<vmem>>, vector<16xf32>,
        tpu.vector_store %arg9[%swap3A_297, %swap3A_298, %swap3A_299], %bitcast3A_290 {strides = array<i32>} : memref<2x128x64xf32, #tpu.memory_space<vmem>>, vector<16xf32>,
      }
      %scan3A_106 = arith.constant 128 : i32
      %dma_start3A_107 = arith.constant 0 : i32
      %dma_start3A_108 = arith.constant 0 : i32
      %dma_start3A_109 = arith.constant 0 : i32
      %dma_start3A_110 = tpu.memref_slice %arg9[%dma_start3A_107, %dma_start3A_108, %dma_start3A_109] : memref<2x128x64xf32, #tpu.memory_space<vmem>> -> memref<1x128x64xf32, #tpu.memory_space<vmem>>
      %dma_start3A_111 = tpu.memref_squeeze %dma_start3A_110 : memref<1x128x64xf32, #tpu.memory_space<vmem>> -> memref<128x64xf32, #tpu.memory_space<vmem>>
      %dma_start3A_112 = arith.constant 0 : i32
      %dma_start3A_113 = tpu.memref_slice %arg7[%add3A_78, %dma_start3A_112] : memref<160x128xi32, #tpu.memory_space<vmem>> -> memref<1x128xi32, #tpu.memory_space<vmem>>
      %dma_start3A_114 = tpu.memref_squeeze %dma_start3A_113 : memref<1x128xi32, #tpu.memory_space<vmem>> -> memref<128xi32, #tpu.memory_space<vmem>>
      %dma_start3A_115 = arith.constant 0 : i32
      %dma_start3A_116 = arith.constant 0 : i32
      %dma_start3A_117 = tpu.memref_slice %arg11[%dma_start3A_115, %dma_start3A_116] : memref<10240x64xf32, #tpu.memory_space<vmem_shared>> -> memref<10240x64xf32, #tpu.memory_space<vmem_shared>>
      tpu.enqueue_indirect_dma source(%dma_start3A_111 : memref<128x64xf32, #tpu.memory_space<vmem>>) target(%dma_start3A_117 : memref<10240x64xf32, #tpu.memory_space<vmem_shared>>) offsets(%dma_start3A_114 : memref<128xi32, #tpu.memory_space<vmem>>) semaphore(%arg16 : memref<!tpu.dma_semaphore, #tpu.memory_space<semaphore_mem>>) {add = true}
      %mul3A_118 = arith.constant 4 : i32
      %mul3A_119 = arith.muli %mul3A_118, %scan3A_74 : i32
      %add3A_120 = arith.constant 1 : i32
      %add3A_121 = arith.addi %mul3A_119, %add3A_120 : i32
      %ge3A_122 = arith.constant 2 : i32
      %ge3A_123 = arith.cmpi sge, %add3A_121, %ge3A_122 : i32
      %convert_element_type3A_124 = arith.extui %ge3A_123 : i1 to i32
      %cond3A_125 = arith.constant 0 : i32
      %cond3A_126 = arith.cmpi ne, %convert_element_type3A_124, %cond3A_125 : i32
      scf.if %cond3A_126 {
        %sub3A = arith.constant 2 : i32
        %sub3A_259 = arith.subi %add3A_121, %sub3A : i32
        %dma_wait3A_260 = arith.constant 1 : i32
        %dma_wait3A_261 = arith.constant 0 : i32
        %dma_wait3A_262 = arith.constant 0 : i32
        %dma_wait3A_263 = tpu.memref_slice %arg9[%dma_wait3A_260, %dma_wait3A_261, %dma_wait3A_262] : memref<2x128x64xf32, #tpu.memory_space<vmem>> -> memref<1x128x64xf32, #tpu.memory_space<vmem>>
        %dma_wait3A_264 = tpu.memref_squeeze %dma_wait3A_263 : memref<1x128x64xf32, #tpu.memory_space<vmem>> -> memref<128x64xf32, #tpu.memory_space<vmem>>
        %dma_wait3A_265 = arith.constant 0 : i32
        %dma_wait3A_266 = tpu.memref_slice %arg7[%sub3A_259, %dma_wait3A_265] : memref<160x128xi32, #tpu.memory_space<vmem>> -> memref<1x128xi32, #tpu.memory_space<vmem>>
        %dma_wait3A_267 = tpu.memref_squeeze %dma_wait3A_266 : memref<1x128xi32, #tpu.memory_space<vmem>> -> memref<128xi32, #tpu.memory_space<vmem>>
        %dma_wait3A_268 = arith.constant 0 : i32
        %dma_wait3A_269 = arith.constant 0 : i32
        %dma_wait3A_270 = tpu.memref_slice %arg11[%dma_wait3A_268, %dma_wait3A_269] : memref<10240x64xf32, #tpu.memory_space<vmem_shared>> -> memref<10240x64xf32, #tpu.memory_space<vmem_shared>>
        tpu.wait_indirect_dma semaphore(%arg17 : memref<!tpu.dma_semaphore, #tpu.memory_space<semaphore_mem>>) src(%dma_wait3A_264 : memref<128x64xf32, #tpu.memory_space<vmem>>) dst(%dma_wait3A_270 : memref<10240x64xf32, #tpu.memory_space<vmem_shared>>)
      } else {
      }
      %dma_wait3A_127 = arith.constant 1 : i32
      %dma_wait3A_128 = arith.constant 0 : i32
      %dma_wait3A_129 = arith.constant 0 : i32
      %dma_wait3A_130 = tpu.memref_slice %arg8[%dma_wait3A_127, %dma_wait3A_128, %dma_wait3A_129] : memref<4x128x32xi32, #tpu.memory_space<vmem>> -> memref<1x128x32xi32, #tpu.memory_space<vmem>>
      %dma_wait3A_131 = tpu.memref_squeeze %dma_wait3A_130 : memref<1x128x32xi32, #tpu.memory_space<vmem>> -> memref<128x32xi32, #tpu.memory_space<vmem>>
      %dma_wait3A_132 = arith.constant 0 : i32
      %dma_wait3A_133 = tpu.memref_slice %arg6[%add3A_121, %dma_wait3A_132] : memref<160x128xi32, #tpu.memory_space<vmem>> -> memref<1x128xi32, #tpu.memory_space<vmem>>
      %dma_wait3A_134 = tpu.memref_squeeze %dma_wait3A_133 : memref<1x128xi32, #tpu.memory_space<vmem>> -> memref<128xi32, #tpu.memory_space<vmem>>
      %dma_wait3A_135 = arith.constant 0 : i32
      %dma_wait3A_136 = arith.constant 0 : i32
      %dma_wait3A_137 = tpu.memref_slice %arg2[%arg0, %dma_wait3A_135, %dma_wait3A_136] : memref<2x10240x32xi32, #tpu.memory_space<hbm>> -> memref<1x10240x32xi32, #tpu.memory_space<hbm>>
      %dma_wait3A_138 = tpu.memref_squeeze %dma_wait3A_137 : memref<1x10240x32xi32, #tpu.memory_space<hbm>> -> memref<10240x32xi32, #tpu.memory_space<hbm>>
      %dma_wait3A_139 = arith.constant 0 : i32
      %dma_wait3A_140 = arith.constant 0 : i32
      %dma_wait3A_141 = tpu.memref_slice %dma_wait3A_138[%dma_wait3A_139, %dma_wait3A_140] : memref<10240x32xi32, #tpu.memory_space<hbm>> -> memref<10240x32xi32, #tpu.memory_space<hbm>>
      tpu.wait_indirect_dma semaphore(%arg13 : memref<!tpu.dma_semaphore, #tpu.memory_space<semaphore_mem>>) src(%dma_wait3A_141 : memref<10240x32xi32, #tpu.memory_space<hbm>>) dst(%dma_wait3A_131 : memref<128x32xi32, #tpu.memory_space<vmem>>)
      %add3A_142 = arith.constant 2 : i32
      %add3A_143 = arith.addi %add3A_121, %add3A_142 : i32
      %lt3A_144 = arith.constant 160 : i32
      %lt3A_145 = arith.cmpi slt, %add3A_143, %lt3A_144 : i32
      %convert_element_type3A_146 = arith.extui %lt3A_145 : i1 to i32
      %cond3A_147 = arith.constant 0 : i32
      %cond3A_148 = arith.cmpi ne, %convert_element_type3A_146, %cond3A_147 : i32
      scf.if %cond3A_148 {
        %add3A_259 = arith.constant 2 : i32
        %add3A_260 = arith.addi %add3A_121, %add3A_259 : i32
        %dma_start3A_261 = arith.constant 3 : i32
        %dma_start3A_262 = arith.constant 0 : i32
        %dma_start3A_263 = arith.constant 0 : i32
        %dma_start3A_264 = tpu.memref_slice %arg8[%dma_start3A_261, %dma_start3A_262, %dma_start3A_263] : memref<4x128x32xi32, #tpu.memory_space<vmem>> -> memref<1x128x32xi32, #tpu.memory_space<vmem>>
        %dma_start3A_265 = tpu.memref_squeeze %dma_start3A_264 : memref<1x128x32xi32, #tpu.memory_space<vmem>> -> memref<128x32xi32, #tpu.memory_space<vmem>>
        %dma_start3A_266 = arith.constant 0 : i32
        %dma_start3A_267 = tpu.memref_slice %arg6[%add3A_260, %dma_start3A_266] : memref<160x128xi32, #tpu.memory_space<vmem>> -> memref<1x128xi32, #tpu.memory_space<vmem>>
        %dma_start3A_268 = tpu.memref_squeeze %dma_start3A_267 : memref<1x128xi32, #tpu.memory_space<vmem>> -> memref<128xi32, #tpu.memory_space<vmem>>
        %dma_start3A_269 = arith.constant 0 : i32
        %dma_start3A_270 = arith.constant 0 : i32
        %dma_start3A_271 = tpu.memref_slice %arg2[%arg0, %dma_start3A_269, %dma_start3A_270] : memref<2x10240x32xi32, #tpu.memory_space<hbm>> -> memref<1x10240x32xi32, #tpu.memory_space<hbm>>
        %dma_start3A_272 = tpu.memref_squeeze %dma_start3A_271 : memref<1x10240x32xi32, #tpu.memory_space<hbm>> -> memref<10240x32xi32, #tpu.memory_space<hbm>>
        %dma_start3A_273 = arith.constant 0 : i32
        %dma_start3A_274 = arith.constant 0 : i32
        %dma_start3A_275 = tpu.memref_slice %dma_start3A_272[%dma_start3A_273, %dma_start3A_274] : memref<10240x32xi32, #tpu.memory_space<hbm>> -> memref<10240x32xi32, #tpu.memory_space<hbm>>
        tpu.enqueue_indirect_dma source(%dma_start3A_275 : memref<10240x32xi32, #tpu.memory_space<hbm>>) target(%dma_start3A_265 : memref<128x32xi32, #tpu.memory_space<vmem>>) offsets(%dma_start3A_268 : memref<128xi32, #tpu.memory_space<vmem>>) semaphore(%arg15 : memref<!tpu.dma_semaphore, #tpu.memory_space<semaphore_mem>>)
      } else {
      }
      %scan3A_149 = arith.constant 0 : i32
      %scan3A_150 = arith.constant 128 : i32
      %scan3A_151 = arith.addi %scan3A_149, %scan3A_150 : i32
      %scan3A_152 = arith.constant 1 : i32
      scf.for %scan3A_259 = %scan3A_149 to %scan3A_151 step %scan3A_152  : i32 {
        %get3A = arith.constant 1 : i32
        %get3A_260 = arith.index_cast %get3A : i32 to index
        %get3A_261 = arith.index_cast %scan3A_259 : i32 to index
        %get3A_262 = arith.constant 0 : index
        %get3A_263 = tpu.vector_load %arg8[%get3A_260, %get3A_261, %get3A_262] {strides = array<i32>} : memref<4x128x32xi32, #tpu.memory_space<vmem>>, vector<16xi32>,
        %shift_left3A = arith.constant 16 : i32
        %shift_left3A_264 = vector.broadcast %shift_left3A : i32 to vector<16xi32>
        %shift_left3A_265 = arith.shli %get3A_263, %shift_left3A_264 : vector<16xi32>
        %bitcast3A = vector.bitcast %shift_left3A_265 : vector<16xi32> to vector<16xf32>
        %and3A = arith.constant -65536 : i32
        %and3A_266 = vector.broadcast %and3A : i32 to vector<16xi32>
        %and3A_267 = arith.andi %get3A_263, %and3A_266 : vector<16xi32>
        %bitcast3A_268 = vector.bitcast %and3A_267 : vector<16xi32> to vector<16xf32>
        %swap3A = arith.constant 1 : i32
        %swap3A_269 = arith.index_cast %swap3A : i32 to index
        %swap3A_270 = arith.index_cast %scan3A_259 : i32 to index
        %swap3A_271 = arith.constant 0 : index
        %swap3A_272 = tpu.vector_load %arg9[%swap3A_269, %swap3A_270, %swap3A_271] {strides = array<i32>} : memref<2x128x64xf32, #tpu.memory_space<vmem>>, vector<16xf32>,
        tpu.vector_store %arg9[%swap3A_269, %swap3A_270, %swap3A_271], %bitcast3A {strides = array<i32>} : memref<2x128x64xf32, #tpu.memory_space<vmem>>, vector<16xf32>,
        %swap3A_273 = arith.constant 1 : i32
        %swap3A_274 = arith.index_cast %swap3A_273 : i32 to index
        %swap3A_275 = arith.index_cast %scan3A_259 : i32 to index
        %swap3A_276 = arith.constant 16 : index
        %swap3A_277 = tpu.vector_load %arg9[%swap3A_274, %swap3A_275, %swap3A_276] {strides = array<i32>} : memref<2x128x64xf32, #tpu.memory_space<vmem>>, vector<16xf32>,
        tpu.vector_store %arg9[%swap3A_274, %swap3A_275, %swap3A_276], %bitcast3A_268 {strides = array<i32>} : memref<2x128x64xf32, #tpu.memory_space<vmem>>, vector<16xf32>,
        %get3A_278 = arith.constant 1 : i32
        %get3A_279 = arith.index_cast %get3A_278 : i32 to index
        %get3A_280 = arith.index_cast %scan3A_259 : i32 to index
        %get3A_281 = arith.constant 16 : index
        %get3A_282 = tpu.vector_load %arg8[%get3A_279, %get3A_280, %get3A_281] {strides = array<i32>} : memref<4x128x32xi32, #tpu.memory_space<vmem>>, vector<16xi32>,
        %shift_left3A_283 = arith.constant 16 : i32
        %shift_left3A_284 = vector.broadcast %shift_left3A_283 : i32 to vector<16xi32>
        %shift_left3A_285 = arith.shli %get3A_282, %shift_left3A_284 : vector<16xi32>
        %bitcast3A_286 = vector.bitcast %shift_left3A_285 : vector<16xi32> to vector<16xf32>
        %and3A_287 = arith.constant -65536 : i32
        %and3A_288 = vector.broadcast %and3A_287 : i32 to vector<16xi32>
        %and3A_289 = arith.andi %get3A_282, %and3A_288 : vector<16xi32>
        %bitcast3A_290 = vector.bitcast %and3A_289 : vector<16xi32> to vector<16xf32>
        %swap3A_291 = arith.constant 1 : i32
        %swap3A_292 = arith.index_cast %swap3A_291 : i32 to index
        %swap3A_293 = arith.index_cast %scan3A_259 : i32 to index
        %swap3A_294 = arith.constant 32 : index
        %swap3A_295 = tpu.vector_load %arg9[%swap3A_292, %swap3A_293, %swap3A_294] {strides = array<i32>} : memref<2x128x64xf32, #tpu.memory_space<vmem>>, vector<16xf32>,
        tpu.vector_store %arg9[%swap3A_292, %swap3A_293, %swap3A_294], %bitcast3A_286 {strides = array<i32>} : memref<2x128x64xf32, #tpu.memory_space<vmem>>, vector<16xf32>,
        %swap3A_296 = arith.constant 1 : i32
        %swap3A_297 = arith.index_cast %swap3A_296 : i32 to index
        %swap3A_298 = arith.index_cast %scan3A_259 : i32 to index
        %swap3A_299 = arith.constant 48 : index
        %swap3A_300 = tpu.vector_load %arg9[%swap3A_297, %swap3A_298, %swap3A_299] {strides = array<i32>} : memref<2x128x64xf32, #tpu.memory_space<vmem>>, vector<16xf32>,
        tpu.vector_store %arg9[%swap3A_297, %swap3A_298, %swap3A_299], %bitcast3A_290 {strides = array<i32>} : memref<2x128x64xf32, #tpu.memory_space<vmem>>, vector<16xf32>,
      }
      %scan3A_153 = arith.constant 128 : i32
      %dma_start3A_154 = arith.constant 1 : i32
      %dma_start3A_155 = arith.constant 0 : i32
      %dma_start3A_156 = arith.constant 0 : i32
      %dma_start3A_157 = tpu.memref_slice %arg9[%dma_start3A_154, %dma_start3A_155, %dma_start3A_156] : memref<2x128x64xf32, #tpu.memory_space<vmem>> -> memref<1x128x64xf32, #tpu.memory_space<vmem>>
      %dma_start3A_158 = tpu.memref_squeeze %dma_start3A_157 : memref<1x128x64xf32, #tpu.memory_space<vmem>> -> memref<128x64xf32, #tpu.memory_space<vmem>>
      %dma_start3A_159 = arith.constant 0 : i32
      %dma_start3A_160 = tpu.memref_slice %arg7[%add3A_121, %dma_start3A_159] : memref<160x128xi32, #tpu.memory_space<vmem>> -> memref<1x128xi32, #tpu.memory_space<vmem>>
      %dma_start3A_161 = tpu.memref_squeeze %dma_start3A_160 : memref<1x128xi32, #tpu.memory_space<vmem>> -> memref<128xi32, #tpu.memory_space<vmem>>
      %dma_start3A_162 = arith.constant 0 : i32
      %dma_start3A_163 = arith.constant 0 : i32
      %dma_start3A_164 = tpu.memref_slice %arg11[%dma_start3A_162, %dma_start3A_163] : memref<10240x64xf32, #tpu.memory_space<vmem_shared>> -> memref<10240x64xf32, #tpu.memory_space<vmem_shared>>
      tpu.enqueue_indirect_dma source(%dma_start3A_158 : memref<128x64xf32, #tpu.memory_space<vmem>>) target(%dma_start3A_164 : memref<10240x64xf32, #tpu.memory_space<vmem_shared>>) offsets(%dma_start3A_161 : memref<128xi32, #tpu.memory_space<vmem>>) semaphore(%arg17 : memref<!tpu.dma_semaphore, #tpu.memory_space<semaphore_mem>>) {add = true}
      %mul3A_165 = arith.constant 4 : i32
      %mul3A_166 = arith.muli %mul3A_165, %scan3A_74 : i32
      %add3A_167 = arith.constant 2 : i32
      %add3A_168 = arith.addi %mul3A_166, %add3A_167 : i32
      %ge3A_169 = arith.constant 2 : i32
      %ge3A_170 = arith.cmpi sge, %add3A_168, %ge3A_169 : i32
      %convert_element_type3A_171 = arith.extui %ge3A_170 : i1 to i32
      %cond3A_172 = arith.constant 0 : i32
      %cond3A_173 = arith.cmpi ne, %convert_element_type3A_171, %cond3A_172 : i32
      scf.if %cond3A_173 {
        %sub3A = arith.constant 2 : i32
        %sub3A_259 = arith.subi %add3A_168, %sub3A : i32
        %dma_wait3A_260 = arith.constant 0 : i32
        %dma_wait3A_261 = arith.constant 0 : i32
        %dma_wait3A_262 = arith.constant 0 : i32
        %dma_wait3A_263 = tpu.memref_slice %arg9[%dma_wait3A_260, %dma_wait3A_261, %dma_wait3A_262] : memref<2x128x64xf32, #tpu.memory_space<vmem>> -> memref<1x128x64xf32, #tpu.memory_space<vmem>>
        %dma_wait3A_264 = tpu.memref_squeeze %dma_wait3A_263 : memref<1x128x64xf32, #tpu.memory_space<vmem>> -> memref<128x64xf32, #tpu.memory_space<vmem>>
        %dma_wait3A_265 = arith.constant 0 : i32
        %dma_wait3A_266 = tpu.memref_slice %arg7[%sub3A_259, %dma_wait3A_265] : memref<160x128xi32, #tpu.memory_space<vmem>> -> memref<1x128xi32, #tpu.memory_space<vmem>>
        %dma_wait3A_267 = tpu.memref_squeeze %dma_wait3A_266 : memref<1x128xi32, #tpu.memory_space<vmem>> -> memref<128xi32, #tpu.memory_space<vmem>>
        %dma_wait3A_268 = arith.constant 0 : i32
        %dma_wait3A_269 = arith.constant 0 : i32
        %dma_wait3A_270 = tpu.memref_slice %arg11[%dma_wait3A_268, %dma_wait3A_269] : memref<10240x64xf32, #tpu.memory_space<vmem_shared>> -> memref<10240x64xf32, #tpu.memory_space<vmem_shared>>
        tpu.wait_indirect_dma semaphore(%arg16 : memref<!tpu.dma_semaphore, #tpu.memory_space<semaphore_mem>>) src(%dma_wait3A_264 : memref<128x64xf32, #tpu.memory_space<vmem>>) dst(%dma_wait3A_270 : memref<10240x64xf32, #tpu.memory_space<vmem_shared>>)
      } else {
      }
      %dma_wait3A_174 = arith.constant 2 : i32
      %dma_wait3A_175 = arith.constant 0 : i32
      %dma_wait3A_176 = arith.constant 0 : i32
      %dma_wait3A_177 = tpu.memref_slice %arg8[%dma_wait3A_174, %dma_wait3A_175, %dma_wait3A_176] : memref<4x128x32xi32, #tpu.memory_space<vmem>> -> memref<1x128x32xi32, #tpu.memory_space<vmem>>
      %dma_wait3A_178 = tpu.memref_squeeze %dma_wait3A_177 : memref<1x128x32xi32, #tpu.memory_space<vmem>> -> memref<128x32xi32, #tpu.memory_space<vmem>>
      %dma_wait3A_179 = arith.constant 0 : i32
      %dma_wait3A_180 = tpu.memref_slice %arg6[%add3A_168, %dma_wait3A_179] : memref<160x128xi32, #tpu.memory_space<vmem>> -> memref<1x128xi32, #tpu.memory_space<vmem>>
      %dma_wait3A_181 = tpu.memref_squeeze %dma_wait3A_180 : memref<1x128xi32, #tpu.memory_space<vmem>> -> memref<128xi32, #tpu.memory_space<vmem>>
      %dma_wait3A_182 = arith.constant 0 : i32
      %dma_wait3A_183 = arith.constant 0 : i32
      %dma_wait3A_184 = tpu.memref_slice %arg2[%arg0, %dma_wait3A_182, %dma_wait3A_183] : memref<2x10240x32xi32, #tpu.memory_space<hbm>> -> memref<1x10240x32xi32, #tpu.memory_space<hbm>>
      %dma_wait3A_185 = tpu.memref_squeeze %dma_wait3A_184 : memref<1x10240x32xi32, #tpu.memory_space<hbm>> -> memref<10240x32xi32, #tpu.memory_space<hbm>>
      %dma_wait3A_186 = arith.constant 0 : i32
      %dma_wait3A_187 = arith.constant 0 : i32
      %dma_wait3A_188 = tpu.memref_slice %dma_wait3A_185[%dma_wait3A_186, %dma_wait3A_187] : memref<10240x32xi32, #tpu.memory_space<hbm>> -> memref<10240x32xi32, #tpu.memory_space<hbm>>
      tpu.wait_indirect_dma semaphore(%arg14 : memref<!tpu.dma_semaphore, #tpu.memory_space<semaphore_mem>>) src(%dma_wait3A_188 : memref<10240x32xi32, #tpu.memory_space<hbm>>) dst(%dma_wait3A_178 : memref<128x32xi32, #tpu.memory_space<vmem>>)
      %add3A_189 = arith.constant 2 : i32
      %add3A_190 = arith.addi %add3A_168, %add3A_189 : i32
      %lt3A_191 = arith.constant 160 : i32
      %lt3A_192 = arith.cmpi slt, %add3A_190, %lt3A_191 : i32
      %convert_element_type3A_193 = arith.extui %lt3A_192 : i1 to i32
      %cond3A_194 = arith.constant 0 : i32
      %cond3A_195 = arith.cmpi ne, %convert_element_type3A_193, %cond3A_194 : i32
      scf.if %cond3A_195 {
        %add3A_259 = arith.constant 2 : i32
        %add3A_260 = arith.addi %add3A_168, %add3A_259 : i32
        %dma_start3A_261 = arith.constant 0 : i32
        %dma_start3A_262 = arith.constant 0 : i32
        %dma_start3A_263 = arith.constant 0 : i32
        %dma_start3A_264 = tpu.memref_slice %arg8[%dma_start3A_261, %dma_start3A_262, %dma_start3A_263] : memref<4x128x32xi32, #tpu.memory_space<vmem>> -> memref<1x128x32xi32, #tpu.memory_space<vmem>>
        %dma_start3A_265 = tpu.memref_squeeze %dma_start3A_264 : memref<1x128x32xi32, #tpu.memory_space<vmem>> -> memref<128x32xi32, #tpu.memory_space<vmem>>
        %dma_start3A_266 = arith.constant 0 : i32
        %dma_start3A_267 = tpu.memref_slice %arg6[%add3A_260, %dma_start3A_266] : memref<160x128xi32, #tpu.memory_space<vmem>> -> memref<1x128xi32, #tpu.memory_space<vmem>>
        %dma_start3A_268 = tpu.memref_squeeze %dma_start3A_267 : memref<1x128xi32, #tpu.memory_space<vmem>> -> memref<128xi32, #tpu.memory_space<vmem>>
        %dma_start3A_269 = arith.constant 0 : i32
        %dma_start3A_270 = arith.constant 0 : i32
        %dma_start3A_271 = tpu.memref_slice %arg2[%arg0, %dma_start3A_269, %dma_start3A_270] : memref<2x10240x32xi32, #tpu.memory_space<hbm>> -> memref<1x10240x32xi32, #tpu.memory_space<hbm>>
        %dma_start3A_272 = tpu.memref_squeeze %dma_start3A_271 : memref<1x10240x32xi32, #tpu.memory_space<hbm>> -> memref<10240x32xi32, #tpu.memory_space<hbm>>
        %dma_start3A_273 = arith.constant 0 : i32
        %dma_start3A_274 = arith.constant 0 : i32
        %dma_start3A_275 = tpu.memref_slice %dma_start3A_272[%dma_start3A_273, %dma_start3A_274] : memref<10240x32xi32, #tpu.memory_space<hbm>> -> memref<10240x32xi32, #tpu.memory_space<hbm>>
        tpu.enqueue_indirect_dma source(%dma_start3A_275 : memref<10240x32xi32, #tpu.memory_space<hbm>>) target(%dma_start3A_265 : memref<128x32xi32, #tpu.memory_space<vmem>>) offsets(%dma_start3A_268 : memref<128xi32, #tpu.memory_space<vmem>>) semaphore(%arg12 : memref<!tpu.dma_semaphore, #tpu.memory_space<semaphore_mem>>)
      } else {
      }
      %scan3A_196 = arith.constant 0 : i32
      %scan3A_197 = arith.constant 128 : i32
      %scan3A_198 = arith.addi %scan3A_196, %scan3A_197 : i32
      %scan3A_199 = arith.constant 1 : i32
      scf.for %scan3A_259 = %scan3A_196 to %scan3A_198 step %scan3A_199  : i32 {
        %get3A = arith.constant 2 : i32
        %get3A_260 = arith.index_cast %get3A : i32 to index
        %get3A_261 = arith.index_cast %scan3A_259 : i32 to index
        %get3A_262 = arith.constant 0 : index
        %get3A_263 = tpu.vector_load %arg8[%get3A_260, %get3A_261, %get3A_262] {strides = array<i32>} : memref<4x128x32xi32, #tpu.memory_space<vmem>>, vector<16xi32>,
        %shift_left3A = arith.constant 16 : i32
        %shift_left3A_264 = vector.broadcast %shift_left3A : i32 to vector<16xi32>
        %shift_left3A_265 = arith.shli %get3A_263, %shift_left3A_264 : vector<16xi32>
        %bitcast3A = vector.bitcast %shift_left3A_265 : vector<16xi32> to vector<16xf32>
        %and3A = arith.constant -65536 : i32
        %and3A_266 = vector.broadcast %and3A : i32 to vector<16xi32>
        %and3A_267 = arith.andi %get3A_263, %and3A_266 : vector<16xi32>
        %bitcast3A_268 = vector.bitcast %and3A_267 : vector<16xi32> to vector<16xf32>
        %swap3A = arith.constant 0 : i32
        %swap3A_269 = arith.index_cast %swap3A : i32 to index
        %swap3A_270 = arith.index_cast %scan3A_259 : i32 to index
        %swap3A_271 = arith.constant 0 : index
        %swap3A_272 = tpu.vector_load %arg9[%swap3A_269, %swap3A_270, %swap3A_271] {strides = array<i32>} : memref<2x128x64xf32, #tpu.memory_space<vmem>>, vector<16xf32>,
        tpu.vector_store %arg9[%swap3A_269, %swap3A_270, %swap3A_271], %bitcast3A {strides = array<i32>} : memref<2x128x64xf32, #tpu.memory_space<vmem>>, vector<16xf32>,
        %swap3A_273 = arith.constant 0 : i32
        %swap3A_274 = arith.index_cast %swap3A_273 : i32 to index
        %swap3A_275 = arith.index_cast %scan3A_259 : i32 to index
        %swap3A_276 = arith.constant 16 : index
        %swap3A_277 = tpu.vector_load %arg9[%swap3A_274, %swap3A_275, %swap3A_276] {strides = array<i32>} : memref<2x128x64xf32, #tpu.memory_space<vmem>>, vector<16xf32>,
        tpu.vector_store %arg9[%swap3A_274, %swap3A_275, %swap3A_276], %bitcast3A_268 {strides = array<i32>} : memref<2x128x64xf32, #tpu.memory_space<vmem>>, vector<16xf32>,
        %get3A_278 = arith.constant 2 : i32
        %get3A_279 = arith.index_cast %get3A_278 : i32 to index
        %get3A_280 = arith.index_cast %scan3A_259 : i32 to index
        %get3A_281 = arith.constant 16 : index
        %get3A_282 = tpu.vector_load %arg8[%get3A_279, %get3A_280, %get3A_281] {strides = array<i32>} : memref<4x128x32xi32, #tpu.memory_space<vmem>>, vector<16xi32>,
        %shift_left3A_283 = arith.constant 16 : i32
        %shift_left3A_284 = vector.broadcast %shift_left3A_283 : i32 to vector<16xi32>
        %shift_left3A_285 = arith.shli %get3A_282, %shift_left3A_284 : vector<16xi32>
        %bitcast3A_286 = vector.bitcast %shift_left3A_285 : vector<16xi32> to vector<16xf32>
        %and3A_287 = arith.constant -65536 : i32
        %and3A_288 = vector.broadcast %and3A_287 : i32 to vector<16xi32>
        %and3A_289 = arith.andi %get3A_282, %and3A_288 : vector<16xi32>
        %bitcast3A_290 = vector.bitcast %and3A_289 : vector<16xi32> to vector<16xf32>
        %swap3A_291 = arith.constant 0 : i32
        %swap3A_292 = arith.index_cast %swap3A_291 : i32 to index
        %swap3A_293 = arith.index_cast %scan3A_259 : i32 to index
        %swap3A_294 = arith.constant 32 : index
        %swap3A_295 = tpu.vector_load %arg9[%swap3A_292, %swap3A_293, %swap3A_294] {strides = array<i32>} : memref<2x128x64xf32, #tpu.memory_space<vmem>>, vector<16xf32>,
        tpu.vector_store %arg9[%swap3A_292, %swap3A_293, %swap3A_294], %bitcast3A_286 {strides = array<i32>} : memref<2x128x64xf32, #tpu.memory_space<vmem>>, vector<16xf32>,
        %swap3A_296 = arith.constant 0 : i32
        %swap3A_297 = arith.index_cast %swap3A_296 : i32 to index
        %swap3A_298 = arith.index_cast %scan3A_259 : i32 to index
        %swap3A_299 = arith.constant 48 : index
        %swap3A_300 = tpu.vector_load %arg9[%swap3A_297, %swap3A_298, %swap3A_299] {strides = array<i32>} : memref<2x128x64xf32, #tpu.memory_space<vmem>>, vector<16xf32>,
        tpu.vector_store %arg9[%swap3A_297, %swap3A_298, %swap3A_299], %bitcast3A_290 {strides = array<i32>} : memref<2x128x64xf32, #tpu.memory_space<vmem>>, vector<16xf32>,
      }
      %scan3A_200 = arith.constant 128 : i32
      %dma_start3A_201 = arith.constant 0 : i32
      %dma_start3A_202 = arith.constant 0 : i32
      %dma_start3A_203 = arith.constant 0 : i32
      %dma_start3A_204 = tpu.memref_slice %arg9[%dma_start3A_201, %dma_start3A_202, %dma_start3A_203] : memref<2x128x64xf32, #tpu.memory_space<vmem>> -> memref<1x128x64xf32, #tpu.memory_space<vmem>>
      %dma_start3A_205 = tpu.memref_squeeze %dma_start3A_204 : memref<1x128x64xf32, #tpu.memory_space<vmem>> -> memref<128x64xf32, #tpu.memory_space<vmem>>
      %dma_start3A_206 = arith.constant 0 : i32
      %dma_start3A_207 = tpu.memref_slice %arg7[%add3A_168, %dma_start3A_206] : memref<160x128xi32, #tpu.memory_space<vmem>> -> memref<1x128xi32, #tpu.memory_space<vmem>>
      %dma_start3A_208 = tpu.memref_squeeze %dma_start3A_207 : memref<1x128xi32, #tpu.memory_space<vmem>> -> memref<128xi32, #tpu.memory_space<vmem>>
      %dma_start3A_209 = arith.constant 0 : i32
      %dma_start3A_210 = arith.constant 0 : i32
      %dma_start3A_211 = tpu.memref_slice %arg11[%dma_start3A_209, %dma_start3A_210] : memref<10240x64xf32, #tpu.memory_space<vmem_shared>> -> memref<10240x64xf32, #tpu.memory_space<vmem_shared>>
      tpu.enqueue_indirect_dma source(%dma_start3A_205 : memref<128x64xf32, #tpu.memory_space<vmem>>) target(%dma_start3A_211 : memref<10240x64xf32, #tpu.memory_space<vmem_shared>>) offsets(%dma_start3A_208 : memref<128xi32, #tpu.memory_space<vmem>>) semaphore(%arg16 : memref<!tpu.dma_semaphore, #tpu.memory_space<semaphore_mem>>) {add = true}
      %mul3A_212 = arith.constant 4 : i32
      %mul3A_213 = arith.muli %mul3A_212, %scan3A_74 : i32
      %add3A_214 = arith.constant 3 : i32
      %add3A_215 = arith.addi %mul3A_213, %add3A_214 : i32
      %ge3A_216 = arith.constant 2 : i32
      %ge3A_217 = arith.cmpi sge, %add3A_215, %ge3A_216 : i32
      %convert_element_type3A_218 = arith.extui %ge3A_217 : i1 to i32
      %cond3A_219 = arith.constant 0 : i32
      %cond3A_220 = arith.cmpi ne, %convert_element_type3A_218, %cond3A_219 : i32
      scf.if %cond3A_220 {
        %sub3A = arith.constant 2 : i32
        %sub3A_259 = arith.subi %add3A_215, %sub3A : i32
        %dma_wait3A_260 = arith.constant 1 : i32
        %dma_wait3A_261 = arith.constant 0 : i32
        %dma_wait3A_262 = arith.constant 0 : i32
        %dma_wait3A_263 = tpu.memref_slice %arg9[%dma_wait3A_260, %dma_wait3A_261, %dma_wait3A_262] : memref<2x128x64xf32, #tpu.memory_space<vmem>> -> memref<1x128x64xf32, #tpu.memory_space<vmem>>
        %dma_wait3A_264 = tpu.memref_squeeze %dma_wait3A_263 : memref<1x128x64xf32, #tpu.memory_space<vmem>> -> memref<128x64xf32, #tpu.memory_space<vmem>>
        %dma_wait3A_265 = arith.constant 0 : i32
        %dma_wait3A_266 = tpu.memref_slice %arg7[%sub3A_259, %dma_wait3A_265] : memref<160x128xi32, #tpu.memory_space<vmem>> -> memref<1x128xi32, #tpu.memory_space<vmem>>
        %dma_wait3A_267 = tpu.memref_squeeze %dma_wait3A_266 : memref<1x128xi32, #tpu.memory_space<vmem>> -> memref<128xi32, #tpu.memory_space<vmem>>
        %dma_wait3A_268 = arith.constant 0 : i32
        %dma_wait3A_269 = arith.constant 0 : i32
        %dma_wait3A_270 = tpu.memref_slice %arg11[%dma_wait3A_268, %dma_wait3A_269] : memref<10240x64xf32, #tpu.memory_space<vmem_shared>> -> memref<10240x64xf32, #tpu.memory_space<vmem_shared>>
        tpu.wait_indirect_dma semaphore(%arg17 : memref<!tpu.dma_semaphore, #tpu.memory_space<semaphore_mem>>) src(%dma_wait3A_264 : memref<128x64xf32, #tpu.memory_space<vmem>>) dst(%dma_wait3A_270 : memref<10240x64xf32, #tpu.memory_space<vmem_shared>>)
      } else {
      }
      %dma_wait3A_221 = arith.constant 3 : i32
      %dma_wait3A_222 = arith.constant 0 : i32
      %dma_wait3A_223 = arith.constant 0 : i32
      %dma_wait3A_224 = tpu.memref_slice %arg8[%dma_wait3A_221, %dma_wait3A_222, %dma_wait3A_223] : memref<4x128x32xi32, #tpu.memory_space<vmem>> -> memref<1x128x32xi32, #tpu.memory_space<vmem>>
      %dma_wait3A_225 = tpu.memref_squeeze %dma_wait3A_224 : memref<1x128x32xi32, #tpu.memory_space<vmem>> -> memref<128x32xi32, #tpu.memory_space<vmem>>
      %dma_wait3A_226 = arith.constant 0 : i32
      %dma_wait3A_227 = tpu.memref_slice %arg6[%add3A_215, %dma_wait3A_226] : memref<160x128xi32, #tpu.memory_space<vmem>> -> memref<1x128xi32, #tpu.memory_space<vmem>>
      %dma_wait3A_228 = tpu.memref_squeeze %dma_wait3A_227 : memref<1x128xi32, #tpu.memory_space<vmem>> -> memref<128xi32, #tpu.memory_space<vmem>>
      %dma_wait3A_229 = arith.constant 0 : i32
      %dma_wait3A_230 = arith.constant 0 : i32
      %dma_wait3A_231 = tpu.memref_slice %arg2[%arg0, %dma_wait3A_229, %dma_wait3A_230] : memref<2x10240x32xi32, #tpu.memory_space<hbm>> -> memref<1x10240x32xi32, #tpu.memory_space<hbm>>
      %dma_wait3A_232 = tpu.memref_squeeze %dma_wait3A_231 : memref<1x10240x32xi32, #tpu.memory_space<hbm>> -> memref<10240x32xi32, #tpu.memory_space<hbm>>
      %dma_wait3A_233 = arith.constant 0 : i32
      %dma_wait3A_234 = arith.constant 0 : i32
      %dma_wait3A_235 = tpu.memref_slice %dma_wait3A_232[%dma_wait3A_233, %dma_wait3A_234] : memref<10240x32xi32, #tpu.memory_space<hbm>> -> memref<10240x32xi32, #tpu.memory_space<hbm>>
      tpu.wait_indirect_dma semaphore(%arg15 : memref<!tpu.dma_semaphore, #tpu.memory_space<semaphore_mem>>) src(%dma_wait3A_235 : memref<10240x32xi32, #tpu.memory_space<hbm>>) dst(%dma_wait3A_225 : memref<128x32xi32, #tpu.memory_space<vmem>>)
      %add3A_236 = arith.constant 2 : i32
      %add3A_237 = arith.addi %add3A_215, %add3A_236 : i32
      %lt3A_238 = arith.constant 160 : i32
      %lt3A_239 = arith.cmpi slt, %add3A_237, %lt3A_238 : i32
      %convert_element_type3A_240 = arith.extui %lt3A_239 : i1 to i32
      %cond3A_241 = arith.constant 0 : i32
      %cond3A_242 = arith.cmpi ne, %convert_element_type3A_240, %cond3A_241 : i32
      scf.if %cond3A_242 {
        %add3A_259 = arith.constant 2 : i32
        %add3A_260 = arith.addi %add3A_215, %add3A_259 : i32
        %dma_start3A_261 = arith.constant 1 : i32
        %dma_start3A_262 = arith.constant 0 : i32
        %dma_start3A_263 = arith.constant 0 : i32
        %dma_start3A_264 = tpu.memref_slice %arg8[%dma_start3A_261, %dma_start3A_262, %dma_start3A_263] : memref<4x128x32xi32, #tpu.memory_space<vmem>> -> memref<1x128x32xi32, #tpu.memory_space<vmem>>
        %dma_start3A_265 = tpu.memref_squeeze %dma_start3A_264 : memref<1x128x32xi32, #tpu.memory_space<vmem>> -> memref<128x32xi32, #tpu.memory_space<vmem>>
        %dma_start3A_266 = arith.constant 0 : i32
        %dma_start3A_267 = tpu.memref_slice %arg6[%add3A_260, %dma_start3A_266] : memref<160x128xi32, #tpu.memory_space<vmem>> -> memref<1x128xi32, #tpu.memory_space<vmem>>
        %dma_start3A_268 = tpu.memref_squeeze %dma_start3A_267 : memref<1x128xi32, #tpu.memory_space<vmem>> -> memref<128xi32, #tpu.memory_space<vmem>>
        %dma_start3A_269 = arith.constant 0 : i32
        %dma_start3A_270 = arith.constant 0 : i32
        %dma_start3A_271 = tpu.memref_slice %arg2[%arg0, %dma_start3A_269, %dma_start3A_270] : memref<2x10240x32xi32, #tpu.memory_space<hbm>> -> memref<1x10240x32xi32, #tpu.memory_space<hbm>>
        %dma_start3A_272 = tpu.memref_squeeze %dma_start3A_271 : memref<1x10240x32xi32, #tpu.memory_space<hbm>> -> memref<10240x32xi32, #tpu.memory_space<hbm>>
        %dma_start3A_273 = arith.constant 0 : i32
        %dma_start3A_274 = arith.constant 0 : i32
        %dma_start3A_275 = tpu.memref_slice %dma_start3A_272[%dma_start3A_273, %dma_start3A_274] : memref<10240x32xi32, #tpu.memory_space<hbm>> -> memref<10240x32xi32, #tpu.memory_space<hbm>>
        tpu.enqueue_indirect_dma source(%dma_start3A_275 : memref<10240x32xi32, #tpu.memory_space<hbm>>) target(%dma_start3A_265 : memref<128x32xi32, #tpu.memory_space<vmem>>) offsets(%dma_start3A_268 : memref<128xi32, #tpu.memory_space<vmem>>) semaphore(%arg13 : memref<!tpu.dma_semaphore, #tpu.memory_space<semaphore_mem>>)
      } else {
      }
      %scan3A_243 = arith.constant 0 : i32
      %scan3A_244 = arith.constant 128 : i32
      %scan3A_245 = arith.addi %scan3A_243, %scan3A_244 : i32
      %scan3A_246 = arith.constant 1 : i32
      scf.for %scan3A_259 = %scan3A_243 to %scan3A_245 step %scan3A_246  : i32 {
        %get3A = arith.constant 3 : i32
        %get3A_260 = arith.index_cast %get3A : i32 to index
        %get3A_261 = arith.index_cast %scan3A_259 : i32 to index
        %get3A_262 = arith.constant 0 : index
        %get3A_263 = tpu.vector_load %arg8[%get3A_260, %get3A_261, %get3A_262] {strides = array<i32>} : memref<4x128x32xi32, #tpu.memory_space<vmem>>, vector<16xi32>,
        %shift_left3A = arith.constant 16 : i32
        %shift_left3A_264 = vector.broadcast %shift_left3A : i32 to vector<16xi32>
        %shift_left3A_265 = arith.shli %get3A_263, %shift_left3A_264 : vector<16xi32>
        %bitcast3A = vector.bitcast %shift_left3A_265 : vector<16xi32> to vector<16xf32>
        %and3A = arith.constant -65536 : i32
        %and3A_266 = vector.broadcast %and3A : i32 to vector<16xi32>
        %and3A_267 = arith.andi %get3A_263, %and3A_266 : vector<16xi32>
        %bitcast3A_268 = vector.bitcast %and3A_267 : vector<16xi32> to vector<16xf32>
        %swap3A = arith.constant 1 : i32
        %swap3A_269 = arith.index_cast %swap3A : i32 to index
        %swap3A_270 = arith.index_cast %scan3A_259 : i32 to index
        %swap3A_271 = arith.constant 0 : index
        %swap3A_272 = tpu.vector_load %arg9[%swap3A_269, %swap3A_270, %swap3A_271] {strides = array<i32>} : memref<2x128x64xf32, #tpu.memory_space<vmem>>, vector<16xf32>,
        tpu.vector_store %arg9[%swap3A_269, %swap3A_270, %swap3A_271], %bitcast3A {strides = array<i32>} : memref<2x128x64xf32, #tpu.memory_space<vmem>>, vector<16xf32>,
        %swap3A_273 = arith.constant 1 : i32
        %swap3A_274 = arith.index_cast %swap3A_273 : i32 to index
        %swap3A_275 = arith.index_cast %scan3A_259 : i32 to index
        %swap3A_276 = arith.constant 16 : index
        %swap3A_277 = tpu.vector_load %arg9[%swap3A_274, %swap3A_275, %swap3A_276] {strides = array<i32>} : memref<2x128x64xf32, #tpu.memory_space<vmem>>, vector<16xf32>,
        tpu.vector_store %arg9[%swap3A_274, %swap3A_275, %swap3A_276], %bitcast3A_268 {strides = array<i32>} : memref<2x128x64xf32, #tpu.memory_space<vmem>>, vector<16xf32>,
        %get3A_278 = arith.constant 3 : i32
        %get3A_279 = arith.index_cast %get3A_278 : i32 to index
        %get3A_280 = arith.index_cast %scan3A_259 : i32 to index
        %get3A_281 = arith.constant 16 : index
        %get3A_282 = tpu.vector_load %arg8[%get3A_279, %get3A_280, %get3A_281] {strides = array<i32>} : memref<4x128x32xi32, #tpu.memory_space<vmem>>, vector<16xi32>,
        %shift_left3A_283 = arith.constant 16 : i32
        %shift_left3A_284 = vector.broadcast %shift_left3A_283 : i32 to vector<16xi32>
        %shift_left3A_285 = arith.shli %get3A_282, %shift_left3A_284 : vector<16xi32>
        %bitcast3A_286 = vector.bitcast %shift_left3A_285 : vector<16xi32> to vector<16xf32>
        %and3A_287 = arith.constant -65536 : i32
        %and3A_288 = vector.broadcast %and3A_287 : i32 to vector<16xi32>
        %and3A_289 = arith.andi %get3A_282, %and3A_288 : vector<16xi32>
        %bitcast3A_290 = vector.bitcast %and3A_289 : vector<16xi32> to vector<16xf32>
        %swap3A_291 = arith.constant 1 : i32
        %swap3A_292 = arith.index_cast %swap3A_291 : i32 to index
        %swap3A_293 = arith.index_cast %scan3A_259 : i32 to index
        %swap3A_294 = arith.constant 32 : index
        %swap3A_295 = tpu.vector_load %arg9[%swap3A_292, %swap3A_293, %swap3A_294] {strides = array<i32>} : memref<2x128x64xf32, #tpu.memory_space<vmem>>, vector<16xf32>,
        tpu.vector_store %arg9[%swap3A_292, %swap3A_293, %swap3A_294], %bitcast3A_286 {strides = array<i32>} : memref<2x128x64xf32, #tpu.memory_space<vmem>>, vector<16xf32>,
        %swap3A_296 = arith.constant 1 : i32
        %swap3A_297 = arith.index_cast %swap3A_296 : i32 to index
        %swap3A_298 = arith.index_cast %scan3A_259 : i32 to index
        %swap3A_299 = arith.constant 48 : index
        %swap3A_300 = tpu.vector_load %arg9[%swap3A_297, %swap3A_298, %swap3A_299] {strides = array<i32>} : memref<2x128x64xf32, #tpu.memory_space<vmem>>, vector<16xf32>,
        tpu.vector_store %arg9[%swap3A_297, %swap3A_298, %swap3A_299], %bitcast3A_290 {strides = array<i32>} : memref<2x128x64xf32, #tpu.memory_space<vmem>>, vector<16xf32>,
      }
      %scan3A_247 = arith.constant 128 : i32
      %dma_start3A_248 = arith.constant 1 : i32
      %dma_start3A_249 = arith.constant 0 : i32
      %dma_start3A_250 = arith.constant 0 : i32
      %dma_start3A_251 = tpu.memref_slice %arg9[%dma_start3A_248, %dma_start3A_249, %dma_start3A_250] : memref<2x128x64xf32, #tpu.memory_space<vmem>> -> memref<1x128x64xf32, #tpu.memory_space<vmem>>
      %dma_start3A_252 = tpu.memref_squeeze %dma_start3A_251 : memref<1x128x64xf32, #tpu.memory_space<vmem>> -> memref<128x64xf32, #tpu.memory_space<vmem>>
      %dma_start3A_253 = arith.constant 0 : i32
      %dma_start3A_254 = tpu.memref_slice %arg7[%add3A_215, %dma_start3A_253] : memref<160x128xi32, #tpu.memory_space<vmem>> -> memref<1x128xi32, #tpu.memory_space<vmem>>
      %dma_start3A_255 = tpu.memref_squeeze %dma_start3A_254 : memref<1x128xi32, #tpu.memory_space<vmem>> -> memref<128xi32, #tpu.memory_space<vmem>>
      %dma_start3A_256 = arith.constant 0 : i32
      %dma_start3A_257 = arith.constant 0 : i32
      %dma_start3A_258 = tpu.memref_slice %arg11[%dma_start3A_256, %dma_start3A_257] : memref<10240x64xf32, #tpu.memory_space<vmem_shared>> -> memref<10240x64xf32, #tpu.memory_space<vmem_shared>>
      tpu.enqueue_indirect_dma source(%dma_start3A_252 : memref<128x64xf32, #tpu.memory_space<vmem>>) target(%dma_start3A_258 : memref<10240x64xf32, #tpu.memory_space<vmem_shared>>) offsets(%dma_start3A_255 : memref<128xi32, #tpu.memory_space<vmem>>) semaphore(%arg17 : memref<!tpu.dma_semaphore, #tpu.memory_space<semaphore_mem>>) {add = true}
    }
    %scan3A_49 = arith.constant 40 : i32
    %dma_wait3A = arith.constant 0 : i32
    %dma_wait3A_50 = arith.constant 158 : i32
    %dma_wait3A_51 = arith.constant 0 : i32
    %dma_wait3A_52 = arith.constant 0 : i32
    %dma_wait3A_53 = tpu.memref_slice %arg9[%dma_wait3A, %dma_wait3A_51, %dma_wait3A_52] : memref<2x128x64xf32, #tpu.memory_space<vmem>> -> memref<1x128x64xf32, #tpu.memory_space<vmem>>
    %dma_wait3A_54 = tpu.memref_squeeze %dma_wait3A_53 : memref<1x128x64xf32, #tpu.memory_space<vmem>> -> memref<128x64xf32, #tpu.memory_space<vmem>>
    %dma_wait3A_55 = arith.constant 0 : i32
    %dma_wait3A_56 = tpu.memref_slice %arg7[%dma_wait3A_50, %dma_wait3A_55] : memref<160x128xi32, #tpu.memory_space<vmem>> -> memref<1x128xi32, #tpu.memory_space<vmem>>
    %dma_wait3A_57 = tpu.memref_squeeze %dma_wait3A_56 : memref<1x128xi32, #tpu.memory_space<vmem>> -> memref<128xi32, #tpu.memory_space<vmem>>
    %dma_wait3A_58 = arith.constant 0 : i32
    %dma_wait3A_59 = arith.constant 0 : i32
    %dma_wait3A_60 = tpu.memref_slice %arg11[%dma_wait3A_58, %dma_wait3A_59] : memref<10240x64xf32, #tpu.memory_space<vmem_shared>> -> memref<10240x64xf32, #tpu.memory_space<vmem_shared>>
    tpu.wait_indirect_dma semaphore(%arg16 : memref<!tpu.dma_semaphore, #tpu.memory_space<semaphore_mem>>) src(%dma_wait3A_54 : memref<128x64xf32, #tpu.memory_space<vmem>>) dst(%dma_wait3A_60 : memref<10240x64xf32, #tpu.memory_space<vmem_shared>>)
    %dma_wait3A_61 = arith.constant 1 : i32
    %dma_wait3A_62 = arith.constant 159 : i32
    %dma_wait3A_63 = arith.constant 0 : i32
    %dma_wait3A_64 = arith.constant 0 : i32
    %dma_wait3A_65 = tpu.memref_slice %arg9[%dma_wait3A_61, %dma_wait3A_63, %dma_wait3A_64] : memref<2x128x64xf32, #tpu.memory_space<vmem>> -> memref<1x128x64xf32, #tpu.memory_space<vmem>>
    %dma_wait3A_66 = tpu.memref_squeeze %dma_wait3A_65 : memref<1x128x64xf32, #tpu.memory_space<vmem>> -> memref<128x64xf32, #tpu.memory_space<vmem>>
    %dma_wait3A_67 = arith.constant 0 : i32
    %dma_wait3A_68 = tpu.memref_slice %arg7[%dma_wait3A_62, %dma_wait3A_67] : memref<160x128xi32, #tpu.memory_space<vmem>> -> memref<1x128xi32, #tpu.memory_space<vmem>>
    %dma_wait3A_69 = tpu.memref_squeeze %dma_wait3A_68 : memref<1x128xi32, #tpu.memory_space<vmem>> -> memref<128xi32, #tpu.memory_space<vmem>>
    %dma_wait3A_70 = arith.constant 0 : i32
    %dma_wait3A_71 = arith.constant 0 : i32
    %dma_wait3A_72 = tpu.memref_slice %arg11[%dma_wait3A_70, %dma_wait3A_71] : memref<10240x64xf32, #tpu.memory_space<vmem_shared>> -> memref<10240x64xf32, #tpu.memory_space<vmem_shared>>
    tpu.wait_indirect_dma semaphore(%arg17 : memref<!tpu.dma_semaphore, #tpu.memory_space<semaphore_mem>>) src(%dma_wait3A_66 : memref<128x64xf32, #tpu.memory_space<vmem>>) dst(%dma_wait3A_72 : memref<10240x64xf32, #tpu.memory_space<vmem_shared>>)
    %barrier3A_73 = arith.constant 0 : index
    tpu.barrier barrier_id(%barrier3A_73)
    "tpu.region"() ({
      %run_scoped3A = tpu.sem_alloc : memref<!tpu.dma_semaphore, #tpu.memory_space<semaphore_mem>>
      %dma_start3A_74 = arith.constant 0 : i32
      %dma_start3A_75 = arith.constant 0 : i32
      %dma_start3A_76 = tpu.memref_slice %arg5[%arg0, %dma_start3A_74, %dma_start3A_75] : memref<2x10240x64xf32, #tpu.memory_space<hbm>> -> memref<1x10240x64xf32, #tpu.memory_space<hbm>>
      %dma_start3A_77 = tpu.memref_squeeze %dma_start3A_76 : memref<1x10240x64xf32, #tpu.memory_space<hbm>> -> memref<10240x64xf32, #tpu.memory_space<hbm>>
      %dma_start3A_78 = arith.constant 0 : i32
      %dma_start3A_79 = tpu.memref_slice %dma_start3A_77[%mul3A_4, %dma_start3A_78] : memref<10240x64xf32, #tpu.memory_space<hbm>> -> memref<640x64xf32, #tpu.memory_space<hbm>>
      %dma_start3A_80 = arith.constant 0 : i32
      %dma_start3A_81 = tpu.memref_slice %arg11[%mul3A_4, %dma_start3A_80] : memref<10240x64xf32, #tpu.memory_space<vmem_shared>> -> memref<640x64xf32, #tpu.memory_space<vmem_shared>>
      tpu.enqueue_dma source(%dma_start3A_81 : memref<640x64xf32, #tpu.memory_space<vmem_shared>>) target(%dma_start3A_79 : memref<640x64xf32, #tpu.memory_space<hbm>>) target_semaphore(%run_scoped3A : memref<!tpu.dma_semaphore, #tpu.memory_space<semaphore_mem>>)
      %dma_wait3A_82 = arith.constant 0 : i32
      %dma_wait3A_83 = arith.constant 0 : i32
      %dma_wait3A_84 = tpu.memref_slice %arg5[%arg0, %dma_wait3A_82, %dma_wait3A_83] : memref<2x10240x64xf32, #tpu.memory_space<hbm>> -> memref<1x10240x64xf32, #tpu.memory_space<hbm>>
      %dma_wait3A_85 = tpu.memref_squeeze %dma_wait3A_84 : memref<1x10240x64xf32, #tpu.memory_space<hbm>> -> memref<10240x64xf32, #tpu.memory_space<hbm>>
      %dma_wait3A_86 = arith.constant 0 : i32
      %dma_wait3A_87 = tpu.memref_slice %dma_wait3A_85[%mul3A_4, %dma_wait3A_86] : memref<10240x64xf32, #tpu.memory_space<hbm>> -> memref<640x64xf32, #tpu.memory_space<hbm>>
      %dma_wait3A_88 = arith.constant 0 : i32
      %dma_wait3A_89 = tpu.memref_slice %arg11[%mul3A_4, %dma_wait3A_88] : memref<10240x64xf32, #tpu.memory_space<vmem_shared>> -> memref<640x64xf32, #tpu.memory_space<vmem_shared>>
      tpu.wait_dma2 semaphore(%run_scoped3A : memref<!tpu.dma_semaphore, #tpu.memory_space<semaphore_mem>>) src(%dma_wait3A_89 : memref<640x64xf32, #tpu.memory_space<vmem_shared>>) dst(%dma_wait3A_87 : memref<640x64xf32, #tpu.memory_space<hbm>>)
      tpu.yield
    }) : () -> ()
    return
  }
}

module attributes {stable_mosaic.version = 14 : i64} {
  func.func @_prescale_body(%arg0: i32, %arg1: memref<1024x128xf32, #tpu.memory_space<vmem>>, %arg2: memref<2x1024x16xf32, #tpu.memory_space<vmem>>, %arg3: memref<2x1024x64xbf16, #tpu.memory_space<vmem>>) attributes {dimension_semantics = [#tpu.dimension_semantics<arbitrary>], iteration_bounds = array<i64: 10>, scalar_prefetch = 0 : i64, scratch_operands = 0 : i64, tpu.core_type = #tpu.core_type<tc>, window_params = [{transform_indices = @transform_0, window_bounds = array<i64: 1024, 128>}, {transform_indices = @transform_1, window_bounds = array<i64: 2, 1024, 16>}, {transform_indices = @transform_2, window_bounds = array<i64: 2, 1024, 64>}]} {
    %get3A = arith.constant 0 : index
    %get3A_0 = arith.constant 0 : index
    %get3A_1 = vector.load %arg1[%get3A, %get3A_0] : memref<1024x128xf32, #tpu.memory_space<vmem>>, vector<1024x128xf32>
    %get3A_2 = arith.constant 0 : index
    %get3A_3 = arith.constant 0 : index
    %get3A_4 = arith.constant 0 : index
    %get3A_5 = vector.load %arg2[%get3A_2, %get3A_3, %get3A_4] : memref<2x1024x16xf32, #tpu.memory_space<vmem>>, vector<1x1024x1xf32>
    %get3A_6 = vector.shape_cast %get3A_5 : vector<1x1024x1xf32> to vector<1024x1xf32>
    %get3A_7 = arith.constant 1 : index
    %get3A_8 = arith.constant 0 : index
    %get3A_9 = arith.constant 0 : index
    %get3A_10 = vector.load %arg2[%get3A_7, %get3A_8, %get3A_9] : memref<2x1024x16xf32, #tpu.memory_space<vmem>>, vector<1x1024x1xf32>
    %get3A_11 = vector.shape_cast %get3A_10 : vector<1x1024x1xf32> to vector<1024x1xf32>
    %add3A = arith.addf %get3A_6, %get3A_11 : vector<1024x1xf32>
    %max3A = arith.constant 1.000000e+00 : f32
    %max3A_12 = vector.broadcast %max3A : f32 to vector<1024x1xf32>
    %max3A_13 = arith.maximumf %add3A, %max3A_12 : vector<1024x1xf32>
    %rsqrt3A = math.rsqrt %max3A_13 : vector<1024x1xf32>
    %mul3A = vector.broadcast %rsqrt3A : vector<1024x1xf32> to vector<1024x128xf32>
    %mul3A_14 = arith.mulf %get3A_1, %mul3A : vector<1024x128xf32>
    %slice3A = vector.extract_strided_slice %mul3A_14 {offsets = [0, 0], sizes = [1024, 64], strides = [1, 1]} : vector<1024x128xf32> to vector<1024x64xf32>
    %convert_element_type3A = arith.truncf %slice3A : vector<1024x64xf32> to vector<1024x64xbf16>
    %swap3A = arith.constant 0 : index
    %swap3A_15 = arith.constant 0 : index
    %swap3A_16 = arith.constant 0 : index
    %swap3A_17 = vector.load %arg3[%swap3A, %swap3A_15, %swap3A_16] : memref<2x1024x64xbf16, #tpu.memory_space<vmem>>, vector<1x1024x64xbf16>
    %swap3A_18 = vector.shape_cast %swap3A_17 : vector<1x1024x64xbf16> to vector<1024x64xbf16>
    %swap3A_19 = vector.shape_cast %convert_element_type3A : vector<1024x64xbf16> to vector<1x1024x64xbf16>
    tpu.vector_store %arg3[%swap3A, %swap3A_15, %swap3A_16], %swap3A_19 {strides = array<i32>} : memref<2x1024x64xbf16, #tpu.memory_space<vmem>>, vector<1x1024x64xbf16>,
    %slice3A_20 = vector.extract_strided_slice %mul3A_14 {offsets = [0, 64], sizes = [1024, 64], strides = [1, 1]} : vector<1024x128xf32> to vector<1024x64xf32>
    %convert_element_type3A_21 = arith.truncf %slice3A_20 : vector<1024x64xf32> to vector<1024x64xbf16>
    %swap3A_22 = arith.constant 1 : index
    %swap3A_23 = arith.constant 0 : index
    %swap3A_24 = arith.constant 0 : index
    %swap3A_25 = vector.load %arg3[%swap3A_22, %swap3A_23, %swap3A_24] : memref<2x1024x64xbf16, #tpu.memory_space<vmem>>, vector<1x1024x64xbf16>
    %swap3A_26 = vector.shape_cast %swap3A_25 : vector<1x1024x64xbf16> to vector<1024x64xbf16>
    %swap3A_27 = vector.shape_cast %convert_element_type3A_21 : vector<1024x64xbf16> to vector<1x1024x64xbf16>
    tpu.vector_store %arg3[%swap3A_22, %swap3A_23, %swap3A_24], %swap3A_27 {strides = array<i32>} : memref<2x1024x64xbf16, #tpu.memory_space<vmem>>, vector<1x1024x64xbf16>,
    return
  }
  func.func @transform_0(%arg0: i32) -> (i32, i32) {
    %c0_i32 = arith.constant 0 : i32
    %c0_i32_0 = arith.constant 0 : i32
    return %arg0, %c0_i32 : i32, i32
  }
  func.func @transform_1(%arg0: i32) -> (i32, i32, i32) {
    %c0_i32 = arith.constant 0 : i32
    %c0_i32_0 = arith.constant 0 : i32
    %c0_i32_1 = arith.constant 0 : i32
    return %c0_i32, %arg0, %c0_i32_0 : i32, i32, i32
  }
  func.func @transform_2(%arg0: i32) -> (i32, i32, i32) {
    %c0_i32 = arith.constant 0 : i32
    %c0_i32_0 = arith.constant 0 : i32
    %c0_i32_1 = arith.constant 0 : i32
    return %c0_i32, %arg0, %c0_i32_0 : i32, i32, i32
  }
}

module attributes {stable_mosaic.version = 14 : i64} {
  func.func @_dense_body(%arg0: i32, %arg1: memref<2x1024x64xf32, #tpu.memory_space<vmem>>, %arg2: memref<2x1024x16xf32, #tpu.memory_space<vmem>>, %arg3: memref<2x1024x16xf32, #tpu.memory_space<vmem>>, %arg4: memref<128x128xf32, #tpu.memory_space<vmem>>, %arg5: memref<1x128xf32, #tpu.memory_space<vmem>>, %arg6: memref<2x1024x64xbf16, #tpu.memory_space<vmem>>) attributes {dimension_semantics = [#tpu.dimension_semantics<arbitrary>], iteration_bounds = array<i64: 10>, scalar_prefetch = 0 : i64, scratch_operands = 0 : i64, tpu.core_type = #tpu.core_type<tc>, window_params = [{transform_indices = @transform_0, window_bounds = array<i64: 2, 1024, 64>}, {transform_indices = @transform_1, window_bounds = array<i64: 2, 1024, 16>}, {transform_indices = @transform_2, window_bounds = array<i64: 2, 1024, 16>}, {pipeline_mode = #tpu.pipeline_mode<synchronous>, transform_indices = @transform_3, window_bounds = array<i64: 128, 128>}, {pipeline_mode = #tpu.pipeline_mode<synchronous>, transform_indices = @transform_4, window_bounds = array<i64: 1, 128>}, {transform_indices = @transform_5, window_bounds = array<i64: 2, 1024, 64>}]} {
    %get3A = arith.constant 0 : index
    %get3A_0 = arith.constant 0 : index
    %get3A_1 = arith.constant 0 : index
    %get3A_2 = vector.load %arg1[%get3A, %get3A_0, %get3A_1] : memref<2x1024x64xf32, #tpu.memory_space<vmem>>, vector<1x1024x64xf32>
    %get3A_3 = vector.shape_cast %get3A_2 : vector<1x1024x64xf32> to vector<1024x64xf32>
    %get3A_4 = arith.constant 1 : index
    %get3A_5 = arith.constant 0 : index
    %get3A_6 = arith.constant 0 : index
    %get3A_7 = vector.load %arg1[%get3A_4, %get3A_5, %get3A_6] : memref<2x1024x64xf32, #tpu.memory_space<vmem>>, vector<1x1024x64xf32>
    %get3A_8 = vector.shape_cast %get3A_7 : vector<1x1024x64xf32> to vector<1024x64xf32>
    %concatenate3A = tpu.concatenate %get3A_3, %get3A_8 in 1 : vector<1024x64xf32>, vector<1024x64xf32> -> vector<1024x128xf32>
    %get3A_9 = arith.constant 0 : index
    %get3A_10 = arith.constant 0 : index
    %get3A_11 = arith.constant 0 : index
    %get3A_12 = vector.load %arg2[%get3A_9, %get3A_10, %get3A_11] : memref<2x1024x16xf32, #tpu.memory_space<vmem>>, vector<1x1024x1xf32>
    %get3A_13 = vector.shape_cast %get3A_12 : vector<1x1024x1xf32> to vector<1024x1xf32>
    %get3A_14 = arith.constant 1 : index
    %get3A_15 = arith.constant 0 : index
    %get3A_16 = arith.constant 0 : index
    %get3A_17 = vector.load %arg2[%get3A_14, %get3A_15, %get3A_16] : memref<2x1024x16xf32, #tpu.memory_space<vmem>>, vector<1x1024x1xf32>
    %get3A_18 = vector.shape_cast %get3A_17 : vector<1x1024x1xf32> to vector<1024x1xf32>
    %add3A = arith.addf %get3A_13, %get3A_18 : vector<1024x1xf32>
    %max3A = arith.constant 1.000000e+00 : f32
    %max3A_19 = vector.broadcast %max3A : f32 to vector<1024x1xf32>
    %max3A_20 = arith.maximumf %add3A, %max3A_19 : vector<1024x1xf32>
    %rsqrt3A = math.rsqrt %max3A_20 : vector<1024x1xf32>
    %mul3A = vector.broadcast %rsqrt3A : vector<1024x1xf32> to vector<1024x128xf32>
    %mul3A_21 = arith.mulf %concatenate3A, %mul3A : vector<1024x128xf32>
    %get3A_22 = arith.constant 0 : index
    %get3A_23 = arith.constant 0 : index
    %get3A_24 = vector.load %arg4[%get3A_22, %get3A_23] : memref<128x128xf32, #tpu.memory_space<vmem>>, vector<128x128xf32>
    %dot_general3A = arith.constant dense<0.000000e+00> : vector<1024x128xf32>
    %dot_general3A_25 = tpu.matmul %mul3A_21, %get3A_24, %dot_general3A {dimension_numbers = #tpu.dot_dimension_numbers<[1], [0], [0], [1], [0, 0, 1, 1], [], []>, transpose_lhs_hint = false} : vector<1024x128xf32>, vector<128x128xf32>, vector<1024x128xf32> -> vector<1024x128xf32>
    %get3A_26 = arith.constant 0 : index
    %get3A_27 = arith.constant 0 : index
    %get3A_28 = vector.load %arg5[%get3A_26, %get3A_27] : memref<1x128xf32, #tpu.memory_space<vmem>>, vector<1x128xf32>
    %add3A_29 = vector.broadcast %get3A_28 : vector<1x128xf32> to vector<1024x128xf32>
    %add3A_30 = arith.addf %dot_general3A_25, %add3A_29 : vector<1024x128xf32>
    %max3A_31 = arith.constant 0.000000e+00 : f32
    %max3A_32 = vector.broadcast %max3A_31 : f32 to vector<1024x128xf32>
    %max3A_33 = arith.maximumf %add3A_30, %max3A_32 : vector<1024x128xf32>
    %get3A_34 = arith.constant 0 : index
    %get3A_35 = arith.constant 0 : index
    %get3A_36 = arith.constant 0 : index
    %get3A_37 = vector.load %arg3[%get3A_34, %get3A_35, %get3A_36] : memref<2x1024x16xf32, #tpu.memory_space<vmem>>, vector<1x1024x1xf32>
    %get3A_38 = vector.shape_cast %get3A_37 : vector<1x1024x1xf32> to vector<1024x1xf32>
    %get3A_39 = arith.constant 1 : index
    %get3A_40 = arith.constant 0 : index
    %get3A_41 = arith.constant 0 : index
    %get3A_42 = vector.load %arg3[%get3A_39, %get3A_40, %get3A_41] : memref<2x1024x16xf32, #tpu.memory_space<vmem>>, vector<1x1024x1xf32>
    %get3A_43 = vector.shape_cast %get3A_42 : vector<1x1024x1xf32> to vector<1024x1xf32>
    %add3A_44 = arith.addf %get3A_38, %get3A_43 : vector<1024x1xf32>
    %max3A_45 = arith.constant 1.000000e+00 : f32
    %max3A_46 = vector.broadcast %max3A_45 : f32 to vector<1024x1xf32>
    %max3A_47 = arith.maximumf %add3A_44, %max3A_46 : vector<1024x1xf32>
    %rsqrt3A_48 = math.rsqrt %max3A_47 : vector<1024x1xf32>
    %mul3A_49 = vector.broadcast %rsqrt3A_48 : vector<1024x1xf32> to vector<1024x128xf32>
    %mul3A_50 = arith.mulf %max3A_33, %mul3A_49 : vector<1024x128xf32>
    %slice3A = vector.extract_strided_slice %mul3A_50 {offsets = [0, 0], sizes = [1024, 64], strides = [1, 1]} : vector<1024x128xf32> to vector<1024x64xf32>
    %convert_element_type3A = arith.truncf %slice3A : vector<1024x64xf32> to vector<1024x64xbf16>
    %swap3A = arith.constant 0 : index
    %swap3A_51 = arith.constant 0 : index
    %swap3A_52 = arith.constant 0 : index
    %swap3A_53 = vector.load %arg6[%swap3A, %swap3A_51, %swap3A_52] : memref<2x1024x64xbf16, #tpu.memory_space<vmem>>, vector<1x1024x64xbf16>
    %swap3A_54 = vector.shape_cast %swap3A_53 : vector<1x1024x64xbf16> to vector<1024x64xbf16>
    %swap3A_55 = vector.shape_cast %convert_element_type3A : vector<1024x64xbf16> to vector<1x1024x64xbf16>
    tpu.vector_store %arg6[%swap3A, %swap3A_51, %swap3A_52], %swap3A_55 {strides = array<i32>} : memref<2x1024x64xbf16, #tpu.memory_space<vmem>>, vector<1x1024x64xbf16>,
    %slice3A_56 = vector.extract_strided_slice %mul3A_50 {offsets = [0, 64], sizes = [1024, 64], strides = [1, 1]} : vector<1024x128xf32> to vector<1024x64xf32>
    %convert_element_type3A_57 = arith.truncf %slice3A_56 : vector<1024x64xf32> to vector<1024x64xbf16>
    %swap3A_58 = arith.constant 1 : index
    %swap3A_59 = arith.constant 0 : index
    %swap3A_60 = arith.constant 0 : index
    %swap3A_61 = vector.load %arg6[%swap3A_58, %swap3A_59, %swap3A_60] : memref<2x1024x64xbf16, #tpu.memory_space<vmem>>, vector<1x1024x64xbf16>
    %swap3A_62 = vector.shape_cast %swap3A_61 : vector<1x1024x64xbf16> to vector<1024x64xbf16>
    %swap3A_63 = vector.shape_cast %convert_element_type3A_57 : vector<1024x64xbf16> to vector<1x1024x64xbf16>
    tpu.vector_store %arg6[%swap3A_58, %swap3A_59, %swap3A_60], %swap3A_63 {strides = array<i32>} : memref<2x1024x64xbf16, #tpu.memory_space<vmem>>, vector<1x1024x64xbf16>,
    return
  }
  func.func @transform_0(%arg0: i32) -> (i32, i32, i32) {
    %c0_i32 = arith.constant 0 : i32
    %c0_i32_0 = arith.constant 0 : i32
    %c0_i32_1 = arith.constant 0 : i32
    return %c0_i32, %arg0, %c0_i32_0 : i32, i32, i32
  }
  func.func @transform_1(%arg0: i32) -> (i32, i32, i32) {
    %c0_i32 = arith.constant 0 : i32
    %c0_i32_0 = arith.constant 0 : i32
    %c0_i32_1 = arith.constant 0 : i32
    return %c0_i32, %arg0, %c0_i32_0 : i32, i32, i32
  }
  func.func @transform_2(%arg0: i32) -> (i32, i32, i32) {
    %c0_i32 = arith.constant 0 : i32
    %c0_i32_0 = arith.constant 0 : i32
    %c0_i32_1 = arith.constant 0 : i32
    return %c0_i32, %arg0, %c0_i32_0 : i32, i32, i32
  }
  func.func @transform_3(%arg0: i32) -> (i32, i32) {
    %c0_i32 = arith.constant 0 : i32
    %c0_i32_0 = arith.constant 0 : i32
    %c0_i32_1 = arith.constant 0 : i32
    return %c0_i32, %c0_i32_0 : i32, i32
  }
  func.func @transform_4(%arg0: i32) -> (i32, i32) {
    %c0_i32 = arith.constant 0 : i32
    %c0_i32_0 = arith.constant 0 : i32
    %c0_i32_1 = arith.constant 0 : i32
    return %c0_i32, %c0_i32_0 : i32, i32
  }
  func.func @transform_5(%arg0: i32) -> (i32, i32, i32) {
    %c0_i32 = arith.constant 0 : i32
    %c0_i32_0 = arith.constant 0 : i32
    %c0_i32_1 = arith.constant 0 : i32
    return %c0_i32, %arg0, %c0_i32_0 : i32, i32, i32
  }
}

module attributes {stable_mosaic.version = 14 : i64} {
  func.func @_dense2_body(%arg0: i32, %arg1: memref<2x1024x64xf32, #tpu.memory_space<vmem>>, %arg2: memref<2x1024x16xf32, #tpu.memory_space<vmem>>, %arg3: memref<2x1024x16xf32, #tpu.memory_space<vmem>>, %arg4: memref<128x128xf32, #tpu.memory_space<vmem>>, %arg5: memref<1x128xf32, #tpu.memory_space<vmem>>, %arg6: memref<128x64xf32, #tpu.memory_space<vmem>>, %arg7: memref<2x1024x32xbf16, #tpu.memory_space<vmem>>) attributes {dimension_semantics = [#tpu.dimension_semantics<arbitrary>], iteration_bounds = array<i64: 10>, scalar_prefetch = 0 : i64, scratch_operands = 0 : i64, tpu.core_type = #tpu.core_type<tc>, window_params = [{transform_indices = @transform_0, window_bounds = array<i64: 2, 1024, 64>}, {transform_indices = @transform_1, window_bounds = array<i64: 2, 1024, 16>}, {transform_indices = @transform_2, window_bounds = array<i64: 2, 1024, 16>}, {pipeline_mode = #tpu.pipeline_mode<synchronous>, transform_indices = @transform_3, window_bounds = array<i64: 128, 128>}, {pipeline_mode = #tpu.pipeline_mode<synchronous>, transform_indices = @transform_4, window_bounds = array<i64: 1, 128>}, {pipeline_mode = #tpu.pipeline_mode<synchronous>, transform_indices = @transform_5, window_bounds = array<i64: 128, 64>}, {transform_indices = @transform_6, window_bounds = array<i64: 2, 1024, 32>}]} {
    %get3A = arith.constant 0 : index
    %get3A_0 = arith.constant 0 : index
    %get3A_1 = arith.constant 0 : index
    %get3A_2 = vector.load %arg1[%get3A, %get3A_0, %get3A_1] : memref<2x1024x64xf32, #tpu.memory_space<vmem>>, vector<1x1024x64xf32>
    %get3A_3 = vector.shape_cast %get3A_2 : vector<1x1024x64xf32> to vector<1024x64xf32>
    %get3A_4 = arith.constant 1 : index
    %get3A_5 = arith.constant 0 : index
    %get3A_6 = arith.constant 0 : index
    %get3A_7 = vector.load %arg1[%get3A_4, %get3A_5, %get3A_6] : memref<2x1024x64xf32, #tpu.memory_space<vmem>>, vector<1x1024x64xf32>
    %get3A_8 = vector.shape_cast %get3A_7 : vector<1x1024x64xf32> to vector<1024x64xf32>
    %concatenate3A = tpu.concatenate %get3A_3, %get3A_8 in 1 : vector<1024x64xf32>, vector<1024x64xf32> -> vector<1024x128xf32>
    %get3A_9 = arith.constant 0 : index
    %get3A_10 = arith.constant 0 : index
    %get3A_11 = arith.constant 0 : index
    %get3A_12 = vector.load %arg2[%get3A_9, %get3A_10, %get3A_11] : memref<2x1024x16xf32, #tpu.memory_space<vmem>>, vector<1x1024x1xf32>
    %get3A_13 = vector.shape_cast %get3A_12 : vector<1x1024x1xf32> to vector<1024x1xf32>
    %get3A_14 = arith.constant 1 : index
    %get3A_15 = arith.constant 0 : index
    %get3A_16 = arith.constant 0 : index
    %get3A_17 = vector.load %arg2[%get3A_14, %get3A_15, %get3A_16] : memref<2x1024x16xf32, #tpu.memory_space<vmem>>, vector<1x1024x1xf32>
    %get3A_18 = vector.shape_cast %get3A_17 : vector<1x1024x1xf32> to vector<1024x1xf32>
    %add3A = arith.addf %get3A_13, %get3A_18 : vector<1024x1xf32>
    %max3A = arith.constant 1.000000e+00 : f32
    %max3A_19 = vector.broadcast %max3A : f32 to vector<1024x1xf32>
    %max3A_20 = arith.maximumf %add3A, %max3A_19 : vector<1024x1xf32>
    %rsqrt3A = math.rsqrt %max3A_20 : vector<1024x1xf32>
    %mul3A = vector.broadcast %rsqrt3A : vector<1024x1xf32> to vector<1024x128xf32>
    %mul3A_21 = arith.mulf %concatenate3A, %mul3A : vector<1024x128xf32>
    %get3A_22 = arith.constant 0 : index
    %get3A_23 = arith.constant 0 : index
    %get3A_24 = vector.load %arg4[%get3A_22, %get3A_23] : memref<128x128xf32, #tpu.memory_space<vmem>>, vector<128x128xf32>
    %dot_general3A = arith.constant dense<0.000000e+00> : vector<1024x128xf32>
    %dot_general3A_25 = tpu.matmul %mul3A_21, %get3A_24, %dot_general3A {dimension_numbers = #tpu.dot_dimension_numbers<[1], [0], [0], [1], [0, 0, 1, 1], [], []>, transpose_lhs_hint = false} : vector<1024x128xf32>, vector<128x128xf32>, vector<1024x128xf32> -> vector<1024x128xf32>
    %get3A_26 = arith.constant 0 : index
    %get3A_27 = arith.constant 0 : index
    %get3A_28 = vector.load %arg5[%get3A_26, %get3A_27] : memref<1x128xf32, #tpu.memory_space<vmem>>, vector<1x128xf32>
    %add3A_29 = vector.broadcast %get3A_28 : vector<1x128xf32> to vector<1024x128xf32>
    %add3A_30 = arith.addf %dot_general3A_25, %add3A_29 : vector<1024x128xf32>
    %max3A_31 = arith.constant 0.000000e+00 : f32
    %max3A_32 = vector.broadcast %max3A_31 : f32 to vector<1024x128xf32>
    %max3A_33 = arith.maximumf %add3A_30, %max3A_32 : vector<1024x128xf32>
    %get3A_34 = arith.constant 0 : index
    %get3A_35 = arith.constant 0 : index
    %get3A_36 = arith.constant 0 : index
    %get3A_37 = vector.load %arg3[%get3A_34, %get3A_35, %get3A_36] : memref<2x1024x16xf32, #tpu.memory_space<vmem>>, vector<1x1024x1xf32>
    %get3A_38 = vector.shape_cast %get3A_37 : vector<1x1024x1xf32> to vector<1024x1xf32>
    %get3A_39 = arith.constant 1 : index
    %get3A_40 = arith.constant 0 : index
    %get3A_41 = arith.constant 0 : index
    %get3A_42 = vector.load %arg3[%get3A_39, %get3A_40, %get3A_41] : memref<2x1024x16xf32, #tpu.memory_space<vmem>>, vector<1x1024x1xf32>
    %get3A_43 = vector.shape_cast %get3A_42 : vector<1x1024x1xf32> to vector<1024x1xf32>
    %add3A_44 = arith.addf %get3A_38, %get3A_43 : vector<1024x1xf32>
    %max3A_45 = arith.constant 1.000000e+00 : f32
    %max3A_46 = vector.broadcast %max3A_45 : f32 to vector<1024x1xf32>
    %max3A_47 = arith.maximumf %add3A_44, %max3A_46 : vector<1024x1xf32>
    %rsqrt3A_48 = math.rsqrt %max3A_47 : vector<1024x1xf32>
    %mul3A_49 = vector.broadcast %rsqrt3A_48 : vector<1024x1xf32> to vector<1024x128xf32>
    %mul3A_50 = arith.mulf %max3A_33, %mul3A_49 : vector<1024x128xf32>
    %get3A_51 = arith.constant 0 : index
    %get3A_52 = arith.constant 0 : index
    %get3A_53 = vector.load %arg6[%get3A_51, %get3A_52] : memref<128x64xf32, #tpu.memory_space<vmem>>, vector<128x64xf32>
    %dot_general3A_54 = arith.constant dense<0.000000e+00> : vector<1024x64xf32>
    %dot_general3A_55 = tpu.matmul %mul3A_50, %get3A_53, %dot_general3A_54 {dimension_numbers = #tpu.dot_dimension_numbers<[1], [0], [0], [1], [0, 0, 1, 1], [], []>, transpose_lhs_hint = false} : vector<1024x128xf32>, vector<128x64xf32>, vector<1024x64xf32> -> vector<1024x64xf32>
    %slice3A = vector.extract_strided_slice %dot_general3A_55 {offsets = [0, 0], sizes = [1024, 32], strides = [1, 1]} : vector<1024x64xf32> to vector<1024x32xf32>
    %convert_element_type3A = arith.truncf %slice3A : vector<1024x32xf32> to vector<1024x32xbf16>
    %swap3A = arith.constant 0 : index
    %swap3A_56 = arith.constant 0 : index
    %swap3A_57 = arith.constant 0 : index
    %swap3A_58 = vector.load %arg7[%swap3A, %swap3A_56, %swap3A_57] : memref<2x1024x32xbf16, #tpu.memory_space<vmem>>, vector<1x1024x32xbf16>
    %swap3A_59 = vector.shape_cast %swap3A_58 : vector<1x1024x32xbf16> to vector<1024x32xbf16>
    %swap3A_60 = vector.shape_cast %convert_element_type3A : vector<1024x32xbf16> to vector<1x1024x32xbf16>
    tpu.vector_store %arg7[%swap3A, %swap3A_56, %swap3A_57], %swap3A_60 {strides = array<i32>} : memref<2x1024x32xbf16, #tpu.memory_space<vmem>>, vector<1x1024x32xbf16>,
    %slice3A_61 = vector.extract_strided_slice %dot_general3A_55 {offsets = [0, 32], sizes = [1024, 32], strides = [1, 1]} : vector<1024x64xf32> to vector<1024x32xf32>
    %convert_element_type3A_62 = arith.truncf %slice3A_61 : vector<1024x32xf32> to vector<1024x32xbf16>
    %swap3A_63 = arith.constant 1 : index
    %swap3A_64 = arith.constant 0 : index
    %swap3A_65 = arith.constant 0 : index
    %swap3A_66 = vector.load %arg7[%swap3A_63, %swap3A_64, %swap3A_65] : memref<2x1024x32xbf16, #tpu.memory_space<vmem>>, vector<1x1024x32xbf16>
    %swap3A_67 = vector.shape_cast %swap3A_66 : vector<1x1024x32xbf16> to vector<1024x32xbf16>
    %swap3A_68 = vector.shape_cast %convert_element_type3A_62 : vector<1024x32xbf16> to vector<1x1024x32xbf16>
    tpu.vector_store %arg7[%swap3A_63, %swap3A_64, %swap3A_65], %swap3A_68 {strides = array<i32>} : memref<2x1024x32xbf16, #tpu.memory_space<vmem>>, vector<1x1024x32xbf16>,
    return
  }
  func.func @transform_0(%arg0: i32) -> (i32, i32, i32) {
    %c0_i32 = arith.constant 0 : i32
    %c0_i32_0 = arith.constant 0 : i32
    %c0_i32_1 = arith.constant 0 : i32
    return %c0_i32, %arg0, %c0_i32_0 : i32, i32, i32
  }
  func.func @transform_1(%arg0: i32) -> (i32, i32, i32) {
    %c0_i32 = arith.constant 0 : i32
    %c0_i32_0 = arith.constant 0 : i32
    %c0_i32_1 = arith.constant 0 : i32
    return %c0_i32, %arg0, %c0_i32_0 : i32, i32, i32
  }
  func.func @transform_2(%arg0: i32) -> (i32, i32, i32) {
    %c0_i32 = arith.constant 0 : i32
    %c0_i32_0 = arith.constant 0 : i32
    %c0_i32_1 = arith.constant 0 : i32
    return %c0_i32, %arg0, %c0_i32_0 : i32, i32, i32
  }
  func.func @transform_3(%arg0: i32) -> (i32, i32) {
    %c0_i32 = arith.constant 0 : i32
    %c0_i32_0 = arith.constant 0 : i32
    %c0_i32_1 = arith.constant 0 : i32
    return %c0_i32, %c0_i32_0 : i32, i32
  }
  func.func @transform_4(%arg0: i32) -> (i32, i32) {
    %c0_i32 = arith.constant 0 : i32
    %c0_i32_0 = arith.constant 0 : i32
    %c0_i32_1 = arith.constant 0 : i32
    return %c0_i32, %c0_i32_0 : i32, i32
  }
  func.func @transform_5(%arg0: i32) -> (i32, i32) {
    %c0_i32 = arith.constant 0 : i32
    %c0_i32_0 = arith.constant 0 : i32
    %c0_i32_1 = arith.constant 0 : i32
    return %c0_i32, %c0_i32_0 : i32, i32
  }
  func.func @transform_6(%arg0: i32) -> (i32, i32, i32) {
    %c0_i32 = arith.constant 0 : i32
    %c0_i32_0 = arith.constant 0 : i32
    %c0_i32_1 = arith.constant 0 : i32
    return %c0_i32, %arg0, %c0_i32_0 : i32, i32, i32
  }
}

module attributes {stable_mosaic.version = 14 : i64} {
  func.func @_final_body(%arg0: i32, %arg1: memref<2x1024x32xf32, #tpu.memory_space<vmem>>, %arg2: memref<2x1024x16xf32, #tpu.memory_space<vmem>>, %arg3: memref<1x64xf32, #tpu.memory_space<vmem>>, %arg4: memref<1024x64xf32, #tpu.memory_space<vmem>>) attributes {dimension_semantics = [#tpu.dimension_semantics<arbitrary>], iteration_bounds = array<i64: 10>, scalar_prefetch = 0 : i64, scratch_operands = 0 : i64, tpu.core_type = #tpu.core_type<tc>, window_params = [{transform_indices = @transform_0, window_bounds = array<i64: 2, 1024, 32>}, {transform_indices = @transform_1, window_bounds = array<i64: 2, 1024, 16>}, {pipeline_mode = #tpu.pipeline_mode<synchronous>, transform_indices = @transform_2, window_bounds = array<i64: 1, 64>}, {transform_indices = @transform_3, window_bounds = array<i64: 1024, 64>}]} {
    %get3A = arith.constant 0 : index
    %get3A_0 = arith.constant 0 : index
    %get3A_1 = arith.constant 0 : index
    %get3A_2 = vector.load %arg1[%get3A, %get3A_0, %get3A_1] : memref<2x1024x32xf32, #tpu.memory_space<vmem>>, vector<1x1024x32xf32>
    %get3A_3 = vector.shape_cast %get3A_2 : vector<1x1024x32xf32> to vector<1024x32xf32>
    %get3A_4 = arith.constant 1 : index
    %get3A_5 = arith.constant 0 : index
    %get3A_6 = arith.constant 0 : index
    %get3A_7 = vector.load %arg1[%get3A_4, %get3A_5, %get3A_6] : memref<2x1024x32xf32, #tpu.memory_space<vmem>>, vector<1x1024x32xf32>
    %get3A_8 = vector.shape_cast %get3A_7 : vector<1x1024x32xf32> to vector<1024x32xf32>
    %concatenate3A = tpu.concatenate %get3A_3, %get3A_8 in 1 : vector<1024x32xf32>, vector<1024x32xf32> -> vector<1024x64xf32>
    %get3A_9 = arith.constant 0 : index
    %get3A_10 = arith.constant 0 : index
    %get3A_11 = arith.constant 0 : index
    %get3A_12 = vector.load %arg2[%get3A_9, %get3A_10, %get3A_11] : memref<2x1024x16xf32, #tpu.memory_space<vmem>>, vector<1x1024x1xf32>
    %get3A_13 = vector.shape_cast %get3A_12 : vector<1x1024x1xf32> to vector<1024x1xf32>
    %get3A_14 = arith.constant 1 : index
    %get3A_15 = arith.constant 0 : index
    %get3A_16 = arith.constant 0 : index
    %get3A_17 = vector.load %arg2[%get3A_14, %get3A_15, %get3A_16] : memref<2x1024x16xf32, #tpu.memory_space<vmem>>, vector<1x1024x1xf32>
    %get3A_18 = vector.shape_cast %get3A_17 : vector<1x1024x1xf32> to vector<1024x1xf32>
    %add3A = arith.addf %get3A_13, %get3A_18 : vector<1024x1xf32>
    %max3A = arith.constant 1.000000e+00 : f32
    %max3A_19 = vector.broadcast %max3A : f32 to vector<1024x1xf32>
    %max3A_20 = arith.maximumf %add3A, %max3A_19 : vector<1024x1xf32>
    %rsqrt3A = math.rsqrt %max3A_20 : vector<1024x1xf32>
    %mul3A = vector.broadcast %rsqrt3A : vector<1024x1xf32> to vector<1024x64xf32>
    %mul3A_21 = arith.mulf %concatenate3A, %mul3A : vector<1024x64xf32>
    %get3A_22 = arith.constant 0 : index
    %get3A_23 = arith.constant 0 : index
    %get3A_24 = vector.load %arg3[%get3A_22, %get3A_23] : memref<1x64xf32, #tpu.memory_space<vmem>>, vector<1x64xf32>
    %add3A_25 = vector.broadcast %get3A_24 : vector<1x64xf32> to vector<1024x64xf32>
    %add3A_26 = arith.addf %mul3A_21, %add3A_25 : vector<1024x64xf32>
    %swap3A = arith.constant 0 : index
    %swap3A_27 = arith.constant 0 : index
    %swap3A_28 = vector.load %arg4[%swap3A, %swap3A_27] : memref<1024x64xf32, #tpu.memory_space<vmem>>, vector<1024x64xf32>
    tpu.vector_store %arg4[%swap3A, %swap3A_27], %add3A_26 {strides = array<i32>} : memref<1024x64xf32, #tpu.memory_space<vmem>>, vector<1024x64xf32>,
    return
  }
  func.func @transform_0(%arg0: i32) -> (i32, i32, i32) {
    %c0_i32 = arith.constant 0 : i32
    %c0_i32_0 = arith.constant 0 : i32
    %c0_i32_1 = arith.constant 0 : i32
    return %c0_i32, %arg0, %c0_i32_0 : i32, i32, i32
  }
  func.func @transform_1(%arg0: i32) -> (i32, i32, i32) {
    %c0_i32 = arith.constant 0 : i32
    %c0_i32_0 = arith.constant 0 : i32
    %c0_i32_1 = arith.constant 0 : i32
    return %c0_i32, %arg0, %c0_i32_0 : i32, i32, i32
  }
  func.func @transform_2(%arg0: i32) -> (i32, i32) {
    %c0_i32 = arith.constant 0 : i32
    %c0_i32_0 = arith.constant 0 : i32
    %c0_i32_1 = arith.constant 0 : i32
    return %c0_i32, %c0_i32_0 : i32, i32
  }
  func.func @transform_3(%arg0: i32) -> (i32, i32) {
    %c0_i32 = arith.constant 0 : i32
    %c0_i32_0 = arith.constant 0 : i32
    return %arg0, %c0_i32 : i32, i32
  }
}

</mosaic_0001>

<sc_bundles>
// kernel: kernel.10.cloned.1.call-start
scs
__scs_entry_jumppad:
0x0: {  	(pc) =	sbr.rel $0x88, $3  }
0x1: {  	(tag) =	ssettag $0x0;
	lr =	simm.s32 $0x1  }
0x2: {  	[smem:$0x3F99] =	sst lr;
	_ =	strace $0xD0000000  }
0x3: {  	_ = 	snop  }
0x4: {  	_ = 	snop  }
0x5: {  	_ = 	snop  }
0x6: {  	_ = 	snop  }
0x7: {  	_ = 	snop  }
__scs_overlays_trampoline_lowered:
0x8: {  	[smem:$0x3FA8] =	sst s0  }
0x9: {  	[smem:$0x3FA9] =	sst s1  }
0xa: {  	[smem:$0x3FAA] =	sst s2  }
0xb: {  	[smem:$0x3FAB] =	sst s3  }
0xc: {  	[smem:$0x3FAC] =	sst s4  }
0xd: {  	[smem:$0x3FAD] =	sst s5  }
0xe: {  	[smem:$0x3FAE] =	sst s6  }
0xf: {  	[smem:$0x3FAF] =	sst s7  }
0x10: {  	[smem:$0x3FB0] =	sst s8  }
0x11: {  	[smem:$0x3FB1] =	sst s9;
	s0 =	simm.s32 @!p0 $0x0  }
0x12: {  	s1 =	sld [smem:$0x3F97];
	s0 =	simm.s32 @p0 $0x1  }
0x13: {  	[smem:$0x3FB2] =	sst s0;
	s0 =	simm.s32 @!p1 $0x0  }
0x14: {  	s2 =	sld [smem:$0x3F96];
	s0 =	simm.s32 @p1 $0x1  }
0x15: {  	[smem:$0x3FB3] =	sst s0;
	s0 =	simm.s32 @!p2 $0x0  }
0x16: {  	s3 =	sld [smem:$0x3FDB];
	s0 =	simm.s32 @p2 $0x1  }
0x17: {  	s4 =	simm.s32 $0x1BF5;
	[smem:$0x3FB5] =	sst s0  }
0x18: {  	s0 =	sld [smem:$0x3F98];
	_ =	swait.ge [sflag:s4], $0x0  }
0x19: {  	s7 =	sld [smem:$0x3F99]  }
0x1a: {  	s8 =	sadd.s32 $0xFFFFE003, lr  }
0x1b: {  	s9 =	sadd.s32 $0xFFFFFEF7, lr;
	s5 =	simm.s32 $0xFFFFFFFF;
	p2 =	slt.u32 s8, $0xFFFFF086  }
0x1c: {  	p1 =	slt.u32 s9, $0xF7A;
	s5 =	simm.s32 @!p2 $0x0  }
0x1d: {  	s5 =	simm.s32 @p1 $0x1;
	p0 =	seq.s32 s7, s2  }
0x1e: {  	s7 =	smul.u32 @!p0 $0xF7A, s2;
	p2 =	seq.s32 @!p0 s5, $0x0  }
0x1f: {  	s9 =	smul.u32 $0xF7A, s1;
	s8 =	simm.s32 @!p0 $0x1BF5;
	p2 =	por !p2, p0  }
0x20: {  	[sflag:s8] =	ssyncset.s32 @!p0 $0xFFFFF086;
	s6 =	sadd.s32 @!p0 s3, s7;
	s7 =	simm.s32 @!p0 $0x108  }
0x21: {  	s3 =	sadd.s32 s3, s9;
	s6 =	sadd.s32 @!p0 $0x88, s6;
	s7 =	simm.s32 @p2 $0x1082  }
0x22: {  	[simem:s7], [sflag:s8] =	dma.local @!p0 [hbm:s6], $0xF7A  }
0x23: {  	s9 =	sor.u32 $0xD0000000, s2;
	s6 =	simm.s32 $0x108;
	_ =	swait.ge @!p0 [sflag:s8], $0x0  }
0x24: {  	s3 =	sadd.s32 $0x88, s3;
	s6 =	simm.s32 @!p1 $0x1082;
	[sflag:s4] =	ssyncset.s32 $0xFFFFF086  }
0x25: {  	[simem:s6], [sflag:s4] =	dma.local [hbm:s3], $0xF7A  }
0x26: {  	[smem:$0x3F99] =	sst s1;
	(tag) =	ssettag s2;
	_ =	strace s9  }
0x27: {  	s1 =	sld [smem:$0x3FA9]  }
0x28: {  	s2 =	sld [smem:$0x3FAA]  }
0x29: {  	s4 =	sld [smem:$0x3FAC]  }
0x2a: {  	p0 =	seq.s32 s5, $0x0;
	s5 =	sld [smem:$0x3FAD]  }
0x2b: {  	s6 =	sld [smem:$0x3FAE]  }
0x2c: {  	s7 =	sld [smem:$0x3FAF]  }
0x2d: {  	s3 =	simm.s32 $0x108;
	s8 =	sld [smem:$0x3FB0]  }
0x2e: {  	s3 =	simm.s32 @!p0 $0x1082;
	s9 =	sld [smem:$0x3FB1]  }
0x2f: {  	lr =	sadd.s32 s0, s3;
	s0 =	sld [smem:$0x3FA8]  }
0x30: {  	s3 =	sld [smem:$0x3FAB]  }
0x31: {  	[smem:$0x3FB4] =	sst s10  }
0x32: {  	s10 =	sld [smem:$0x3FB2];
	_ =	sdelay $0x3  }
0x33: {  	p0 =	seq.s32 s10, $0x1;
	s10 =	sld [smem:$0x3FB4];
	_ =	sdelay $0x3  }
0x34: {  	[smem:$0x3FB4] =	sst s10  }
0x35: {  	s10 =	sld [smem:$0x3FB3];
	_ =	sdelay $0x3  }
0x36: {  	p1 =	seq.s32 s10, $0x1;
	s10 =	sld [smem:$0x3FB4];
	_ =	sdelay $0x3  }
0x37: {  	[smem:$0x3FB4] =	sst s10  }
0x38: {  	s10 =	sld [smem:$0x3FB5]  }
0x39: {  	_ = 	snop;
	(pc) =	sbr.ind lr, $3  }
0x3a: {  	_ = 	snop  }
0x3b: {  	_ = 	snop  }
0x3c: {  	p2 =	seq.s32 s10, $0x1;
	s10 =	sld [smem:$0x3FB4]  }
0x3d: {  	_ =	shalt  }
0x3e: {  	_ =	shalt  }
0x3f: {  	_ =	shalt  }
0x40: {  	_ =	shalt  }
0x41: {  	_ =	shalt  }
0x42: {  	_ =	shalt  }
0x43: {  	_ =	shalt  }
0x44: {  	_ =	shalt  }
0x45: {  	_ =	shalt  }
0x46: {  	_ =	shalt  }
0x47: {  	_ =	shalt  }
0x48: {  	_ =	shalt  }
0x49: {  	_ =	shalt  }
0x4a: {  	_ =	shalt  }
0x4b: {  	_ =	shalt  }
0x4c: {  	_ =	shalt  }
0x4d: {  	_ =	shalt  }
0x4e: {  	_ =	shalt  }
0x4f: {  	_ =	shalt  }
0x50: {  	_ =	shalt  }
0x51: {  	_ =	shalt  }
0x52: {  	_ =	shalt  }
0x53: {  	_ =	shalt  }
0x54: {  	_ =	shalt  }
0x55: {  	_ =	shalt  }
0x56: {  	_ =	shalt  }
0x57: {  	_ =	shalt  }
0x58: {  	_ =	shalt  }
0x59: {  	_ =	shalt  }
0x5a: {  	_ =	shalt  }
0x5b: {  	_ =	shalt  }
0x5c: {  	_ =	shalt  }
0x5d: {  	_ =	shalt  }
0x5e: {  	_ =	shalt  }
0x5f: {  	_ =	shalt  }
0x60: {  	_ =	shalt  }
0x61: {  	_ =	shalt  }
0x62: {  	_ =	shalt  }
0x63: {  	_ =	shalt  }
0x64: {  	_ =	shalt  }
0x65: {  	_ =	shalt  }
0x66: {  	_ =	shalt  }
0x67: {  	_ =	shalt  }
0x68: {  	_ =	shalt  }
0x69: {  	_ =	shalt  }
0x6a: {  	_ =	shalt  }
0x6b: {  	_ =	shalt  }
0x6c: {  	_ =	shalt  }
0x6d: {  	_ =	shalt  }
0x6e: {  	_ =	shalt  }
0x6f: {  	_ =	shalt  }
0x70: {  	_ =	shalt  }
0x71: {  	_ =	shalt  }
0x72: {  	_ =	shalt  }
0x73: {  	_ =	shalt  }
0x74: {  	_ =	shalt  }
0x75: {  	_ =	shalt  }
0x76: {  	_ =	shalt  }
0x77: {  	_ =	shalt  }
0x78: {  	_ =	shalt  }
0x79: {  	_ =	shalt  }
0x7a: {  	_ =	shalt  }
0x7b: {  	_ =	shalt  }
0x7c: {  	_ =	shalt  }
0x7d: {  	_ =	shalt  }
0x7e: {  	_ =	shalt  }
0x7f: {  	_ =	shalt  }
0x80: {  	_ =	shalt  }
0x81: {  	_ =	shalt  }
0x82: {  	_ =	shalt  }
0x83: {  	_ =	shalt  }
0x84: {  	_ =	shalt  }
0x85: {  	_ =	shalt  }
0x86: {  	_ =	shalt  }
0x87: {  	_ =	shalt  }
.Lfunc_end0:
.L_simem_size_0:
called_computation_lowered:
.L_overlay_start_0:
0x88: {  	s2 =	sld [smem:$0x3FD9]  }
0x89: {  	s3 =	sld [smem:$0x3FFE];
	_ =	sdelay $0x1  }
0x8a: {  	s1 =	srdreg.scid  }
0x8b: {  	s0 =	sand.u32 $0x1, s1  }
0x8c: {  	s17 =	sshll.u32 s0, $0xA;
	s2 =	sadd.s32 s3, s2  }
0x8d: {  	s2 =	sadd.s32 s2, s17  }
0x8e: {  	[smem:$0x3FC0] =	sst s2  }
0x8f: {  	_ = 	snop  }
0x90: {  	s2 =	sld [smem:$0x3FD0];
	(tm) =	ssettm $0x1  }
0x91: {  	s18 =	sld [smem:$0x3FFB];
	_ =	sdelay $0x3  }
0x92: {  	_ =	strace s18  }
0x93: {  	s3 =	sld [smem:$0x3FFC];
	_ =	sdelay $0x3  }
0x94: {  	_ =	strace s3  }
0x95: {  	s3 =	sld [smem:$0x3FFD];
	_ =	sdelay $0x3  }
0x96: {  	_ =	strace s3  }
0x97: {  	_ =	strace $0x8FFFFFFF  }
0x98: {  	s19 =	sld [smem:$0x3FDB];
	_ =	sdelay $0x1  }
0x99: {  	s4 =	simm.s32 $_scs_section_size  }
0x9a: {  	s5 =	simm.s32 $_size__tile_overlayer_lowered;
	s6 =	simm.s32 $_tile_overlayer_lowered  }
0x9b: {  	s22 =	simm.s32 $0x1BFF;
	s21 =	sshll.u32 s6, $0x1;
	s3 =	sadd.s32 s4, s19  }
0x9c: {  	s7 =	simm.s32 $0x0;
	s20 =	sshll.u32 s5, $0x1;
	s5 =	sadd.s32 s21, s3  }
0x9d: {  	[timem:s7], [sflag:s22] =	dma.local [hbm:s5], s20  }
0x9e: {  	_ =	swait.ge [sflag:s22], s20  }
0x9f: {  	s4 =	ssub.s32 $0x0, s20;
	[sflag:s22] =	ssyncset.done $0x0  }
0xa0: {  	[sflag:s22] =	ssyncadd.s32 s4;
	_ =	sdelay $0x1  }
0xa1: {  	s23 =	simm.s32 $0x1B8B  }
0xa2: {  	_ =	swait.ge [sflag:s23], $0x1  }
0xa3: {  	[sflag:s23] =	ssyncset.done $0x0  }
0xa4: {  	s25 =	simm.s32 $0x1B8E;
	s24 =	sld [smem:$0x3FFE];
	[sflag:s23] =	ssyncadd.s32 $0xFFFFFFFF  }
0xa5: {  	s26 =	simm.s32 $execute0_lowered;
	[smem:$0x3FD2] =	sst s25  }
0xa6: {  	s5 =	sshll.u32 s26, $0x1;
	_ =	strace $0x80000046;
	[dreg:$0x1] =	wrdreg $0xFFFFFFFF  }
0xa7: {  	s28 =	simm.s32 $_size_execute0_lowered;
	s3 =	sadd.s32 s3, s5;
	[dreg:$0x0] =	wrdreg $0x0  }
0xa8: {  	s5 =	sshll.u32 s28, $0x1;
	[dreg:$0x2] =	wrdreg s3  }
0xa9: {  	[dreg:$0x3] =	wrdreg s5  }
0xaa: {  	[dreg:$0x4] =	wrdreg $0xC0  }
0xab: {  	_ =	task [dreg:s7], $0x5FFFF  }
0xac: {  	[dreg:$0x1] =	wrdreg $0xFFFFFFFF  }
0xad: {  	[dreg:$0x0] =	wrdreg $0x60  }
0xae: {  	[dreg:$0x2] =	wrdreg s2  }
0xaf: {  	[dreg:$0x3] =	wrdreg s24  }
0xb0: {  	[dreg:$0x4] =	wrdreg $0xD0000  }
0xb1: {  	[dreg:$0x5] =	wrdreg $0x9  }
0xb2: {  	_ =	task.clear_ibuf [dreg:s7], $0x6FFFF;
	_ =	strace $0x90000046  }
0xb3: {  	s29 =	simm.s32 $0x9;
	_ =	strace $0x80000048  }
0xb4: {  	_ =	swait.ge [sflag:s29], $0x1  }
0xb5: {  	[sflag:s29] =	ssyncadd.s32 $0xFFFFFFFF  }
0xb6: {  	_ =	strace $0x90000048  }
0xb7: {  	_ =	sfence  }
0xb8: {  	s30 =	sld [smem:$0x0];
	_ =	sdelay $0x2  }
0xb9: {  	s31 =	sshll.u32 s1, $0xD;
	s1 =	sshrl.u32 s1, $0x2  }
0xba: {  	s3 =	sand.u32 $0x4000, s31;
	s1 =	sadd.s32 s1, s30  }
0xbb: {  	s0 =	sor.u32 s3, s0;
	s1 =	sshll.u32 s1, $0x11  }
0xbc: {  	s0 =	sor.u32 s1, s0  }
0xbd: {  	s0 =	sadd.s32 $0x8F2B, s0  }
0xbe: {  	[sflag:s0] =	ssyncadd.remote.s32 $0x1  }
0xbf: {  	_ =	sfence.sel $0xFFFF  }
0xc0: {  	[dreg:$0x0] =	wrdreg $0xFFFFFFFF;
	(pc) =	sbr.abs _section_cstart, $3  }
0xc1: {  	[dreg:$0x1] =	wrdreg $0xFFFFFFFF  }
0xc2: {  	_ =	task.clear_ibuf [dreg:s7], $0x2FFFF;
	_ =	strace $0x9FFFFFFF  }
0xc3: {  	(tm) =	ssettm $0x7FFFFFFF  }
tec
execute0_lowered:
.L_overlay_start_1:
0x0: {  	(tag) =	ssettag $0x1  }
0x1: {  	s4 =	rddreg [dreg:$0x0]  }
0x2: {  	s5 =	rddreg [dreg:$0x1]  }
0x3: {  	s2 =	rddreg [dreg:$0x2]  }
0x4: {  	s0 =	rddreg [dreg:$0x3];
	s1 =	stileid.u32  }
0x5: {  	s6 =	srdreg.scid;
	s3 =	simm.s32 $0x0;
	s12 =	simm.s32 $0xA800  }
0x6: {  	s13 =	simm.s32 $0x80;
	s14 =	simm.s32 $0xA000;
	s7 =	smul.u32 $0xA00, s1  }
0x7: {  	s6 =	sand.u32 $0x1, s6;
	[smem:$0x7FF] =	sst s3;
	s11 =	smul.u32 $0x2800, s1  }
0x8: {  	s8 =	smul.u32 $0x5000, s6;
	_ =	strace $0x80000047;
	s10 =	ssub.s32 $0x2, s6  }
0x9: {  	s31 =	smul.u32 $0xA000, s6;
	s9 =	sadd.s32 s7, s5;
	s30 =	sshrl.u32 s10, $0x1  }
0xa: {  	s4 =	sadd.s32 s4, s7;
	s6 =	sadd.s32 s11, s2;
	s16 =	sshrl.u32 s11, $0x3  }
0xb: {  	s11 =	simm.s32 $0x5000;
	s8 =	sadd.s32 s8, s5;
	s10 =	ssub.s32 s10, s30  }
0xc: {  	s5 =	sadd.s32 $0x1800, s9;
	s7 =	sshrl.u32 s31, $0x2;
	s15 =	sadd.s32 $0xB800, s8  }
0xd: {  	s17 =	sadd.s32 $0x15800, s8;
	s8 =	smax.u32 s10, $0x1;
	s9 =	sadd.s32 $0x5000, s7  }
0xe: {  	v0 =	vimm.f32 $0.0e+00;
	v1 =	vimm.f32 $1.000000000e+00;
	s10 =	simm.s32 $0x1;
	s15 =	sadd.s32 s16, s15;
	s16 =	sadd.s32 s16, s17  }
.LBB2_1:
0xf: {  	s17 =	simm.s32 $0x0  }
.LBB2_2:
0x10: {  	p0 =	sne.s32 s17, $0x9FC0  }
.Ltmp0:
0x11: {  	_ = 	snop;
	(pc) =	sbr.rel @p0 .LBB2_2-.Ltmp0, $3  }
0x12: {  	_ =	sdelay $0x1  }
0x13: {  	s18 =	sshra.s32 s17, $0x2  }
0x14: {  	s17 =	sadd.s32 $0x40, s17;
	[tilespmem:s18+$0xA800] =	vst v0  }
0x15: {  	s17 =	simm.s32 $0x40;
	s18 =	simm.s32 $0x0  }
.LBB2_4:
0x16: {  	p0 =	sne.s32 s17, $0x1FC0;
	[tilespmem:s18+$0xA000] =	vst v1;
	s18 =	smov.u32 s17;
	s17 =	sadd.s32 $0x40, s17  }
.Ltmp1:
0x17: {  	(pc) =	sbr.rel @p0 .LBB2_4-.Ltmp1, $2  }
0x18: {  	_ =	sdelay $0x2  }
0x19: {  	s18 =	sshra.s32 s18, $0x2  }
0x1a: {  	[tilespmem:s18+$0xA000] =	vst v1;
	s17 =	simm.s32 $0x0  }
0x1b: {  	[tilespmem:s17], [sflag:$0x1] =	stream.linear.gather [hbm4b:s4+s17], $0x5000, $0x38;
	[tilespmem:$0xF800] =	vst v63  }
0x1c: {  	_ =	swait.ge [sflag:s10], $0x5000  }
0x1d: {  	[sflag:s10] =	ssyncset.done $0x0  }
0x1e: {  	[sflag:s10] =	ssyncadd.s32 $0xFFFFB000  }
0x1f: {  	[tilespmem:s11], [sflag:$0x1] =	stream.linear.gather [hbm4b:s5+s17], $0x5000, $0x38;
	[tilespmem:$0xF800] =	vst v63  }
0x20: {  	_ =	swait.ge [sflag:s10], $0x5000  }
0x21: {  	[sflag:s10] =	ssyncset.done $0x0  }
0x22: {  	[sflag:s10] =	ssyncadd.s32 $0xFFFFB000  }
0x23: {  	[spmem:s6] =	stream.linear.scatter [tilespmem:s12], [sflag:$0x1], $0x2800, $0x38;
	[tilespmem:$0xF800] =	vst v63  }
0x24: {  	_ =	swait.ge [sflag:s10], $0x2800  }
0x25: {  	[sflag:s10] =	ssyncset.done $0x0  }
0x26: {  	[sflag:s10] =	ssyncadd.s32 $0xFFFFD800  }
0x27: {  	s31 =	sadd.s32 $0x0, s7;
	[bflag:$0x0] =	sbarrier.arrive $0xFFFF  }
0x28: {  	[spmem:s2] =	stream.indirect.scatter.add.f32 [tilespmem:s14], [sflag:$0x1], $0x10, s31, s13, $0xb8;
	[tilespmem:$0xF800] =	vst v63  }
0x29: {  	s17 =	simm.s32 $0x200;
	_ =	swait.ge [sflag:s10], $0x800  }
.LBB2_6:
0x2a: {  	s18 =	sshra.s32 s17, $0x2;
	[sflag:s10] =	ssyncset.done $0x0;
	p0 =	sne.s32 s17, $0x9E00  }
.Ltmp2:
0x2b: {  	s18 =	sadd.s32 s18, s7;
	[sflag:s10] =	ssyncadd.s32 $0xFFFFF800;
	(pc) =	sbr.rel @p0 .LBB2_6-.Ltmp2, $3  }
0x2c: {  	[spmem:s2] =	stream.indirect.scatter.add.f32 [tilespmem:s14], [sflag:$0x1], $0x10, s18, s13, $0xb8;
	[tilespmem:$0xF800] =	vst v63  }
0x2d: {  	s17 =	sadd.s32 $0x200, s17;
	_ =	sdelay $0x1  }
0x2e: {  	_ =	swait.ge [sflag:s10], $0x800  }
0x2f: {  	[sflag:s10] =	ssyncset.done $0x0  }
0x30: {  	s17 =	sshll.u32 s1, $0x6;
	[sflag:s10] =	ssyncadd.s32 $0xFFFFF800  }
0x31: {  	s18 =	sshrl.u32 s6, $0x3;
	s17 =	sor.u32 $0x1C01, s17;
	[bflag:$0x0] =	sbarrier.arrive $0xFFFF  }
0x32: {  	[hbm:s15], [sflag:s17] =	dma.local [spmem:s18], $0x500  }
0x33: {  	_ =	swait.ge [sflag:s10], $0x500  }
0x34: {  	[sflag:s10] =	ssyncset.done $0x0  }
0x35: {  	[sflag:s10] =	ssyncadd.s32 $0xFFFFFB00  }
0x36: {  	[bflag:$0x0] =	sbarrier.arrive $0xFFFF  }
0x37: {  	[spmem:s6] =	stream.linear.scatter [tilespmem:s12], [sflag:$0x1], $0x2800, $0x38;
	[tilespmem:$0xF800] =	vst v63  }
0x38: {  	_ =	swait.ge [sflag:s10], $0x2800  }
0x39: {  	[sflag:s10] =	ssyncset.done $0x0  }
0x3a: {  	[sflag:s10] =	ssyncadd.s32 $0xFFFFD800  }
0x3b: {  	s19 =	sadd.s32 $0x0, s9;
	[bflag:$0x0] =	sbarrier.arrive $0xFFFF  }
0x3c: {  	[spmem:s2] =	stream.indirect.scatter.add.f32 [tilespmem:s14], [sflag:$0x1], $0x10, s19, s13, $0xb8;
	[tilespmem:$0xF800] =	vst v63  }
0x3d: {  	s19 =	simm.s32 $0x200;
	_ =	swait.ge [sflag:s10], $0x800  }
.LBB2_8:
0x3e: {  	s20 =	sshra.s32 s19, $0x2;
	[sflag:s10] =	ssyncset.done $0x0;
	p0 =	sne.s32 s19, $0x9E00  }
.Ltmp3:
0x3f: {  	s20 =	sadd.s32 s20, s9;
	[sflag:s10] =	ssyncadd.s32 $0xFFFFF800;
	(pc) =	sbr.rel @p0 .LBB2_8-.Ltmp3, $3  }
0x40: {  	[spmem:s2] =	stream.indirect.scatter.add.f32 [tilespmem:s14], [sflag:$0x1], $0x10, s20, s13, $0xb8;
	[tilespmem:$0xF800] =	vst v63  }
0x41: {  	s19 =	sadd.s32 $0x200, s19;
	_ =	sdelay $0x1  }
0x42: {  	_ =	swait.ge [sflag:s10], $0x800  }
0x43: {  	[sflag:s10] =	ssyncset.done $0x0  }
0x44: {  	s3 =	sadd.s32 $0x1, s3;
	[sflag:s10] =	ssyncadd.s32 $0xFFFFF800  }
0x45: {  	p0 =	sne.s32 s3, s8;
	[bflag:$0x0] =	sbarrier.arrive $0xFFFF  }
0x46: {  	[hbm:s16], [sflag:s17] =	dma.local [spmem:s18], $0x500  }
.Ltmp4:
0x47: {  	_ =	swait.ge [sflag:s10], $0x500;
	(pc) =	sbr.rel @p0 .LBB2_1-.Ltmp4, $3  }
0x48: {  	[sflag:s10] =	ssyncset.done $0x0  }
0x49: {  	[sflag:s10] =	ssyncadd.s32 $0xFFFFFB00  }
0x4a: {  	[bflag:$0x0] =	sbarrier.arrive $0xFFFF;
	_ =	sdelay $0x1  }
0x4b: {  	_ =	sfence.sel $0x180000  }
0x4c: {  	[bflag:$0x0] =	sbarrier.arrive $0xFFFF  }
0x4d: {  	p0 =	sne.s32 s1, $0x0;
	_ =	strace $0x90000047  }
0x4e: {  	s0 =	sadd.s32 @!p0 $0x100000, s0;
	[bflag:$0x2] =	sbarrier.arrive $0xFFFF  }
0x4f: {  	[sflag:s0] =	ssyncadd.tile.s32 @!p0 $0x1;
	_ =	shalt  }
.Lfunc_end2:
_tile_overlayer_lowered:
.L_overlay_start_2:
0x50: {  	(tag) =	ssettag $0x2  }
0x51: {  	s0 =	rddreg [dreg:$0x0];
	s2 =	stileid.u32  }
0x52: {  	s1 =	rddreg [dreg:$0x1];
	p0 =	sne.s32 s2, $0x0  }
0x53: {  	s3 =	rddreg [dreg:$0x2];
	[bflag:$0x3] =	sbarrier.arrive $0xFFFF;
	s2 =	simm.s32 @!p0 $0x1C01  }
0x54: {  	[timem:s3], [sflag:s2] =	dma.local @!p0 [hbm:s0], s1  }
0x55: {  	s0 =	simm.s32 @!p0 $0x1  }
0x56: {  	_ =	swait.ge @!p0 [sflag:s0], s1  }
0x57: {  	s1 =	ssub.s32 @!p0 $0x0, s1;
	[sflag:s0] =	ssyncset.done @!p0 $0x0  }
0x58: {  	[sflag:s0] =	ssyncadd.s32 @!p0 s1  }
0x59: {  	[bflag:$0x3] =	sbarrier.arrive $0xFFFF  }
0x5a: {  	_ =	shalt  }

// kernel: kernel.13.cloned.1.call-start
scs
__scs_entry_jumppad:
0x0: {  	(pc) =	sbr.rel $0x88, $3  }
0x1: {  	(tag) =	ssettag $0x0;
	lr =	simm.s32 $0x1  }
0x2: {  	[smem:$0x3F99] =	sst lr;
	_ =	strace $0xD0000000  }
0x3: {  	_ = 	snop  }
0x4: {  	_ = 	snop  }
0x5: {  	_ = 	snop  }
0x6: {  	_ = 	snop  }
0x7: {  	_ = 	snop  }
__scs_overlays_trampoline_lowered:
0x8: {  	[smem:$0x3FA8] =	sst s0  }
0x9: {  	[smem:$0x3FA9] =	sst s1  }
0xa: {  	[smem:$0x3FAA] =	sst s2  }
0xb: {  	[smem:$0x3FAB] =	sst s3  }
0xc: {  	[smem:$0x3FAC] =	sst s4  }
0xd: {  	[smem:$0x3FAD] =	sst s5  }
0xe: {  	[smem:$0x3FAE] =	sst s6  }
0xf: {  	[smem:$0x3FAF] =	sst s7  }
0x10: {  	[smem:$0x3FB0] =	sst s8  }
0x11: {  	[smem:$0x3FB1] =	sst s9;
	s0 =	simm.s32 @!p0 $0x0  }
0x12: {  	s1 =	sld [smem:$0x3F97];
	s0 =	simm.s32 @p0 $0x1  }
0x13: {  	[smem:$0x3FB2] =	sst s0;
	s0 =	simm.s32 @!p1 $0x0  }
0x14: {  	s2 =	sld [smem:$0x3F96];
	s0 =	simm.s32 @p1 $0x1  }
0x15: {  	[smem:$0x3FB3] =	sst s0;
	s0 =	simm.s32 @!p2 $0x0  }
0x16: {  	s3 =	sld [smem:$0x3FDB];
	s0 =	simm.s32 @p2 $0x1  }
0x17: {  	s4 =	simm.s32 $0x1BF5;
	[smem:$0x3FB5] =	sst s0  }
0x18: {  	s0 =	sld [smem:$0x3F98];
	_ =	swait.ge [sflag:s4], $0x0  }
0x19: {  	s7 =	sld [smem:$0x3F99]  }
0x1a: {  	s8 =	sadd.s32 $0xFFFFE003, lr  }
0x1b: {  	s9 =	sadd.s32 $0xFFFFFEF7, lr;
	s5 =	simm.s32 $0xFFFFFFFF;
	p2 =	slt.u32 s8, $0xFFFFF086  }
0x1c: {  	p1 =	slt.u32 s9, $0xF7A;
	s5 =	simm.s32 @!p2 $0x0  }
0x1d: {  	s5 =	simm.s32 @p1 $0x1;
	p0 =	seq.s32 s7, s2  }
0x1e: {  	s7 =	smul.u32 @!p0 $0xF7A, s2;
	p2 =	seq.s32 @!p0 s5, $0x0  }
0x1f: {  	s9 =	smul.u32 $0xF7A, s1;
	s8 =	simm.s32 @!p0 $0x1BF5;
	p2 =	por !p2, p0  }
0x20: {  	[sflag:s8] =	ssyncset.s32 @!p0 $0xFFFFF086;
	s6 =	sadd.s32 @!p0 s3, s7;
	s7 =	simm.s32 @!p0 $0x108  }
0x21: {  	s3 =	sadd.s32 s3, s9;
	s6 =	sadd.s32 @!p0 $0x88, s6;
	s7 =	simm.s32 @p2 $0x1082  }
0x22: {  	[simem:s7], [sflag:s8] =	dma.local @!p0 [hbm:s6], $0xF7A  }
0x23: {  	s9 =	sor.u32 $0xD0000000, s2;
	s6 =	simm.s32 $0x108;
	_ =	swait.ge @!p0 [sflag:s8], $0x0  }
0x24: {  	s3 =	sadd.s32 $0x88, s3;
	s6 =	simm.s32 @!p1 $0x1082;
	[sflag:s4] =	ssyncset.s32 $0xFFFFF086  }
0x25: {  	[simem:s6], [sflag:s4] =	dma.local [hbm:s3], $0xF7A  }
0x26: {  	[smem:$0x3F99] =	sst s1;
	(tag) =	ssettag s2;
	_ =	strace s9  }
0x27: {  	s1 =	sld [smem:$0x3FA9]  }
0x28: {  	s2 =	sld [smem:$0x3FAA]  }
0x29: {  	s4 =	sld [smem:$0x3FAC]  }
0x2a: {  	p0 =	seq.s32 s5, $0x0;
	s5 =	sld [smem:$0x3FAD]  }
0x2b: {  	s6 =	sld [smem:$0x3FAE]  }
0x2c: {  	s7 =	sld [smem:$0x3FAF]  }
0x2d: {  	s3 =	simm.s32 $0x108;
	s8 =	sld [smem:$0x3FB0]  }
0x2e: {  	s3 =	simm.s32 @!p0 $0x1082;
	s9 =	sld [smem:$0x3FB1]  }
0x2f: {  	lr =	sadd.s32 s0, s3;
	s0 =	sld [smem:$0x3FA8]  }
0x30: {  	s3 =	sld [smem:$0x3FAB]  }
0x31: {  	[smem:$0x3FB4] =	sst s10  }
0x32: {  	s10 =	sld [smem:$0x3FB2];
	_ =	sdelay $0x3  }
0x33: {  	p0 =	seq.s32 s10, $0x1;
	s10 =	sld [smem:$0x3FB4];
	_ =	sdelay $0x3  }
0x34: {  	[smem:$0x3FB4] =	sst s10  }
0x35: {  	s10 =	sld [smem:$0x3FB3];
	_ =	sdelay $0x3  }
0x36: {  	p1 =	seq.s32 s10, $0x1;
	s10 =	sld [smem:$0x3FB4];
	_ =	sdelay $0x3  }
0x37: {  	[smem:$0x3FB4] =	sst s10  }
0x38: {  	s10 =	sld [smem:$0x3FB5]  }
0x39: {  	_ = 	snop;
	(pc) =	sbr.ind lr, $3  }
0x3a: {  	_ = 	snop  }
0x3b: {  	_ = 	snop  }
0x3c: {  	p2 =	seq.s32 s10, $0x1;
	s10 =	sld [smem:$0x3FB4]  }
0x3d: {  	_ =	shalt  }
0x3e: {  	_ =	shalt  }
0x3f: {  	_ =	shalt  }
0x40: {  	_ =	shalt  }
0x41: {  	_ =	shalt  }
0x42: {  	_ =	shalt  }
0x43: {  	_ =	shalt  }
0x44: {  	_ =	shalt  }
0x45: {  	_ =	shalt  }
0x46: {  	_ =	shalt  }
0x47: {  	_ =	shalt  }
0x48: {  	_ =	shalt  }
0x49: {  	_ =	shalt  }
0x4a: {  	_ =	shalt  }
0x4b: {  	_ =	shalt  }
0x4c: {  	_ =	shalt  }
0x4d: {  	_ =	shalt  }
0x4e: {  	_ =	shalt  }
0x4f: {  	_ =	shalt  }
0x50: {  	_ =	shalt  }
0x51: {  	_ =	shalt  }
0x52: {  	_ =	shalt  }
0x53: {  	_ =	shalt  }
0x54: {  	_ =	shalt  }
0x55: {  	_ =	shalt  }
0x56: {  	_ =	shalt  }
0x57: {  	_ =	shalt  }
0x58: {  	_ =	shalt  }
0x59: {  	_ =	shalt  }
0x5a: {  	_ =	shalt  }
0x5b: {  	_ =	shalt  }
0x5c: {  	_ =	shalt  }
0x5d: {  	_ =	shalt  }
0x5e: {  	_ =	shalt  }
0x5f: {  	_ =	shalt  }
0x60: {  	_ =	shalt  }
0x61: {  	_ =	shalt  }
0x62: {  	_ =	shalt  }
0x63: {  	_ =	shalt  }
0x64: {  	_ =	shalt  }
0x65: {  	_ =	shalt  }
0x66: {  	_ =	shalt  }
0x67: {  	_ =	shalt  }
0x68: {  	_ =	shalt  }
0x69: {  	_ =	shalt  }
0x6a: {  	_ =	shalt  }
0x6b: {  	_ =	shalt  }
0x6c: {  	_ =	shalt  }
0x6d: {  	_ =	shalt  }
0x6e: {  	_ =	shalt  }
0x6f: {  	_ =	shalt  }
0x70: {  	_ =	shalt  }
0x71: {  	_ =	shalt  }
0x72: {  	_ =	shalt  }
0x73: {  	_ =	shalt  }
0x74: {  	_ =	shalt  }
0x75: {  	_ =	shalt  }
0x76: {  	_ =	shalt  }
0x77: {  	_ =	shalt  }
0x78: {  	_ =	shalt  }
0x79: {  	_ =	shalt  }
0x7a: {  	_ =	shalt  }
0x7b: {  	_ =	shalt  }
0x7c: {  	_ =	shalt  }
0x7d: {  	_ =	shalt  }
0x7e: {  	_ =	shalt  }
0x7f: {  	_ =	shalt  }
0x80: {  	_ =	shalt  }
0x81: {  	_ =	shalt  }
0x82: {  	_ =	shalt  }
0x83: {  	_ =	shalt  }
0x84: {  	_ =	shalt  }
0x85: {  	_ =	shalt  }
0x86: {  	_ =	shalt  }
0x87: {  	_ =	shalt  }
.Lfunc_end0:
.L_simem_size_0:
called_computation.1_lowered:
.L_overlay_start_0:
0x88: {  	s2 =	sld [smem:$0x3FD9]  }
0x89: {  	s3 =	sld [smem:$0x3FFE];
	_ =	sdelay $0x1  }
0x8a: {  	s1 =	srdreg.scid  }
0x8b: {  	s0 =	sand.u32 $0x1, s1  }
0x8c: {  	s17 =	sshll.u32 s0, $0xA;
	s2 =	sadd.s32 s3, s2  }
0x8d: {  	s2 =	sadd.s32 s2, s17  }
0x8e: {  	[smem:$0x3FC0] =	sst s2  }
0x8f: {  	_ = 	snop  }
0x90: {  	s2 =	sld [smem:$0x3FD0];
	(tm) =	ssettm $0x1  }
0x91: {  	s18 =	sld [smem:$0x3FFB];
	_ =	sdelay $0x3  }
0x92: {  	_ =	strace s18  }
0x93: {  	s3 =	sld [smem:$0x3FFC];
	_ =	sdelay $0x3  }
0x94: {  	_ =	strace s3  }
0x95: {  	s3 =	sld [smem:$0x3FFD];
	_ =	sdelay $0x3  }
0x96: {  	_ =	strace s3  }
0x97: {  	_ =	strace $0x8FFFFFFF  }
0x98: {  	s19 =	sld [smem:$0x3FDB];
	_ =	sdelay $0x1  }
0x99: {  	s4 =	simm.s32 $_scs_section_size  }
0x9a: {  	s5 =	simm.s32 $_size__tile_overlayer_lowered;
	s6 =	simm.s32 $_tile_overlayer_lowered  }
0x9b: {  	s22 =	simm.s32 $0x1BFF;
	s21 =	sshll.u32 s6, $0x1;
	s3 =	sadd.s32 s4, s19  }
0x9c: {  	s7 =	simm.s32 $0x0;
	s20 =	sshll.u32 s5, $0x1;
	s5 =	sadd.s32 s21, s3  }
0x9d: {  	[timem:s7], [sflag:s22] =	dma.local [hbm:s5], s20  }
0x9e: {  	_ =	swait.ge [sflag:s22], s20  }
0x9f: {  	s4 =	ssub.s32 $0x0, s20;
	[sflag:s22] =	ssyncset.done $0x0  }
0xa0: {  	[sflag:s22] =	ssyncadd.s32 s4;
	_ =	sdelay $0x1  }
0xa1: {  	s23 =	simm.s32 $0x1B8B  }
0xa2: {  	_ =	swait.ge [sflag:s23], $0x1  }
0xa3: {  	[sflag:s23] =	ssyncset.done $0x0  }
0xa4: {  	s25 =	simm.s32 $0x1B8E;
	s24 =	sld [smem:$0x3FFE];
	[sflag:s23] =	ssyncadd.s32 $0xFFFFFFFF  }
0xa5: {  	s26 =	simm.s32 $execute0_lowered;
	[smem:$0x3FD2] =	sst s25  }
0xa6: {  	s5 =	sshll.u32 s26, $0x1;
	_ =	strace $0x80000049;
	[dreg:$0x1] =	wrdreg $0xFFFFFFFF  }
0xa7: {  	s28 =	simm.s32 $_size_execute0_lowered;
	s3 =	sadd.s32 s3, s5;
	[dreg:$0x0] =	wrdreg $0x0  }
0xa8: {  	s5 =	sshll.u32 s28, $0x1;
	[dreg:$0x2] =	wrdreg s3  }
0xa9: {  	[dreg:$0x3] =	wrdreg s5  }
0xaa: {  	[dreg:$0x4] =	wrdreg $0xC0  }
0xab: {  	_ =	task [dreg:s7], $0x5FFFF  }
0xac: {  	[dreg:$0x1] =	wrdreg $0xFFFFFFFF  }
0xad: {  	[dreg:$0x0] =	wrdreg $0x60  }
0xae: {  	[dreg:$0x2] =	wrdreg s24  }
0xaf: {  	[dreg:$0x3] =	wrdreg s2  }
0xb0: {  	[dreg:$0x4] =	wrdreg $0x140000  }
0xb1: {  	[dreg:$0x5] =	wrdreg $0x9  }
0xb2: {  	_ =	task.clear_ibuf [dreg:s7], $0x6FFFF;
	_ =	strace $0x90000049  }
0xb3: {  	s29 =	simm.s32 $0x9;
	_ =	strace $0x8000004B  }
0xb4: {  	_ =	swait.ge [sflag:s29], $0x1  }
0xb5: {  	[sflag:s29] =	ssyncadd.s32 $0xFFFFFFFF  }
0xb6: {  	_ =	strace $0x9000004B  }
0xb7: {  	_ =	sfence  }
0xb8: {  	s30 =	sld [smem:$0x0];
	_ =	sdelay $0x2  }
0xb9: {  	s31 =	sshll.u32 s1, $0xD;
	s1 =	sshrl.u32 s1, $0x2  }
0xba: {  	s3 =	sand.u32 $0x4000, s31;
	s1 =	sadd.s32 s1, s30  }
0xbb: {  	s0 =	sor.u32 s3, s0;
	s1 =	sshll.u32 s1, $0x11  }
0xbc: {  	s0 =	sor.u32 s1, s0  }
0xbd: {  	s0 =	sadd.s32 $0x8F2B, s0  }
0xbe: {  	[sflag:s0] =	ssyncadd.remote.s32 $0x1  }
0xbf: {  	_ =	sfence.sel $0xFFFF  }
0xc0: {  	[dreg:$0x0] =	wrdreg $0xFFFFFFFF;
	(pc) =	sbr.abs _section_cstart, $3  }
0xc1: {  	[dreg:$0x1] =	wrdreg $0xFFFFFFFF  }
0xc2: {  	_ =	task.clear_ibuf [dreg:s7], $0x2FFFF;
	_ =	strace $0x9FFFFFFF  }
0xc3: {  	(tm) =	ssettm $0x7FFFFFFF  }
tec
execute0_lowered:
.L_overlay_start_1:
0x0: {  	(tag) =	ssettag $0x1  }
0x1: {  	s0 =	rddreg [dreg:$0x0]  }
0x2: {  	s1 =	rddreg [dreg:$0x1];
	s3 =	srdreg.scid  }
0x3: {  	s2 =	rddreg [dreg:$0x2];
	s9 =	stileid.u32  }
0x4: {  	s14 =	simm.s32 $0x7;
	s16 =	simm.s32 $0x80;
	s19 =	simm.s32 $0x1  }
0x5: {  	s20 =	simm.s32 $0xC000;
	s21 =	simm.s32 $0xE000;
	s6 =	smul.u32 $0xA00, s9  }
0x6: {  	s22 =	simm.s32 $0x2;
	s28 =	simm.s32 $0x3;
	s8 =	smul.u32 $0x28000, s9  }
0x7: {  	s29 =	simm.s32 $0x6;
	s4 =	sand.u32 $0x1, s3;
	s12 =	smul.u32 $0xA000, s9  }
0x8: {  	s30 =	simm.s32 $0x4;
	s3 =	simm.s32 $0x0;
	s5 =	smul.u32 $0xA000, s4  }
0x9: {  	[smem:$0x7FF] =	sst s3;
	s7 =	smul.u32 $0x14000, s4;
	s4 =	ssub.s32 $0x2, s4  }
0xa: {  	_ =	strace $0x8000004A;
	s10 =	sadd.s32 s6, s0;
	s23 =	sshrl.u32 s4, $0x1  }
0xb: {  	s8 =	sshrl.u32 s8, $0x2;
	s9 =	sadd.s32 s1, s6;
	s31 =	sshrl.u32 s12, $0x3  }
0xc: {  	s5 =	sadd.s32 s5, s0;
	s0 =	sadd.s32 s7, s0;
	s13 =	ssub.s32 s4, s23  }
0xd: {  	s4 =	sadd.s32 s12, s2;
	s8 =	sadd.s32 s8, s2;
	s10 =	sadd.s32 $0x1800, s10  }
0xe: {  	s23 =	simm.s32 $0xD000;
	s24 =	sadd.s32 $0x2000, s8;
	s25 =	sadd.s32 $0x4000, s8  }
0xf: {  	s26 =	sadd.s32 $0x6000, s8;
	s8 =	sadd.s32 $0x8000, s8;
	[dreg:$0x4] =	wrdreg s24  }
0x10: {  	s11 =	sadd.s32 $0x6F800, s5;
	s0 =	sadd.s32 $0x83800, s0;
	[dreg:$0x5] =	wrdreg s25  }
0x11: {  	s12 =	smax.u32 s13, $0x1;
	s13 =	simm.s32 $0x12000;
	[dreg:$0x6] =	wrdreg s26  }
0x12: {  	v0 =	vimm.f32 $0.0e+00;
	s24 =	sadd.s32 s31, s0;
	s25 =	simm.s32 $0x10000;
	s26 =	simm.s32 $0x5  }
.LBB2_1:
0x13: {  	s1 =	simm.s32 $0x100;
	s0 =	simm.s32 $0x0  }
.LBB2_2:
0x14: {  	p0 =	sne.s32 s1, $0x7F00;
	[tilespmem:s0+$0x12030] =	vst v0;
	s5 =	smov.u32 s1;
	s1 =	sadd.s32 $0x100, s1  }
.Ltmp0:
0x15: {  	[tilespmem:s0+$0x12020] =	vst v0;
	(pc) =	sbr.rel @p0 .LBB2_2-.Ltmp0, $3  }
0x16: {  	[tilespmem:s0+$0x12000] =	vst v0  }
0x17: {  	[tilespmem:s0+$0x12010] =	vst v0;
	_ =	sdelay $0x1  }
0x18: {  	s0 =	sshra.s32 s5, $0x2  }
0x19: {  	[tilespmem:s0+$0x12030] =	vst v0  }
0x1a: {  	[tilespmem:s0+$0x12020] =	vst v0  }
0x1b: {  	[tilespmem:s0+$0x12000] =	vst v0  }
0x1c: {  	[tilespmem:s0+$0x12010] =	vst v0  }
0x1d: {  	[spmem:s4] =	stream.linear.scatter [tilespmem:s13], [sflag:$0x7], $0x2000, $0x38;
	[tilespmem:$0x1E000] =	vst v63  }
0x1e: {  	_ =	swait.ge [sflag:s14], $0x2000  }
0x1f: {  	[sflag:s14] =	ssyncset.done $0x0  }
0x20: {  	s5 =	rddreg [dreg:$0x4];
	[sflag:s14] =	ssyncadd.s32 $0xFFFFE000  }
0x21: {  	[spmem:s5] =	stream.linear.scatter [tilespmem:s13], [sflag:$0x7], $0x2000, $0x38;
	[tilespmem:$0x1E000] =	vst v63  }
0x22: {  	_ =	swait.ge [sflag:s14], $0x2000  }
0x23: {  	[sflag:s14] =	ssyncset.done $0x0  }
0x24: {  	s6 =	rddreg [dreg:$0x5];
	[sflag:s14] =	ssyncadd.s32 $0xFFFFE000  }
0x25: {  	[spmem:s6] =	stream.linear.scatter [tilespmem:s13], [sflag:$0x7], $0x2000, $0x38;
	[tilespmem:$0x1E000] =	vst v63  }
0x26: {  	_ =	swait.ge [sflag:s14], $0x2000  }
0x27: {  	[sflag:s14] =	ssyncset.done $0x0  }
0x28: {  	s7 =	rddreg [dreg:$0x6];
	[sflag:s14] =	ssyncadd.s32 $0xFFFFE000  }
0x29: {  	[spmem:s7] =	stream.linear.scatter [tilespmem:s13], [sflag:$0x7], $0x2000, $0x38;
	[tilespmem:$0x1E000] =	vst v63  }
0x2a: {  	_ =	swait.ge [sflag:s14], $0x2000  }
0x2b: {  	[sflag:s14] =	ssyncset.done $0x0  }
0x2c: {  	[sflag:s14] =	ssyncadd.s32 $0xFFFFE000  }
0x2d: {  	[spmem:s8] =	stream.linear.scatter [tilespmem:s13], [sflag:$0x7], $0x2000, $0x38;
	[tilespmem:$0x1E000] =	vst v63  }
0x2e: {  	_ =	swait.ge [sflag:s14], $0x2000  }
0x2f: {  	[sflag:s14] =	ssyncset.done $0x0  }
0x30: {  	s31 =	simm.s32 $0x0;
	[sflag:s14] =	ssyncadd.s32 $0xFFFFE000  }
0x31: {  	[tilespmem:s31], [sflag:$0x7] =	stream.linear.gather [hbm4b:s9+s31], $0x5000, $0x38;
	[tilespmem:$0x1E000] =	vst v63  }
0x32: {  	_ =	swait.ge [sflag:s14], $0x5000  }
0x33: {  	[sflag:s14] =	ssyncset.done $0x0  }
0x34: {  	s15 =	simm.s32 $0x5000;
	[sflag:s14] =	ssyncadd.s32 $0xFFFFB000  }
0x35: {  	[tilespmem:s15], [sflag:$0x7] =	stream.linear.gather [hbm4b:s10+s31], $0x5000, $0x38;
	[tilespmem:$0x1E000] =	vst v63  }
0x36: {  	_ =	swait.ge [sflag:s14], $0x5000  }
0x37: {  	[sflag:s14] =	ssyncset.done $0x0  }
0x38: {  	[sflag:s14] =	ssyncadd.s32 $0xFFFFB000  }
0x39: {  	s17 =	simm.s32 $0xA000;
	[bflag:$0x0] =	sbarrier.arrive $0xFFFF  }
0x3a: {  	[tilespmem:s17], [sflag:$0x1] =	stream.indirect.gather [hbm4b:s11+s16], $0x20, s31, s16, $0xb8;
	[tilespmem:$0x1E000] =	vst v63  }
0x3b: {  	s18 =	simm.s32 $0xB000  }
0x3c: {  	[tilespmem:s18], [sflag:$0x2] =	stream.indirect.gather [hbm4b:s11+s16], $0x20, s16, s16, $0xb8;
	[tilespmem:$0x1E000] =	vst v63  }
.LBB2_4:
0x3d: {  	p0 =	seq.s32 s31, $0x0  }
0x3e: {  	s0 =	simm.s32 @!p0 $0x5  }
0x3f: {  	_ =	swait.ge @!p0 [sflag:s0], $0x2000  }
0x40: {  	[sflag:s0] =	ssyncset.done @!p0 $0x0  }
0x41: {  	[sflag:s0] =	ssyncadd.s32 @!p0 $0xFFFFE000  }
0x42: {  	s17 =	sshll.u32 s31, $0xB;
	_ =	swait.ge [sflag:s19], $0x1000  }
0x43: {  	s18 =	sor.u32 $0x400, s17;
	[sflag:s19] =	ssyncset.done $0x0  }
0x44: {  	s1 =	simm.s32 $0x0;
	s0 =	sshrl.u32 s18, $0x2;
	[sflag:s19] =	ssyncadd.s32 $0xFFFFF000  }
0x45: {  	[tilespmem:s20], [sflag:$0x3] =	stream.indirect.gather [hbm4b:s11+s16], $0x20, s0, s16, $0xb8;
	[tilespmem:$0x1E000] =	vst v63  }
0x46: {  	v1 =	vld [tilespmem:s1+$0xA000];
	_ =	sdelay $0x4  }
0x47: {  	s15 =	simm.s32 $0xE020;
	v2 =	vshll.u32 v1, $0x10  }
0x48: {  	v1 =	vand.u32 $0xFFFF0000, v1;
	[tilespmem:s15+$0xFFFFFFE0] =	vst v2  }
0x49: {  	[tilespmem:s15+$0xFFFFFFF0] =	vst v1  }
0x4a: {  	s5 =	simm.s32 $0x80;
	v1 =	vld [tilespmem:s1+$0xA010];
	s1 =	simm.s32 $0xE020  }
.LBB2_5:
0x4b: {  	_ =	sdelay $0x2  }
0x4c: {  	p1 =	sne.s32 s5, $0x3F80  }
0x4d: {  	s15 =	sadd.s32 $0x40, s15;
	s6 =	smov.u32 s5;
	s5 =	sadd.s32 $0x80, s5;
	v2 =	vshll.u32 v1, $0x10;
	v1 =	vand.u32 $0xFFFF0000, v1  }
0x4e: {  	[tilespmem:s1+$0x0] =	vst v2  }
0x4f: {  	s6 =	sshra.s32 s6, $0x2;
	[tilespmem:s1+$0x10] =	vst v1;
	s1 =	smov.u32 s15  }
0x50: {  	v1 =	vld [tilespmem:s6+$0xA000];
	_ =	sdelay $0x3  }
.Ltmp1:
0x51: {  	(pc) =	sbr.rel @p1 .LBB2_5-.Ltmp1, $4  }
0x52: {  	v2 =	vshll.u32 v1, $0x10;
	v1 =	vand.u32 $0xFFFF0000, v1  }
0x53: {  	[tilespmem:s15+$0xFFFFFFE0] =	vst v2  }
0x54: {  	[tilespmem:s15+$0xFFFFFFF0] =	vst v1  }
0x55: {  	v1 =	vld [tilespmem:s6+$0xA010]  }
0x56: {  	_ =	sdelay $0x3  }
0x57: {  	v2 =	vshll.u32 v1, $0x10  }
0x58: {  	s18 =	sshrl.u32 s17, $0x2;
	v1 =	vand.u32 $0xFFFF0000, v1;
	[tilespmem:s1+$0x0] =	vst v2  }
0x59: {  	s7 =	sadd.s32 $0x5000, s18;
	[tilespmem:s1+$0x10] =	vst v1;
	s1 =	simm.s32 @!p0 $0x6  }
0x5a: {  	[spmem:s2] =	stream.indirect.scatter.add.f32 [tilespmem:s21], [sflag:$0x5], $0x40, s7, s16, $0xb8;
	[tilespmem:$0x1E000] =	vst v63  }
0x5b: {  	_ =	swait.ge @!p0 [sflag:s1], $0x2000  }
0x5c: {  	[sflag:s1] =	ssyncset.done @!p0 $0x0  }
0x5d: {  	[sflag:s1] =	ssyncadd.s32 @!p0 $0xFFFFE000  }
0x5e: {  	_ =	swait.ge [sflag:s22], $0x1000  }
0x5f: {  	s15 =	sor.u32 $0x600, s17;
	[sflag:s22] =	ssyncset.done $0x0  }
0x60: {  	s5 =	simm.s32 $0x0;
	s15 =	sshrl.u32 s15, $0x2;
	[sflag:s22] =	ssyncadd.s32 $0xFFFFF000  }
0x61: {  	[tilespmem:s23], [sflag:$0x4] =	stream.indirect.gather [hbm4b:s11+s16], $0x20, s15, s16, $0xb8;
	[tilespmem:$0x1E000] =	vst v63  }
0x62: {  	v1 =	vld [tilespmem:s5+$0xB000];
	_ =	sdelay $0x4  }
0x63: {  	s1 =	simm.s32 $0x10030;
	v2 =	vshll.u32 v1, $0x10  }
0x64: {  	v1 =	vand.u32 $0xFFFF0000, v1;
	[tilespmem:s1+$0xFFFFFFD0] =	vst v2  }
0x65: {  	[tilespmem:s1+$0xFFFFFFE0] =	vst v1  }
0x66: {  	s6 =	simm.s32 $0x80;
	v1 =	vld [tilespmem:s5+$0xB010];
	s5 =	simm.s32 $0x10030  }
.LBB2_7:
0x67: {  	_ =	sdelay $0x2  }
0x68: {  	p0 =	sne.s32 s6, $0x3F80  }
0x69: {  	s1 =	sadd.s32 $0x40, s1;
	s7 =	smov.u32 s6;
	s6 =	sadd.s32 $0x80, s6;
	v2 =	vshll.u32 v1, $0x10;
	v1 =	vand.u32 $0xFFFF0000, v1  }
0x6a: {  	[tilespmem:s5+$0xFFFFFFF0] =	vst v2  }
0x6b: {  	s7 =	sshra.s32 s7, $0x2;
	[tilespmem:s5+$0x0] =	vst v1;
	s5 =	smov.u32 s1  }
0x6c: {  	v1 =	vld [tilespmem:s7+$0xB000];
	_ =	sdelay $0x3  }
.Ltmp2:
0x6d: {  	(pc) =	sbr.rel @p0 .LBB2_7-.Ltmp2, $4  }
0x6e: {  	v2 =	vshll.u32 v1, $0x10;
	v1 =	vand.u32 $0xFFFF0000, v1  }
0x6f: {  	[tilespmem:s1+$0xFFFFFFD0] =	vst v2  }
0x70: {  	[tilespmem:s1+$0xFFFFFFE0] =	vst v1  }
0x71: {  	v1 =	vld [tilespmem:s7+$0xB010]  }
0x72: {  	_ =	sdelay $0x3  }
0x73: {  	v2 =	vshll.u32 v1, $0x10  }
0x74: {  	v1 =	vand.u32 $0xFFFF0000, v1;
	[tilespmem:s5+$0xFFFFFFF0] =	vst v2  }
0x75: {  	s1 =	sadd.s32 $0x5080, s18;
	[tilespmem:s5+$0x0] =	vst v1  }
0x76: {  	[spmem:s2] =	stream.indirect.scatter.add.f32 [tilespmem:s25], [sflag:$0x6], $0x40, s1, s16, $0xb8;
	[tilespmem:$0x1E000] =	vst v63  }
0x77: {  	_ =	swait.ge [sflag:s26], $0x2000  }
0x78: {  	[sflag:s26] =	ssyncset.done $0x0  }
0x79: {  	[sflag:s26] =	ssyncadd.s32 $0xFFFFE000  }
0x7a: {  	p0 =	seq.s32 s31, $0x27;
	s18 =	simm.s32 $0x0;
	_ =	swait.ge [sflag:s28], $0x1000  }
0x7b: {  	s17 =	sshrl.u32 @!p0 s17, $0x2;
	s6 =	simm.s32 @!p0 $0xA000;
	[sflag:s28] =	ssyncset.done $0x0  }
0x7c: {  	s5 =	simm.s32 @!p0 $0x80;
	s1 =	sadd.s32 @!p0 $0x200, s17;
	[sflag:s28] =	ssyncadd.s32 $0xFFFFF000  }
0x7d: {  	[tilespmem:s6], [sflag:$0x1] =	stream.indirect.gather @!p0 [hbm4b:s11+s5], $0x20, s1, s5, $0xb8;
	[tilespmem:$0x1E000] =	vst v63  }
0x7e: {  	v1 =	vld [tilespmem:s18+$0xC000];
	_ =	sdelay $0x4  }
0x7f: {  	s1 =	simm.s32 $0xE020;
	v2 =	vshll.u32 v1, $0x10  }
0x80: {  	v1 =	vand.u32 $0xFFFF0000, v1;
	[tilespmem:s1+$0xFFFFFFE0] =	vst v2  }
0x81: {  	[tilespmem:s1+$0xFFFFFFF0] =	vst v1  }
0x82: {  	s6 =	simm.s32 $0x80;
	s5 =	simm.s32 $0xE020;
	v1 =	vld [tilespmem:s18+$0xC010]  }
.LBB2_9:
0x83: {  	_ =	sdelay $0x2  }
0x84: {  	p1 =	sne.s32 s6, $0x3F80  }
0x85: {  	s1 =	sadd.s32 $0x40, s1;
	s7 =	smov.u32 s6;
	s6 =	sadd.s32 $0x80, s6;
	v2 =	vshll.u32 v1, $0x10;
	v1 =	vand.u32 $0xFFFF0000, v1  }
0x86: {  	[tilespmem:s5+$0x0] =	vst v2  }
0x87: {  	s7 =	sshra.s32 s7, $0x2;
	[tilespmem:s5+$0x10] =	vst v1;
	s5 =	smov.u32 s1  }
0x88: {  	v1 =	vld [tilespmem:s7+$0xC000];
	_ =	sdelay $0x3  }
.Ltmp3:
0x89: {  	(pc) =	sbr.rel @p1 .LBB2_9-.Ltmp3, $4  }
0x8a: {  	v2 =	vshll.u32 v1, $0x10;
	v1 =	vand.u32 $0xFFFF0000, v1  }
0x8b: {  	[tilespmem:s1+$0xFFFFFFE0] =	vst v2  }
0x8c: {  	[tilespmem:s1+$0xFFFFFFF0] =	vst v1  }
0x8d: {  	v1 =	vld [tilespmem:s7+$0xC010]  }
0x8e: {  	_ =	sdelay $0x3  }
0x8f: {  	v2 =	vshll.u32 v1, $0x10  }
0x90: {  	v1 =	vand.u32 $0xFFFF0000, v1;
	[tilespmem:s5+$0x0] =	vst v2  }
0x91: {  	s0 =	sadd.s32 $0x5000, s0;
	[tilespmem:s5+$0x10] =	vst v1  }
0x92: {  	[spmem:s2] =	stream.indirect.scatter.add.f32 [tilespmem:s21], [sflag:$0x5], $0x40, s0, s16, $0xb8;
	[tilespmem:$0x1E000] =	vst v63  }
0x93: {  	_ =	swait.ge [sflag:s29], $0x2000  }
0x94: {  	[sflag:s29] =	ssyncset.done $0x0  }
0x95: {  	[sflag:s29] =	ssyncadd.s32 $0xFFFFE000  }
0x96: {  	_ =	swait.ge [sflag:s30], $0x1000  }
0x97: {  	s1 =	simm.s32 @!p0 $0x80;
	s18 =	simm.s32 $0x0;
	[sflag:s30] =	ssyncset.done $0x0  }
0x98: {  	s5 =	simm.s32 @!p0 $0xB000;
	s0 =	sadd.s32 @!p0 $0x280, s17;
	[sflag:s30] =	ssyncadd.s32 $0xFFFFF000  }
0x99: {  	[tilespmem:s5], [sflag:$0x2] =	stream.indirect.gather @!p0 [hbm4b:s11+s1], $0x20, s0, s1, $0xb8;
	[tilespmem:$0x1E000] =	vst v63  }
0x9a: {  	v1 =	vld [tilespmem:s18+$0xD000];
	_ =	sdelay $0x4  }
0x9b: {  	s0 =	simm.s32 $0x10030;
	v2 =	vshll.u32 v1, $0x10  }
0x9c: {  	v1 =	vand.u32 $0xFFFF0000, v1;
	[tilespmem:s0+$0xFFFFFFD0] =	vst v2  }
0x9d: {  	[tilespmem:s0+$0xFFFFFFE0] =	vst v1  }
0x9e: {  	s5 =	simm.s32 $0x80;
	s1 =	simm.s32 $0x10030;
	v1 =	vld [tilespmem:s18+$0xD010]  }
.LBB2_11:
0x9f: {  	_ =	sdelay $0x2  }
0xa0: {  	p0 =	sne.s32 s5, $0x3F80  }
0xa1: {  	s0 =	sadd.s32 $0x40, s0;
	s6 =	smov.u32 s5;
	s5 =	sadd.s32 $0x80, s5;
	v2 =	vshll.u32 v1, $0x10;
	v1 =	vand.u32 $0xFFFF0000, v1  }
0xa2: {  	[tilespmem:s1+$0xFFFFFFF0] =	vst v2  }
0xa3: {  	s6 =	sshra.s32 s6, $0x2;
	[tilespmem:s1+$0x0] =	vst v1;
	s1 =	smov.u32 s0  }
0xa4: {  	v1 =	vld [tilespmem:s6+$0xD000];
	_ =	sdelay $0x3  }
.Ltmp4:
0xa5: {  	(pc) =	sbr.rel @p0 .LBB2_11-.Ltmp4, $4  }
0xa6: {  	v2 =	vshll.u32 v1, $0x10;
	v1 =	vand.u32 $0xFFFF0000, v1  }
0xa7: {  	[tilespmem:s0+$0xFFFFFFD0] =	vst v2  }
0xa8: {  	[tilespmem:s0+$0xFFFFFFE0] =	vst v1  }
0xa9: {  	v1 =	vld [tilespmem:s6+$0xD010]  }
0xaa: {  	_ = 	snop  }
0xab: {  	s31 =	sadd.s32 $0x1, s31  }
0xac: {  	p0 =	sne.s32 s31, $0x28  }
.Ltmp5:
0xad: {  	_ = 	snop;
	(pc) =	sbr.rel @p0 .LBB2_4-.Ltmp5, $4  }
0xae: {  	v2 =	vshll.u32 v1, $0x10  }
0xaf: {  	v1 =	vand.u32 $0xFFFF0000, v1;
	[tilespmem:s1+$0xFFFFFFF0] =	vst v2  }
0xb0: {  	s0 =	sadd.s32 $0x5000, s15;
	[tilespmem:s1+$0x0] =	vst v1  }
0xb1: {  	[spmem:s2] =	stream.indirect.scatter.add.f32 [tilespmem:s25], [sflag:$0x6], $0x40, s0, s16, $0xb8;
	[tilespmem:$0x1E000] =	vst v63  }
0xb2: {  	_ =	swait.ge [sflag:s26], $0x2000  }
0xb3: {  	[sflag:s26] =	ssyncset.done $0x0  }
0xb4: {  	[sflag:s26] =	ssyncadd.s32 $0xFFFFE000  }
0xb5: {  	s0 =	stileid.u32;
	_ =	swait.ge [sflag:s29], $0x2000  }
0xb6: {  	s1 =	sshrl.u32 s4, $0x3;
	s3 =	sadd.s32 $0x1, s3;
	[sflag:s29] =	ssyncset.done $0x0  }
0xb7: {  	s0 =	sshll.u32 s0, $0x6;
	p0 =	sne.s32 s3, s12;
	[sflag:s29] =	ssyncadd.s32 $0xFFFFE000  }
.Ltmp6:
0xb8: {  	s0 =	sor.u32 $0x1C07, s0;
	[bflag:$0x0] =	sbarrier.arrive $0xFFFF;
	(pc) =	sbr.rel @p0 .LBB2_1-.Ltmp6, $4  }
0xb9: {  	[hbm:s24], [sflag:s0] =	dma.local [spmem:s1], $0x1400  }
0xba: {  	_ =	swait.ge [sflag:s14], $0x1400  }
0xbb: {  	[sflag:s14] =	ssyncset.done $0x0  }
0xbc: {  	[sflag:s14] =	ssyncadd.s32 $0xFFFFEC00  }
0xbd: {  	_ =	sfence.sel $0x180000  }
0xbe: {  	[bflag:$0x0] =	sbarrier.arrive $0xFFFF  }
0xbf: {  	_ =	strace $0x9000004A  }
0xc0: {  	s0 =	stileid.u32;
	[bflag:$0x2] =	sbarrier.arrive $0xFFFF  }
0xc1: {  	p0 =	sne.s32 s0, $0x0;
	s0 =	rddreg [dreg:$0x3]  }
0xc2: {  	s0 =	sadd.s32 @!p0 $0x100000, s0  }
0xc3: {  	[sflag:s0] =	ssyncadd.tile.s32 @!p0 $0x1;
	_ =	shalt  }
.Lfunc_end2:
_tile_overlayer_lowered:
.L_overlay_start_2:
0xc4: {  	(tag) =	ssettag $0x2  }
0xc5: {  	s0 =	rddreg [dreg:$0x0];
	s2 =	stileid.u32  }
0xc6: {  	s1 =	rddreg [dreg:$0x1];
	p0 =	sne.s32 s2, $0x0  }
0xc7: {  	s3 =	rddreg [dreg:$0x2];
	[bflag:$0x3] =	sbarrier.arrive $0xFFFF;
	s2 =	simm.s32 @!p0 $0x1C07  }
0xc8: {  	[timem:s3], [sflag:s2] =	dma.local @!p0 [hbm:s0], s1  }
0xc9: {  	s0 =	simm.s32 @!p0 $0x7  }
0xca: {  	_ =	swait.ge @!p0 [sflag:s0], s1  }
0xcb: {  	s1 =	ssub.s32 @!p0 $0x0, s1;
	[sflag:s0] =	ssyncset.done @!p0 $0x0  }
0xcc: {  	[sflag:s0] =	ssyncadd.s32 @!p0 s1  }
0xcd: {  	[bflag:$0x3] =	sbarrier.arrive $0xFFFF  }
0xce: {  	_ =	shalt  }

// kernel: kernel.16.cloned.1.call-start
scs
__scs_entry_jumppad:
0x0: {  	(pc) =	sbr.rel $0x88, $3  }
0x1: {  	(tag) =	ssettag $0x0;
	lr =	simm.s32 $0x1  }
0x2: {  	[smem:$0x3F99] =	sst lr;
	_ =	strace $0xD0000000  }
0x3: {  	_ = 	snop  }
0x4: {  	_ = 	snop  }
0x5: {  	_ = 	snop  }
0x6: {  	_ = 	snop  }
0x7: {  	_ = 	snop  }
__scs_overlays_trampoline_lowered:
0x8: {  	[smem:$0x3FA8] =	sst s0  }
0x9: {  	[smem:$0x3FA9] =	sst s1  }
0xa: {  	[smem:$0x3FAA] =	sst s2  }
0xb: {  	[smem:$0x3FAB] =	sst s3  }
0xc: {  	[smem:$0x3FAC] =	sst s4  }
0xd: {  	[smem:$0x3FAD] =	sst s5  }
0xe: {  	[smem:$0x3FAE] =	sst s6  }
0xf: {  	[smem:$0x3FAF] =	sst s7  }
0x10: {  	[smem:$0x3FB0] =	sst s8  }
0x11: {  	[smem:$0x3FB1] =	sst s9;
	s0 =	simm.s32 @!p0 $0x0  }
0x12: {  	s1 =	sld [smem:$0x3F97];
	s0 =	simm.s32 @p0 $0x1  }
0x13: {  	[smem:$0x3FB2] =	sst s0;
	s0 =	simm.s32 @!p1 $0x0  }
0x14: {  	s2 =	sld [smem:$0x3F96];
	s0 =	simm.s32 @p1 $0x1  }
0x15: {  	[smem:$0x3FB3] =	sst s0;
	s0 =	simm.s32 @!p2 $0x0  }
0x16: {  	s3 =	sld [smem:$0x3FDB];
	s0 =	simm.s32 @p2 $0x1  }
0x17: {  	s4 =	simm.s32 $0x1BF5;
	[smem:$0x3FB5] =	sst s0  }
0x18: {  	s0 =	sld [smem:$0x3F98];
	_ =	swait.ge [sflag:s4], $0x0  }
0x19: {  	s7 =	sld [smem:$0x3F99]  }
0x1a: {  	s8 =	sadd.s32 $0xFFFFE003, lr  }
0x1b: {  	s9 =	sadd.s32 $0xFFFFFEF7, lr;
	s5 =	simm.s32 $0xFFFFFFFF;
	p2 =	slt.u32 s8, $0xFFFFF086  }
0x1c: {  	p1 =	slt.u32 s9, $0xF7A;
	s5 =	simm.s32 @!p2 $0x0  }
0x1d: {  	s5 =	simm.s32 @p1 $0x1;
	p0 =	seq.s32 s7, s2  }
0x1e: {  	s7 =	smul.u32 @!p0 $0xF7A, s2;
	p2 =	seq.s32 @!p0 s5, $0x0  }
0x1f: {  	s9 =	smul.u32 $0xF7A, s1;
	s8 =	simm.s32 @!p0 $0x1BF5;
	p2 =	por !p2, p0  }
0x20: {  	[sflag:s8] =	ssyncset.s32 @!p0 $0xFFFFF086;
	s6 =	sadd.s32 @!p0 s3, s7;
	s7 =	simm.s32 @!p0 $0x108  }
0x21: {  	s3 =	sadd.s32 s3, s9;
	s6 =	sadd.s32 @!p0 $0x88, s6;
	s7 =	simm.s32 @p2 $0x1082  }
0x22: {  	[simem:s7], [sflag:s8] =	dma.local @!p0 [hbm:s6], $0xF7A  }
0x23: {  	s9 =	sor.u32 $0xD0000000, s2;
	s6 =	simm.s32 $0x108;
	_ =	swait.ge @!p0 [sflag:s8], $0x0  }
0x24: {  	s3 =	sadd.s32 $0x88, s3;
	s6 =	simm.s32 @!p1 $0x1082;
	[sflag:s4] =	ssyncset.s32 $0xFFFFF086  }
0x25: {  	[simem:s6], [sflag:s4] =	dma.local [hbm:s3], $0xF7A  }
0x26: {  	[smem:$0x3F99] =	sst s1;
	(tag) =	ssettag s2;
	_ =	strace s9  }
0x27: {  	s1 =	sld [smem:$0x3FA9]  }
0x28: {  	s2 =	sld [smem:$0x3FAA]  }
0x29: {  	s4 =	sld [smem:$0x3FAC]  }
0x2a: {  	p0 =	seq.s32 s5, $0x0;
	s5 =	sld [smem:$0x3FAD]  }
0x2b: {  	s6 =	sld [smem:$0x3FAE]  }
0x2c: {  	s7 =	sld [smem:$0x3FAF]  }
0x2d: {  	s3 =	simm.s32 $0x108;
	s8 =	sld [smem:$0x3FB0]  }
0x2e: {  	s3 =	simm.s32 @!p0 $0x1082;
	s9 =	sld [smem:$0x3FB1]  }
0x2f: {  	lr =	sadd.s32 s0, s3;
	s0 =	sld [smem:$0x3FA8]  }
0x30: {  	s3 =	sld [smem:$0x3FAB]  }
0x31: {  	[smem:$0x3FB4] =	sst s10  }
0x32: {  	s10 =	sld [smem:$0x3FB2];
	_ =	sdelay $0x3  }
0x33: {  	p0 =	seq.s32 s10, $0x1;
	s10 =	sld [smem:$0x3FB4];
	_ =	sdelay $0x3  }
0x34: {  	[smem:$0x3FB4] =	sst s10  }
0x35: {  	s10 =	sld [smem:$0x3FB3];
	_ =	sdelay $0x3  }
0x36: {  	p1 =	seq.s32 s10, $0x1;
	s10 =	sld [smem:$0x3FB4];
	_ =	sdelay $0x3  }
0x37: {  	[smem:$0x3FB4] =	sst s10  }
0x38: {  	s10 =	sld [smem:$0x3FB5]  }
0x39: {  	_ = 	snop;
	(pc) =	sbr.ind lr, $3  }
0x3a: {  	_ = 	snop  }
0x3b: {  	_ = 	snop  }
0x3c: {  	p2 =	seq.s32 s10, $0x1;
	s10 =	sld [smem:$0x3FB4]  }
0x3d: {  	_ =	shalt  }
0x3e: {  	_ =	shalt  }
0x3f: {  	_ =	shalt  }
0x40: {  	_ =	shalt  }
0x41: {  	_ =	shalt  }
0x42: {  	_ =	shalt  }
0x43: {  	_ =	shalt  }
0x44: {  	_ =	shalt  }
0x45: {  	_ =	shalt  }
0x46: {  	_ =	shalt  }
0x47: {  	_ =	shalt  }
0x48: {  	_ =	shalt  }
0x49: {  	_ =	shalt  }
0x4a: {  	_ =	shalt  }
0x4b: {  	_ =	shalt  }
0x4c: {  	_ =	shalt  }
0x4d: {  	_ =	shalt  }
0x4e: {  	_ =	shalt  }
0x4f: {  	_ =	shalt  }
0x50: {  	_ =	shalt  }
0x51: {  	_ =	shalt  }
0x52: {  	_ =	shalt  }
0x53: {  	_ =	shalt  }
0x54: {  	_ =	shalt  }
0x55: {  	_ =	shalt  }
0x56: {  	_ =	shalt  }
0x57: {  	_ =	shalt  }
0x58: {  	_ =	shalt  }
0x59: {  	_ =	shalt  }
0x5a: {  	_ =	shalt  }
0x5b: {  	_ =	shalt  }
0x5c: {  	_ =	shalt  }
0x5d: {  	_ =	shalt  }
0x5e: {  	_ =	shalt  }
0x5f: {  	_ =	shalt  }
0x60: {  	_ =	shalt  }
0x61: {  	_ =	shalt  }
0x62: {  	_ =	shalt  }
0x63: {  	_ =	shalt  }
0x64: {  	_ =	shalt  }
0x65: {  	_ =	shalt  }
0x66: {  	_ =	shalt  }
0x67: {  	_ =	shalt  }
0x68: {  	_ =	shalt  }
0x69: {  	_ =	shalt  }
0x6a: {  	_ =	shalt  }
0x6b: {  	_ =	shalt  }
0x6c: {  	_ =	shalt  }
0x6d: {  	_ =	shalt  }
0x6e: {  	_ =	shalt  }
0x6f: {  	_ =	shalt  }
0x70: {  	_ =	shalt  }
0x71: {  	_ =	shalt  }
0x72: {  	_ =	shalt  }
0x73: {  	_ =	shalt  }
0x74: {  	_ =	shalt  }
0x75: {  	_ =	shalt  }
0x76: {  	_ =	shalt  }
0x77: {  	_ =	shalt  }
0x78: {  	_ =	shalt  }
0x79: {  	_ =	shalt  }
0x7a: {  	_ =	shalt  }
0x7b: {  	_ =	shalt  }
0x7c: {  	_ =	shalt  }
0x7d: {  	_ =	shalt  }
0x7e: {  	_ =	shalt  }
0x7f: {  	_ =	shalt  }
0x80: {  	_ =	shalt  }
0x81: {  	_ =	shalt  }
0x82: {  	_ =	shalt  }
0x83: {  	_ =	shalt  }
0x84: {  	_ =	shalt  }
0x85: {  	_ =	shalt  }
0x86: {  	_ =	shalt  }
0x87: {  	_ =	shalt  }
.Lfunc_end0:
.L_simem_size_0:
called_computation.2_lowered:
.L_overlay_start_0:
0x88: {  	s2 =	sld [smem:$0x3FD9]  }
0x89: {  	s3 =	sld [smem:$0x3FFE];
	_ =	sdelay $0x1  }
0x8a: {  	s1 =	srdreg.scid  }
0x8b: {  	s0 =	sand.u32 $0x1, s1  }
0x8c: {  	s17 =	sshll.u32 s0, $0xA;
	s2 =	sadd.s32 s3, s2  }
0x8d: {  	s2 =	sadd.s32 s2, s17  }
0x8e: {  	[smem:$0x3FC0] =	sst s2  }
0x8f: {  	_ = 	snop  }
0x90: {  	s2 =	sld [smem:$0x3FD0];
	(tm) =	ssettm $0x1  }
0x91: {  	s18 =	sld [smem:$0x3FFB];
	_ =	sdelay $0x3  }
0x92: {  	_ =	strace s18  }
0x93: {  	s3 =	sld [smem:$0x3FFC];
	_ =	sdelay $0x3  }
0x94: {  	_ =	strace s3  }
0x95: {  	s3 =	sld [smem:$0x3FFD];
	_ =	sdelay $0x3  }
0x96: {  	_ =	strace s3  }
0x97: {  	_ =	strace $0x8FFFFFFF  }
0x98: {  	s19 =	sld [smem:$0x3FDB];
	_ =	sdelay $0x1  }
0x99: {  	s4 =	simm.s32 $_scs_section_size  }
0x9a: {  	s5 =	simm.s32 $_size__tile_overlayer_lowered;
	s6 =	simm.s32 $_tile_overlayer_lowered  }
0x9b: {  	s22 =	simm.s32 $0x1BFF;
	s21 =	sshll.u32 s6, $0x1;
	s3 =	sadd.s32 s4, s19  }
0x9c: {  	s7 =	simm.s32 $0x0;
	s20 =	sshll.u32 s5, $0x1;
	s5 =	sadd.s32 s21, s3  }
0x9d: {  	[timem:s7], [sflag:s22] =	dma.local [hbm:s5], s20  }
0x9e: {  	_ =	swait.ge [sflag:s22], s20  }
0x9f: {  	s4 =	ssub.s32 $0x0, s20;
	[sflag:s22] =	ssyncset.done $0x0  }
0xa0: {  	[sflag:s22] =	ssyncadd.s32 s4;
	_ =	sdelay $0x1  }
0xa1: {  	s23 =	simm.s32 $0x1B8B  }
0xa2: {  	_ =	swait.ge [sflag:s23], $0x1  }
0xa3: {  	[sflag:s23] =	ssyncset.done $0x0  }
0xa4: {  	s25 =	simm.s32 $0x1B8E;
	s24 =	sld [smem:$0x3FFE];
	[sflag:s23] =	ssyncadd.s32 $0xFFFFFFFF  }
0xa5: {  	s26 =	simm.s32 $execute0_lowered;
	[smem:$0x3FD2] =	sst s25  }
0xa6: {  	s5 =	sshll.u32 s26, $0x1;
	_ =	strace $0x8000004C;
	[dreg:$0x1] =	wrdreg $0xFFFFFFFF  }
0xa7: {  	s28 =	simm.s32 $_size_execute0_lowered;
	s3 =	sadd.s32 s3, s5;
	[dreg:$0x0] =	wrdreg $0x0  }
0xa8: {  	s5 =	sshll.u32 s28, $0x1;
	[dreg:$0x2] =	wrdreg s3  }
0xa9: {  	[dreg:$0x3] =	wrdreg s5  }
0xaa: {  	[dreg:$0x4] =	wrdreg $0xC0  }
0xab: {  	_ =	task [dreg:s7], $0x5FFFF  }
0xac: {  	[dreg:$0x1] =	wrdreg $0xFFFFFFFF  }
0xad: {  	[dreg:$0x0] =	wrdreg $0x60  }
0xae: {  	[dreg:$0x2] =	wrdreg s24  }
0xaf: {  	[dreg:$0x3] =	wrdreg s2  }
0xb0: {  	[dreg:$0x4] =	wrdreg $0x140000  }
0xb1: {  	[dreg:$0x5] =	wrdreg $0x9  }
0xb2: {  	_ =	task.clear_ibuf [dreg:s7], $0x6FFFF;
	_ =	strace $0x9000004C  }
0xb3: {  	s29 =	simm.s32 $0x9;
	_ =	strace $0x8000004E  }
0xb4: {  	_ =	swait.ge [sflag:s29], $0x1  }
0xb5: {  	[sflag:s29] =	ssyncadd.s32 $0xFFFFFFFF  }
0xb6: {  	_ =	strace $0x9000004E  }
0xb7: {  	_ =	sfence  }
0xb8: {  	s30 =	sld [smem:$0x0];
	_ =	sdelay $0x2  }
0xb9: {  	s31 =	sshll.u32 s1, $0xD;
	s1 =	sshrl.u32 s1, $0x2  }
0xba: {  	s3 =	sand.u32 $0x4000, s31;
	s1 =	sadd.s32 s1, s30  }
0xbb: {  	s0 =	sor.u32 s3, s0;
	s1 =	sshll.u32 s1, $0x11  }
0xbc: {  	s0 =	sor.u32 s1, s0  }
0xbd: {  	s0 =	sadd.s32 $0x8F2B, s0  }
0xbe: {  	[sflag:s0] =	ssyncadd.remote.s32 $0x1  }
0xbf: {  	_ =	sfence.sel $0xFFFF  }
0xc0: {  	[dreg:$0x0] =	wrdreg $0xFFFFFFFF;
	(pc) =	sbr.abs _section_cstart, $3  }
0xc1: {  	[dreg:$0x1] =	wrdreg $0xFFFFFFFF  }
0xc2: {  	_ =	task.clear_ibuf [dreg:s7], $0x2FFFF;
	_ =	strace $0x9FFFFFFF  }
0xc3: {  	(tm) =	ssettm $0x7FFFFFFF  }
tec
execute0_lowered:
.L_overlay_start_1:
0x0: {  	(tag) =	ssettag $0x1  }
0x1: {  	s0 =	rddreg [dreg:$0x0]  }
0x2: {  	s1 =	rddreg [dreg:$0x1];
	s3 =	srdreg.scid  }
0x3: {  	s2 =	rddreg [dreg:$0x2];
	s9 =	stileid.u32  }
0x4: {  	s14 =	simm.s32 $0x7;
	s16 =	simm.s32 $0x80;
	s19 =	simm.s32 $0x1  }
0x5: {  	s20 =	simm.s32 $0xC000;
	s21 =	simm.s32 $0xE000;
	s6 =	smul.u32 $0xA00, s9  }
0x6: {  	s22 =	simm.s32 $0x2;
	s28 =	simm.s32 $0x3;
	s8 =	smul.u32 $0x28000, s9  }
0x7: {  	s29 =	simm.s32 $0x6;
	s4 =	sand.u32 $0x1, s3;
	s12 =	smul.u32 $0xA000, s9  }
0x8: {  	s30 =	simm.s32 $0x4;
	s3 =	simm.s32 $0x0;
	s5 =	smul.u32 $0xA000, s4  }
0x9: {  	[smem:$0x7FF] =	sst s3;
	s7 =	smul.u32 $0x14000, s4;
	s4 =	ssub.s32 $0x2, s4  }
0xa: {  	_ =	strace $0x8000004D;
	s10 =	sadd.s32 s6, s0;
	s23 =	sshrl.u32 s4, $0x1  }
0xb: {  	s8 =	sshrl.u32 s8, $0x2;
	s9 =	sadd.s32 s1, s6;
	s31 =	sshrl.u32 s12, $0x3  }
0xc: {  	s5 =	sadd.s32 s5, s0;
	s0 =	sadd.s32 s7, s0;
	s13 =	ssub.s32 s4, s23  }
0xd: {  	s4 =	sadd.s32 s12, s2;
	s8 =	sadd.s32 s8, s2;
	s10 =	sadd.s32 $0x1800, s10  }
0xe: {  	s23 =	simm.s32 $0xD000;
	s24 =	sadd.s32 $0x2000, s8;
	s25 =	sadd.s32 $0x4000, s8  }
0xf: {  	s26 =	sadd.s32 $0x6000, s8;
	s8 =	sadd.s32 $0x8000, s8;
	[dreg:$0x4] =	wrdreg s24  }
0x10: {  	s11 =	sadd.s32 $0xB800, s5;
	s0 =	sadd.s32 $0x6F800, s0;
	[dreg:$0x5] =	wrdreg s25  }
0x11: {  	s12 =	smax.u32 s13, $0x1;
	s13 =	simm.s32 $0x12000;
	[dreg:$0x6] =	wrdreg s26  }
0x12: {  	v0 =	vimm.f32 $0.0e+00;
	s24 =	sadd.s32 s31, s0;
	s25 =	simm.s32 $0x10000;
	s26 =	simm.s32 $0x5  }
.LBB2_1:
0x13: {  	s1 =	simm.s32 $0x100;
	s0 =	simm.s32 $0x0  }
.LBB2_2:
0x14: {  	p0 =	sne.s32 s1, $0x7F00;
	[tilespmem:s0+$0x12030] =	vst v0;
	s5 =	smov.u32 s1;
	s1 =	sadd.s32 $0x100, s1  }
.Ltmp0:
0x15: {  	[tilespmem:s0+$0x12020] =	vst v0;
	(pc) =	sbr.rel @p0 .LBB2_2-.Ltmp0, $3  }
0x16: {  	[tilespmem:s0+$0x12000] =	vst v0  }
0x17: {  	[tilespmem:s0+$0x12010] =	vst v0;
	_ =	sdelay $0x1  }
0x18: {  	s0 =	sshra.s32 s5, $0x2  }
0x19: {  	[tilespmem:s0+$0x12030] =	vst v0  }
0x1a: {  	[tilespmem:s0+$0x12020] =	vst v0  }
0x1b: {  	[tilespmem:s0+$0x12000] =	vst v0  }
0x1c: {  	[tilespmem:s0+$0x12010] =	vst v0  }
0x1d: {  	[spmem:s4] =	stream.linear.scatter [tilespmem:s13], [sflag:$0x7], $0x2000, $0x38;
	[tilespmem:$0x1E000] =	vst v63  }
0x1e: {  	_ =	swait.ge [sflag:s14], $0x2000  }
0x1f: {  	[sflag:s14] =	ssyncset.done $0x0  }
0x20: {  	s5 =	rddreg [dreg:$0x4];
	[sflag:s14] =	ssyncadd.s32 $0xFFFFE000  }
0x21: {  	[spmem:s5] =	stream.linear.scatter [tilespmem:s13], [sflag:$0x7], $0x2000, $0x38;
	[tilespmem:$0x1E000] =	vst v63  }
0x22: {  	_ =	swait.ge [sflag:s14], $0x2000  }
0x23: {  	[sflag:s14] =	ssyncset.done $0x0  }
0x24: {  	s6 =	rddreg [dreg:$0x5];
	[sflag:s14] =	ssyncadd.s32 $0xFFFFE000  }
0x25: {  	[spmem:s6] =	stream.linear.scatter [tilespmem:s13], [sflag:$0x7], $0x2000, $0x38;
	[tilespmem:$0x1E000] =	vst v63  }
0x26: {  	_ =	swait.ge [sflag:s14], $0x2000  }
0x27: {  	[sflag:s14] =	ssyncset.done $0x0  }
0x28: {  	s7 =	rddreg [dreg:$0x6];
	[sflag:s14] =	ssyncadd.s32 $0xFFFFE000  }
0x29: {  	[spmem:s7] =	stream.linear.scatter [tilespmem:s13], [sflag:$0x7], $0x2000, $0x38;
	[tilespmem:$0x1E000] =	vst v63  }
0x2a: {  	_ =	swait.ge [sflag:s14], $0x2000  }
0x2b: {  	[sflag:s14] =	ssyncset.done $0x0  }
0x2c: {  	[sflag:s14] =	ssyncadd.s32 $0xFFFFE000  }
0x2d: {  	[spmem:s8] =	stream.linear.scatter [tilespmem:s13], [sflag:$0x7], $0x2000, $0x38;
	[tilespmem:$0x1E000] =	vst v63  }
0x2e: {  	_ =	swait.ge [sflag:s14], $0x2000  }
0x2f: {  	[sflag:s14] =	ssyncset.done $0x0  }
0x30: {  	s31 =	simm.s32 $0x0;
	[sflag:s14] =	ssyncadd.s32 $0xFFFFE000  }
0x31: {  	[tilespmem:s31], [sflag:$0x7] =	stream.linear.gather [hbm4b:s9+s31], $0x5000, $0x38;
	[tilespmem:$0x1E000] =	vst v63  }
0x32: {  	_ =	swait.ge [sflag:s14], $0x5000  }
0x33: {  	[sflag:s14] =	ssyncset.done $0x0  }
0x34: {  	s15 =	simm.s32 $0x5000;
	[sflag:s14] =	ssyncadd.s32 $0xFFFFB000  }
0x35: {  	[tilespmem:s15], [sflag:$0x7] =	stream.linear.gather [hbm4b:s10+s31], $0x5000, $0x38;
	[tilespmem:$0x1E000] =	vst v63  }
0x36: {  	_ =	swait.ge [sflag:s14], $0x5000  }
0x37: {  	[sflag:s14] =	ssyncset.done $0x0  }
0x38: {  	[sflag:s14] =	ssyncadd.s32 $0xFFFFB000  }
0x39: {  	s17 =	simm.s32 $0xA000;
	[bflag:$0x0] =	sbarrier.arrive $0xFFFF  }
0x3a: {  	[tilespmem:s17], [sflag:$0x1] =	stream.indirect.gather [hbm4b:s11+s16], $0x20, s31, s16, $0xb8;
	[tilespmem:$0x1E000] =	vst v63  }
0x3b: {  	s18 =	simm.s32 $0xB000  }
0x3c: {  	[tilespmem:s18], [sflag:$0x2] =	stream.indirect.gather [hbm4b:s11+s16], $0x20, s16, s16, $0xb8;
	[tilespmem:$0x1E000] =	vst v63  }
.LBB2_4:
0x3d: {  	p0 =	seq.s32 s31, $0x0  }
0x3e: {  	s0 =	simm.s32 @!p0 $0x5  }
0x3f: {  	_ =	swait.ge @!p0 [sflag:s0], $0x2000  }
0x40: {  	[sflag:s0] =	ssyncset.done @!p0 $0x0  }
0x41: {  	[sflag:s0] =	ssyncadd.s32 @!p0 $0xFFFFE000  }
0x42: {  	s17 =	sshll.u32 s31, $0xB;
	_ =	swait.ge [sflag:s19], $0x1000  }
0x43: {  	s18 =	sor.u32 $0x400, s17;
	[sflag:s19] =	ssyncset.done $0x0  }
0x44: {  	s1 =	simm.s32 $0x0;
	s0 =	sshrl.u32 s18, $0x2;
	[sflag:s19] =	ssyncadd.s32 $0xFFFFF000  }
0x45: {  	[tilespmem:s20], [sflag:$0x3] =	stream.indirect.gather [hbm4b:s11+s16], $0x20, s0, s16, $0xb8;
	[tilespmem:$0x1E000] =	vst v63  }
0x46: {  	v1 =	vld [tilespmem:s1+$0xA000];
	_ =	sdelay $0x4  }
0x47: {  	s15 =	simm.s32 $0xE020;
	v2 =	vshll.u32 v1, $0x10  }
0x48: {  	v1 =	vand.u32 $0xFFFF0000, v1;
	[tilespmem:s15+$0xFFFFFFE0] =	vst v2  }
0x49: {  	[tilespmem:s15+$0xFFFFFFF0] =	vst v1  }
0x4a: {  	s5 =	simm.s32 $0x80;
	v1 =	vld [tilespmem:s1+$0xA010];
	s1 =	simm.s32 $0xE020  }
.LBB2_5:
0x4b: {  	_ =	sdelay $0x2  }
0x4c: {  	p1 =	sne.s32 s5, $0x3F80  }
0x4d: {  	s15 =	sadd.s32 $0x40, s15;
	s6 =	smov.u32 s5;
	s5 =	sadd.s32 $0x80, s5;
	v2 =	vshll.u32 v1, $0x10;
	v1 =	vand.u32 $0xFFFF0000, v1  }
0x4e: {  	[tilespmem:s1+$0x0] =	vst v2  }
0x4f: {  	s6 =	sshra.s32 s6, $0x2;
	[tilespmem:s1+$0x10] =	vst v1;
	s1 =	smov.u32 s15  }
0x50: {  	v1 =	vld [tilespmem:s6+$0xA000];
	_ =	sdelay $0x3  }
.Ltmp1:
0x51: {  	(pc) =	sbr.rel @p1 .LBB2_5-.Ltmp1, $4  }
0x52: {  	v2 =	vshll.u32 v1, $0x10;
	v1 =	vand.u32 $0xFFFF0000, v1  }
0x53: {  	[tilespmem:s15+$0xFFFFFFE0] =	vst v2  }
0x54: {  	[tilespmem:s15+$0xFFFFFFF0] =	vst v1  }
0x55: {  	v1 =	vld [tilespmem:s6+$0xA010]  }
0x56: {  	_ =	sdelay $0x3  }
0x57: {  	v2 =	vshll.u32 v1, $0x10  }
0x58: {  	s18 =	sshrl.u32 s17, $0x2;
	v1 =	vand.u32 $0xFFFF0000, v1;
	[tilespmem:s1+$0x0] =	vst v2  }
0x59: {  	s7 =	sadd.s32 $0x5000, s18;
	[tilespmem:s1+$0x10] =	vst v1;
	s1 =	simm.s32 @!p0 $0x6  }
0x5a: {  	[spmem:s2] =	stream.indirect.scatter.add.f32 [tilespmem:s21], [sflag:$0x5], $0x40, s7, s16, $0xb8;
	[tilespmem:$0x1E000] =	vst v63  }
0x5b: {  	_ =	swait.ge @!p0 [sflag:s1], $0x2000  }
0x5c: {  	[sflag:s1] =	ssyncset.done @!p0 $0x0  }
0x5d: {  	[sflag:s1] =	ssyncadd.s32 @!p0 $0xFFFFE000  }
0x5e: {  	_ =	swait.ge [sflag:s22], $0x1000  }
0x5f: {  	s15 =	sor.u32 $0x600, s17;
	[sflag:s22] =	ssyncset.done $0x0  }
0x60: {  	s5 =	simm.s32 $0x0;
	s15 =	sshrl.u32 s15, $0x2;
	[sflag:s22] =	ssyncadd.s32 $0xFFFFF000  }
0x61: {  	[tilespmem:s23], [sflag:$0x4] =	stream.indirect.gather [hbm4b:s11+s16], $0x20, s15, s16, $0xb8;
	[tilespmem:$0x1E000] =	vst v63  }
0x62: {  	v1 =	vld [tilespmem:s5+$0xB000];
	_ =	sdelay $0x4  }
0x63: {  	s1 =	simm.s32 $0x10030;
	v2 =	vshll.u32 v1, $0x10  }
0x64: {  	v1 =	vand.u32 $0xFFFF0000, v1;
	[tilespmem:s1+$0xFFFFFFD0] =	vst v2  }
0x65: {  	[tilespmem:s1+$0xFFFFFFE0] =	vst v1  }
0x66: {  	s6 =	simm.s32 $0x80;
	v1 =	vld [tilespmem:s5+$0xB010];
	s5 =	simm.s32 $0x10030  }
.LBB2_7:
0x67: {  	_ =	sdelay $0x2  }
0x68: {  	p0 =	sne.s32 s6, $0x3F80  }
0x69: {  	s1 =	sadd.s32 $0x40, s1;
	s7 =	smov.u32 s6;
	s6 =	sadd.s32 $0x80, s6;
	v2 =	vshll.u32 v1, $0x10;
	v1 =	vand.u32 $0xFFFF0000, v1  }
0x6a: {  	[tilespmem:s5+$0xFFFFFFF0] =	vst v2  }
0x6b: {  	s7 =	sshra.s32 s7, $0x2;
	[tilespmem:s5+$0x0] =	vst v1;
	s5 =	smov.u32 s1  }
0x6c: {  	v1 =	vld [tilespmem:s7+$0xB000];
	_ =	sdelay $0x3  }
.Ltmp2:
0x6d: {  	(pc) =	sbr.rel @p0 .LBB2_7-.Ltmp2, $4  }
0x6e: {  	v2 =	vshll.u32 v1, $0x10;
	v1 =	vand.u32 $0xFFFF0000, v1  }
0x6f: {  	[tilespmem:s1+$0xFFFFFFD0] =	vst v2  }
0x70: {  	[tilespmem:s1+$0xFFFFFFE0] =	vst v1  }
0x71: {  	v1 =	vld [tilespmem:s7+$0xB010]  }
0x72: {  	_ =	sdelay $0x3  }
0x73: {  	v2 =	vshll.u32 v1, $0x10  }
0x74: {  	v1 =	vand.u32 $0xFFFF0000, v1;
	[tilespmem:s5+$0xFFFFFFF0] =	vst v2  }
0x75: {  	s1 =	sadd.s32 $0x5080, s18;
	[tilespmem:s5+$0x0] =	vst v1  }
0x76: {  	[spmem:s2] =	stream.indirect.scatter.add.f32 [tilespmem:s25], [sflag:$0x6], $0x40, s1, s16, $0xb8;
	[tilespmem:$0x1E000] =	vst v63  }
0x77: {  	_ =	swait.ge [sflag:s26], $0x2000  }
0x78: {  	[sflag:s26] =	ssyncset.done $0x0  }
0x79: {  	[sflag:s26] =	ssyncadd.s32 $0xFFFFE000  }
0x7a: {  	p0 =	seq.s32 s31, $0x27;
	s18 =	simm.s32 $0x0;
	_ =	swait.ge [sflag:s28], $0x1000  }
0x7b: {  	s17 =	sshrl.u32 @!p0 s17, $0x2;
	s6 =	simm.s32 @!p0 $0xA000;
	[sflag:s28] =	ssyncset.done $0x0  }
0x7c: {  	s5 =	simm.s32 @!p0 $0x80;
	s1 =	sadd.s32 @!p0 $0x200, s17;
	[sflag:s28] =	ssyncadd.s32 $0xFFFFF000  }
0x7d: {  	[tilespmem:s6], [sflag:$0x1] =	stream.indirect.gather @!p0 [hbm4b:s11+s5], $0x20, s1, s5, $0xb8;
	[tilespmem:$0x1E000] =	vst v63  }
0x7e: {  	v1 =	vld [tilespmem:s18+$0xC000];
	_ =	sdelay $0x4  }
0x7f: {  	s1 =	simm.s32 $0xE020;
	v2 =	vshll.u32 v1, $0x10  }
0x80: {  	v1 =	vand.u32 $0xFFFF0000, v1;
	[tilespmem:s1+$0xFFFFFFE0] =	vst v2  }
0x81: {  	[tilespmem:s1+$0xFFFFFFF0] =	vst v1  }
0x82: {  	s6 =	simm.s32 $0x80;
	s5 =	simm.s32 $0xE020;
	v1 =	vld [tilespmem:s18+$0xC010]  }
.LBB2_9:
0x83: {  	_ =	sdelay $0x2  }
0x84: {  	p1 =	sne.s32 s6, $0x3F80  }
0x85: {  	s1 =	sadd.s32 $0x40, s1;
	s7 =	smov.u32 s6;
	s6 =	sadd.s32 $0x80, s6;
	v2 =	vshll.u32 v1, $0x10;
	v1 =	vand.u32 $0xFFFF0000, v1  }
0x86: {  	[tilespmem:s5+$0x0] =	vst v2  }
0x87: {  	s7 =	sshra.s32 s7, $0x2;
	[tilespmem:s5+$0x10] =	vst v1;
	s5 =	smov.u32 s1  }
0x88: {  	v1 =	vld [tilespmem:s7+$0xC000];
	_ =	sdelay $0x3  }
.Ltmp3:
0x89: {  	(pc) =	sbr.rel @p1 .LBB2_9-.Ltmp3, $4  }
0x8a: {  	v2 =	vshll.u32 v1, $0x10;
	v1 =	vand.u32 $0xFFFF0000, v1  }
0x8b: {  	[tilespmem:s1+$0xFFFFFFE0] =	vst v2  }
0x8c: {  	[tilespmem:s1+$0xFFFFFFF0] =	vst v1  }
0x8d: {  	v1 =	vld [tilespmem:s7+$0xC010]  }
0x8e: {  	_ =	sdelay $0x3  }
0x8f: {  	v2 =	vshll.u32 v1, $0x10  }
0x90: {  	v1 =	vand.u32 $0xFFFF0000, v1;
	[tilespmem:s5+$0x0] =	vst v2  }
0x91: {  	s0 =	sadd.s32 $0x5000, s0;
	[tilespmem:s5+$0x10] =	vst v1  }
0x92: {  	[spmem:s2] =	stream.indirect.scatter.add.f32 [tilespmem:s21], [sflag:$0x5], $0x40, s0, s16, $0xb8;
	[tilespmem:$0x1E000] =	vst v63  }
0x93: {  	_ =	swait.ge [sflag:s29], $0x2000  }
0x94: {  	[sflag:s29] =	ssyncset.done $0x0  }
0x95: {  	[sflag:s29] =	ssyncadd.s32 $0xFFFFE000  }
0x96: {  	_ =	swait.ge [sflag:s30], $0x1000  }
0x97: {  	s1 =	simm.s32 @!p0 $0x80;
	s18 =	simm.s32 $0x0;
	[sflag:s30] =	ssyncset.done $0x0  }
0x98: {  	s5 =	simm.s32 @!p0 $0xB000;
	s0 =	sadd.s32 @!p0 $0x280, s17;
	[sflag:s30] =	ssyncadd.s32 $0xFFFFF000  }
0x99: {  	[tilespmem:s5], [sflag:$0x2] =	stream.indirect.gather @!p0 [hbm4b:s11+s1], $0x20, s0, s1, $0xb8;
	[tilespmem:$0x1E000] =	vst v63  }
0x9a: {  	v1 =	vld [tilespmem:s18+$0xD000];
	_ =	sdelay $0x4  }
0x9b: {  	s0 =	simm.s32 $0x10030;
	v2 =	vshll.u32 v1, $0x10  }
0x9c: {  	v1 =	vand.u32 $0xFFFF0000, v1;
	[tilespmem:s0+$0xFFFFFFD0] =	vst v2  }
0x9d: {  	[tilespmem:s0+$0xFFFFFFE0] =	vst v1  }
0x9e: {  	s5 =	simm.s32 $0x80;
	s1 =	simm.s32 $0x10030;
	v1 =	vld [tilespmem:s18+$0xD010]  }
.LBB2_11:
0x9f: {  	_ =	sdelay $0x2  }
0xa0: {  	p0 =	sne.s32 s5, $0x3F80  }
0xa1: {  	s0 =	sadd.s32 $0x40, s0;
	s6 =	smov.u32 s5;
	s5 =	sadd.s32 $0x80, s5;
	v2 =	vshll.u32 v1, $0x10;
	v1 =	vand.u32 $0xFFFF0000, v1  }
0xa2: {  	[tilespmem:s1+$0xFFFFFFF0] =	vst v2  }
0xa3: {  	s6 =	sshra.s32 s6, $0x2;
	[tilespmem:s1+$0x0] =	vst v1;
	s1 =	smov.u32 s0  }
0xa4: {  	v1 =	vld [tilespmem:s6+$0xD000];
	_ =	sdelay $0x3  }
.Ltmp4:
0xa5: {  	(pc) =	sbr.rel @p0 .LBB2_11-.Ltmp4, $4  }
0xa6: {  	v2 =	vshll.u32 v1, $0x10;
	v1 =	vand.u32 $0xFFFF0000, v1  }
0xa7: {  	[tilespmem:s0+$0xFFFFFFD0] =	vst v2  }
0xa8: {  	[tilespmem:s0+$0xFFFFFFE0] =	vst v1  }
0xa9: {  	v1 =	vld [tilespmem:s6+$0xD010]  }
0xaa: {  	_ = 	snop  }
0xab: {  	s31 =	sadd.s32 $0x1, s31  }
0xac: {  	p0 =	sne.s32 s31, $0x28  }
.Ltmp5:
0xad: {  	_ = 	snop;
	(pc) =	sbr.rel @p0 .LBB2_4-.Ltmp5, $4  }
0xae: {  	v2 =	vshll.u32 v1, $0x10  }
0xaf: {  	v1 =	vand.u32 $0xFFFF0000, v1;
	[tilespmem:s1+$0xFFFFFFF0] =	vst v2  }
0xb0: {  	s0 =	sadd.s32 $0x5000, s15;
	[tilespmem:s1+$0x0] =	vst v1  }
0xb1: {  	[spmem:s2] =	stream.indirect.scatter.add.f32 [tilespmem:s25], [sflag:$0x6], $0x40, s0, s16, $0xb8;
	[tilespmem:$0x1E000] =	vst v63  }
0xb2: {  	_ =	swait.ge [sflag:s26], $0x2000  }
0xb3: {  	[sflag:s26] =	ssyncset.done $0x0  }
0xb4: {  	[sflag:s26] =	ssyncadd.s32 $0xFFFFE000  }
0xb5: {  	s0 =	stileid.u32;
	_ =	swait.ge [sflag:s29], $0x2000  }
0xb6: {  	s1 =	sshrl.u32 s4, $0x3;
	s3 =	sadd.s32 $0x1, s3;
	[sflag:s29] =	ssyncset.done $0x0  }
0xb7: {  	s0 =	sshll.u32 s0, $0x6;
	p0 =	sne.s32 s3, s12;
	[sflag:s29] =	ssyncadd.s32 $0xFFFFE000  }
.Ltmp6:
0xb8: {  	s0 =	sor.u32 $0x1C07, s0;
	[bflag:$0x0] =	sbarrier.arrive $0xFFFF;
	(pc) =	sbr.rel @p0 .LBB2_1-.Ltmp6, $4  }
0xb9: {  	[hbm:s24], [sflag:s0] =	dma.local [spmem:s1], $0x1400  }
0xba: {  	_ =	swait.ge [sflag:s14], $0x1400  }
0xbb: {  	[sflag:s14] =	ssyncset.done $0x0  }
0xbc: {  	[sflag:s14] =	ssyncadd.s32 $0xFFFFEC00  }
0xbd: {  	_ =	sfence.sel $0x180000  }
0xbe: {  	[bflag:$0x0] =	sbarrier.arrive $0xFFFF  }
0xbf: {  	_ =	strace $0x9000004D  }
0xc0: {  	s0 =	stileid.u32;
	[bflag:$0x2] =	sbarrier.arrive $0xFFFF  }
0xc1: {  	p0 =	sne.s32 s0, $0x0;
	s0 =	rddreg [dreg:$0x3]  }
0xc2: {  	s0 =	sadd.s32 @!p0 $0x100000, s0  }
0xc3: {  	[sflag:s0] =	ssyncadd.tile.s32 @!p0 $0x1;
	_ =	shalt  }
.Lfunc_end2:
_tile_overlayer_lowered:
.L_overlay_start_2:
0xc4: {  	(tag) =	ssettag $0x2  }
0xc5: {  	s0 =	rddreg [dreg:$0x0];
	s2 =	stileid.u32  }
0xc6: {  	s1 =	rddreg [dreg:$0x1];
	p0 =	sne.s32 s2, $0x0  }
0xc7: {  	s3 =	rddreg [dreg:$0x2];
	[bflag:$0x3] =	sbarrier.arrive $0xFFFF;
	s2 =	simm.s32 @!p0 $0x1C07  }
0xc8: {  	[timem:s3], [sflag:s2] =	dma.local @!p0 [hbm:s0], s1  }
0xc9: {  	s0 =	simm.s32 @!p0 $0x7  }
0xca: {  	_ =	swait.ge @!p0 [sflag:s0], s1  }
0xcb: {  	s1 =	ssub.s32 @!p0 $0x0, s1;
	[sflag:s0] =	ssyncset.done @!p0 $0x0  }
0xcc: {  	[sflag:s0] =	ssyncadd.s32 @!p0 s1  }
0xcd: {  	[bflag:$0x3] =	sbarrier.arrive $0xFFFF  }
0xce: {  	_ =	shalt  }

// kernel: kernel.19.cloned.1.call-start
scs
__scs_entry_jumppad:
0x0: {  	(pc) =	sbr.rel $0x88, $3  }
0x1: {  	(tag) =	ssettag $0x0;
	lr =	simm.s32 $0x1  }
0x2: {  	[smem:$0x3F99] =	sst lr;
	_ =	strace $0xD0000000  }
0x3: {  	_ = 	snop  }
0x4: {  	_ = 	snop  }
0x5: {  	_ = 	snop  }
0x6: {  	_ = 	snop  }
0x7: {  	_ = 	snop  }
__scs_overlays_trampoline_lowered:
0x8: {  	[smem:$0x3FA8] =	sst s0  }
0x9: {  	[smem:$0x3FA9] =	sst s1  }
0xa: {  	[smem:$0x3FAA] =	sst s2  }
0xb: {  	[smem:$0x3FAB] =	sst s3  }
0xc: {  	[smem:$0x3FAC] =	sst s4  }
0xd: {  	[smem:$0x3FAD] =	sst s5  }
0xe: {  	[smem:$0x3FAE] =	sst s6  }
0xf: {  	[smem:$0x3FAF] =	sst s7  }
0x10: {  	[smem:$0x3FB0] =	sst s8  }
0x11: {  	[smem:$0x3FB1] =	sst s9;
	s0 =	simm.s32 @!p0 $0x0  }
0x12: {  	s1 =	sld [smem:$0x3F97];
	s0 =	simm.s32 @p0 $0x1  }
0x13: {  	[smem:$0x3FB2] =	sst s0;
	s0 =	simm.s32 @!p1 $0x0  }
0x14: {  	s2 =	sld [smem:$0x3F96];
	s0 =	simm.s32 @p1 $0x1  }
0x15: {  	[smem:$0x3FB3] =	sst s0;
	s0 =	simm.s32 @!p2 $0x0  }
0x16: {  	s3 =	sld [smem:$0x3FDB];
	s0 =	simm.s32 @p2 $0x1  }
0x17: {  	s4 =	simm.s32 $0x1BF5;
	[smem:$0x3FB5] =	sst s0  }
0x18: {  	s0 =	sld [smem:$0x3F98];
	_ =	swait.ge [sflag:s4], $0x0  }
0x19: {  	s7 =	sld [smem:$0x3F99]  }
0x1a: {  	s8 =	sadd.s32 $0xFFFFE003, lr  }
0x1b: {  	s9 =	sadd.s32 $0xFFFFFEF7, lr;
	s5 =	simm.s32 $0xFFFFFFFF;
	p2 =	slt.u32 s8, $0xFFFFF086  }
0x1c: {  	p1 =	slt.u32 s9, $0xF7A;
	s5 =	simm.s32 @!p2 $0x0  }
0x1d: {  	s5 =	simm.s32 @p1 $0x1;
	p0 =	seq.s32 s7, s2  }
0x1e: {  	s7 =	smul.u32 @!p0 $0xF7A, s2;
	p2 =	seq.s32 @!p0 s5, $0x0  }
0x1f: {  	s9 =	smul.u32 $0xF7A, s1;
	s8 =	simm.s32 @!p0 $0x1BF5;
	p2 =	por !p2, p0  }
0x20: {  	[sflag:s8] =	ssyncset.s32 @!p0 $0xFFFFF086;
	s6 =	sadd.s32 @!p0 s3, s7;
	s7 =	simm.s32 @!p0 $0x108  }
0x21: {  	s3 =	sadd.s32 s3, s9;
	s6 =	sadd.s32 @!p0 $0x88, s6;
	s7 =	simm.s32 @p2 $0x1082  }
0x22: {  	[simem:s7], [sflag:s8] =	dma.local @!p0 [hbm:s6], $0xF7A  }
0x23: {  	s9 =	sor.u32 $0xD0000000, s2;
	s6 =	simm.s32 $0x108;
	_ =	swait.ge @!p0 [sflag:s8], $0x0  }
0x24: {  	s3 =	sadd.s32 $0x88, s3;
	s6 =	simm.s32 @!p1 $0x1082;
	[sflag:s4] =	ssyncset.s32 $0xFFFFF086  }
0x25: {  	[simem:s6], [sflag:s4] =	dma.local [hbm:s3], $0xF7A  }
0x26: {  	[smem:$0x3F99] =	sst s1;
	(tag) =	ssettag s2;
	_ =	strace s9  }
0x27: {  	s1 =	sld [smem:$0x3FA9]  }
0x28: {  	s2 =	sld [smem:$0x3FAA]  }
0x29: {  	s4 =	sld [smem:$0x3FAC]  }
0x2a: {  	p0 =	seq.s32 s5, $0x0;
	s5 =	sld [smem:$0x3FAD]  }
0x2b: {  	s6 =	sld [smem:$0x3FAE]  }
0x2c: {  	s7 =	sld [smem:$0x3FAF]  }
0x2d: {  	s3 =	simm.s32 $0x108;
	s8 =	sld [smem:$0x3FB0]  }
0x2e: {  	s3 =	simm.s32 @!p0 $0x1082;
	s9 =	sld [smem:$0x3FB1]  }
0x2f: {  	lr =	sadd.s32 s0, s3;
	s0 =	sld [smem:$0x3FA8]  }
0x30: {  	s3 =	sld [smem:$0x3FAB]  }
0x31: {  	[smem:$0x3FB4] =	sst s10  }
0x32: {  	s10 =	sld [smem:$0x3FB2];
	_ =	sdelay $0x3  }
0x33: {  	p0 =	seq.s32 s10, $0x1;
	s10 =	sld [smem:$0x3FB4];
	_ =	sdelay $0x3  }
0x34: {  	[smem:$0x3FB4] =	sst s10  }
0x35: {  	s10 =	sld [smem:$0x3FB3];
	_ =	sdelay $0x3  }
0x36: {  	p1 =	seq.s32 s10, $0x1;
	s10 =	sld [smem:$0x3FB4];
	_ =	sdelay $0x3  }
0x37: {  	[smem:$0x3FB4] =	sst s10  }
0x38: {  	s10 =	sld [smem:$0x3FB5]  }
0x39: {  	_ = 	snop;
	(pc) =	sbr.ind lr, $3  }
0x3a: {  	_ = 	snop  }
0x3b: {  	_ = 	snop  }
0x3c: {  	p2 =	seq.s32 s10, $0x1;
	s10 =	sld [smem:$0x3FB4]  }
0x3d: {  	_ =	shalt  }
0x3e: {  	_ =	shalt  }
0x3f: {  	_ =	shalt  }
0x40: {  	_ =	shalt  }
0x41: {  	_ =	shalt  }
0x42: {  	_ =	shalt  }
0x43: {  	_ =	shalt  }
0x44: {  	_ =	shalt  }
0x45: {  	_ =	shalt  }
0x46: {  	_ =	shalt  }
0x47: {  	_ =	shalt  }
0x48: {  	_ =	shalt  }
0x49: {  	_ =	shalt  }
0x4a: {  	_ =	shalt  }
0x4b: {  	_ =	shalt  }
0x4c: {  	_ =	shalt  }
0x4d: {  	_ =	shalt  }
0x4e: {  	_ =	shalt  }
0x4f: {  	_ =	shalt  }
0x50: {  	_ =	shalt  }
0x51: {  	_ =	shalt  }
0x52: {  	_ =	shalt  }
0x53: {  	_ =	shalt  }
0x54: {  	_ =	shalt  }
0x55: {  	_ =	shalt  }
0x56: {  	_ =	shalt  }
0x57: {  	_ =	shalt  }
0x58: {  	_ =	shalt  }
0x59: {  	_ =	shalt  }
0x5a: {  	_ =	shalt  }
0x5b: {  	_ =	shalt  }
0x5c: {  	_ =	shalt  }
0x5d: {  	_ =	shalt  }
0x5e: {  	_ =	shalt  }
0x5f: {  	_ =	shalt  }
0x60: {  	_ =	shalt  }
0x61: {  	_ =	shalt  }
0x62: {  	_ =	shalt  }
0x63: {  	_ =	shalt  }
0x64: {  	_ =	shalt  }
0x65: {  	_ =	shalt  }
0x66: {  	_ =	shalt  }
0x67: {  	_ =	shalt  }
0x68: {  	_ =	shalt  }
0x69: {  	_ =	shalt  }
0x6a: {  	_ =	shalt  }
0x6b: {  	_ =	shalt  }
0x6c: {  	_ =	shalt  }
0x6d: {  	_ =	shalt  }
0x6e: {  	_ =	shalt  }
0x6f: {  	_ =	shalt  }
0x70: {  	_ =	shalt  }
0x71: {  	_ =	shalt  }
0x72: {  	_ =	shalt  }
0x73: {  	_ =	shalt  }
0x74: {  	_ =	shalt  }
0x75: {  	_ =	shalt  }
0x76: {  	_ =	shalt  }
0x77: {  	_ =	shalt  }
0x78: {  	_ =	shalt  }
0x79: {  	_ =	shalt  }
0x7a: {  	_ =	shalt  }
0x7b: {  	_ =	shalt  }
0x7c: {  	_ =	shalt  }
0x7d: {  	_ =	shalt  }
0x7e: {  	_ =	shalt  }
0x7f: {  	_ =	shalt  }
0x80: {  	_ =	shalt  }
0x81: {  	_ =	shalt  }
0x82: {  	_ =	shalt  }
0x83: {  	_ =	shalt  }
0x84: {  	_ =	shalt  }
0x85: {  	_ =	shalt  }
0x86: {  	_ =	shalt  }
0x87: {  	_ =	shalt  }
.Lfunc_end0:
.L_simem_size_0:
called_computation.3_lowered:
.L_overlay_start_0:
0x88: {  	s2 =	sld [smem:$0x3FD9]  }
0x89: {  	s3 =	sld [smem:$0x3FFE];
	_ =	sdelay $0x1  }
0x8a: {  	s1 =	srdreg.scid  }
0x8b: {  	s0 =	sand.u32 $0x1, s1  }
0x8c: {  	s17 =	sshll.u32 s0, $0xA;
	s2 =	sadd.s32 s3, s2  }
0x8d: {  	s2 =	sadd.s32 s2, s17  }
0x8e: {  	[smem:$0x3FC0] =	sst s2  }
0x8f: {  	_ = 	snop  }
0x90: {  	s2 =	sld [smem:$0x3FD0];
	(tm) =	ssettm $0x1  }
0x91: {  	s18 =	sld [smem:$0x3FFB];
	_ =	sdelay $0x3  }
0x92: {  	_ =	strace s18  }
0x93: {  	s3 =	sld [smem:$0x3FFC];
	_ =	sdelay $0x3  }
0x94: {  	_ =	strace s3  }
0x95: {  	s3 =	sld [smem:$0x3FFD];
	_ =	sdelay $0x3  }
0x96: {  	_ =	strace s3  }
0x97: {  	_ =	strace $0x8FFFFFFF  }
0x98: {  	s19 =	sld [smem:$0x3FDB];
	_ =	sdelay $0x1  }
0x99: {  	s4 =	simm.s32 $_scs_section_size  }
0x9a: {  	s5 =	simm.s32 $_size__tile_overlayer_lowered;
	s6 =	simm.s32 $_tile_overlayer_lowered  }
0x9b: {  	s22 =	simm.s32 $0x1BFF;
	s21 =	sshll.u32 s6, $0x1;
	s3 =	sadd.s32 s4, s19  }
0x9c: {  	s7 =	simm.s32 $0x0;
	s20 =	sshll.u32 s5, $0x1;
	s5 =	sadd.s32 s21, s3  }
0x9d: {  	[timem:s7], [sflag:s22] =	dma.local [hbm:s5], s20  }
0x9e: {  	_ =	swait.ge [sflag:s22], s20  }
0x9f: {  	s4 =	ssub.s32 $0x0, s20;
	[sflag:s22] =	ssyncset.done $0x0  }
0xa0: {  	[sflag:s22] =	ssyncadd.s32 s4;
	_ =	sdelay $0x1  }
0xa1: {  	s23 =	simm.s32 $0x1B8B  }
0xa2: {  	_ =	swait.ge [sflag:s23], $0x1  }
0xa3: {  	[sflag:s23] =	ssyncset.done $0x0  }
0xa4: {  	s25 =	simm.s32 $0x1B8E;
	s24 =	sld [smem:$0x3FFE];
	[sflag:s23] =	ssyncadd.s32 $0xFFFFFFFF  }
0xa5: {  	s26 =	simm.s32 $execute0_lowered;
	[smem:$0x3FD2] =	sst s25  }
0xa6: {  	s5 =	sshll.u32 s26, $0x1;
	_ =	strace $0x8000004F;
	[dreg:$0x1] =	wrdreg $0xFFFFFFFF  }
0xa7: {  	s28 =	simm.s32 $_size_execute0_lowered;
	s3 =	sadd.s32 s3, s5;
	[dreg:$0x0] =	wrdreg $0x0  }
0xa8: {  	s5 =	sshll.u32 s28, $0x1;
	[dreg:$0x2] =	wrdreg s3  }
0xa9: {  	[dreg:$0x3] =	wrdreg s5  }
0xaa: {  	[dreg:$0x4] =	wrdreg $0xC0  }
0xab: {  	_ =	task [dreg:s7], $0x5FFFF  }
0xac: {  	[dreg:$0x1] =	wrdreg $0xFFFFFFFF  }
0xad: {  	[dreg:$0x0] =	wrdreg $0x60  }
0xae: {  	[dreg:$0x2] =	wrdreg s24  }
0xaf: {  	[dreg:$0x3] =	wrdreg s2  }
0xb0: {  	[dreg:$0x4] =	wrdreg $0xF0000  }
0xb1: {  	[dreg:$0x5] =	wrdreg $0x9  }
0xb2: {  	_ =	task.clear_ibuf [dreg:s7], $0x6FFFF;
	_ =	strace $0x9000004F  }
0xb3: {  	s29 =	simm.s32 $0x9;
	_ =	strace $0x80000051  }
0xb4: {  	_ =	swait.ge [sflag:s29], $0x1  }
0xb5: {  	[sflag:s29] =	ssyncadd.s32 $0xFFFFFFFF  }
0xb6: {  	_ =	strace $0x90000051  }
0xb7: {  	_ =	sfence  }
0xb8: {  	s30 =	sld [smem:$0x0];
	_ =	sdelay $0x2  }
0xb9: {  	s31 =	sshll.u32 s1, $0xD;
	s1 =	sshrl.u32 s1, $0x2  }
0xba: {  	s3 =	sand.u32 $0x4000, s31;
	s1 =	sadd.s32 s1, s30  }
0xbb: {  	s0 =	sor.u32 s3, s0;
	s1 =	sshll.u32 s1, $0x11  }
0xbc: {  	s0 =	sor.u32 s1, s0  }
0xbd: {  	s0 =	sadd.s32 $0x8F2B, s0  }
0xbe: {  	[sflag:s0] =	ssyncadd.remote.s32 $0x1  }
0xbf: {  	_ =	sfence.sel $0xFFFF  }
0xc0: {  	[dreg:$0x0] =	wrdreg $0xFFFFFFFF;
	(pc) =	sbr.abs _section_cstart, $3  }
0xc1: {  	[dreg:$0x1] =	wrdreg $0xFFFFFFFF  }
0xc2: {  	_ =	task.clear_ibuf [dreg:s7], $0x2FFFF;
	_ =	strace $0x9FFFFFFF  }
0xc3: {  	(tm) =	ssettm $0x7FFFFFFF  }
tec
execute0_lowered:
.L_overlay_start_1:
0x0: {  	(tag) =	ssettag $0x1  }
0x1: {  	s0 =	rddreg [dreg:$0x0]  }
0x2: {  	s1 =	rddreg [dreg:$0x1]  }
0x3: {  	s3 =	srdreg.scid;
	s2 =	rddreg [dreg:$0x2]  }
0x4: {  	s9 =	stileid.u32;
	s14 =	simm.s32 $0x7;
	s16 =	simm.s32 $0x80  }
0x5: {  	s19 =	simm.s32 $0x1;
	s20 =	simm.s32 $0xB000;
	s21 =	simm.s32 $0xC000  }
0x6: {  	s22 =	simm.s32 $0x2;
	s23 =	simm.s32 $0xB800;
	s6 =	smul.u32 $0xA00, s9  }
0x7: {  	s28 =	simm.s32 $0x3;
	s29 =	simm.s32 $0x6;
	s8 =	smul.u32 $0x14000, s9  }
0x8: {  	s4 =	sand.u32 $0x1, s3;
	s3 =	simm.s32 $0x0;
	s12 =	smul.u32 $0x5000, s9  }
0x9: {  	s30 =	simm.s32 $0x4;
	s5 =	smul.u32 $0x5000, s4;
	[smem:$0x7FF] =	sst s3  }
0xa: {  	s7 =	smul.u32 $0xA000, s4;
	s4 =	ssub.s32 $0x2, s4;
	_ =	strace $0x80000050  }
0xb: {  	s10 =	sadd.s32 s6, s0;
	s24 =	sshrl.u32 s4, $0x1;
	s8 =	sshrl.u32 s8, $0x2  }
0xc: {  	s9 =	sadd.s32 s1, s6;
	s31 =	sshrl.u32 s12, $0x3;
	s5 =	sadd.s32 s5, s0  }
0xd: {  	s0 =	sadd.s32 s7, s0;
	s13 =	ssub.s32 s4, s24;
	s8 =	sadd.s32 s8, s2  }
0xe: {  	s4 =	sadd.s32 s12, s2;
	s10 =	sadd.s32 $0x1800, s10;
	s25 =	sadd.s32 $0x1000, s8  }
0xf: {  	s26 =	sadd.s32 $0x2000, s8;
	s7 =	sadd.s32 $0x3000, s8;
	s8 =	sadd.s32 $0x4000, s8  }
0x10: {  	s11 =	sadd.s32 $0xB800, s5;
	s0 =	sadd.s32 $0x15800, s0;
	[dreg:$0x4] =	wrdreg s25  }
0x11: {  	s12 =	smax.u32 s13, $0x1;
	s13 =	simm.s32 $0xE000;
	[dreg:$0x5] =	wrdreg s26  }
0x12: {  	v0 =	vimm.f32 $0.0e+00;
	s24 =	sadd.s32 s31, s0;
	s25 =	simm.s32 $0xD000;
	s26 =	simm.s32 $0x5  }
.LBB2_1:
0x13: {  	s0 =	simm.s32 $0x80;
	s1 =	simm.s32 $0x0  }
.LBB2_2:
0x14: {  	p0 =	sne.s32 s0, $0x3F80;
	[tilespmem:s1+$0xE000] =	vst v0;
	s5 =	smov.u32 s0;
	s0 =	sadd.s32 $0x80, s0  }
.Ltmp0:
0x15: {  	[tilespmem:s1+$0xE010] =	vst v0;
	(pc) =	sbr.rel @p0 .LBB2_2-.Ltmp0, $2  }
0x16: {  	_ =	sdelay $0x2  }
0x17: {  	s1 =	sshra.s32 s5, $0x2  }
0x18: {  	[tilespmem:s1+$0xE000] =	vst v0  }
0x19: {  	[tilespmem:s1+$0xE010] =	vst v0  }
0x1a: {  	[spmem:s4] =	stream.linear.scatter [tilespmem:s13], [sflag:$0x7], $0x1000, $0x38;
	[tilespmem:$0x14000] =	vst v63  }
0x1b: {  	_ =	swait.ge [sflag:s14], $0x1000  }
0x1c: {  	[sflag:s14] =	ssyncset.done $0x0  }
0x1d: {  	s0 =	rddreg [dreg:$0x4];
	[sflag:s14] =	ssyncadd.s32 $0xFFFFF000  }
0x1e: {  	[spmem:s0] =	stream.linear.scatter [tilespmem:s13], [sflag:$0x7], $0x1000, $0x38;
	[tilespmem:$0x14000] =	vst v63  }
0x1f: {  	_ =	swait.ge [sflag:s14], $0x1000  }
0x20: {  	[sflag:s14] =	ssyncset.done $0x0  }
0x21: {  	s6 =	rddreg [dreg:$0x5];
	[sflag:s14] =	ssyncadd.s32 $0xFFFFF000  }
0x22: {  	[spmem:s6] =	stream.linear.scatter [tilespmem:s13], [sflag:$0x7], $0x1000, $0x38;
	[tilespmem:$0x14000] =	vst v63  }
0x23: {  	_ =	swait.ge [sflag:s14], $0x1000  }
0x24: {  	[sflag:s14] =	ssyncset.done $0x0  }
0x25: {  	[sflag:s14] =	ssyncadd.s32 $0xFFFFF000  }
0x26: {  	[spmem:s7] =	stream.linear.scatter [tilespmem:s13], [sflag:$0x7], $0x1000, $0x38;
	[tilespmem:$0x14000] =	vst v63  }
0x27: {  	_ =	swait.ge [sflag:s14], $0x1000  }
0x28: {  	[sflag:s14] =	ssyncset.done $0x0  }
0x29: {  	[sflag:s14] =	ssyncadd.s32 $0xFFFFF000  }
0x2a: {  	[spmem:s8] =	stream.linear.scatter [tilespmem:s13], [sflag:$0x7], $0x1000, $0x38;
	[tilespmem:$0x14000] =	vst v63  }
0x2b: {  	_ =	swait.ge [sflag:s14], $0x1000  }
0x2c: {  	[sflag:s14] =	ssyncset.done $0x0  }
0x2d: {  	s31 =	simm.s32 $0x0;
	[sflag:s14] =	ssyncadd.s32 $0xFFFFF000  }
0x2e: {  	[tilespmem:s31], [sflag:$0x7] =	stream.linear.gather [hbm4b:s9+s31], $0x5000, $0x38;
	[tilespmem:$0x14000] =	vst v63  }
0x2f: {  	_ =	swait.ge [sflag:s14], $0x5000  }
0x30: {  	[sflag:s14] =	ssyncset.done $0x0  }
0x31: {  	s15 =	simm.s32 $0x5000;
	[sflag:s14] =	ssyncadd.s32 $0xFFFFB000  }
0x32: {  	[tilespmem:s15], [sflag:$0x7] =	stream.linear.gather [hbm4b:s10+s31], $0x5000, $0x38;
	[tilespmem:$0x14000] =	vst v63  }
0x33: {  	_ =	swait.ge [sflag:s14], $0x5000  }
0x34: {  	[sflag:s14] =	ssyncset.done $0x0  }
0x35: {  	[sflag:s14] =	ssyncadd.s32 $0xFFFFB000  }
0x36: {  	s17 =	simm.s32 $0xA000;
	[bflag:$0x0] =	sbarrier.arrive $0xFFFF  }
0x37: {  	[tilespmem:s17], [sflag:$0x1] =	stream.indirect.gather [hbm4b:s11+s16], $0x10, s31, s16, $0xb8;
	[tilespmem:$0x14000] =	vst v63  }
0x38: {  	s18 =	simm.s32 $0xA800  }
0x39: {  	[tilespmem:s18], [sflag:$0x2] =	stream.indirect.gather [hbm4b:s11+s16], $0x10, s16, s16, $0xb8;
	[tilespmem:$0x14000] =	vst v63  }
.LBB2_4:
0x3a: {  	p0 =	seq.s32 s31, $0x0  }
0x3b: {  	s0 =	simm.s32 @!p0 $0x5  }
0x3c: {  	_ =	swait.ge @!p0 [sflag:s0], $0x1000  }
0x3d: {  	[sflag:s0] =	ssyncset.done @!p0 $0x0  }
0x3e: {  	[sflag:s0] =	ssyncadd.s32 @!p0 $0xFFFFF000  }
0x3f: {  	s17 =	sshll.u32 s31, $0xB;
	_ =	swait.ge [sflag:s19], $0x800  }
0x40: {  	s18 =	sor.u32 $0x400, s17;
	[sflag:s19] =	ssyncset.done $0x0  }
0x41: {  	s1 =	simm.s32 $0x0;
	s0 =	sshrl.u32 s18, $0x2;
	[sflag:s19] =	ssyncadd.s32 $0xFFFFF800  }
0x42: {  	[tilespmem:s20], [sflag:$0x3] =	stream.indirect.gather [hbm4b:s11+s16], $0x10, s0, s16, $0xb8;
	[tilespmem:$0x14000] =	vst v63  }
0x43: {  	v1 =	vld [tilespmem:s1+$0xA000];
	_ =	sdelay $0x4  }
0x44: {  	s15 =	simm.s32 $0xC010;
	v2 =	vshll.u32 v1, $0x10  }
0x45: {  	v1 =	vand.u32 $0xFFFF0000, v1;
	[tilespmem:s15+$0xFFFFFFF0] =	vst v2  }
0x46: {  	s5 =	simm.s32 $0x10;
	s1 =	simm.s32 $0x80;
	[tilespmem:s15+$0x0] =	vst v1  }
.LBB2_5:
0x47: {  	p1 =	sne.s32 s1, $0x1FC0;
	v1 =	vld [tilespmem:s5+$0xA000];
	_ =	sdelay $0x2  }
.Ltmp1:
0x48: {  	(pc) =	sbr.rel @p1 .LBB2_5-.Ltmp1, $4  }
0x49: {  	_ = 	snop  }
0x4a: {  	s15 =	sadd.s32 $0x20, s15;
	v2 =	vshll.u32 v1, $0x10;
	v1 =	vand.u32 $0xFFFF0000, v1  }
0x4b: {  	[tilespmem:s15+$0xFFFFFFF0] =	vst v2  }
0x4c: {  	s5 =	sshra.s32 s1, $0x2;
	s1 =	sadd.s32 $0x40, s1;
	[tilespmem:s15+$0x0] =	vst v1  }
0x4d: {  	v1 =	vld [tilespmem:s5+$0xA000];
	_ =	sdelay $0x4  }
0x4e: {  	s1 =	sadd.s32 $0x20, s15;
	v2 =	vshll.u32 v1, $0x10  }
0x4f: {  	s18 =	sshrl.u32 s17, $0x2;
	v1 =	vand.u32 $0xFFFF0000, v1;
	[tilespmem:s1+$0xFFFFFFF0] =	vst v2  }
0x50: {  	s15 =	sadd.s32 $0x5000, s18;
	[tilespmem:s1+$0x0] =	vst v1;
	s1 =	simm.s32 @!p0 $0x6  }
0x51: {  	[spmem:s2] =	stream.indirect.scatter.add.f32 [tilespmem:s21], [sflag:$0x5], $0x20, s15, s16, $0xb8;
	[tilespmem:$0x14000] =	vst v63  }
0x52: {  	_ =	swait.ge @!p0 [sflag:s1], $0x1000  }
0x53: {  	[sflag:s1] =	ssyncset.done @!p0 $0x0  }
0x54: {  	[sflag:s1] =	ssyncadd.s32 @!p0 $0xFFFFF000  }
0x55: {  	_ =	swait.ge [sflag:s22], $0x800  }
0x56: {  	s5 =	sor.u32 $0x600, s17;
	[sflag:s22] =	ssyncset.done $0x0  }
0x57: {  	s6 =	simm.s32 $0x0;
	s15 =	sshrl.u32 s5, $0x2;
	[sflag:s22] =	ssyncadd.s32 $0xFFFFF800  }
0x58: {  	[tilespmem:s23], [sflag:$0x4] =	stream.indirect.gather [hbm4b:s11+s16], $0x10, s15, s16, $0xb8;
	[tilespmem:$0x14000] =	vst v63  }
0x59: {  	v1 =	vld [tilespmem:s6+$0xA800];
	_ =	sdelay $0x4  }
0x5a: {  	s1 =	simm.s32 $0xD010;
	v2 =	vshll.u32 v1, $0x10  }
0x5b: {  	v1 =	vand.u32 $0xFFFF0000, v1;
	[tilespmem:s1+$0xFFFFFFF0] =	vst v2  }
0x5c: {  	s5 =	simm.s32 $0x80;
	s6 =	simm.s32 $0x10;
	[tilespmem:s1+$0x0] =	vst v1  }
.LBB2_7:
0x5d: {  	p0 =	sne.s32 s5, $0x1FC0;
	v1 =	vld [tilespmem:s6+$0xA800];
	_ =	sdelay $0x2  }
.Ltmp2:
0x5e: {  	(pc) =	sbr.rel @p0 .LBB2_7-.Ltmp2, $4  }
0x5f: {  	_ = 	snop  }
0x60: {  	s1 =	sadd.s32 $0x20, s1;
	v2 =	vshll.u32 v1, $0x10;
	v1 =	vand.u32 $0xFFFF0000, v1  }
0x61: {  	[tilespmem:s1+$0xFFFFFFF0] =	vst v2  }
0x62: {  	s6 =	sshra.s32 s5, $0x2;
	s5 =	sadd.s32 $0x40, s5;
	[tilespmem:s1+$0x0] =	vst v1  }
0x63: {  	v1 =	vld [tilespmem:s6+$0xA800];
	_ =	sdelay $0x4  }
0x64: {  	s1 =	sadd.s32 $0x20, s1;
	v2 =	vshll.u32 v1, $0x10  }
0x65: {  	v1 =	vand.u32 $0xFFFF0000, v1;
	[tilespmem:s1+$0xFFFFFFF0] =	vst v2  }
0x66: {  	s6 =	sadd.s32 $0x5080, s18;
	[tilespmem:s1+$0x0] =	vst v1  }
0x67: {  	[spmem:s2] =	stream.indirect.scatter.add.f32 [tilespmem:s25], [sflag:$0x6], $0x20, s6, s16, $0xb8;
	[tilespmem:$0x14000] =	vst v63  }
0x68: {  	_ =	swait.ge [sflag:s26], $0x1000  }
0x69: {  	[sflag:s26] =	ssyncset.done $0x0  }
0x6a: {  	[sflag:s26] =	ssyncadd.s32 $0xFFFFF000  }
0x6b: {  	p0 =	seq.s32 s31, $0x27;
	s18 =	simm.s32 $0x0;
	_ =	swait.ge [sflag:s28], $0x800  }
0x6c: {  	s17 =	sshrl.u32 @!p0 s17, $0x2;
	s5 =	simm.s32 @!p0 $0x80;
	[sflag:s28] =	ssyncset.done $0x0  }
0x6d: {  	s1 =	sadd.s32 @!p0 $0x200, s17;
	s6 =	simm.s32 @!p0 $0xA000;
	[sflag:s28] =	ssyncadd.s32 $0xFFFFF800  }
0x6e: {  	[tilespmem:s6], [sflag:$0x1] =	stream.indirect.gather @!p0 [hbm4b:s11+s5], $0x10, s1, s5, $0xb8;
	[tilespmem:$0x14000] =	vst v63  }
0x6f: {  	v1 =	vld [tilespmem:s18+$0xB000];
	_ =	sdelay $0x4  }
0x70: {  	s1 =	simm.s32 $0xC010;
	v2 =	vshll.u32 v1, $0x10  }
0x71: {  	v1 =	vand.u32 $0xFFFF0000, v1;
	[tilespmem:s1+$0xFFFFFFF0] =	vst v2  }
0x72: {  	s6 =	simm.s32 $0x10;
	s5 =	simm.s32 $0x80;
	[tilespmem:s1+$0x0] =	vst v1  }
.LBB2_9:
0x73: {  	p1 =	sne.s32 s5, $0x1FC0;
	v1 =	vld [tilespmem:s6+$0xB000];
	_ =	sdelay $0x2  }
.Ltmp3:
0x74: {  	(pc) =	sbr.rel @p1 .LBB2_9-.Ltmp3, $4  }
0x75: {  	_ = 	snop  }
0x76: {  	s1 =	sadd.s32 $0x20, s1;
	v2 =	vshll.u32 v1, $0x10;
	v1 =	vand.u32 $0xFFFF0000, v1  }
0x77: {  	[tilespmem:s1+$0xFFFFFFF0] =	vst v2  }
0x78: {  	s6 =	sshra.s32 s5, $0x2;
	s5 =	sadd.s32 $0x40, s5;
	[tilespmem:s1+$0x0] =	vst v1  }
0x79: {  	v1 =	vld [tilespmem:s6+$0xB000];
	_ =	sdelay $0x4  }
0x7a: {  	s1 =	sadd.s32 $0x20, s1;
	v2 =	vshll.u32 v1, $0x10  }
0x7b: {  	v1 =	vand.u32 $0xFFFF0000, v1;
	[tilespmem:s1+$0xFFFFFFF0] =	vst v2  }
0x7c: {  	s0 =	sadd.s32 $0x5000, s0;
	[tilespmem:s1+$0x0] =	vst v1  }
0x7d: {  	[spmem:s2] =	stream.indirect.scatter.add.f32 [tilespmem:s21], [sflag:$0x5], $0x20, s0, s16, $0xb8;
	[tilespmem:$0x14000] =	vst v63  }
0x7e: {  	_ =	swait.ge [sflag:s29], $0x1000  }
0x7f: {  	[sflag:s29] =	ssyncset.done $0x0  }
0x80: {  	[sflag:s29] =	ssyncadd.s32 $0xFFFFF000  }
0x81: {  	_ =	swait.ge [sflag:s30], $0x800  }
0x82: {  	s5 =	simm.s32 @!p0 $0xA800;
	s18 =	simm.s32 $0x0;
	[sflag:s30] =	ssyncset.done $0x0  }
0x83: {  	s1 =	simm.s32 @!p0 $0x80;
	s0 =	sadd.s32 @!p0 $0x280, s17;
	[sflag:s30] =	ssyncadd.s32 $0xFFFFF800  }
0x84: {  	[tilespmem:s5], [sflag:$0x2] =	stream.indirect.gather @!p0 [hbm4b:s11+s1], $0x10, s0, s1, $0xb8;
	[tilespmem:$0x14000] =	vst v63  }
0x85: {  	v1 =	vld [tilespmem:s18+$0xB800];
	_ =	sdelay $0x4  }
0x86: {  	s0 =	simm.s32 $0xD010;
	v2 =	vshll.u32 v1, $0x10  }
0x87: {  	v1 =	vand.u32 $0xFFFF0000, v1;
	[tilespmem:s0+$0xFFFFFFF0] =	vst v2  }
0x88: {  	s5 =	simm.s32 $0x10;
	s1 =	simm.s32 $0x80;
	[tilespmem:s0+$0x0] =	vst v1  }
.LBB2_11:
0x89: {  	p0 =	sne.s32 s1, $0x1FC0;
	v1 =	vld [tilespmem:s5+$0xB800];
	_ =	sdelay $0x2  }
.Ltmp4:
0x8a: {  	(pc) =	sbr.rel @p0 .LBB2_11-.Ltmp4, $4  }
0x8b: {  	_ = 	snop  }
0x8c: {  	s0 =	sadd.s32 $0x20, s0;
	v2 =	vshll.u32 v1, $0x10;
	v1 =	vand.u32 $0xFFFF0000, v1  }
0x8d: {  	[tilespmem:s0+$0xFFFFFFF0] =	vst v2  }
0x8e: {  	s5 =	sshra.s32 s1, $0x2;
	s1 =	sadd.s32 $0x40, s1;
	[tilespmem:s0+$0x0] =	vst v1  }
0x8f: {  	v1 =	vld [tilespmem:s5+$0xB800];
	_ =	sdelay $0x1  }
0x90: {  	s31 =	sadd.s32 $0x1, s31  }
0x91: {  	p0 =	sne.s32 s31, $0x28  }
.Ltmp5:
0x92: {  	_ = 	snop;
	(pc) =	sbr.rel @p0 .LBB2_4-.Ltmp5, $4  }
0x93: {  	s0 =	sadd.s32 $0x20, s0;
	v2 =	vshll.u32 v1, $0x10  }
0x94: {  	v1 =	vand.u32 $0xFFFF0000, v1;
	[tilespmem:s0+$0xFFFFFFF0] =	vst v2  }
0x95: {  	s18 =	sadd.s32 $0x5000, s15;
	[tilespmem:s0+$0x0] =	vst v1  }
0x96: {  	[spmem:s2] =	stream.indirect.scatter.add.f32 [tilespmem:s25], [sflag:$0x6], $0x20, s18, s16, $0xb8;
	[tilespmem:$0x14000] =	vst v63  }
0x97: {  	_ =	swait.ge [sflag:s26], $0x1000  }
0x98: {  	[sflag:s26] =	ssyncset.done $0x0  }
0x99: {  	[sflag:s26] =	ssyncadd.s32 $0xFFFFF000  }
0x9a: {  	s0 =	stileid.u32;
	_ =	swait.ge [sflag:s29], $0x1000  }
0x9b: {  	s1 =	sshrl.u32 s4, $0x3;
	s3 =	sadd.s32 $0x1, s3;
	[sflag:s29] =	ssyncset.done $0x0  }
0x9c: {  	s0 =	sshll.u32 s0, $0x6;
	p0 =	sne.s32 s3, s12;
	[sflag:s29] =	ssyncadd.s32 $0xFFFFF000  }
.Ltmp6:
0x9d: {  	s0 =	sor.u32 $0x1C07, s0;
	[bflag:$0x0] =	sbarrier.arrive $0xFFFF;
	(pc) =	sbr.rel @p0 .LBB2_1-.Ltmp6, $4  }
0x9e: {  	[hbm:s24], [sflag:s0] =	dma.local [spmem:s1], $0xA00  }
0x9f: {  	_ =	swait.ge [sflag:s14], $0xA00  }
0xa0: {  	[sflag:s14] =	ssyncset.done $0x0  }
0xa1: {  	[sflag:s14] =	ssyncadd.s32 $0xFFFFF600  }
0xa2: {  	_ =	sfence.sel $0x180000  }
0xa3: {  	[bflag:$0x0] =	sbarrier.arrive $0xFFFF  }
0xa4: {  	_ =	strace $0x90000050  }
0xa5: {  	s0 =	stileid.u32;
	[bflag:$0x2] =	sbarrier.arrive $0xFFFF  }
0xa6: {  	p0 =	sne.s32 s0, $0x0;
	s0 =	rddreg [dreg:$0x3]  }
0xa7: {  	s0 =	sadd.s32 @!p0 $0x100000, s0  }
0xa8: {  	[sflag:s0] =	ssyncadd.tile.s32 @!p0 $0x1;
	_ =	shalt  }
.Lfunc_end2:
_tile_overlayer_lowered:
.L_overlay_start_2:
0xa9: {  	(tag) =	ssettag $0x2  }
0xaa: {  	s0 =	rddreg [dreg:$0x0];
	s2 =	stileid.u32  }
0xab: {  	s1 =	rddreg [dreg:$0x1];
	p0 =	sne.s32 s2, $0x0  }
0xac: {  	s3 =	rddreg [dreg:$0x2];
	[bflag:$0x3] =	sbarrier.arrive $0xFFFF;
	s2 =	simm.s32 @!p0 $0x1C07  }
0xad: {  	[timem:s3], [sflag:s2] =	dma.local @!p0 [hbm:s0], s1  }
0xae: {  	s0 =	simm.s32 @!p0 $0x7  }
0xaf: {  	_ =	swait.ge @!p0 [sflag:s0], s1  }
0xb0: {  	s1 =	ssub.s32 @!p0 $0x0, s1;
	[sflag:s0] =	ssyncset.done @!p0 $0x0  }
0xb1: {  	[sflag:s0] =	ssyncadd.s32 @!p0 s1  }
0xb2: {  	[bflag:$0x3] =	sbarrier.arrive $0xFFFF  }
0xb3: {  	_ =	shalt  }

</sc_bundles>
